<compile_context>
chip_gen: v7x
topology: tpu7x:2x2x1
jax: 0.10.2.dev20260603
libtpu: 0.0.44.dev20260713+nightly
codegen_flags: <defaults>
</compile_context>

<pallas_src>
import functools

import jax
import jax.numpy as jnp
from jax import lax
from jax.experimental import pallas as pl
from jax.experimental.pallas import tpu as pltpu
from jax.experimental.pallas import tpu_sc as plsc

BATCH = 16384
FIELDS = 26
EMBEDDING_DIM = 64

NUM_CORES = 2
NUM_SUBCORES = 16
NW = NUM_CORES * NUM_SUBCORES

B_TOTAL = BATCH * FIELDS
BLK = 128
BATCH_PER_W = BATCH // NW
CHUNKS = BATCH_PER_W // BLK
NBUF = 4

_mesh = plsc.VectorSubcoreMesh(
    core_axis_name="c", subcore_axis_name="s",
    num_cores=NUM_CORES, num_subcores=NUM_SUBCORES)

@functools.partial(
    pl.kernel,
    out_type=jax.ShapeDtypeStruct((B_TOTAL,), jnp.int32),
    mesh=_mesh,
    scratch_types=[pltpu.VMEM((8, BATCH_PER_W), jnp.int32)],
)
def _decode_kernel(xt_hbm, out_hbm, vm):
    wid = lax.axis_index("s") * NUM_CORES + lax.axis_index("c")
    col = wid * BATCH_PER_W
    for r in range((FIELDS + 7) // 8):
        nrows = min(8, FIELDS - 8 * r)
        pltpu.sync_copy(
            xt_hbm.at[pl.ds(8 * r, nrows), pl.ds(col, BATCH_PER_W)],
            vm.at[pl.ds(0, nrows)])
        for s in range(nrows):
            f = 8 * r + s
            pltpu.sync_copy(
                vm.at[s],
                out_hbm.at[pl.ds(f * BATCH + col, BATCH_PER_W)])


def _make_gather(nf):
    @functools.partial(
        pl.kernel,
        out_type=jax.ShapeDtypeStruct((BATCH, nf * EMBEDDING_DIM),
                                      jnp.float32),
        mesh=_mesh,
        scratch_types=[
            pltpu.VMEM((nf, BATCH_PER_W), jnp.int32),
            pltpu.VMEM((NBUF, BLK, EMBEDDING_DIM), jnp.float32),
            [pltpu.SemaphoreType.DMA] * NBUF,
        ],
        compiler_params=pltpu.CompilerParams(use_tc_tiling_on_sc=False,
                                             needs_layout_passes=False),
    )
    def _gather_kernel(idx_hbm, table_hbm, out_hbm, idx_v, rows_v, sems):
        wid = lax.axis_index("s") * NUM_CORES + lax.axis_index("c")
        col = wid * BATCH_PER_W
        for f in range(nf):
            pltpu.sync_copy(idx_hbm.at[pl.ds(f * BATCH + col, BATCH_PER_W)],
                            idx_v.at[f])

        def start_gather(g, b):
            f, cc = g // CHUNKS, g % CHUNKS
            pltpu.async_copy(table_hbm.at[idx_v.at[f, pl.ds(cc * BLK, BLK)]],
                             rows_v.at[b], sems[b])

        def wait_gather(b):
            pltpu.make_async_copy(table_hbm.at[idx_v.at[0, pl.ds(0, BLK)]],
                                  rows_v.at[b], sems[b]).wait()

        for b in range(NBUF - 1):
            start_gather(b, b)

        @pl.loop(0, nf)
        def _body(f):
            for cc in range(CHUNKS):
                g = f * CHUNKS + cc
                wait_gather(cc)
                gnext = g + NBUF - 1

                @pl.when(gnext < nf * CHUNKS)
                def _():
                    start_gather(gnext, (cc + NBUF - 1) % NBUF)

                pltpu.sync_copy(
                    rows_v.at[cc],
                    out_hbm.at[pl.ds(col + cc * BLK, BLK),
                               pl.ds(f * EMBEDDING_DIM, EMBEDDING_DIM)])

    return _gather_kernel


_NF_HALF = FIELDS // 2
_gather_half = _make_gather(_NF_HALF)


def kernel(x, weight):
    idx1d = _decode_kernel(x.T)
    h1 = _gather_half(idx1d[:_NF_HALF * BATCH], weight)
    h2 = _gather_half(idx1d[_NF_HALF * BATCH:], weight)
    return jnp.concatenate(
        [h1.reshape(BATCH, _NF_HALF, EMBEDDING_DIM),
         h2.reshape(BATCH, _NF_HALF, EMBEDDING_DIM)], axis=1)

# --- scband reference (transcript-rebuilt; emitter-appended) ---
"""Pipeline reference for scband-embedding-64321430225037 (READ-ONLY COPY).

The authoritative reference and input builder live on the scoring server;
editing this copy changes nothing except your own understanding.
"""

import jax, jax.numpy as jnp
import numpy as np

NUM_EMBEDDINGS = 1000000
EMBEDDING_DIM = 64
BATCH = 16384
FIELDS = 26

def _trunc_normal(key, shape, mean=0.0, std=1.0, a=-3.0, b=3.0):
    u = jax.random.truncated_normal(key, a, b, shape, dtype=jnp.float32)
    return u * std + mean

def setup_inputs(seed: int = 0) -> dict:
    key = jax.random.key(seed)
    k_idx, k_w = jax.random.split(key)
    x = jax.random.randint(k_idx, (BATCH, FIELDS), 0, NUM_EMBEDDINGS, dtype=jnp.int64 if jax.config.jax_enable_x64 else jnp.int32)
    weight = _trunc_normal(k_w, (NUM_EMBEDDINGS, EMBEDDING_DIM))
    return {"x": x, "weight": weight}

def reference(x, weight):
    # Embedding lookup: weight[x]
    return jnp.take(weight, x, axis=0)

if __name__ == "__main__":
    import jax
    _d = setup_inputs()
    print(jax.jit(kernel)(*tuple(_d.values())))

</pallas_src>

<mosaic_0001>
#map = affine_map<(d0, d1) -> (0, 0)>
#map1 = affine_map<(d0, d1) -> (0)>
module attributes {stable_mosaic.version = 14 : i64} {
  func.func @_decode_kernel(%arg0: i32, %arg1: i32, %arg2: memref<26x16384xi32, #tpu.memory_space<hbm>>, %arg3: memref<425984xi32, #tpu.memory_space<hbm>>, %arg4: memref<8x512xi32, #tpu.memory_space<vmem>>) attributes {dimension_semantics = [#tpu.dimension_semantics<core_parallel>, #tpu.dimension_semantics<subcore_parallel>], iteration_bounds = array<i64: 2, 16>, scalar_prefetch = 0 : i64, scratch_operands = 1 : i64, tpu.core_type = #tpu.core_type<sc_vector_subcore>, window_params = [{transform_indices = #map}, {transform_indices = #map1}]} {
    %mul3A = arith.constant 2 : i32
    %mul3A_0 = arith.muli %arg1, %mul3A : i32
    %add3A = arith.addi %mul3A_0, %arg0 : i32
    %mul3A_1 = arith.constant 512 : i32
    %mul3A_2 = arith.muli %add3A, %mul3A_1 : i32
    "tpu.region"() ({
      %run_scoped3A_80 = tpu.sem_alloc : memref<!tpu.dma_semaphore, #tpu.memory_space<semaphore_mem>>
      %dma_start3A = arith.constant 0 : i32
      %dma_start3A_81 = arith.constant 0 : i32
      %dma_start3A_82 = tpu.memref_slice %arg4[%dma_start3A, %dma_start3A_81] : memref<8x512xi32, #tpu.memory_space<vmem>> -> memref<8x512xi32, #tpu.memory_space<vmem>>
      %dma_start3A_83 = arith.constant 0 : i32
      %dma_start3A_84 = tpu.memref_slice %arg2[%dma_start3A_83, %mul3A_2] : memref<26x16384xi32, #tpu.memory_space<hbm>> -> memref<8x512xi32, #tpu.memory_space<hbm>>
      %dma_start3A_85 = arith.constant 0 : i32
      %dma_start3A_86 = arith.constant 0 : i32
      %dma_start3A_87 = tpu.memref_slice %arg4[%dma_start3A_85, %dma_start3A_86] : memref<8x512xi32, #tpu.memory_space<vmem>> -> memref<8x512xi32, #tpu.memory_space<vmem>>
      %dma_start3A_88 = arith.constant 0 : i32
      %dma_start3A_89 = tpu.memref_slice %arg2[%dma_start3A_88, %mul3A_2] : memref<26x16384xi32, #tpu.memory_space<hbm>> -> memref<8x512xi32, #tpu.memory_space<hbm>>
      tpu.enqueue_dma source(%dma_start3A_89 : memref<8x512xi32, #tpu.memory_space<hbm>>) target(%dma_start3A_87 : memref<8x512xi32, #tpu.memory_space<vmem>>) target_semaphore(%run_scoped3A_80 : memref<!tpu.dma_semaphore, #tpu.memory_space<semaphore_mem>>)
      %dma_wait3A = arith.constant 0 : i32
      %dma_wait3A_90 = arith.constant 0 : i32
      %dma_wait3A_91 = tpu.memref_slice %arg4[%dma_wait3A, %dma_wait3A_90] : memref<8x512xi32, #tpu.memory_space<vmem>> -> memref<8x512xi32, #tpu.memory_space<vmem>>
      %dma_wait3A_92 = arith.constant 0 : i32
      %dma_wait3A_93 = tpu.memref_slice %arg2[%dma_wait3A_92, %mul3A_2] : memref<26x16384xi32, #tpu.memory_space<hbm>> -> memref<8x512xi32, #tpu.memory_space<hbm>>
      %dma_wait3A_94 = arith.constant 0 : i32
      %dma_wait3A_95 = arith.constant 0 : i32
      %dma_wait3A_96 = tpu.memref_slice %arg4[%dma_wait3A_94, %dma_wait3A_95] : memref<8x512xi32, #tpu.memory_space<vmem>> -> memref<8x512xi32, #tpu.memory_space<vmem>>
      %dma_wait3A_97 = arith.constant 0 : i32
      %dma_wait3A_98 = tpu.memref_slice %arg2[%dma_wait3A_97, %mul3A_2] : memref<26x16384xi32, #tpu.memory_space<hbm>> -> memref<8x512xi32, #tpu.memory_space<hbm>>
      tpu.wait_dma2 semaphore(%run_scoped3A_80 : memref<!tpu.dma_semaphore, #tpu.memory_space<semaphore_mem>>) src(%dma_wait3A_98 : memref<8x512xi32, #tpu.memory_space<hbm>>) dst(%dma_wait3A_96 : memref<8x512xi32, #tpu.memory_space<vmem>>)
      tpu.yield
    }) : () -> ()
    %add3A_3 = arith.constant 0 : i32
    %add3A_4 = arith.addi %add3A_3, %mul3A_2 : i32
    %run_scoped3A = arith.constant 0 : i32
    "tpu.region"() ({
      %run_scoped3A_80 = tpu.sem_alloc : memref<!tpu.dma_semaphore, #tpu.memory_space<semaphore_mem>>
      %dma_start3A = arith.constant 0 : i32
      %dma_start3A_81 = tpu.memref_slice %arg4[%run_scoped3A, %dma_start3A] : memref<8x512xi32, #tpu.memory_space<vmem>> -> memref<1x512xi32, #tpu.memory_space<vmem>>
      %dma_start3A_82 = tpu.memref_squeeze %dma_start3A_81 : memref<1x512xi32, #tpu.memory_space<vmem>> -> memref<512xi32, #tpu.memory_space<vmem>>
      %dma_start3A_83 = tpu.memref_slice %arg3[%add3A_4] : memref<425984xi32, #tpu.memory_space<hbm>> -> memref<512xi32, #tpu.memory_space<hbm>>
      %dma_start3A_84 = tpu.memref_slice %arg3[%add3A_4] : memref<425984xi32, #tpu.memory_space<hbm>> -> memref<512xi32, #tpu.memory_space<hbm>>
      %dma_start3A_85 = arith.constant 0 : i32
      %dma_start3A_86 = tpu.memref_slice %arg4[%run_scoped3A, %dma_start3A_85] : memref<8x512xi32, #tpu.memory_space<vmem>> -> memref<1x512xi32, #tpu.memory_space<vmem>>
      %dma_start3A_87 = tpu.memref_squeeze %dma_start3A_86 : memref<1x512xi32, #tpu.memory_space<vmem>> -> memref<512xi32, #tpu.memory_space<vmem>>
      tpu.enqueue_dma source(%dma_start3A_87 : memref<512xi32, #tpu.memory_space<vmem>>) target(%dma_start3A_84 : memref<512xi32, #tpu.memory_space<hbm>>) target_semaphore(%run_scoped3A_80 : memref<!tpu.dma_semaphore, #tpu.memory_space<semaphore_mem>>)
      %dma_wait3A = arith.constant 0 : i32
      %dma_wait3A_88 = tpu.memref_slice %arg4[%run_scoped3A, %dma_wait3A] : memref<8x512xi32, #tpu.memory_space<vmem>> -> memref<1x512xi32, #tpu.memory_space<vmem>>
      %dma_wait3A_89 = tpu.memref_squeeze %dma_wait3A_88 : memref<1x512xi32, #tpu.memory_space<vmem>> -> memref<512xi32, #tpu.memory_space<vmem>>
      %dma_wait3A_90 = tpu.memref_slice %arg3[%add3A_4] : memref<425984xi32, #tpu.memory_space<hbm>> -> memref<512xi32, #tpu.memory_space<hbm>>
      %dma_wait3A_91 = tpu.memref_slice %arg3[%add3A_4] : memref<425984xi32, #tpu.memory_space<hbm>> -> memref<512xi32, #tpu.memory_space<hbm>>
      %dma_wait3A_92 = arith.constant 0 : i32
      %dma_wait3A_93 = tpu.memref_slice %arg4[%run_scoped3A, %dma_wait3A_92] : memref<8x512xi32, #tpu.memory_space<vmem>> -> memref<1x512xi32, #tpu.memory_space<vmem>>
      %dma_wait3A_94 = tpu.memref_squeeze %dma_wait3A_93 : memref<1x512xi32, #tpu.memory_space<vmem>> -> memref<512xi32, #tpu.memory_space<vmem>>
      tpu.wait_dma2 semaphore(%run_scoped3A_80 : memref<!tpu.dma_semaphore, #tpu.memory_space<semaphore_mem>>) src(%dma_wait3A_94 : memref<512xi32, #tpu.memory_space<vmem>>) dst(%dma_wait3A_91 : memref<512xi32, #tpu.memory_space<hbm>>)
      tpu.yield
    }) : () -> ()
    %add3A_5 = arith.constant 16384 : i32
    %add3A_6 = arith.addi %add3A_5, %mul3A_2 : i32
    %run_scoped3A_7 = arith.constant 1 : i32
    "tpu.region"() ({
      %run_scoped3A_80 = tpu.sem_alloc : memref<!tpu.dma_semaphore, #tpu.memory_space<semaphore_mem>>
      %dma_start3A = arith.constant 0 : i32
      %dma_start3A_81 = tpu.memref_slice %arg4[%run_scoped3A_7, %dma_start3A] : memref<8x512xi32, #tpu.memory_space<vmem>> -> memref<1x512xi32, #tpu.memory_space<vmem>>
      %dma_start3A_82 = tpu.memref_squeeze %dma_start3A_81 : memref<1x512xi32, #tpu.memory_space<vmem>> -> memref<512xi32, #tpu.memory_space<vmem>>
      %dma_start3A_83 = tpu.memref_slice %arg3[%add3A_6] : memref<425984xi32, #tpu.memory_space<hbm>> -> memref<512xi32, #tpu.memory_space<hbm>>
      %dma_start3A_84 = tpu.memref_slice %arg3[%add3A_6] : memref<425984xi32, #tpu.memory_space<hbm>> -> memref<512xi32, #tpu.memory_space<hbm>>
      %dma_start3A_85 = arith.constant 0 : i32
      %dma_start3A_86 = tpu.memref_slice %arg4[%run_scoped3A_7, %dma_start3A_85] : memref<8x512xi32, #tpu.memory_space<vmem>> -> memref<1x512xi32, #tpu.memory_space<vmem>>
      %dma_start3A_87 = tpu.memref_squeeze %dma_start3A_86 : memref<1x512xi32, #tpu.memory_space<vmem>> -> memref<512xi32, #tpu.memory_space<vmem>>
      tpu.enqueue_dma source(%dma_start3A_87 : memref<512xi32, #tpu.memory_space<vmem>>) target(%dma_start3A_84 : memref<512xi32, #tpu.memory_space<hbm>>) target_semaphore(%run_scoped3A_80 : memref<!tpu.dma_semaphore, #tpu.memory_space<semaphore_mem>>)
      %dma_wait3A = arith.constant 0 : i32
      %dma_wait3A_88 = tpu.memref_slice %arg4[%run_scoped3A_7, %dma_wait3A] : memref<8x512xi32, #tpu.memory_space<vmem>> -> memref<1x512xi32, #tpu.memory_space<vmem>>
      %dma_wait3A_89 = tpu.memref_squeeze %dma_wait3A_88 : memref<1x512xi32, #tpu.memory_space<vmem>> -> memref<512xi32, #tpu.memory_space<vmem>>
      %dma_wait3A_90 = tpu.memref_slice %arg3[%add3A_6] : memref<425984xi32, #tpu.memory_space<hbm>> -> memref<512xi32, #tpu.memory_space<hbm>>
      %dma_wait3A_91 = tpu.memref_slice %arg3[%add3A_6] : memref<425984xi32, #tpu.memory_space<hbm>> -> memref<512xi32, #tpu.memory_space<hbm>>
      %dma_wait3A_92 = arith.constant 0 : i32
      %dma_wait3A_93 = tpu.memref_slice %arg4[%run_scoped3A_7, %dma_wait3A_92] : memref<8x512xi32, #tpu.memory_space<vmem>> -> memref<1x512xi32, #tpu.memory_space<vmem>>
      %dma_wait3A_94 = tpu.memref_squeeze %dma_wait3A_93 : memref<1x512xi32, #tpu.memory_space<vmem>> -> memref<512xi32, #tpu.memory_space<vmem>>
      tpu.wait_dma2 semaphore(%run_scoped3A_80 : memref<!tpu.dma_semaphore, #tpu.memory_space<semaphore_mem>>) src(%dma_wait3A_94 : memref<512xi32, #tpu.memory_space<vmem>>) dst(%dma_wait3A_91 : memref<512xi32, #tpu.memory_space<hbm>>)
      tpu.yield
    }) : () -> ()
    %add3A_8 = arith.constant 32768 : i32
    %add3A_9 = arith.addi %add3A_8, %mul3A_2 : i32
    %run_scoped3A_10 = arith.constant 2 : i32
    "tpu.region"() ({
      %run_scoped3A_80 = tpu.sem_alloc : memref<!tpu.dma_semaphore, #tpu.memory_space<semaphore_mem>>
      %dma_start3A = arith.constant 0 : i32
      %dma_start3A_81 = tpu.memref_slice %arg4[%run_scoped3A_10, %dma_start3A] : memref<8x512xi32, #tpu.memory_space<vmem>> -> memref<1x512xi32, #tpu.memory_space<vmem>>
      %dma_start3A_82 = tpu.memref_squeeze %dma_start3A_81 : memref<1x512xi32, #tpu.memory_space<vmem>> -> memref<512xi32, #tpu.memory_space<vmem>>
      %dma_start3A_83 = tpu.memref_slice %arg3[%add3A_9] : memref<425984xi32, #tpu.memory_space<hbm>> -> memref<512xi32, #tpu.memory_space<hbm>>
      %dma_start3A_84 = tpu.memref_slice %arg3[%add3A_9] : memref<425984xi32, #tpu.memory_space<hbm>> -> memref<512xi32, #tpu.memory_space<hbm>>
      %dma_start3A_85 = arith.constant 0 : i32
      %dma_start3A_86 = tpu.memref_slice %arg4[%run_scoped3A_10, %dma_start3A_85] : memref<8x512xi32, #tpu.memory_space<vmem>> -> memref<1x512xi32, #tpu.memory_space<vmem>>
      %dma_start3A_87 = tpu.memref_squeeze %dma_start3A_86 : memref<1x512xi32, #tpu.memory_space<vmem>> -> memref<512xi32, #tpu.memory_space<vmem>>
      tpu.enqueue_dma source(%dma_start3A_87 : memref<512xi32, #tpu.memory_space<vmem>>) target(%dma_start3A_84 : memref<512xi32, #tpu.memory_space<hbm>>) target_semaphore(%run_scoped3A_80 : memref<!tpu.dma_semaphore, #tpu.memory_space<semaphore_mem>>)
      %dma_wait3A = arith.constant 0 : i32
      %dma_wait3A_88 = tpu.memref_slice %arg4[%run_scoped3A_10, %dma_wait3A] : memref<8x512xi32, #tpu.memory_space<vmem>> -> memref<1x512xi32, #tpu.memory_space<vmem>>
      %dma_wait3A_89 = tpu.memref_squeeze %dma_wait3A_88 : memref<1x512xi32, #tpu.memory_space<vmem>> -> memref<512xi32, #tpu.memory_space<vmem>>
      %dma_wait3A_90 = tpu.memref_slice %arg3[%add3A_9] : memref<425984xi32, #tpu.memory_space<hbm>> -> memref<512xi32, #tpu.memory_space<hbm>>
      %dma_wait3A_91 = tpu.memref_slice %arg3[%add3A_9] : memref<425984xi32, #tpu.memory_space<hbm>> -> memref<512xi32, #tpu.memory_space<hbm>>
      %dma_wait3A_92 = arith.constant 0 : i32
      %dma_wait3A_93 = tpu.memref_slice %arg4[%run_scoped3A_10, %dma_wait3A_92] : memref<8x512xi32, #tpu.memory_space<vmem>> -> memref<1x512xi32, #tpu.memory_space<vmem>>
      %dma_wait3A_94 = tpu.memref_squeeze %dma_wait3A_93 : memref<1x512xi32, #tpu.memory_space<vmem>> -> memref<512xi32, #tpu.memory_space<vmem>>
      tpu.wait_dma2 semaphore(%run_scoped3A_80 : memref<!tpu.dma_semaphore, #tpu.memory_space<semaphore_mem>>) src(%dma_wait3A_94 : memref<512xi32, #tpu.memory_space<vmem>>) dst(%dma_wait3A_91 : memref<512xi32, #tpu.memory_space<hbm>>)
      tpu.yield
    }) : () -> ()
    %add3A_11 = arith.constant 49152 : i32
    %add3A_12 = arith.addi %add3A_11, %mul3A_2 : i32
    %run_scoped3A_13 = arith.constant 3 : i32
    "tpu.region"() ({
      %run_scoped3A_80 = tpu.sem_alloc : memref<!tpu.dma_semaphore, #tpu.memory_space<semaphore_mem>>
      %dma_start3A = arith.constant 0 : i32
      %dma_start3A_81 = tpu.memref_slice %arg4[%run_scoped3A_13, %dma_start3A] : memref<8x512xi32, #tpu.memory_space<vmem>> -> memref<1x512xi32, #tpu.memory_space<vmem>>
      %dma_start3A_82 = tpu.memref_squeeze %dma_start3A_81 : memref<1x512xi32, #tpu.memory_space<vmem>> -> memref<512xi32, #tpu.memory_space<vmem>>
      %dma_start3A_83 = tpu.memref_slice %arg3[%add3A_12] : memref<425984xi32, #tpu.memory_space<hbm>> -> memref<512xi32, #tpu.memory_space<hbm>>
      %dma_start3A_84 = tpu.memref_slice %arg3[%add3A_12] : memref<425984xi32, #tpu.memory_space<hbm>> -> memref<512xi32, #tpu.memory_space<hbm>>
      %dma_start3A_85 = arith.constant 0 : i32
      %dma_start3A_86 = tpu.memref_slice %arg4[%run_scoped3A_13, %dma_start3A_85] : memref<8x512xi32, #tpu.memory_space<vmem>> -> memref<1x512xi32, #tpu.memory_space<vmem>>
      %dma_start3A_87 = tpu.memref_squeeze %dma_start3A_86 : memref<1x512xi32, #tpu.memory_space<vmem>> -> memref<512xi32, #tpu.memory_space<vmem>>
      tpu.enqueue_dma source(%dma_start3A_87 : memref<512xi32, #tpu.memory_space<vmem>>) target(%dma_start3A_84 : memref<512xi32, #tpu.memory_space<hbm>>) target_semaphore(%run_scoped3A_80 : memref<!tpu.dma_semaphore, #tpu.memory_space<semaphore_mem>>)
      %dma_wait3A = arith.constant 0 : i32
      %dma_wait3A_88 = tpu.memref_slice %arg4[%run_scoped3A_13, %dma_wait3A] : memref<8x512xi32, #tpu.memory_space<vmem>> -> memref<1x512xi32, #tpu.memory_space<vmem>>
      %dma_wait3A_89 = tpu.memref_squeeze %dma_wait3A_88 : memref<1x512xi32, #tpu.memory_space<vmem>> -> memref<512xi32, #tpu.memory_space<vmem>>
      %dma_wait3A_90 = tpu.memref_slice %arg3[%add3A_12] : memref<425984xi32, #tpu.memory_space<hbm>> -> memref<512xi32, #tpu.memory_space<hbm>>
      %dma_wait3A_91 = tpu.memref_slice %arg3[%add3A_12] : memref<425984xi32, #tpu.memory_space<hbm>> -> memref<512xi32, #tpu.memory_space<hbm>>
      %dma_wait3A_92 = arith.constant 0 : i32
      %dma_wait3A_93 = tpu.memref_slice %arg4[%run_scoped3A_13, %dma_wait3A_92] : memref<8x512xi32, #tpu.memory_space<vmem>> -> memref<1x512xi32, #tpu.memory_space<vmem>>
      %dma_wait3A_94 = tpu.memref_squeeze %dma_wait3A_93 : memref<1x512xi32, #tpu.memory_space<vmem>> -> memref<512xi32, #tpu.memory_space<vmem>>
      tpu.wait_dma2 semaphore(%run_scoped3A_80 : memref<!tpu.dma_semaphore, #tpu.memory_space<semaphore_mem>>) src(%dma_wait3A_94 : memref<512xi32, #tpu.memory_space<vmem>>) dst(%dma_wait3A_91 : memref<512xi32, #tpu.memory_space<hbm>>)
      tpu.yield
    }) : () -> ()
    %add3A_14 = arith.constant 65536 : i32
    %add3A_15 = arith.addi %add3A_14, %mul3A_2 : i32
    %run_scoped3A_16 = arith.constant 4 : i32
    "tpu.region"() ({
      %run_scoped3A_80 = tpu.sem_alloc : memref<!tpu.dma_semaphore, #tpu.memory_space<semaphore_mem>>
      %dma_start3A = arith.constant 0 : i32
      %dma_start3A_81 = tpu.memref_slice %arg4[%run_scoped3A_16, %dma_start3A] : memref<8x512xi32, #tpu.memory_space<vmem>> -> memref<1x512xi32, #tpu.memory_space<vmem>>
      %dma_start3A_82 = tpu.memref_squeeze %dma_start3A_81 : memref<1x512xi32, #tpu.memory_space<vmem>> -> memref<512xi32, #tpu.memory_space<vmem>>
      %dma_start3A_83 = tpu.memref_slice %arg3[%add3A_15] : memref<425984xi32, #tpu.memory_space<hbm>> -> memref<512xi32, #tpu.memory_space<hbm>>
      %dma_start3A_84 = tpu.memref_slice %arg3[%add3A_15] : memref<425984xi32, #tpu.memory_space<hbm>> -> memref<512xi32, #tpu.memory_space<hbm>>
      %dma_start3A_85 = arith.constant 0 : i32
      %dma_start3A_86 = tpu.memref_slice %arg4[%run_scoped3A_16, %dma_start3A_85] : memref<8x512xi32, #tpu.memory_space<vmem>> -> memref<1x512xi32, #tpu.memory_space<vmem>>
      %dma_start3A_87 = tpu.memref_squeeze %dma_start3A_86 : memref<1x512xi32, #tpu.memory_space<vmem>> -> memref<512xi32, #tpu.memory_space<vmem>>
      tpu.enqueue_dma source(%dma_start3A_87 : memref<512xi32, #tpu.memory_space<vmem>>) target(%dma_start3A_84 : memref<512xi32, #tpu.memory_space<hbm>>) target_semaphore(%run_scoped3A_80 : memref<!tpu.dma_semaphore, #tpu.memory_space<semaphore_mem>>)
      %dma_wait3A = arith.constant 0 : i32
      %dma_wait3A_88 = tpu.memref_slice %arg4[%run_scoped3A_16, %dma_wait3A] : memref<8x512xi32, #tpu.memory_space<vmem>> -> memref<1x512xi32, #tpu.memory_space<vmem>>
      %dma_wait3A_89 = tpu.memref_squeeze %dma_wait3A_88 : memref<1x512xi32, #tpu.memory_space<vmem>> -> memref<512xi32, #tpu.memory_space<vmem>>
      %dma_wait3A_90 = tpu.memref_slice %arg3[%add3A_15] : memref<425984xi32, #tpu.memory_space<hbm>> -> memref<512xi32, #tpu.memory_space<hbm>>
      %dma_wait3A_91 = tpu.memref_slice %arg3[%add3A_15] : memref<425984xi32, #tpu.memory_space<hbm>> -> memref<512xi32, #tpu.memory_space<hbm>>
      %dma_wait3A_92 = arith.constant 0 : i32
      %dma_wait3A_93 = tpu.memref_slice %arg4[%run_scoped3A_16, %dma_wait3A_92] : memref<8x512xi32, #tpu.memory_space<vmem>> -> memref<1x512xi32, #tpu.memory_space<vmem>>
      %dma_wait3A_94 = tpu.memref_squeeze %dma_wait3A_93 : memref<1x512xi32, #tpu.memory_space<vmem>> -> memref<512xi32, #tpu.memory_space<vmem>>
      tpu.wait_dma2 semaphore(%run_scoped3A_80 : memref<!tpu.dma_semaphore, #tpu.memory_space<semaphore_mem>>) src(%dma_wait3A_94 : memref<512xi32, #tpu.memory_space<vmem>>) dst(%dma_wait3A_91 : memref<512xi32, #tpu.memory_space<hbm>>)
      tpu.yield
    }) : () -> ()
    %add3A_17 = arith.constant 81920 : i32
    %add3A_18 = arith.addi %add3A_17, %mul3A_2 : i32
    %run_scoped3A_19 = arith.constant 5 : i32
    "tpu.region"() ({
      %run_scoped3A_80 = tpu.sem_alloc : memref<!tpu.dma_semaphore, #tpu.memory_space<semaphore_mem>>
      %dma_start3A = arith.constant 0 : i32
      %dma_start3A_81 = tpu.memref_slice %arg4[%run_scoped3A_19, %dma_start3A] : memref<8x512xi32, #tpu.memory_space<vmem>> -> memref<1x512xi32, #tpu.memory_space<vmem>>
      %dma_start3A_82 = tpu.memref_squeeze %dma_start3A_81 : memref<1x512xi32, #tpu.memory_space<vmem>> -> memref<512xi32, #tpu.memory_space<vmem>>
      %dma_start3A_83 = tpu.memref_slice %arg3[%add3A_18] : memref<425984xi32, #tpu.memory_space<hbm>> -> memref<512xi32, #tpu.memory_space<hbm>>
      %dma_start3A_84 = tpu.memref_slice %arg3[%add3A_18] : memref<425984xi32, #tpu.memory_space<hbm>> -> memref<512xi32, #tpu.memory_space<hbm>>
      %dma_start3A_85 = arith.constant 0 : i32
      %dma_start3A_86 = tpu.memref_slice %arg4[%run_scoped3A_19, %dma_start3A_85] : memref<8x512xi32, #tpu.memory_space<vmem>> -> memref<1x512xi32, #tpu.memory_space<vmem>>
      %dma_start3A_87 = tpu.memref_squeeze %dma_start3A_86 : memref<1x512xi32, #tpu.memory_space<vmem>> -> memref<512xi32, #tpu.memory_space<vmem>>
      tpu.enqueue_dma source(%dma_start3A_87 : memref<512xi32, #tpu.memory_space<vmem>>) target(%dma_start3A_84 : memref<512xi32, #tpu.memory_space<hbm>>) target_semaphore(%run_scoped3A_80 : memref<!tpu.dma_semaphore, #tpu.memory_space<semaphore_mem>>)
      %dma_wait3A = arith.constant 0 : i32
      %dma_wait3A_88 = tpu.memref_slice %arg4[%run_scoped3A_19, %dma_wait3A] : memref<8x512xi32, #tpu.memory_space<vmem>> -> memref<1x512xi32, #tpu.memory_space<vmem>>
      %dma_wait3A_89 = tpu.memref_squeeze %dma_wait3A_88 : memref<1x512xi32, #tpu.memory_space<vmem>> -> memref<512xi32, #tpu.memory_space<vmem>>
      %dma_wait3A_90 = tpu.memref_slice %arg3[%add3A_18] : memref<425984xi32, #tpu.memory_space<hbm>> -> memref<512xi32, #tpu.memory_space<hbm>>
      %dma_wait3A_91 = tpu.memref_slice %arg3[%add3A_18] : memref<425984xi32, #tpu.memory_space<hbm>> -> memref<512xi32, #tpu.memory_space<hbm>>
      %dma_wait3A_92 = arith.constant 0 : i32
      %dma_wait3A_93 = tpu.memref_slice %arg4[%run_scoped3A_19, %dma_wait3A_92] : memref<8x512xi32, #tpu.memory_space<vmem>> -> memref<1x512xi32, #tpu.memory_space<vmem>>
      %dma_wait3A_94 = tpu.memref_squeeze %dma_wait3A_93 : memref<1x512xi32, #tpu.memory_space<vmem>> -> memref<512xi32, #tpu.memory_space<vmem>>
      tpu.wait_dma2 semaphore(%run_scoped3A_80 : memref<!tpu.dma_semaphore, #tpu.memory_space<semaphore_mem>>) src(%dma_wait3A_94 : memref<512xi32, #tpu.memory_space<vmem>>) dst(%dma_wait3A_91 : memref<512xi32, #tpu.memory_space<hbm>>)
      tpu.yield
    }) : () -> ()
    %add3A_20 = arith.constant 98304 : i32
    %add3A_21 = arith.addi %add3A_20, %mul3A_2 : i32
    %run_scoped3A_22 = arith.constant 6 : i32
    "tpu.region"() ({
      %run_scoped3A_80 = tpu.sem_alloc : memref<!tpu.dma_semaphore, #tpu.memory_space<semaphore_mem>>
      %dma_start3A = arith.constant 0 : i32
      %dma_start3A_81 = tpu.memref_slice %arg4[%run_scoped3A_22, %dma_start3A] : memref<8x512xi32, #tpu.memory_space<vmem>> -> memref<1x512xi32, #tpu.memory_space<vmem>>
      %dma_start3A_82 = tpu.memref_squeeze %dma_start3A_81 : memref<1x512xi32, #tpu.memory_space<vmem>> -> memref<512xi32, #tpu.memory_space<vmem>>
      %dma_start3A_83 = tpu.memref_slice %arg3[%add3A_21] : memref<425984xi32, #tpu.memory_space<hbm>> -> memref<512xi32, #tpu.memory_space<hbm>>
      %dma_start3A_84 = tpu.memref_slice %arg3[%add3A_21] : memref<425984xi32, #tpu.memory_space<hbm>> -> memref<512xi32, #tpu.memory_space<hbm>>
      %dma_start3A_85 = arith.constant 0 : i32
      %dma_start3A_86 = tpu.memref_slice %arg4[%run_scoped3A_22, %dma_start3A_85] : memref<8x512xi32, #tpu.memory_space<vmem>> -> memref<1x512xi32, #tpu.memory_space<vmem>>
      %dma_start3A_87 = tpu.memref_squeeze %dma_start3A_86 : memref<1x512xi32, #tpu.memory_space<vmem>> -> memref<512xi32, #tpu.memory_space<vmem>>
      tpu.enqueue_dma source(%dma_start3A_87 : memref<512xi32, #tpu.memory_space<vmem>>) target(%dma_start3A_84 : memref<512xi32, #tpu.memory_space<hbm>>) target_semaphore(%run_scoped3A_80 : memref<!tpu.dma_semaphore, #tpu.memory_space<semaphore_mem>>)
      %dma_wait3A = arith.constant 0 : i32
      %dma_wait3A_88 = tpu.memref_slice %arg4[%run_scoped3A_22, %dma_wait3A] : memref<8x512xi32, #tpu.memory_space<vmem>> -> memref<1x512xi32, #tpu.memory_space<vmem>>
      %dma_wait3A_89 = tpu.memref_squeeze %dma_wait3A_88 : memref<1x512xi32, #tpu.memory_space<vmem>> -> memref<512xi32, #tpu.memory_space<vmem>>
      %dma_wait3A_90 = tpu.memref_slice %arg3[%add3A_21] : memref<425984xi32, #tpu.memory_space<hbm>> -> memref<512xi32, #tpu.memory_space<hbm>>
      %dma_wait3A_91 = tpu.memref_slice %arg3[%add3A_21] : memref<425984xi32, #tpu.memory_space<hbm>> -> memref<512xi32, #tpu.memory_space<hbm>>
      %dma_wait3A_92 = arith.constant 0 : i32
      %dma_wait3A_93 = tpu.memref_slice %arg4[%run_scoped3A_22, %dma_wait3A_92] : memref<8x512xi32, #tpu.memory_space<vmem>> -> memref<1x512xi32, #tpu.memory_space<vmem>>
      %dma_wait3A_94 = tpu.memref_squeeze %dma_wait3A_93 : memref<1x512xi32, #tpu.memory_space<vmem>> -> memref<512xi32, #tpu.memory_space<vmem>>
      tpu.wait_dma2 semaphore(%run_scoped3A_80 : memref<!tpu.dma_semaphore, #tpu.memory_space<semaphore_mem>>) src(%dma_wait3A_94 : memref<512xi32, #tpu.memory_space<vmem>>) dst(%dma_wait3A_91 : memref<512xi32, #tpu.memory_space<hbm>>)
      tpu.yield
    }) : () -> ()
    %add3A_23 = arith.constant 114688 : i32
    %add3A_24 = arith.addi %add3A_23, %mul3A_2 : i32
    %run_scoped3A_25 = arith.constant 7 : i32
    "tpu.region"() ({
      %run_scoped3A_80 = tpu.sem_alloc : memref<!tpu.dma_semaphore, #tpu.memory_space<semaphore_mem>>
      %dma_start3A = arith.constant 0 : i32
      %dma_start3A_81 = tpu.memref_slice %arg4[%run_scoped3A_25, %dma_start3A] : memref<8x512xi32, #tpu.memory_space<vmem>> -> memref<1x512xi32, #tpu.memory_space<vmem>>
      %dma_start3A_82 = tpu.memref_squeeze %dma_start3A_81 : memref<1x512xi32, #tpu.memory_space<vmem>> -> memref<512xi32, #tpu.memory_space<vmem>>
      %dma_start3A_83 = tpu.memref_slice %arg3[%add3A_24] : memref<425984xi32, #tpu.memory_space<hbm>> -> memref<512xi32, #tpu.memory_space<hbm>>
      %dma_start3A_84 = tpu.memref_slice %arg3[%add3A_24] : memref<425984xi32, #tpu.memory_space<hbm>> -> memref<512xi32, #tpu.memory_space<hbm>>
      %dma_start3A_85 = arith.constant 0 : i32
      %dma_start3A_86 = tpu.memref_slice %arg4[%run_scoped3A_25, %dma_start3A_85] : memref<8x512xi32, #tpu.memory_space<vmem>> -> memref<1x512xi32, #tpu.memory_space<vmem>>
      %dma_start3A_87 = tpu.memref_squeeze %dma_start3A_86 : memref<1x512xi32, #tpu.memory_space<vmem>> -> memref<512xi32, #tpu.memory_space<vmem>>
      tpu.enqueue_dma source(%dma_start3A_87 : memref<512xi32, #tpu.memory_space<vmem>>) target(%dma_start3A_84 : memref<512xi32, #tpu.memory_space<hbm>>) target_semaphore(%run_scoped3A_80 : memref<!tpu.dma_semaphore, #tpu.memory_space<semaphore_mem>>)
      %dma_wait3A = arith.constant 0 : i32
      %dma_wait3A_88 = tpu.memref_slice %arg4[%run_scoped3A_25, %dma_wait3A] : memref<8x512xi32, #tpu.memory_space<vmem>> -> memref<1x512xi32, #tpu.memory_space<vmem>>
      %dma_wait3A_89 = tpu.memref_squeeze %dma_wait3A_88 : memref<1x512xi32, #tpu.memory_space<vmem>> -> memref<512xi32, #tpu.memory_space<vmem>>
      %dma_wait3A_90 = tpu.memref_slice %arg3[%add3A_24] : memref<425984xi32, #tpu.memory_space<hbm>> -> memref<512xi32, #tpu.memory_space<hbm>>
      %dma_wait3A_91 = tpu.memref_slice %arg3[%add3A_24] : memref<425984xi32, #tpu.memory_space<hbm>> -> memref<512xi32, #tpu.memory_space<hbm>>
      %dma_wait3A_92 = arith.constant 0 : i32
      %dma_wait3A_93 = tpu.memref_slice %arg4[%run_scoped3A_25, %dma_wait3A_92] : memref<8x512xi32, #tpu.memory_space<vmem>> -> memref<1x512xi32, #tpu.memory_space<vmem>>
      %dma_wait3A_94 = tpu.memref_squeeze %dma_wait3A_93 : memref<1x512xi32, #tpu.memory_space<vmem>> -> memref<512xi32, #tpu.memory_space<vmem>>
      tpu.wait_dma2 semaphore(%run_scoped3A_80 : memref<!tpu.dma_semaphore, #tpu.memory_space<semaphore_mem>>) src(%dma_wait3A_94 : memref<512xi32, #tpu.memory_space<vmem>>) dst(%dma_wait3A_91 : memref<512xi32, #tpu.memory_space<hbm>>)
      tpu.yield
    }) : () -> ()
    "tpu.region"() ({
      %run_scoped3A_80 = tpu.sem_alloc : memref<!tpu.dma_semaphore, #tpu.memory_space<semaphore_mem>>
      %dma_start3A = arith.constant 0 : i32
      %dma_start3A_81 = arith.constant 0 : i32
      %dma_start3A_82 = tpu.memref_slice %arg4[%dma_start3A, %dma_start3A_81] : memref<8x512xi32, #tpu.memory_space<vmem>> -> memref<8x512xi32, #tpu.memory_space<vmem>>
      %dma_start3A_83 = arith.constant 8 : i32
      %dma_start3A_84 = tpu.memref_slice %arg2[%dma_start3A_83, %mul3A_2] : memref<26x16384xi32, #tpu.memory_space<hbm>> -> memref<8x512xi32, #tpu.memory_space<hbm>>
      %dma_start3A_85 = arith.constant 0 : i32
      %dma_start3A_86 = arith.constant 0 : i32
      %dma_start3A_87 = tpu.memref_slice %arg4[%dma_start3A_85, %dma_start3A_86] : memref<8x512xi32, #tpu.memory_space<vmem>> -> memref<8x512xi32, #tpu.memory_space<vmem>>
      %dma_start3A_88 = arith.constant 8 : i32
      %dma_start3A_89 = tpu.memref_slice %arg2[%dma_start3A_88, %mul3A_2] : memref<26x16384xi32, #tpu.memory_space<hbm>> -> memref<8x512xi32, #tpu.memory_space<hbm>>
      tpu.enqueue_dma source(%dma_start3A_89 : memref<8x512xi32, #tpu.memory_space<hbm>>) target(%dma_start3A_87 : memref<8x512xi32, #tpu.memory_space<vmem>>) target_semaphore(%run_scoped3A_80 : memref<!tpu.dma_semaphore, #tpu.memory_space<semaphore_mem>>)
      %dma_wait3A = arith.constant 0 : i32
      %dma_wait3A_90 = arith.constant 0 : i32
      %dma_wait3A_91 = tpu.memref_slice %arg4[%dma_wait3A, %dma_wait3A_90] : memref<8x512xi32, #tpu.memory_space<vmem>> -> memref<8x512xi32, #tpu.memory_space<vmem>>
      %dma_wait3A_92 = arith.constant 8 : i32
      %dma_wait3A_93 = tpu.memref_slice %arg2[%dma_wait3A_92, %mul3A_2] : memref<26x16384xi32, #tpu.memory_space<hbm>> -> memref<8x512xi32, #tpu.memory_space<hbm>>
      %dma_wait3A_94 = arith.constant 0 : i32
      %dma_wait3A_95 = arith.constant 0 : i32
      %dma_wait3A_96 = tpu.memref_slice %arg4[%dma_wait3A_94, %dma_wait3A_95] : memref<8x512xi32, #tpu.memory_space<vmem>> -> memref<8x512xi32, #tpu.memory_space<vmem>>
      %dma_wait3A_97 = arith.constant 8 : i32
      %dma_wait3A_98 = tpu.memref_slice %arg2[%dma_wait3A_97, %mul3A_2] : memref<26x16384xi32, #tpu.memory_space<hbm>> -> memref<8x512xi32, #tpu.memory_space<hbm>>
      tpu.wait_dma2 semaphore(%run_scoped3A_80 : memref<!tpu.dma_semaphore, #tpu.memory_space<semaphore_mem>>) src(%dma_wait3A_98 : memref<8x512xi32, #tpu.memory_space<hbm>>) dst(%dma_wait3A_96 : memref<8x512xi32, #tpu.memory_space<vmem>>)
      tpu.yield
    }) : () -> ()
    %add3A_26 = arith.constant 131072 : i32
    %add3A_27 = arith.addi %add3A_26, %mul3A_2 : i32
    %run_scoped3A_28 = arith.constant 0 : i32
    "tpu.region"() ({
      %run_scoped3A_80 = tpu.sem_alloc : memref<!tpu.dma_semaphore, #tpu.memory_space<semaphore_mem>>
      %dma_start3A = arith.constant 0 : i32
      %dma_start3A_81 = tpu.memref_slice %arg4[%run_scoped3A_28, %dma_start3A] : memref<8x512xi32, #tpu.memory_space<vmem>> -> memref<1x512xi32, #tpu.memory_space<vmem>>
      %dma_start3A_82 = tpu.memref_squeeze %dma_start3A_81 : memref<1x512xi32, #tpu.memory_space<vmem>> -> memref<512xi32, #tpu.memory_space<vmem>>
      %dma_start3A_83 = tpu.memref_slice %arg3[%add3A_27] : memref<425984xi32, #tpu.memory_space<hbm>> -> memref<512xi32, #tpu.memory_space<hbm>>
      %dma_start3A_84 = tpu.memref_slice %arg3[%add3A_27] : memref<425984xi32, #tpu.memory_space<hbm>> -> memref<512xi32, #tpu.memory_space<hbm>>
      %dma_start3A_85 = arith.constant 0 : i32
      %dma_start3A_86 = tpu.memref_slice %arg4[%run_scoped3A_28, %dma_start3A_85] : memref<8x512xi32, #tpu.memory_space<vmem>> -> memref<1x512xi32, #tpu.memory_space<vmem>>
      %dma_start3A_87 = tpu.memref_squeeze %dma_start3A_86 : memref<1x512xi32, #tpu.memory_space<vmem>> -> memref<512xi32, #tpu.memory_space<vmem>>
      tpu.enqueue_dma source(%dma_start3A_87 : memref<512xi32, #tpu.memory_space<vmem>>) target(%dma_start3A_84 : memref<512xi32, #tpu.memory_space<hbm>>) target_semaphore(%run_scoped3A_80 : memref<!tpu.dma_semaphore, #tpu.memory_space<semaphore_mem>>)
      %dma_wait3A = arith.constant 0 : i32
      %dma_wait3A_88 = tpu.memref_slice %arg4[%run_scoped3A_28, %dma_wait3A] : memref<8x512xi32, #tpu.memory_space<vmem>> -> memref<1x512xi32, #tpu.memory_space<vmem>>
      %dma_wait3A_89 = tpu.memref_squeeze %dma_wait3A_88 : memref<1x512xi32, #tpu.memory_space<vmem>> -> memref<512xi32, #tpu.memory_space<vmem>>
      %dma_wait3A_90 = tpu.memref_slice %arg3[%add3A_27] : memref<425984xi32, #tpu.memory_space<hbm>> -> memref<512xi32, #tpu.memory_space<hbm>>
      %dma_wait3A_91 = tpu.memref_slice %arg3[%add3A_27] : memref<425984xi32, #tpu.memory_space<hbm>> -> memref<512xi32, #tpu.memory_space<hbm>>
      %dma_wait3A_92 = arith.constant 0 : i32
      %dma_wait3A_93 = tpu.memref_slice %arg4[%run_scoped3A_28, %dma_wait3A_92] : memref<8x512xi32, #tpu.memory_space<vmem>> -> memref<1x512xi32, #tpu.memory_space<vmem>>
      %dma_wait3A_94 = tpu.memref_squeeze %dma_wait3A_93 : memref<1x512xi32, #tpu.memory_space<vmem>> -> memref<512xi32, #tpu.memory_space<vmem>>
      tpu.wait_dma2 semaphore(%run_scoped3A_80 : memref<!tpu.dma_semaphore, #tpu.memory_space<semaphore_mem>>) src(%dma_wait3A_94 : memref<512xi32, #tpu.memory_space<vmem>>) dst(%dma_wait3A_91 : memref<512xi32, #tpu.memory_space<hbm>>)
      tpu.yield
    }) : () -> ()
    %add3A_29 = arith.constant 147456 : i32
    %add3A_30 = arith.addi %add3A_29, %mul3A_2 : i32
    %run_scoped3A_31 = arith.constant 1 : i32
    "tpu.region"() ({
      %run_scoped3A_80 = tpu.sem_alloc : memref<!tpu.dma_semaphore, #tpu.memory_space<semaphore_mem>>
      %dma_start3A = arith.constant 0 : i32
      %dma_start3A_81 = tpu.memref_slice %arg4[%run_scoped3A_31, %dma_start3A] : memref<8x512xi32, #tpu.memory_space<vmem>> -> memref<1x512xi32, #tpu.memory_space<vmem>>
      %dma_start3A_82 = tpu.memref_squeeze %dma_start3A_81 : memref<1x512xi32, #tpu.memory_space<vmem>> -> memref<512xi32, #tpu.memory_space<vmem>>
      %dma_start3A_83 = tpu.memref_slice %arg3[%add3A_30] : memref<425984xi32, #tpu.memory_space<hbm>> -> memref<512xi32, #tpu.memory_space<hbm>>
      %dma_start3A_84 = tpu.memref_slice %arg3[%add3A_30] : memref<425984xi32, #tpu.memory_space<hbm>> -> memref<512xi32, #tpu.memory_space<hbm>>
      %dma_start3A_85 = arith.constant 0 : i32
      %dma_start3A_86 = tpu.memref_slice %arg4[%run_scoped3A_31, %dma_start3A_85] : memref<8x512xi32, #tpu.memory_space<vmem>> -> memref<1x512xi32, #tpu.memory_space<vmem>>
      %dma_start3A_87 = tpu.memref_squeeze %dma_start3A_86 : memref<1x512xi32, #tpu.memory_space<vmem>> -> memref<512xi32, #tpu.memory_space<vmem>>
      tpu.enqueue_dma source(%dma_start3A_87 : memref<512xi32, #tpu.memory_space<vmem>>) target(%dma_start3A_84 : memref<512xi32, #tpu.memory_space<hbm>>) target_semaphore(%run_scoped3A_80 : memref<!tpu.dma_semaphore, #tpu.memory_space<semaphore_mem>>)
      %dma_wait3A = arith.constant 0 : i32
      %dma_wait3A_88 = tpu.memref_slice %arg4[%run_scoped3A_31, %dma_wait3A] : memref<8x512xi32, #tpu.memory_space<vmem>> -> memref<1x512xi32, #tpu.memory_space<vmem>>
      %dma_wait3A_89 = tpu.memref_squeeze %dma_wait3A_88 : memref<1x512xi32, #tpu.memory_space<vmem>> -> memref<512xi32, #tpu.memory_space<vmem>>
      %dma_wait3A_90 = tpu.memref_slice %arg3[%add3A_30] : memref<425984xi32, #tpu.memory_space<hbm>> -> memref<512xi32, #tpu.memory_space<hbm>>
      %dma_wait3A_91 = tpu.memref_slice %arg3[%add3A_30] : memref<425984xi32, #tpu.memory_space<hbm>> -> memref<512xi32, #tpu.memory_space<hbm>>
      %dma_wait3A_92 = arith.constant 0 : i32
      %dma_wait3A_93 = tpu.memref_slice %arg4[%run_scoped3A_31, %dma_wait3A_92] : memref<8x512xi32, #tpu.memory_space<vmem>> -> memref<1x512xi32, #tpu.memory_space<vmem>>
      %dma_wait3A_94 = tpu.memref_squeeze %dma_wait3A_93 : memref<1x512xi32, #tpu.memory_space<vmem>> -> memref<512xi32, #tpu.memory_space<vmem>>
      tpu.wait_dma2 semaphore(%run_scoped3A_80 : memref<!tpu.dma_semaphore, #tpu.memory_space<semaphore_mem>>) src(%dma_wait3A_94 : memref<512xi32, #tpu.memory_space<vmem>>) dst(%dma_wait3A_91 : memref<512xi32, #tpu.memory_space<hbm>>)
      tpu.yield
    }) : () -> ()
    %add3A_32 = arith.constant 163840 : i32
    %add3A_33 = arith.addi %add3A_32, %mul3A_2 : i32
    %run_scoped3A_34 = arith.constant 2 : i32
    "tpu.region"() ({
      %run_scoped3A_80 = tpu.sem_alloc : memref<!tpu.dma_semaphore, #tpu.memory_space<semaphore_mem>>
      %dma_start3A = arith.constant 0 : i32
      %dma_start3A_81 = tpu.memref_slice %arg4[%run_scoped3A_34, %dma_start3A] : memref<8x512xi32, #tpu.memory_space<vmem>> -> memref<1x512xi32, #tpu.memory_space<vmem>>
      %dma_start3A_82 = tpu.memref_squeeze %dma_start3A_81 : memref<1x512xi32, #tpu.memory_space<vmem>> -> memref<512xi32, #tpu.memory_space<vmem>>
      %dma_start3A_83 = tpu.memref_slice %arg3[%add3A_33] : memref<425984xi32, #tpu.memory_space<hbm>> -> memref<512xi32, #tpu.memory_space<hbm>>
      %dma_start3A_84 = tpu.memref_slice %arg3[%add3A_33] : memref<425984xi32, #tpu.memory_space<hbm>> -> memref<512xi32, #tpu.memory_space<hbm>>
      %dma_start3A_85 = arith.constant 0 : i32
      %dma_start3A_86 = tpu.memref_slice %arg4[%run_scoped3A_34, %dma_start3A_85] : memref<8x512xi32, #tpu.memory_space<vmem>> -> memref<1x512xi32, #tpu.memory_space<vmem>>
      %dma_start3A_87 = tpu.memref_squeeze %dma_start3A_86 : memref<1x512xi32, #tpu.memory_space<vmem>> -> memref<512xi32, #tpu.memory_space<vmem>>
      tpu.enqueue_dma source(%dma_start3A_87 : memref<512xi32, #tpu.memory_space<vmem>>) target(%dma_start3A_84 : memref<512xi32, #tpu.memory_space<hbm>>) target_semaphore(%run_scoped3A_80 : memref<!tpu.dma_semaphore, #tpu.memory_space<semaphore_mem>>)
      %dma_wait3A = arith.constant 0 : i32
      %dma_wait3A_88 = tpu.memref_slice %arg4[%run_scoped3A_34, %dma_wait3A] : memref<8x512xi32, #tpu.memory_space<vmem>> -> memref<1x512xi32, #tpu.memory_space<vmem>>
      %dma_wait3A_89 = tpu.memref_squeeze %dma_wait3A_88 : memref<1x512xi32, #tpu.memory_space<vmem>> -> memref<512xi32, #tpu.memory_space<vmem>>
      %dma_wait3A_90 = tpu.memref_slice %arg3[%add3A_33] : memref<425984xi32, #tpu.memory_space<hbm>> -> memref<512xi32, #tpu.memory_space<hbm>>
      %dma_wait3A_91 = tpu.memref_slice %arg3[%add3A_33] : memref<425984xi32, #tpu.memory_space<hbm>> -> memref<512xi32, #tpu.memory_space<hbm>>
      %dma_wait3A_92 = arith.constant 0 : i32
      %dma_wait3A_93 = tpu.memref_slice %arg4[%run_scoped3A_34, %dma_wait3A_92] : memref<8x512xi32, #tpu.memory_space<vmem>> -> memref<1x512xi32, #tpu.memory_space<vmem>>
      %dma_wait3A_94 = tpu.memref_squeeze %dma_wait3A_93 : memref<1x512xi32, #tpu.memory_space<vmem>> -> memref<512xi32, #tpu.memory_space<vmem>>
      tpu.wait_dma2 semaphore(%run_scoped3A_80 : memref<!tpu.dma_semaphore, #tpu.memory_space<semaphore_mem>>) src(%dma_wait3A_94 : memref<512xi32, #tpu.memory_space<vmem>>) dst(%dma_wait3A_91 : memref<512xi32, #tpu.memory_space<hbm>>)
      tpu.yield
    }) : () -> ()
    %add3A_35 = arith.constant 180224 : i32
    %add3A_36 = arith.addi %add3A_35, %mul3A_2 : i32
    %run_scoped3A_37 = arith.constant 3 : i32
    "tpu.region"() ({
      %run_scoped3A_80 = tpu.sem_alloc : memref<!tpu.dma_semaphore, #tpu.memory_space<semaphore_mem>>
      %dma_start3A = arith.constant 0 : i32
      %dma_start3A_81 = tpu.memref_slice %arg4[%run_scoped3A_37, %dma_start3A] : memref<8x512xi32, #tpu.memory_space<vmem>> -> memref<1x512xi32, #tpu.memory_space<vmem>>
      %dma_start3A_82 = tpu.memref_squeeze %dma_start3A_81 : memref<1x512xi32, #tpu.memory_space<vmem>> -> memref<512xi32, #tpu.memory_space<vmem>>
      %dma_start3A_83 = tpu.memref_slice %arg3[%add3A_36] : memref<425984xi32, #tpu.memory_space<hbm>> -> memref<512xi32, #tpu.memory_space<hbm>>
      %dma_start3A_84 = tpu.memref_slice %arg3[%add3A_36] : memref<425984xi32, #tpu.memory_space<hbm>> -> memref<512xi32, #tpu.memory_space<hbm>>
      %dma_start3A_85 = arith.constant 0 : i32
      %dma_start3A_86 = tpu.memref_slice %arg4[%run_scoped3A_37, %dma_start3A_85] : memref<8x512xi32, #tpu.memory_space<vmem>> -> memref<1x512xi32, #tpu.memory_space<vmem>>
      %dma_start3A_87 = tpu.memref_squeeze %dma_start3A_86 : memref<1x512xi32, #tpu.memory_space<vmem>> -> memref<512xi32, #tpu.memory_space<vmem>>
      tpu.enqueue_dma source(%dma_start3A_87 : memref<512xi32, #tpu.memory_space<vmem>>) target(%dma_start3A_84 : memref<512xi32, #tpu.memory_space<hbm>>) target_semaphore(%run_scoped3A_80 : memref<!tpu.dma_semaphore, #tpu.memory_space<semaphore_mem>>)
      %dma_wait3A = arith.constant 0 : i32
      %dma_wait3A_88 = tpu.memref_slice %arg4[%run_scoped3A_37, %dma_wait3A] : memref<8x512xi32, #tpu.memory_space<vmem>> -> memref<1x512xi32, #tpu.memory_space<vmem>>
      %dma_wait3A_89 = tpu.memref_squeeze %dma_wait3A_88 : memref<1x512xi32, #tpu.memory_space<vmem>> -> memref<512xi32, #tpu.memory_space<vmem>>
      %dma_wait3A_90 = tpu.memref_slice %arg3[%add3A_36] : memref<425984xi32, #tpu.memory_space<hbm>> -> memref<512xi32, #tpu.memory_space<hbm>>
      %dma_wait3A_91 = tpu.memref_slice %arg3[%add3A_36] : memref<425984xi32, #tpu.memory_space<hbm>> -> memref<512xi32, #tpu.memory_space<hbm>>
      %dma_wait3A_92 = arith.constant 0 : i32
      %dma_wait3A_93 = tpu.memref_slice %arg4[%run_scoped3A_37, %dma_wait3A_92] : memref<8x512xi32, #tpu.memory_space<vmem>> -> memref<1x512xi32, #tpu.memory_space<vmem>>
      %dma_wait3A_94 = tpu.memref_squeeze %dma_wait3A_93 : memref<1x512xi32, #tpu.memory_space<vmem>> -> memref<512xi32, #tpu.memory_space<vmem>>
      tpu.wait_dma2 semaphore(%run_scoped3A_80 : memref<!tpu.dma_semaphore, #tpu.memory_space<semaphore_mem>>) src(%dma_wait3A_94 : memref<512xi32, #tpu.memory_space<vmem>>) dst(%dma_wait3A_91 : memref<512xi32, #tpu.memory_space<hbm>>)
      tpu.yield
    }) : () -> ()
    %add3A_38 = arith.constant 196608 : i32
    %add3A_39 = arith.addi %add3A_38, %mul3A_2 : i32
    %run_scoped3A_40 = arith.constant 4 : i32
    "tpu.region"() ({
      %run_scoped3A_80 = tpu.sem_alloc : memref<!tpu.dma_semaphore, #tpu.memory_space<semaphore_mem>>
      %dma_start3A = arith.constant 0 : i32
      %dma_start3A_81 = tpu.memref_slice %arg4[%run_scoped3A_40, %dma_start3A] : memref<8x512xi32, #tpu.memory_space<vmem>> -> memref<1x512xi32, #tpu.memory_space<vmem>>
      %dma_start3A_82 = tpu.memref_squeeze %dma_start3A_81 : memref<1x512xi32, #tpu.memory_space<vmem>> -> memref<512xi32, #tpu.memory_space<vmem>>
      %dma_start3A_83 = tpu.memref_slice %arg3[%add3A_39] : memref<425984xi32, #tpu.memory_space<hbm>> -> memref<512xi32, #tpu.memory_space<hbm>>
      %dma_start3A_84 = tpu.memref_slice %arg3[%add3A_39] : memref<425984xi32, #tpu.memory_space<hbm>> -> memref<512xi32, #tpu.memory_space<hbm>>
      %dma_start3A_85 = arith.constant 0 : i32
      %dma_start3A_86 = tpu.memref_slice %arg4[%run_scoped3A_40, %dma_start3A_85] : memref<8x512xi32, #tpu.memory_space<vmem>> -> memref<1x512xi32, #tpu.memory_space<vmem>>
      %dma_start3A_87 = tpu.memref_squeeze %dma_start3A_86 : memref<1x512xi32, #tpu.memory_space<vmem>> -> memref<512xi32, #tpu.memory_space<vmem>>
      tpu.enqueue_dma source(%dma_start3A_87 : memref<512xi32, #tpu.memory_space<vmem>>) target(%dma_start3A_84 : memref<512xi32, #tpu.memory_space<hbm>>) target_semaphore(%run_scoped3A_80 : memref<!tpu.dma_semaphore, #tpu.memory_space<semaphore_mem>>)
      %dma_wait3A = arith.constant 0 : i32
      %dma_wait3A_88 = tpu.memref_slice %arg4[%run_scoped3A_40, %dma_wait3A] : memref<8x512xi32, #tpu.memory_space<vmem>> -> memref<1x512xi32, #tpu.memory_space<vmem>>
      %dma_wait3A_89 = tpu.memref_squeeze %dma_wait3A_88 : memref<1x512xi32, #tpu.memory_space<vmem>> -> memref<512xi32, #tpu.memory_space<vmem>>
      %dma_wait3A_90 = tpu.memref_slice %arg3[%add3A_39] : memref<425984xi32, #tpu.memory_space<hbm>> -> memref<512xi32, #tpu.memory_space<hbm>>
      %dma_wait3A_91 = tpu.memref_slice %arg3[%add3A_39] : memref<425984xi32, #tpu.memory_space<hbm>> -> memref<512xi32, #tpu.memory_space<hbm>>
      %dma_wait3A_92 = arith.constant 0 : i32
      %dma_wait3A_93 = tpu.memref_slice %arg4[%run_scoped3A_40, %dma_wait3A_92] : memref<8x512xi32, #tpu.memory_space<vmem>> -> memref<1x512xi32, #tpu.memory_space<vmem>>
      %dma_wait3A_94 = tpu.memref_squeeze %dma_wait3A_93 : memref<1x512xi32, #tpu.memory_space<vmem>> -> memref<512xi32, #tpu.memory_space<vmem>>
      tpu.wait_dma2 semaphore(%run_scoped3A_80 : memref<!tpu.dma_semaphore, #tpu.memory_space<semaphore_mem>>) src(%dma_wait3A_94 : memref<512xi32, #tpu.memory_space<vmem>>) dst(%dma_wait3A_91 : memref<512xi32, #tpu.memory_space<hbm>>)
      tpu.yield
    }) : () -> ()
    %add3A_41 = arith.constant 212992 : i32
    %add3A_42 = arith.addi %add3A_41, %mul3A_2 : i32
    %run_scoped3A_43 = arith.constant 5 : i32
    "tpu.region"() ({
      %run_scoped3A_80 = tpu.sem_alloc : memref<!tpu.dma_semaphore, #tpu.memory_space<semaphore_mem>>
      %dma_start3A = arith.constant 0 : i32
      %dma_start3A_81 = tpu.memref_slice %arg4[%run_scoped3A_43, %dma_start3A] : memref<8x512xi32, #tpu.memory_space<vmem>> -> memref<1x512xi32, #tpu.memory_space<vmem>>
      %dma_start3A_82 = tpu.memref_squeeze %dma_start3A_81 : memref<1x512xi32, #tpu.memory_space<vmem>> -> memref<512xi32, #tpu.memory_space<vmem>>
      %dma_start3A_83 = tpu.memref_slice %arg3[%add3A_42] : memref<425984xi32, #tpu.memory_space<hbm>> -> memref<512xi32, #tpu.memory_space<hbm>>
      %dma_start3A_84 = tpu.memref_slice %arg3[%add3A_42] : memref<425984xi32, #tpu.memory_space<hbm>> -> memref<512xi32, #tpu.memory_space<hbm>>
      %dma_start3A_85 = arith.constant 0 : i32
      %dma_start3A_86 = tpu.memref_slice %arg4[%run_scoped3A_43, %dma_start3A_85] : memref<8x512xi32, #tpu.memory_space<vmem>> -> memref<1x512xi32, #tpu.memory_space<vmem>>
      %dma_start3A_87 = tpu.memref_squeeze %dma_start3A_86 : memref<1x512xi32, #tpu.memory_space<vmem>> -> memref<512xi32, #tpu.memory_space<vmem>>
      tpu.enqueue_dma source(%dma_start3A_87 : memref<512xi32, #tpu.memory_space<vmem>>) target(%dma_start3A_84 : memref<512xi32, #tpu.memory_space<hbm>>) target_semaphore(%run_scoped3A_80 : memref<!tpu.dma_semaphore, #tpu.memory_space<semaphore_mem>>)
      %dma_wait3A = arith.constant 0 : i32
      %dma_wait3A_88 = tpu.memref_slice %arg4[%run_scoped3A_43, %dma_wait3A] : memref<8x512xi32, #tpu.memory_space<vmem>> -> memref<1x512xi32, #tpu.memory_space<vmem>>
      %dma_wait3A_89 = tpu.memref_squeeze %dma_wait3A_88 : memref<1x512xi32, #tpu.memory_space<vmem>> -> memref<512xi32, #tpu.memory_space<vmem>>
      %dma_wait3A_90 = tpu.memref_slice %arg3[%add3A_42] : memref<425984xi32, #tpu.memory_space<hbm>> -> memref<512xi32, #tpu.memory_space<hbm>>
      %dma_wait3A_91 = tpu.memref_slice %arg3[%add3A_42] : memref<425984xi32, #tpu.memory_space<hbm>> -> memref<512xi32, #tpu.memory_space<hbm>>
      %dma_wait3A_92 = arith.constant 0 : i32
      %dma_wait3A_93 = tpu.memref_slice %arg4[%run_scoped3A_43, %dma_wait3A_92] : memref<8x512xi32, #tpu.memory_space<vmem>> -> memref<1x512xi32, #tpu.memory_space<vmem>>
      %dma_wait3A_94 = tpu.memref_squeeze %dma_wait3A_93 : memref<1x512xi32, #tpu.memory_space<vmem>> -> memref<512xi32, #tpu.memory_space<vmem>>
      tpu.wait_dma2 semaphore(%run_scoped3A_80 : memref<!tpu.dma_semaphore, #tpu.memory_space<semaphore_mem>>) src(%dma_wait3A_94 : memref<512xi32, #tpu.memory_space<vmem>>) dst(%dma_wait3A_91 : memref<512xi32, #tpu.memory_space<hbm>>)
      tpu.yield
    }) : () -> ()
    %add3A_44 = arith.constant 229376 : i32
    %add3A_45 = arith.addi %add3A_44, %mul3A_2 : i32
    %run_scoped3A_46 = arith.constant 6 : i32
    "tpu.region"() ({
      %run_scoped3A_80 = tpu.sem_alloc : memref<!tpu.dma_semaphore, #tpu.memory_space<semaphore_mem>>
      %dma_start3A = arith.constant 0 : i32
      %dma_start3A_81 = tpu.memref_slice %arg4[%run_scoped3A_46, %dma_start3A] : memref<8x512xi32, #tpu.memory_space<vmem>> -> memref<1x512xi32, #tpu.memory_space<vmem>>
      %dma_start3A_82 = tpu.memref_squeeze %dma_start3A_81 : memref<1x512xi32, #tpu.memory_space<vmem>> -> memref<512xi32, #tpu.memory_space<vmem>>
      %dma_start3A_83 = tpu.memref_slice %arg3[%add3A_45] : memref<425984xi32, #tpu.memory_space<hbm>> -> memref<512xi32, #tpu.memory_space<hbm>>
      %dma_start3A_84 = tpu.memref_slice %arg3[%add3A_45] : memref<425984xi32, #tpu.memory_space<hbm>> -> memref<512xi32, #tpu.memory_space<hbm>>
      %dma_start3A_85 = arith.constant 0 : i32
      %dma_start3A_86 = tpu.memref_slice %arg4[%run_scoped3A_46, %dma_start3A_85] : memref<8x512xi32, #tpu.memory_space<vmem>> -> memref<1x512xi32, #tpu.memory_space<vmem>>
      %dma_start3A_87 = tpu.memref_squeeze %dma_start3A_86 : memref<1x512xi32, #tpu.memory_space<vmem>> -> memref<512xi32, #tpu.memory_space<vmem>>
      tpu.enqueue_dma source(%dma_start3A_87 : memref<512xi32, #tpu.memory_space<vmem>>) target(%dma_start3A_84 : memref<512xi32, #tpu.memory_space<hbm>>) target_semaphore(%run_scoped3A_80 : memref<!tpu.dma_semaphore, #tpu.memory_space<semaphore_mem>>)
      %dma_wait3A = arith.constant 0 : i32
      %dma_wait3A_88 = tpu.memref_slice %arg4[%run_scoped3A_46, %dma_wait3A] : memref<8x512xi32, #tpu.memory_space<vmem>> -> memref<1x512xi32, #tpu.memory_space<vmem>>
      %dma_wait3A_89 = tpu.memref_squeeze %dma_wait3A_88 : memref<1x512xi32, #tpu.memory_space<vmem>> -> memref<512xi32, #tpu.memory_space<vmem>>
      %dma_wait3A_90 = tpu.memref_slice %arg3[%add3A_45] : memref<425984xi32, #tpu.memory_space<hbm>> -> memref<512xi32, #tpu.memory_space<hbm>>
      %dma_wait3A_91 = tpu.memref_slice %arg3[%add3A_45] : memref<425984xi32, #tpu.memory_space<hbm>> -> memref<512xi32, #tpu.memory_space<hbm>>
      %dma_wait3A_92 = arith.constant 0 : i32
      %dma_wait3A_93 = tpu.memref_slice %arg4[%run_scoped3A_46, %dma_wait3A_92] : memref<8x512xi32, #tpu.memory_space<vmem>> -> memref<1x512xi32, #tpu.memory_space<vmem>>
      %dma_wait3A_94 = tpu.memref_squeeze %dma_wait3A_93 : memref<1x512xi32, #tpu.memory_space<vmem>> -> memref<512xi32, #tpu.memory_space<vmem>>
      tpu.wait_dma2 semaphore(%run_scoped3A_80 : memref<!tpu.dma_semaphore, #tpu.memory_space<semaphore_mem>>) src(%dma_wait3A_94 : memref<512xi32, #tpu.memory_space<vmem>>) dst(%dma_wait3A_91 : memref<512xi32, #tpu.memory_space<hbm>>)
      tpu.yield
    }) : () -> ()
    %add3A_47 = arith.constant 245760 : i32
    %add3A_48 = arith.addi %add3A_47, %mul3A_2 : i32
    %run_scoped3A_49 = arith.constant 7 : i32
    "tpu.region"() ({
      %run_scoped3A_80 = tpu.sem_alloc : memref<!tpu.dma_semaphore, #tpu.memory_space<semaphore_mem>>
      %dma_start3A = arith.constant 0 : i32
      %dma_start3A_81 = tpu.memref_slice %arg4[%run_scoped3A_49, %dma_start3A] : memref<8x512xi32, #tpu.memory_space<vmem>> -> memref<1x512xi32, #tpu.memory_space<vmem>>
      %dma_start3A_82 = tpu.memref_squeeze %dma_start3A_81 : memref<1x512xi32, #tpu.memory_space<vmem>> -> memref<512xi32, #tpu.memory_space<vmem>>
      %dma_start3A_83 = tpu.memref_slice %arg3[%add3A_48] : memref<425984xi32, #tpu.memory_space<hbm>> -> memref<512xi32, #tpu.memory_space<hbm>>
      %dma_start3A_84 = tpu.memref_slice %arg3[%add3A_48] : memref<425984xi32, #tpu.memory_space<hbm>> -> memref<512xi32, #tpu.memory_space<hbm>>
      %dma_start3A_85 = arith.constant 0 : i32
      %dma_start3A_86 = tpu.memref_slice %arg4[%run_scoped3A_49, %dma_start3A_85] : memref<8x512xi32, #tpu.memory_space<vmem>> -> memref<1x512xi32, #tpu.memory_space<vmem>>
      %dma_start3A_87 = tpu.memref_squeeze %dma_start3A_86 : memref<1x512xi32, #tpu.memory_space<vmem>> -> memref<512xi32, #tpu.memory_space<vmem>>
      tpu.enqueue_dma source(%dma_start3A_87 : memref<512xi32, #tpu.memory_space<vmem>>) target(%dma_start3A_84 : memref<512xi32, #tpu.memory_space<hbm>>) target_semaphore(%run_scoped3A_80 : memref<!tpu.dma_semaphore, #tpu.memory_space<semaphore_mem>>)
      %dma_wait3A = arith.constant 0 : i32
      %dma_wait3A_88 = tpu.memref_slice %arg4[%run_scoped3A_49, %dma_wait3A] : memref<8x512xi32, #tpu.memory_space<vmem>> -> memref<1x512xi32, #tpu.memory_space<vmem>>
      %dma_wait3A_89 = tpu.memref_squeeze %dma_wait3A_88 : memref<1x512xi32, #tpu.memory_space<vmem>> -> memref<512xi32, #tpu.memory_space<vmem>>
      %dma_wait3A_90 = tpu.memref_slice %arg3[%add3A_48] : memref<425984xi32, #tpu.memory_space<hbm>> -> memref<512xi32, #tpu.memory_space<hbm>>
      %dma_wait3A_91 = tpu.memref_slice %arg3[%add3A_48] : memref<425984xi32, #tpu.memory_space<hbm>> -> memref<512xi32, #tpu.memory_space<hbm>>
      %dma_wait3A_92 = arith.constant 0 : i32
      %dma_wait3A_93 = tpu.memref_slice %arg4[%run_scoped3A_49, %dma_wait3A_92] : memref<8x512xi32, #tpu.memory_space<vmem>> -> memref<1x512xi32, #tpu.memory_space<vmem>>
      %dma_wait3A_94 = tpu.memref_squeeze %dma_wait3A_93 : memref<1x512xi32, #tpu.memory_space<vmem>> -> memref<512xi32, #tpu.memory_space<vmem>>
      tpu.wait_dma2 semaphore(%run_scoped3A_80 : memref<!tpu.dma_semaphore, #tpu.memory_space<semaphore_mem>>) src(%dma_wait3A_94 : memref<512xi32, #tpu.memory_space<vmem>>) dst(%dma_wait3A_91 : memref<512xi32, #tpu.memory_space<hbm>>)
      tpu.yield
    }) : () -> ()
    "tpu.region"() ({
      %run_scoped3A_80 = tpu.sem_alloc : memref<!tpu.dma_semaphore, #tpu.memory_space<semaphore_mem>>
      %dma_start3A = arith.constant 0 : i32
      %dma_start3A_81 = arith.constant 0 : i32
      %dma_start3A_82 = tpu.memref_slice %arg4[%dma_start3A, %dma_start3A_81] : memref<8x512xi32, #tpu.memory_space<vmem>> -> memref<8x512xi32, #tpu.memory_space<vmem>>
      %dma_start3A_83 = arith.constant 16 : i32
      %dma_start3A_84 = tpu.memref_slice %arg2[%dma_start3A_83, %mul3A_2] : memref<26x16384xi32, #tpu.memory_space<hbm>> -> memref<8x512xi32, #tpu.memory_space<hbm>>
      %dma_start3A_85 = arith.constant 0 : i32
      %dma_start3A_86 = arith.constant 0 : i32
      %dma_start3A_87 = tpu.memref_slice %arg4[%dma_start3A_85, %dma_start3A_86] : memref<8x512xi32, #tpu.memory_space<vmem>> -> memref<8x512xi32, #tpu.memory_space<vmem>>
      %dma_start3A_88 = arith.constant 16 : i32
      %dma_start3A_89 = tpu.memref_slice %arg2[%dma_start3A_88, %mul3A_2] : memref<26x16384xi32, #tpu.memory_space<hbm>> -> memref<8x512xi32, #tpu.memory_space<hbm>>
      tpu.enqueue_dma source(%dma_start3A_89 : memref<8x512xi32, #tpu.memory_space<hbm>>) target(%dma_start3A_87 : memref<8x512xi32, #tpu.memory_space<vmem>>) target_semaphore(%run_scoped3A_80 : memref<!tpu.dma_semaphore, #tpu.memory_space<semaphore_mem>>)
      %dma_wait3A = arith.constant 0 : i32
      %dma_wait3A_90 = arith.constant 0 : i32
      %dma_wait3A_91 = tpu.memref_slice %arg4[%dma_wait3A, %dma_wait3A_90] : memref<8x512xi32, #tpu.memory_space<vmem>> -> memref<8x512xi32, #tpu.memory_space<vmem>>
      %dma_wait3A_92 = arith.constant 16 : i32
      %dma_wait3A_93 = tpu.memref_slice %arg2[%dma_wait3A_92, %mul3A_2] : memref<26x16384xi32, #tpu.memory_space<hbm>> -> memref<8x512xi32, #tpu.memory_space<hbm>>
      %dma_wait3A_94 = arith.constant 0 : i32
      %dma_wait3A_95 = arith.constant 0 : i32
      %dma_wait3A_96 = tpu.memref_slice %arg4[%dma_wait3A_94, %dma_wait3A_95] : memref<8x512xi32, #tpu.memory_space<vmem>> -> memref<8x512xi32, #tpu.memory_space<vmem>>
      %dma_wait3A_97 = arith.constant 16 : i32
      %dma_wait3A_98 = tpu.memref_slice %arg2[%dma_wait3A_97, %mul3A_2] : memref<26x16384xi32, #tpu.memory_space<hbm>> -> memref<8x512xi32, #tpu.memory_space<hbm>>
      tpu.wait_dma2 semaphore(%run_scoped3A_80 : memref<!tpu.dma_semaphore, #tpu.memory_space<semaphore_mem>>) src(%dma_wait3A_98 : memref<8x512xi32, #tpu.memory_space<hbm>>) dst(%dma_wait3A_96 : memref<8x512xi32, #tpu.memory_space<vmem>>)
      tpu.yield
    }) : () -> ()
    %add3A_50 = arith.constant 262144 : i32
    %add3A_51 = arith.addi %add3A_50, %mul3A_2 : i32
    %run_scoped3A_52 = arith.constant 0 : i32
    "tpu.region"() ({
      %run_scoped3A_80 = tpu.sem_alloc : memref<!tpu.dma_semaphore, #tpu.memory_space<semaphore_mem>>
      %dma_start3A = arith.constant 0 : i32
      %dma_start3A_81 = tpu.memref_slice %arg4[%run_scoped3A_52, %dma_start3A] : memref<8x512xi32, #tpu.memory_space<vmem>> -> memref<1x512xi32, #tpu.memory_space<vmem>>
      %dma_start3A_82 = tpu.memref_squeeze %dma_start3A_81 : memref<1x512xi32, #tpu.memory_space<vmem>> -> memref<512xi32, #tpu.memory_space<vmem>>
      %dma_start3A_83 = tpu.memref_slice %arg3[%add3A_51] : memref<425984xi32, #tpu.memory_space<hbm>> -> memref<512xi32, #tpu.memory_space<hbm>>
      %dma_start3A_84 = tpu.memref_slice %arg3[%add3A_51] : memref<425984xi32, #tpu.memory_space<hbm>> -> memref<512xi32, #tpu.memory_space<hbm>>
      %dma_start3A_85 = arith.constant 0 : i32
      %dma_start3A_86 = tpu.memref_slice %arg4[%run_scoped3A_52, %dma_start3A_85] : memref<8x512xi32, #tpu.memory_space<vmem>> -> memref<1x512xi32, #tpu.memory_space<vmem>>
      %dma_start3A_87 = tpu.memref_squeeze %dma_start3A_86 : memref<1x512xi32, #tpu.memory_space<vmem>> -> memref<512xi32, #tpu.memory_space<vmem>>
      tpu.enqueue_dma source(%dma_start3A_87 : memref<512xi32, #tpu.memory_space<vmem>>) target(%dma_start3A_84 : memref<512xi32, #tpu.memory_space<hbm>>) target_semaphore(%run_scoped3A_80 : memref<!tpu.dma_semaphore, #tpu.memory_space<semaphore_mem>>)
      %dma_wait3A = arith.constant 0 : i32
      %dma_wait3A_88 = tpu.memref_slice %arg4[%run_scoped3A_52, %dma_wait3A] : memref<8x512xi32, #tpu.memory_space<vmem>> -> memref<1x512xi32, #tpu.memory_space<vmem>>
      %dma_wait3A_89 = tpu.memref_squeeze %dma_wait3A_88 : memref<1x512xi32, #tpu.memory_space<vmem>> -> memref<512xi32, #tpu.memory_space<vmem>>
      %dma_wait3A_90 = tpu.memref_slice %arg3[%add3A_51] : memref<425984xi32, #tpu.memory_space<hbm>> -> memref<512xi32, #tpu.memory_space<hbm>>
      %dma_wait3A_91 = tpu.memref_slice %arg3[%add3A_51] : memref<425984xi32, #tpu.memory_space<hbm>> -> memref<512xi32, #tpu.memory_space<hbm>>
      %dma_wait3A_92 = arith.constant 0 : i32
      %dma_wait3A_93 = tpu.memref_slice %arg4[%run_scoped3A_52, %dma_wait3A_92] : memref<8x512xi32, #tpu.memory_space<vmem>> -> memref<1x512xi32, #tpu.memory_space<vmem>>
      %dma_wait3A_94 = tpu.memref_squeeze %dma_wait3A_93 : memref<1x512xi32, #tpu.memory_space<vmem>> -> memref<512xi32, #tpu.memory_space<vmem>>
      tpu.wait_dma2 semaphore(%run_scoped3A_80 : memref<!tpu.dma_semaphore, #tpu.memory_space<semaphore_mem>>) src(%dma_wait3A_94 : memref<512xi32, #tpu.memory_space<vmem>>) dst(%dma_wait3A_91 : memref<512xi32, #tpu.memory_space<hbm>>)
      tpu.yield
    }) : () -> ()
    %add3A_53 = arith.constant 278528 : i32
    %add3A_54 = arith.addi %add3A_53, %mul3A_2 : i32
    %run_scoped3A_55 = arith.constant 1 : i32
    "tpu.region"() ({
      %run_scoped3A_80 = tpu.sem_alloc : memref<!tpu.dma_semaphore, #tpu.memory_space<semaphore_mem>>
      %dma_start3A = arith.constant 0 : i32
      %dma_start3A_81 = tpu.memref_slice %arg4[%run_scoped3A_55, %dma_start3A] : memref<8x512xi32, #tpu.memory_space<vmem>> -> memref<1x512xi32, #tpu.memory_space<vmem>>
      %dma_start3A_82 = tpu.memref_squeeze %dma_start3A_81 : memref<1x512xi32, #tpu.memory_space<vmem>> -> memref<512xi32, #tpu.memory_space<vmem>>
      %dma_start3A_83 = tpu.memref_slice %arg3[%add3A_54] : memref<425984xi32, #tpu.memory_space<hbm>> -> memref<512xi32, #tpu.memory_space<hbm>>
      %dma_start3A_84 = tpu.memref_slice %arg3[%add3A_54] : memref<425984xi32, #tpu.memory_space<hbm>> -> memref<512xi32, #tpu.memory_space<hbm>>
      %dma_start3A_85 = arith.constant 0 : i32
      %dma_start3A_86 = tpu.memref_slice %arg4[%run_scoped3A_55, %dma_start3A_85] : memref<8x512xi32, #tpu.memory_space<vmem>> -> memref<1x512xi32, #tpu.memory_space<vmem>>
      %dma_start3A_87 = tpu.memref_squeeze %dma_start3A_86 : memref<1x512xi32, #tpu.memory_space<vmem>> -> memref<512xi32, #tpu.memory_space<vmem>>
      tpu.enqueue_dma source(%dma_start3A_87 : memref<512xi32, #tpu.memory_space<vmem>>) target(%dma_start3A_84 : memref<512xi32, #tpu.memory_space<hbm>>) target_semaphore(%run_scoped3A_80 : memref<!tpu.dma_semaphore, #tpu.memory_space<semaphore_mem>>)
      %dma_wait3A = arith.constant 0 : i32
      %dma_wait3A_88 = tpu.memref_slice %arg4[%run_scoped3A_55, %dma_wait3A] : memref<8x512xi32, #tpu.memory_space<vmem>> -> memref<1x512xi32, #tpu.memory_space<vmem>>
      %dma_wait3A_89 = tpu.memref_squeeze %dma_wait3A_88 : memref<1x512xi32, #tpu.memory_space<vmem>> -> memref<512xi32, #tpu.memory_space<vmem>>
      %dma_wait3A_90 = tpu.memref_slice %arg3[%add3A_54] : memref<425984xi32, #tpu.memory_space<hbm>> -> memref<512xi32, #tpu.memory_space<hbm>>
      %dma_wait3A_91 = tpu.memref_slice %arg3[%add3A_54] : memref<425984xi32, #tpu.memory_space<hbm>> -> memref<512xi32, #tpu.memory_space<hbm>>
      %dma_wait3A_92 = arith.constant 0 : i32
      %dma_wait3A_93 = tpu.memref_slice %arg4[%run_scoped3A_55, %dma_wait3A_92] : memref<8x512xi32, #tpu.memory_space<vmem>> -> memref<1x512xi32, #tpu.memory_space<vmem>>
      %dma_wait3A_94 = tpu.memref_squeeze %dma_wait3A_93 : memref<1x512xi32, #tpu.memory_space<vmem>> -> memref<512xi32, #tpu.memory_space<vmem>>
      tpu.wait_dma2 semaphore(%run_scoped3A_80 : memref<!tpu.dma_semaphore, #tpu.memory_space<semaphore_mem>>) src(%dma_wait3A_94 : memref<512xi32, #tpu.memory_space<vmem>>) dst(%dma_wait3A_91 : memref<512xi32, #tpu.memory_space<hbm>>)
      tpu.yield
    }) : () -> ()
    %add3A_56 = arith.constant 294912 : i32
    %add3A_57 = arith.addi %add3A_56, %mul3A_2 : i32
    %run_scoped3A_58 = arith.constant 2 : i32
    "tpu.region"() ({
      %run_scoped3A_80 = tpu.sem_alloc : memref<!tpu.dma_semaphore, #tpu.memory_space<semaphore_mem>>
      %dma_start3A = arith.constant 0 : i32
      %dma_start3A_81 = tpu.memref_slice %arg4[%run_scoped3A_58, %dma_start3A] : memref<8x512xi32, #tpu.memory_space<vmem>> -> memref<1x512xi32, #tpu.memory_space<vmem>>
      %dma_start3A_82 = tpu.memref_squeeze %dma_start3A_81 : memref<1x512xi32, #tpu.memory_space<vmem>> -> memref<512xi32, #tpu.memory_space<vmem>>
      %dma_start3A_83 = tpu.memref_slice %arg3[%add3A_57] : memref<425984xi32, #tpu.memory_space<hbm>> -> memref<512xi32, #tpu.memory_space<hbm>>
      %dma_start3A_84 = tpu.memref_slice %arg3[%add3A_57] : memref<425984xi32, #tpu.memory_space<hbm>> -> memref<512xi32, #tpu.memory_space<hbm>>
      %dma_start3A_85 = arith.constant 0 : i32
      %dma_start3A_86 = tpu.memref_slice %arg4[%run_scoped3A_58, %dma_start3A_85] : memref<8x512xi32, #tpu.memory_space<vmem>> -> memref<1x512xi32, #tpu.memory_space<vmem>>
      %dma_start3A_87 = tpu.memref_squeeze %dma_start3A_86 : memref<1x512xi32, #tpu.memory_space<vmem>> -> memref<512xi32, #tpu.memory_space<vmem>>
      tpu.enqueue_dma source(%dma_start3A_87 : memref<512xi32, #tpu.memory_space<vmem>>) target(%dma_start3A_84 : memref<512xi32, #tpu.memory_space<hbm>>) target_semaphore(%run_scoped3A_80 : memref<!tpu.dma_semaphore, #tpu.memory_space<semaphore_mem>>)
      %dma_wait3A = arith.constant 0 : i32
      %dma_wait3A_88 = tpu.memref_slice %arg4[%run_scoped3A_58, %dma_wait3A] : memref<8x512xi32, #tpu.memory_space<vmem>> -> memref<1x512xi32, #tpu.memory_space<vmem>>
      %dma_wait3A_89 = tpu.memref_squeeze %dma_wait3A_88 : memref<1x512xi32, #tpu.memory_space<vmem>> -> memref<512xi32, #tpu.memory_space<vmem>>
      %dma_wait3A_90 = tpu.memref_slice %arg3[%add3A_57] : memref<425984xi32, #tpu.memory_space<hbm>> -> memref<512xi32, #tpu.memory_space<hbm>>
      %dma_wait3A_91 = tpu.memref_slice %arg3[%add3A_57] : memref<425984xi32, #tpu.memory_space<hbm>> -> memref<512xi32, #tpu.memory_space<hbm>>
      %dma_wait3A_92 = arith.constant 0 : i32
      %dma_wait3A_93 = tpu.memref_slice %arg4[%run_scoped3A_58, %dma_wait3A_92] : memref<8x512xi32, #tpu.memory_space<vmem>> -> memref<1x512xi32, #tpu.memory_space<vmem>>
      %dma_wait3A_94 = tpu.memref_squeeze %dma_wait3A_93 : memref<1x512xi32, #tpu.memory_space<vmem>> -> memref<512xi32, #tpu.memory_space<vmem>>
      tpu.wait_dma2 semaphore(%run_scoped3A_80 : memref<!tpu.dma_semaphore, #tpu.memory_space<semaphore_mem>>) src(%dma_wait3A_94 : memref<512xi32, #tpu.memory_space<vmem>>) dst(%dma_wait3A_91 : memref<512xi32, #tpu.memory_space<hbm>>)
      tpu.yield
    }) : () -> ()
    %add3A_59 = arith.constant 311296 : i32
    %add3A_60 = arith.addi %add3A_59, %mul3A_2 : i32
    %run_scoped3A_61 = arith.constant 3 : i32
    "tpu.region"() ({
      %run_scoped3A_80 = tpu.sem_alloc : memref<!tpu.dma_semaphore, #tpu.memory_space<semaphore_mem>>
      %dma_start3A = arith.constant 0 : i32
      %dma_start3A_81 = tpu.memref_slice %arg4[%run_scoped3A_61, %dma_start3A] : memref<8x512xi32, #tpu.memory_space<vmem>> -> memref<1x512xi32, #tpu.memory_space<vmem>>
      %dma_start3A_82 = tpu.memref_squeeze %dma_start3A_81 : memref<1x512xi32, #tpu.memory_space<vmem>> -> memref<512xi32, #tpu.memory_space<vmem>>
      %dma_start3A_83 = tpu.memref_slice %arg3[%add3A_60] : memref<425984xi32, #tpu.memory_space<hbm>> -> memref<512xi32, #tpu.memory_space<hbm>>
      %dma_start3A_84 = tpu.memref_slice %arg3[%add3A_60] : memref<425984xi32, #tpu.memory_space<hbm>> -> memref<512xi32, #tpu.memory_space<hbm>>
      %dma_start3A_85 = arith.constant 0 : i32
      %dma_start3A_86 = tpu.memref_slice %arg4[%run_scoped3A_61, %dma_start3A_85] : memref<8x512xi32, #tpu.memory_space<vmem>> -> memref<1x512xi32, #tpu.memory_space<vmem>>
      %dma_start3A_87 = tpu.memref_squeeze %dma_start3A_86 : memref<1x512xi32, #tpu.memory_space<vmem>> -> memref<512xi32, #tpu.memory_space<vmem>>
      tpu.enqueue_dma source(%dma_start3A_87 : memref<512xi32, #tpu.memory_space<vmem>>) target(%dma_start3A_84 : memref<512xi32, #tpu.memory_space<hbm>>) target_semaphore(%run_scoped3A_80 : memref<!tpu.dma_semaphore, #tpu.memory_space<semaphore_mem>>)
      %dma_wait3A = arith.constant 0 : i32
      %dma_wait3A_88 = tpu.memref_slice %arg4[%run_scoped3A_61, %dma_wait3A] : memref<8x512xi32, #tpu.memory_space<vmem>> -> memref<1x512xi32, #tpu.memory_space<vmem>>
      %dma_wait3A_89 = tpu.memref_squeeze %dma_wait3A_88 : memref<1x512xi32, #tpu.memory_space<vmem>> -> memref<512xi32, #tpu.memory_space<vmem>>
      %dma_wait3A_90 = tpu.memref_slice %arg3[%add3A_60] : memref<425984xi32, #tpu.memory_space<hbm>> -> memref<512xi32, #tpu.memory_space<hbm>>
      %dma_wait3A_91 = tpu.memref_slice %arg3[%add3A_60] : memref<425984xi32, #tpu.memory_space<hbm>> -> memref<512xi32, #tpu.memory_space<hbm>>
      %dma_wait3A_92 = arith.constant 0 : i32
      %dma_wait3A_93 = tpu.memref_slice %arg4[%run_scoped3A_61, %dma_wait3A_92] : memref<8x512xi32, #tpu.memory_space<vmem>> -> memref<1x512xi32, #tpu.memory_space<vmem>>
      %dma_wait3A_94 = tpu.memref_squeeze %dma_wait3A_93 : memref<1x512xi32, #tpu.memory_space<vmem>> -> memref<512xi32, #tpu.memory_space<vmem>>
      tpu.wait_dma2 semaphore(%run_scoped3A_80 : memref<!tpu.dma_semaphore, #tpu.memory_space<semaphore_mem>>) src(%dma_wait3A_94 : memref<512xi32, #tpu.memory_space<vmem>>) dst(%dma_wait3A_91 : memref<512xi32, #tpu.memory_space<hbm>>)
      tpu.yield
    }) : () -> ()
    %add3A_62 = arith.constant 327680 : i32
    %add3A_63 = arith.addi %add3A_62, %mul3A_2 : i32
    %run_scoped3A_64 = arith.constant 4 : i32
    "tpu.region"() ({
      %run_scoped3A_80 = tpu.sem_alloc : memref<!tpu.dma_semaphore, #tpu.memory_space<semaphore_mem>>
      %dma_start3A = arith.constant 0 : i32
      %dma_start3A_81 = tpu.memref_slice %arg4[%run_scoped3A_64, %dma_start3A] : memref<8x512xi32, #tpu.memory_space<vmem>> -> memref<1x512xi32, #tpu.memory_space<vmem>>
      %dma_start3A_82 = tpu.memref_squeeze %dma_start3A_81 : memref<1x512xi32, #tpu.memory_space<vmem>> -> memref<512xi32, #tpu.memory_space<vmem>>
      %dma_start3A_83 = tpu.memref_slice %arg3[%add3A_63] : memref<425984xi32, #tpu.memory_space<hbm>> -> memref<512xi32, #tpu.memory_space<hbm>>
      %dma_start3A_84 = tpu.memref_slice %arg3[%add3A_63] : memref<425984xi32, #tpu.memory_space<hbm>> -> memref<512xi32, #tpu.memory_space<hbm>>
      %dma_start3A_85 = arith.constant 0 : i32
      %dma_start3A_86 = tpu.memref_slice %arg4[%run_scoped3A_64, %dma_start3A_85] : memref<8x512xi32, #tpu.memory_space<vmem>> -> memref<1x512xi32, #tpu.memory_space<vmem>>
      %dma_start3A_87 = tpu.memref_squeeze %dma_start3A_86 : memref<1x512xi32, #tpu.memory_space<vmem>> -> memref<512xi32, #tpu.memory_space<vmem>>
      tpu.enqueue_dma source(%dma_start3A_87 : memref<512xi32, #tpu.memory_space<vmem>>) target(%dma_start3A_84 : memref<512xi32, #tpu.memory_space<hbm>>) target_semaphore(%run_scoped3A_80 : memref<!tpu.dma_semaphore, #tpu.memory_space<semaphore_mem>>)
      %dma_wait3A = arith.constant 0 : i32
      %dma_wait3A_88 = tpu.memref_slice %arg4[%run_scoped3A_64, %dma_wait3A] : memref<8x512xi32, #tpu.memory_space<vmem>> -> memref<1x512xi32, #tpu.memory_space<vmem>>
      %dma_wait3A_89 = tpu.memref_squeeze %dma_wait3A_88 : memref<1x512xi32, #tpu.memory_space<vmem>> -> memref<512xi32, #tpu.memory_space<vmem>>
      %dma_wait3A_90 = tpu.memref_slice %arg3[%add3A_63] : memref<425984xi32, #tpu.memory_space<hbm>> -> memref<512xi32, #tpu.memory_space<hbm>>
      %dma_wait3A_91 = tpu.memref_slice %arg3[%add3A_63] : memref<425984xi32, #tpu.memory_space<hbm>> -> memref<512xi32, #tpu.memory_space<hbm>>
      %dma_wait3A_92 = arith.constant 0 : i32
      %dma_wait3A_93 = tpu.memref_slice %arg4[%run_scoped3A_64, %dma_wait3A_92] : memref<8x512xi32, #tpu.memory_space<vmem>> -> memref<1x512xi32, #tpu.memory_space<vmem>>
      %dma_wait3A_94 = tpu.memref_squeeze %dma_wait3A_93 : memref<1x512xi32, #tpu.memory_space<vmem>> -> memref<512xi32, #tpu.memory_space<vmem>>
      tpu.wait_dma2 semaphore(%run_scoped3A_80 : memref<!tpu.dma_semaphore, #tpu.memory_space<semaphore_mem>>) src(%dma_wait3A_94 : memref<512xi32, #tpu.memory_space<vmem>>) dst(%dma_wait3A_91 : memref<512xi32, #tpu.memory_space<hbm>>)
      tpu.yield
    }) : () -> ()
    %add3A_65 = arith.constant 344064 : i32
    %add3A_66 = arith.addi %add3A_65, %mul3A_2 : i32
    %run_scoped3A_67 = arith.constant 5 : i32
    "tpu.region"() ({
      %run_scoped3A_80 = tpu.sem_alloc : memref<!tpu.dma_semaphore, #tpu.memory_space<semaphore_mem>>
      %dma_start3A = arith.constant 0 : i32
      %dma_start3A_81 = tpu.memref_slice %arg4[%run_scoped3A_67, %dma_start3A] : memref<8x512xi32, #tpu.memory_space<vmem>> -> memref<1x512xi32, #tpu.memory_space<vmem>>
      %dma_start3A_82 = tpu.memref_squeeze %dma_start3A_81 : memref<1x512xi32, #tpu.memory_space<vmem>> -> memref<512xi32, #tpu.memory_space<vmem>>
      %dma_start3A_83 = tpu.memref_slice %arg3[%add3A_66] : memref<425984xi32, #tpu.memory_space<hbm>> -> memref<512xi32, #tpu.memory_space<hbm>>
      %dma_start3A_84 = tpu.memref_slice %arg3[%add3A_66] : memref<425984xi32, #tpu.memory_space<hbm>> -> memref<512xi32, #tpu.memory_space<hbm>>
      %dma_start3A_85 = arith.constant 0 : i32
      %dma_start3A_86 = tpu.memref_slice %arg4[%run_scoped3A_67, %dma_start3A_85] : memref<8x512xi32, #tpu.memory_space<vmem>> -> memref<1x512xi32, #tpu.memory_space<vmem>>
      %dma_start3A_87 = tpu.memref_squeeze %dma_start3A_86 : memref<1x512xi32, #tpu.memory_space<vmem>> -> memref<512xi32, #tpu.memory_space<vmem>>
      tpu.enqueue_dma source(%dma_start3A_87 : memref<512xi32, #tpu.memory_space<vmem>>) target(%dma_start3A_84 : memref<512xi32, #tpu.memory_space<hbm>>) target_semaphore(%run_scoped3A_80 : memref<!tpu.dma_semaphore, #tpu.memory_space<semaphore_mem>>)
      %dma_wait3A = arith.constant 0 : i32
      %dma_wait3A_88 = tpu.memref_slice %arg4[%run_scoped3A_67, %dma_wait3A] : memref<8x512xi32, #tpu.memory_space<vmem>> -> memref<1x512xi32, #tpu.memory_space<vmem>>
      %dma_wait3A_89 = tpu.memref_squeeze %dma_wait3A_88 : memref<1x512xi32, #tpu.memory_space<vmem>> -> memref<512xi32, #tpu.memory_space<vmem>>
      %dma_wait3A_90 = tpu.memref_slice %arg3[%add3A_66] : memref<425984xi32, #tpu.memory_space<hbm>> -> memref<512xi32, #tpu.memory_space<hbm>>
      %dma_wait3A_91 = tpu.memref_slice %arg3[%add3A_66] : memref<425984xi32, #tpu.memory_space<hbm>> -> memref<512xi32, #tpu.memory_space<hbm>>
      %dma_wait3A_92 = arith.constant 0 : i32
      %dma_wait3A_93 = tpu.memref_slice %arg4[%run_scoped3A_67, %dma_wait3A_92] : memref<8x512xi32, #tpu.memory_space<vmem>> -> memref<1x512xi32, #tpu.memory_space<vmem>>
      %dma_wait3A_94 = tpu.memref_squeeze %dma_wait3A_93 : memref<1x512xi32, #tpu.memory_space<vmem>> -> memref<512xi32, #tpu.memory_space<vmem>>
      tpu.wait_dma2 semaphore(%run_scoped3A_80 : memref<!tpu.dma_semaphore, #tpu.memory_space<semaphore_mem>>) src(%dma_wait3A_94 : memref<512xi32, #tpu.memory_space<vmem>>) dst(%dma_wait3A_91 : memref<512xi32, #tpu.memory_space<hbm>>)
      tpu.yield
    }) : () -> ()
    %add3A_68 = arith.constant 360448 : i32
    %add3A_69 = arith.addi %add3A_68, %mul3A_2 : i32
    %run_scoped3A_70 = arith.constant 6 : i32
    "tpu.region"() ({
      %run_scoped3A_80 = tpu.sem_alloc : memref<!tpu.dma_semaphore, #tpu.memory_space<semaphore_mem>>
      %dma_start3A = arith.constant 0 : i32
      %dma_start3A_81 = tpu.memref_slice %arg4[%run_scoped3A_70, %dma_start3A] : memref<8x512xi32, #tpu.memory_space<vmem>> -> memref<1x512xi32, #tpu.memory_space<vmem>>
      %dma_start3A_82 = tpu.memref_squeeze %dma_start3A_81 : memref<1x512xi32, #tpu.memory_space<vmem>> -> memref<512xi32, #tpu.memory_space<vmem>>
      %dma_start3A_83 = tpu.memref_slice %arg3[%add3A_69] : memref<425984xi32, #tpu.memory_space<hbm>> -> memref<512xi32, #tpu.memory_space<hbm>>
      %dma_start3A_84 = tpu.memref_slice %arg3[%add3A_69] : memref<425984xi32, #tpu.memory_space<hbm>> -> memref<512xi32, #tpu.memory_space<hbm>>
      %dma_start3A_85 = arith.constant 0 : i32
      %dma_start3A_86 = tpu.memref_slice %arg4[%run_scoped3A_70, %dma_start3A_85] : memref<8x512xi32, #tpu.memory_space<vmem>> -> memref<1x512xi32, #tpu.memory_space<vmem>>
      %dma_start3A_87 = tpu.memref_squeeze %dma_start3A_86 : memref<1x512xi32, #tpu.memory_space<vmem>> -> memref<512xi32, #tpu.memory_space<vmem>>
      tpu.enqueue_dma source(%dma_start3A_87 : memref<512xi32, #tpu.memory_space<vmem>>) target(%dma_start3A_84 : memref<512xi32, #tpu.memory_space<hbm>>) target_semaphore(%run_scoped3A_80 : memref<!tpu.dma_semaphore, #tpu.memory_space<semaphore_mem>>)
      %dma_wait3A = arith.constant 0 : i32
      %dma_wait3A_88 = tpu.memref_slice %arg4[%run_scoped3A_70, %dma_wait3A] : memref<8x512xi32, #tpu.memory_space<vmem>> -> memref<1x512xi32, #tpu.memory_space<vmem>>
      %dma_wait3A_89 = tpu.memref_squeeze %dma_wait3A_88 : memref<1x512xi32, #tpu.memory_space<vmem>> -> memref<512xi32, #tpu.memory_space<vmem>>
      %dma_wait3A_90 = tpu.memref_slice %arg3[%add3A_69] : memref<425984xi32, #tpu.memory_space<hbm>> -> memref<512xi32, #tpu.memory_space<hbm>>
      %dma_wait3A_91 = tpu.memref_slice %arg3[%add3A_69] : memref<425984xi32, #tpu.memory_space<hbm>> -> memref<512xi32, #tpu.memory_space<hbm>>
      %dma_wait3A_92 = arith.constant 0 : i32
      %dma_wait3A_93 = tpu.memref_slice %arg4[%run_scoped3A_70, %dma_wait3A_92] : memref<8x512xi32, #tpu.memory_space<vmem>> -> memref<1x512xi32, #tpu.memory_space<vmem>>
      %dma_wait3A_94 = tpu.memref_squeeze %dma_wait3A_93 : memref<1x512xi32, #tpu.memory_space<vmem>> -> memref<512xi32, #tpu.memory_space<vmem>>
      tpu.wait_dma2 semaphore(%run_scoped3A_80 : memref<!tpu.dma_semaphore, #tpu.memory_space<semaphore_mem>>) src(%dma_wait3A_94 : memref<512xi32, #tpu.memory_space<vmem>>) dst(%dma_wait3A_91 : memref<512xi32, #tpu.memory_space<hbm>>)
      tpu.yield
    }) : () -> ()
    %add3A_71 = arith.constant 376832 : i32
    %add3A_72 = arith.addi %add3A_71, %mul3A_2 : i32
    %run_scoped3A_73 = arith.constant 7 : i32
    "tpu.region"() ({
      %run_scoped3A_80 = tpu.sem_alloc : memref<!tpu.dma_semaphore, #tpu.memory_space<semaphore_mem>>
      %dma_start3A = arith.constant 0 : i32
      %dma_start3A_81 = tpu.memref_slice %arg4[%run_scoped3A_73, %dma_start3A] : memref<8x512xi32, #tpu.memory_space<vmem>> -> memref<1x512xi32, #tpu.memory_space<vmem>>
      %dma_start3A_82 = tpu.memref_squeeze %dma_start3A_81 : memref<1x512xi32, #tpu.memory_space<vmem>> -> memref<512xi32, #tpu.memory_space<vmem>>
      %dma_start3A_83 = tpu.memref_slice %arg3[%add3A_72] : memref<425984xi32, #tpu.memory_space<hbm>> -> memref<512xi32, #tpu.memory_space<hbm>>
      %dma_start3A_84 = tpu.memref_slice %arg3[%add3A_72] : memref<425984xi32, #tpu.memory_space<hbm>> -> memref<512xi32, #tpu.memory_space<hbm>>
      %dma_start3A_85 = arith.constant 0 : i32
      %dma_start3A_86 = tpu.memref_slice %arg4[%run_scoped3A_73, %dma_start3A_85] : memref<8x512xi32, #tpu.memory_space<vmem>> -> memref<1x512xi32, #tpu.memory_space<vmem>>
      %dma_start3A_87 = tpu.memref_squeeze %dma_start3A_86 : memref<1x512xi32, #tpu.memory_space<vmem>> -> memref<512xi32, #tpu.memory_space<vmem>>
      tpu.enqueue_dma source(%dma_start3A_87 : memref<512xi32, #tpu.memory_space<vmem>>) target(%dma_start3A_84 : memref<512xi32, #tpu.memory_space<hbm>>) target_semaphore(%run_scoped3A_80 : memref<!tpu.dma_semaphore, #tpu.memory_space<semaphore_mem>>)
      %dma_wait3A = arith.constant 0 : i32
      %dma_wait3A_88 = tpu.memref_slice %arg4[%run_scoped3A_73, %dma_wait3A] : memref<8x512xi32, #tpu.memory_space<vmem>> -> memref<1x512xi32, #tpu.memory_space<vmem>>
      %dma_wait3A_89 = tpu.memref_squeeze %dma_wait3A_88 : memref<1x512xi32, #tpu.memory_space<vmem>> -> memref<512xi32, #tpu.memory_space<vmem>>
      %dma_wait3A_90 = tpu.memref_slice %arg3[%add3A_72] : memref<425984xi32, #tpu.memory_space<hbm>> -> memref<512xi32, #tpu.memory_space<hbm>>
      %dma_wait3A_91 = tpu.memref_slice %arg3[%add3A_72] : memref<425984xi32, #tpu.memory_space<hbm>> -> memref<512xi32, #tpu.memory_space<hbm>>
      %dma_wait3A_92 = arith.constant 0 : i32
      %dma_wait3A_93 = tpu.memref_slice %arg4[%run_scoped3A_73, %dma_wait3A_92] : memref<8x512xi32, #tpu.memory_space<vmem>> -> memref<1x512xi32, #tpu.memory_space<vmem>>
      %dma_wait3A_94 = tpu.memref_squeeze %dma_wait3A_93 : memref<1x512xi32, #tpu.memory_space<vmem>> -> memref<512xi32, #tpu.memory_space<vmem>>
      tpu.wait_dma2 semaphore(%run_scoped3A_80 : memref<!tpu.dma_semaphore, #tpu.memory_space<semaphore_mem>>) src(%dma_wait3A_94 : memref<512xi32, #tpu.memory_space<vmem>>) dst(%dma_wait3A_91 : memref<512xi32, #tpu.memory_space<hbm>>)
      tpu.yield
    }) : () -> ()
    "tpu.region"() ({
      %run_scoped3A_80 = tpu.sem_alloc : memref<!tpu.dma_semaphore, #tpu.memory_space<semaphore_mem>>
      %dma_start3A = arith.constant 0 : i32
      %dma_start3A_81 = arith.constant 0 : i32
      %dma_start3A_82 = tpu.memref_slice %arg4[%dma_start3A, %dma_start3A_81] : memref<8x512xi32, #tpu.memory_space<vmem>> -> memref<2x512xi32, #tpu.memory_space<vmem>>
      %dma_start3A_83 = arith.constant 24 : i32
      %dma_start3A_84 = tpu.memref_slice %arg2[%dma_start3A_83, %mul3A_2] : memref<26x16384xi32, #tpu.memory_space<hbm>> -> memref<2x512xi32, #tpu.memory_space<hbm>>
      %dma_start3A_85 = arith.constant 0 : i32
      %dma_start3A_86 = arith.constant 0 : i32
      %dma_start3A_87 = tpu.memref_slice %arg4[%dma_start3A_85, %dma_start3A_86] : memref<8x512xi32, #tpu.memory_space<vmem>> -> memref<2x512xi32, #tpu.memory_space<vmem>>
      %dma_start3A_88 = arith.constant 24 : i32
      %dma_start3A_89 = tpu.memref_slice %arg2[%dma_start3A_88, %mul3A_2] : memref<26x16384xi32, #tpu.memory_space<hbm>> -> memref<2x512xi32, #tpu.memory_space<hbm>>
      tpu.enqueue_dma source(%dma_start3A_89 : memref<2x512xi32, #tpu.memory_space<hbm>>) target(%dma_start3A_87 : memref<2x512xi32, #tpu.memory_space<vmem>>) target_semaphore(%run_scoped3A_80 : memref<!tpu.dma_semaphore, #tpu.memory_space<semaphore_mem>>)
      %dma_wait3A = arith.constant 0 : i32
      %dma_wait3A_90 = arith.constant 0 : i32
      %dma_wait3A_91 = tpu.memref_slice %arg4[%dma_wait3A, %dma_wait3A_90] : memref<8x512xi32, #tpu.memory_space<vmem>> -> memref<2x512xi32, #tpu.memory_space<vmem>>
      %dma_wait3A_92 = arith.constant 24 : i32
      %dma_wait3A_93 = tpu.memref_slice %arg2[%dma_wait3A_92, %mul3A_2] : memref<26x16384xi32, #tpu.memory_space<hbm>> -> memref<2x512xi32, #tpu.memory_space<hbm>>
      %dma_wait3A_94 = arith.constant 0 : i32
      %dma_wait3A_95 = arith.constant 0 : i32
      %dma_wait3A_96 = tpu.memref_slice %arg4[%dma_wait3A_94, %dma_wait3A_95] : memref<8x512xi32, #tpu.memory_space<vmem>> -> memref<2x512xi32, #tpu.memory_space<vmem>>
      %dma_wait3A_97 = arith.constant 24 : i32
      %dma_wait3A_98 = tpu.memref_slice %arg2[%dma_wait3A_97, %mul3A_2] : memref<26x16384xi32, #tpu.memory_space<hbm>> -> memref<2x512xi32, #tpu.memory_space<hbm>>
      tpu.wait_dma2 semaphore(%run_scoped3A_80 : memref<!tpu.dma_semaphore, #tpu.memory_space<semaphore_mem>>) src(%dma_wait3A_98 : memref<2x512xi32, #tpu.memory_space<hbm>>) dst(%dma_wait3A_96 : memref<2x512xi32, #tpu.memory_space<vmem>>)
      tpu.yield
    }) : () -> ()
    %add3A_74 = arith.constant 393216 : i32
    %add3A_75 = arith.addi %add3A_74, %mul3A_2 : i32
    %run_scoped3A_76 = arith.constant 0 : i32
    "tpu.region"() ({
      %run_scoped3A_80 = tpu.sem_alloc : memref<!tpu.dma_semaphore, #tpu.memory_space<semaphore_mem>>
      %dma_start3A = arith.constant 0 : i32
      %dma_start3A_81 = tpu.memref_slice %arg4[%run_scoped3A_76, %dma_start3A] : memref<8x512xi32, #tpu.memory_space<vmem>> -> memref<1x512xi32, #tpu.memory_space<vmem>>
      %dma_start3A_82 = tpu.memref_squeeze %dma_start3A_81 : memref<1x512xi32, #tpu.memory_space<vmem>> -> memref<512xi32, #tpu.memory_space<vmem>>
      %dma_start3A_83 = tpu.memref_slice %arg3[%add3A_75] : memref<425984xi32, #tpu.memory_space<hbm>> -> memref<512xi32, #tpu.memory_space<hbm>>
      %dma_start3A_84 = tpu.memref_slice %arg3[%add3A_75] : memref<425984xi32, #tpu.memory_space<hbm>> -> memref<512xi32, #tpu.memory_space<hbm>>
      %dma_start3A_85 = arith.constant 0 : i32
      %dma_start3A_86 = tpu.memref_slice %arg4[%run_scoped3A_76, %dma_start3A_85] : memref<8x512xi32, #tpu.memory_space<vmem>> -> memref<1x512xi32, #tpu.memory_space<vmem>>
      %dma_start3A_87 = tpu.memref_squeeze %dma_start3A_86 : memref<1x512xi32, #tpu.memory_space<vmem>> -> memref<512xi32, #tpu.memory_space<vmem>>
      tpu.enqueue_dma source(%dma_start3A_87 : memref<512xi32, #tpu.memory_space<vmem>>) target(%dma_start3A_84 : memref<512xi32, #tpu.memory_space<hbm>>) target_semaphore(%run_scoped3A_80 : memref<!tpu.dma_semaphore, #tpu.memory_space<semaphore_mem>>)
      %dma_wait3A = arith.constant 0 : i32
      %dma_wait3A_88 = tpu.memref_slice %arg4[%run_scoped3A_76, %dma_wait3A] : memref<8x512xi32, #tpu.memory_space<vmem>> -> memref<1x512xi32, #tpu.memory_space<vmem>>
      %dma_wait3A_89 = tpu.memref_squeeze %dma_wait3A_88 : memref<1x512xi32, #tpu.memory_space<vmem>> -> memref<512xi32, #tpu.memory_space<vmem>>
      %dma_wait3A_90 = tpu.memref_slice %arg3[%add3A_75] : memref<425984xi32, #tpu.memory_space<hbm>> -> memref<512xi32, #tpu.memory_space<hbm>>
      %dma_wait3A_91 = tpu.memref_slice %arg3[%add3A_75] : memref<425984xi32, #tpu.memory_space<hbm>> -> memref<512xi32, #tpu.memory_space<hbm>>
      %dma_wait3A_92 = arith.constant 0 : i32
      %dma_wait3A_93 = tpu.memref_slice %arg4[%run_scoped3A_76, %dma_wait3A_92] : memref<8x512xi32, #tpu.memory_space<vmem>> -> memref<1x512xi32, #tpu.memory_space<vmem>>
      %dma_wait3A_94 = tpu.memref_squeeze %dma_wait3A_93 : memref<1x512xi32, #tpu.memory_space<vmem>> -> memref<512xi32, #tpu.memory_space<vmem>>
      tpu.wait_dma2 semaphore(%run_scoped3A_80 : memref<!tpu.dma_semaphore, #tpu.memory_space<semaphore_mem>>) src(%dma_wait3A_94 : memref<512xi32, #tpu.memory_space<vmem>>) dst(%dma_wait3A_91 : memref<512xi32, #tpu.memory_space<hbm>>)
      tpu.yield
    }) : () -> ()
    %add3A_77 = arith.constant 409600 : i32
    %add3A_78 = arith.addi %add3A_77, %mul3A_2 : i32
    %run_scoped3A_79 = arith.constant 1 : i32
    "tpu.region"() ({
      %run_scoped3A_80 = tpu.sem_alloc : memref<!tpu.dma_semaphore, #tpu.memory_space<semaphore_mem>>
      %dma_start3A = arith.constant 0 : i32
      %dma_start3A_81 = tpu.memref_slice %arg4[%run_scoped3A_79, %dma_start3A] : memref<8x512xi32, #tpu.memory_space<vmem>> -> memref<1x512xi32, #tpu.memory_space<vmem>>
      %dma_start3A_82 = tpu.memref_squeeze %dma_start3A_81 : memref<1x512xi32, #tpu.memory_space<vmem>> -> memref<512xi32, #tpu.memory_space<vmem>>
      %dma_start3A_83 = tpu.memref_slice %arg3[%add3A_78] : memref<425984xi32, #tpu.memory_space<hbm>> -> memref<512xi32, #tpu.memory_space<hbm>>
      %dma_start3A_84 = tpu.memref_slice %arg3[%add3A_78] : memref<425984xi32, #tpu.memory_space<hbm>> -> memref<512xi32, #tpu.memory_space<hbm>>
      %dma_start3A_85 = arith.constant 0 : i32
      %dma_start3A_86 = tpu.memref_slice %arg4[%run_scoped3A_79, %dma_start3A_85] : memref<8x512xi32, #tpu.memory_space<vmem>> -> memref<1x512xi32, #tpu.memory_space<vmem>>
      %dma_start3A_87 = tpu.memref_squeeze %dma_start3A_86 : memref<1x512xi32, #tpu.memory_space<vmem>> -> memref<512xi32, #tpu.memory_space<vmem>>
      tpu.enqueue_dma source(%dma_start3A_87 : memref<512xi32, #tpu.memory_space<vmem>>) target(%dma_start3A_84 : memref<512xi32, #tpu.memory_space<hbm>>) target_semaphore(%run_scoped3A_80 : memref<!tpu.dma_semaphore, #tpu.memory_space<semaphore_mem>>)
      %dma_wait3A = arith.constant 0 : i32
      %dma_wait3A_88 = tpu.memref_slice %arg4[%run_scoped3A_79, %dma_wait3A] : memref<8x512xi32, #tpu.memory_space<vmem>> -> memref<1x512xi32, #tpu.memory_space<vmem>>
      %dma_wait3A_89 = tpu.memref_squeeze %dma_wait3A_88 : memref<1x512xi32, #tpu.memory_space<vmem>> -> memref<512xi32, #tpu.memory_space<vmem>>
      %dma_wait3A_90 = tpu.memref_slice %arg3[%add3A_78] : memref<425984xi32, #tpu.memory_space<hbm>> -> memref<512xi32, #tpu.memory_space<hbm>>
      %dma_wait3A_91 = tpu.memref_slice %arg3[%add3A_78] : memref<425984xi32, #tpu.memory_space<hbm>> -> memref<512xi32, #tpu.memory_space<hbm>>
      %dma_wait3A_92 = arith.constant 0 : i32
      %dma_wait3A_93 = tpu.memref_slice %arg4[%run_scoped3A_79, %dma_wait3A_92] : memref<8x512xi32, #tpu.memory_space<vmem>> -> memref<1x512xi32, #tpu.memory_space<vmem>>
      %dma_wait3A_94 = tpu.memref_squeeze %dma_wait3A_93 : memref<1x512xi32, #tpu.memory_space<vmem>> -> memref<512xi32, #tpu.memory_space<vmem>>
      tpu.wait_dma2 semaphore(%run_scoped3A_80 : memref<!tpu.dma_semaphore, #tpu.memory_space<semaphore_mem>>) src(%dma_wait3A_94 : memref<512xi32, #tpu.memory_space<vmem>>) dst(%dma_wait3A_91 : memref<512xi32, #tpu.memory_space<hbm>>)
      tpu.yield
    }) : () -> ()
    return
  }
}

#map = affine_map<(d0, d1) -> (0)>
#map1 = affine_map<(d0, d1) -> (0, 0)>
module attributes {stable_mosaic.version = 14 : i64} {
  func.func @_gather_kernel(%arg0: i32, %arg1: i32, %arg2: memref<212992xi32, #tpu.memory_space<hbm>>, %arg3: memref<1000000x64xf32, #tpu.memory_space<hbm>>, %arg4: memref<16384x832xf32, #tpu.memory_space<hbm>>, %arg5: memref<13x512xi32, #tpu.memory_space<vmem>>, %arg6: memref<4x128x64xf32, #tpu.memory_space<vmem>>, %arg7: memref<!tpu.dma_semaphore, #tpu.memory_space<semaphore_mem>>, %arg8: memref<!tpu.dma_semaphore, #tpu.memory_space<semaphore_mem>>, %arg9: memref<!tpu.dma_semaphore, #tpu.memory_space<semaphore_mem>>, %arg10: memref<!tpu.dma_semaphore, #tpu.memory_space<semaphore_mem>>) attributes {dimension_semantics = [#tpu.dimension_semantics<core_parallel>, #tpu.dimension_semantics<subcore_parallel>], iteration_bounds = array<i64: 2, 16>, scalar_prefetch = 0 : i64, scratch_operands = 6 : i64, tpu.core_type = #tpu.core_type<sc_vector_subcore>, window_params = [{transform_indices = #map}, {transform_indices = #map1}, {transform_indices = #map1}]} {
    %mul3A = arith.constant 2 : i32
    %mul3A_0 = arith.muli %arg1, %mul3A : i32
    %add3A = arith.addi %mul3A_0, %arg0 : i32
    %mul3A_1 = arith.constant 512 : i32
    %mul3A_2 = arith.muli %add3A, %mul3A_1 : i32
    %add3A_3 = arith.constant 0 : i32
    %add3A_4 = arith.addi %add3A_3, %mul3A_2 : i32
    %run_scoped3A = arith.constant 0 : i32
    "tpu.region"() ({
      %run_scoped3A_80 = tpu.sem_alloc : memref<!tpu.dma_semaphore, #tpu.memory_space<semaphore_mem>>
      %dma_start3A_81 = arith.constant 0 : i32
      %dma_start3A_82 = tpu.memref_slice %arg5[%run_scoped3A, %dma_start3A_81] : memref<13x512xi32, #tpu.memory_space<vmem>> -> memref<1x512xi32, #tpu.memory_space<vmem>>
      %dma_start3A_83 = tpu.memref_squeeze %dma_start3A_82 : memref<1x512xi32, #tpu.memory_space<vmem>> -> memref<512xi32, #tpu.memory_space<vmem>>
      %dma_start3A_84 = tpu.memref_slice %arg2[%add3A_4] : memref<212992xi32, #tpu.memory_space<hbm>> -> memref<512xi32, #tpu.memory_space<hbm>>
      %dma_start3A_85 = arith.constant 0 : i32
      %dma_start3A_86 = tpu.memref_slice %arg5[%run_scoped3A, %dma_start3A_85] : memref<13x512xi32, #tpu.memory_space<vmem>> -> memref<1x512xi32, #tpu.memory_space<vmem>>
      %dma_start3A_87 = tpu.memref_squeeze %dma_start3A_86 : memref<1x512xi32, #tpu.memory_space<vmem>> -> memref<512xi32, #tpu.memory_space<vmem>>
      %dma_start3A_88 = tpu.memref_slice %arg2[%add3A_4] : memref<212992xi32, #tpu.memory_space<hbm>> -> memref<512xi32, #tpu.memory_space<hbm>>
      tpu.enqueue_dma source(%dma_start3A_88 : memref<512xi32, #tpu.memory_space<hbm>>) target(%dma_start3A_87 : memref<512xi32, #tpu.memory_space<vmem>>) target_semaphore(%run_scoped3A_80 : memref<!tpu.dma_semaphore, #tpu.memory_space<semaphore_mem>>)
      %dma_wait3A = arith.constant 0 : i32
      %dma_wait3A_89 = tpu.memref_slice %arg5[%run_scoped3A, %dma_wait3A] : memref<13x512xi32, #tpu.memory_space<vmem>> -> memref<1x512xi32, #tpu.memory_space<vmem>>
      %dma_wait3A_90 = tpu.memref_squeeze %dma_wait3A_89 : memref<1x512xi32, #tpu.memory_space<vmem>> -> memref<512xi32, #tpu.memory_space<vmem>>
      %dma_wait3A_91 = tpu.memref_slice %arg2[%add3A_4] : memref<212992xi32, #tpu.memory_space<hbm>> -> memref<512xi32, #tpu.memory_space<hbm>>
      %dma_wait3A_92 = arith.constant 0 : i32
      %dma_wait3A_93 = tpu.memref_slice %arg5[%run_scoped3A, %dma_wait3A_92] : memref<13x512xi32, #tpu.memory_space<vmem>> -> memref<1x512xi32, #tpu.memory_space<vmem>>
      %dma_wait3A_94 = tpu.memref_squeeze %dma_wait3A_93 : memref<1x512xi32, #tpu.memory_space<vmem>> -> memref<512xi32, #tpu.memory_space<vmem>>
      %dma_wait3A_95 = tpu.memref_slice %arg2[%add3A_4] : memref<212992xi32, #tpu.memory_space<hbm>> -> memref<512xi32, #tpu.memory_space<hbm>>
      tpu.wait_dma2 semaphore(%run_scoped3A_80 : memref<!tpu.dma_semaphore, #tpu.memory_space<semaphore_mem>>) src(%dma_wait3A_95 : memref<512xi32, #tpu.memory_space<hbm>>) dst(%dma_wait3A_94 : memref<512xi32, #tpu.memory_space<vmem>>)
      tpu.yield
    }) : () -> ()
    %add3A_5 = arith.constant 16384 : i32
    %add3A_6 = arith.addi %add3A_5, %mul3A_2 : i32
    %run_scoped3A_7 = arith.constant 1 : i32
    "tpu.region"() ({
      %run_scoped3A_80 = tpu.sem_alloc : memref<!tpu.dma_semaphore, #tpu.memory_space<semaphore_mem>>
      %dma_start3A_81 = arith.constant 0 : i32
      %dma_start3A_82 = tpu.memref_slice %arg5[%run_scoped3A_7, %dma_start3A_81] : memref<13x512xi32, #tpu.memory_space<vmem>> -> memref<1x512xi32, #tpu.memory_space<vmem>>
      %dma_start3A_83 = tpu.memref_squeeze %dma_start3A_82 : memref<1x512xi32, #tpu.memory_space<vmem>> -> memref<512xi32, #tpu.memory_space<vmem>>
      %dma_start3A_84 = tpu.memref_slice %arg2[%add3A_6] : memref<212992xi32, #tpu.memory_space<hbm>> -> memref<512xi32, #tpu.memory_space<hbm>>
      %dma_start3A_85 = arith.constant 0 : i32
      %dma_start3A_86 = tpu.memref_slice %arg5[%run_scoped3A_7, %dma_start3A_85] : memref<13x512xi32, #tpu.memory_space<vmem>> -> memref<1x512xi32, #tpu.memory_space<vmem>>
      %dma_start3A_87 = tpu.memref_squeeze %dma_start3A_86 : memref<1x512xi32, #tpu.memory_space<vmem>> -> memref<512xi32, #tpu.memory_space<vmem>>
      %dma_start3A_88 = tpu.memref_slice %arg2[%add3A_6] : memref<212992xi32, #tpu.memory_space<hbm>> -> memref<512xi32, #tpu.memory_space<hbm>>
      tpu.enqueue_dma source(%dma_start3A_88 : memref<512xi32, #tpu.memory_space<hbm>>) target(%dma_start3A_87 : memref<512xi32, #tpu.memory_space<vmem>>) target_semaphore(%run_scoped3A_80 : memref<!tpu.dma_semaphore, #tpu.memory_space<semaphore_mem>>)
      %dma_wait3A = arith.constant 0 : i32
      %dma_wait3A_89 = tpu.memref_slice %arg5[%run_scoped3A_7, %dma_wait3A] : memref<13x512xi32, #tpu.memory_space<vmem>> -> memref<1x512xi32, #tpu.memory_space<vmem>>
      %dma_wait3A_90 = tpu.memref_squeeze %dma_wait3A_89 : memref<1x512xi32, #tpu.memory_space<vmem>> -> memref<512xi32, #tpu.memory_space<vmem>>
      %dma_wait3A_91 = tpu.memref_slice %arg2[%add3A_6] : memref<212992xi32, #tpu.memory_space<hbm>> -> memref<512xi32, #tpu.memory_space<hbm>>
      %dma_wait3A_92 = arith.constant 0 : i32
      %dma_wait3A_93 = tpu.memref_slice %arg5[%run_scoped3A_7, %dma_wait3A_92] : memref<13x512xi32, #tpu.memory_space<vmem>> -> memref<1x512xi32, #tpu.memory_space<vmem>>
      %dma_wait3A_94 = tpu.memref_squeeze %dma_wait3A_93 : memref<1x512xi32, #tpu.memory_space<vmem>> -> memref<512xi32, #tpu.memory_space<vmem>>
      %dma_wait3A_95 = tpu.memref_slice %arg2[%add3A_6] : memref<212992xi32, #tpu.memory_space<hbm>> -> memref<512xi32, #tpu.memory_space<hbm>>
      tpu.wait_dma2 semaphore(%run_scoped3A_80 : memref<!tpu.dma_semaphore, #tpu.memory_space<semaphore_mem>>) src(%dma_wait3A_95 : memref<512xi32, #tpu.memory_space<hbm>>) dst(%dma_wait3A_94 : memref<512xi32, #tpu.memory_space<vmem>>)
      tpu.yield
    }) : () -> ()
    %add3A_8 = arith.constant 32768 : i32
    %add3A_9 = arith.addi %add3A_8, %mul3A_2 : i32
    %run_scoped3A_10 = arith.constant 2 : i32
    "tpu.region"() ({
      %run_scoped3A_80 = tpu.sem_alloc : memref<!tpu.dma_semaphore, #tpu.memory_space<semaphore_mem>>
      %dma_start3A_81 = arith.constant 0 : i32
      %dma_start3A_82 = tpu.memref_slice %arg5[%run_scoped3A_10, %dma_start3A_81] : memref<13x512xi32, #tpu.memory_space<vmem>> -> memref<1x512xi32, #tpu.memory_space<vmem>>
      %dma_start3A_83 = tpu.memref_squeeze %dma_start3A_82 : memref<1x512xi32, #tpu.memory_space<vmem>> -> memref<512xi32, #tpu.memory_space<vmem>>
      %dma_start3A_84 = tpu.memref_slice %arg2[%add3A_9] : memref<212992xi32, #tpu.memory_space<hbm>> -> memref<512xi32, #tpu.memory_space<hbm>>
      %dma_start3A_85 = arith.constant 0 : i32
      %dma_start3A_86 = tpu.memref_slice %arg5[%run_scoped3A_10, %dma_start3A_85] : memref<13x512xi32, #tpu.memory_space<vmem>> -> memref<1x512xi32, #tpu.memory_space<vmem>>
      %dma_start3A_87 = tpu.memref_squeeze %dma_start3A_86 : memref<1x512xi32, #tpu.memory_space<vmem>> -> memref<512xi32, #tpu.memory_space<vmem>>
      %dma_start3A_88 = tpu.memref_slice %arg2[%add3A_9] : memref<212992xi32, #tpu.memory_space<hbm>> -> memref<512xi32, #tpu.memory_space<hbm>>
      tpu.enqueue_dma source(%dma_start3A_88 : memref<512xi32, #tpu.memory_space<hbm>>) target(%dma_start3A_87 : memref<512xi32, #tpu.memory_space<vmem>>) target_semaphore(%run_scoped3A_80 : memref<!tpu.dma_semaphore, #tpu.memory_space<semaphore_mem>>)
      %dma_wait3A = arith.constant 0 : i32
      %dma_wait3A_89 = tpu.memref_slice %arg5[%run_scoped3A_10, %dma_wait3A] : memref<13x512xi32, #tpu.memory_space<vmem>> -> memref<1x512xi32, #tpu.memory_space<vmem>>
      %dma_wait3A_90 = tpu.memref_squeeze %dma_wait3A_89 : memref<1x512xi32, #tpu.memory_space<vmem>> -> memref<512xi32, #tpu.memory_space<vmem>>
      %dma_wait3A_91 = tpu.memref_slice %arg2[%add3A_9] : memref<212992xi32, #tpu.memory_space<hbm>> -> memref<512xi32, #tpu.memory_space<hbm>>
      %dma_wait3A_92 = arith.constant 0 : i32
      %dma_wait3A_93 = tpu.memref_slice %arg5[%run_scoped3A_10, %dma_wait3A_92] : memref<13x512xi32, #tpu.memory_space<vmem>> -> memref<1x512xi32, #tpu.memory_space<vmem>>
      %dma_wait3A_94 = tpu.memref_squeeze %dma_wait3A_93 : memref<1x512xi32, #tpu.memory_space<vmem>> -> memref<512xi32, #tpu.memory_space<vmem>>
      %dma_wait3A_95 = tpu.memref_slice %arg2[%add3A_9] : memref<212992xi32, #tpu.memory_space<hbm>> -> memref<512xi32, #tpu.memory_space<hbm>>
      tpu.wait_dma2 semaphore(%run_scoped3A_80 : memref<!tpu.dma_semaphore, #tpu.memory_space<semaphore_mem>>) src(%dma_wait3A_95 : memref<512xi32, #tpu.memory_space<hbm>>) dst(%dma_wait3A_94 : memref<512xi32, #tpu.memory_space<vmem>>)
      tpu.yield
    }) : () -> ()
    %add3A_11 = arith.constant 49152 : i32
    %add3A_12 = arith.addi %add3A_11, %mul3A_2 : i32
    %run_scoped3A_13 = arith.constant 3 : i32
    "tpu.region"() ({
      %run_scoped3A_80 = tpu.sem_alloc : memref<!tpu.dma_semaphore, #tpu.memory_space<semaphore_mem>>
      %dma_start3A_81 = arith.constant 0 : i32
      %dma_start3A_82 = tpu.memref_slice %arg5[%run_scoped3A_13, %dma_start3A_81] : memref<13x512xi32, #tpu.memory_space<vmem>> -> memref<1x512xi32, #tpu.memory_space<vmem>>
      %dma_start3A_83 = tpu.memref_squeeze %dma_start3A_82 : memref<1x512xi32, #tpu.memory_space<vmem>> -> memref<512xi32, #tpu.memory_space<vmem>>
      %dma_start3A_84 = tpu.memref_slice %arg2[%add3A_12] : memref<212992xi32, #tpu.memory_space<hbm>> -> memref<512xi32, #tpu.memory_space<hbm>>
      %dma_start3A_85 = arith.constant 0 : i32
      %dma_start3A_86 = tpu.memref_slice %arg5[%run_scoped3A_13, %dma_start3A_85] : memref<13x512xi32, #tpu.memory_space<vmem>> -> memref<1x512xi32, #tpu.memory_space<vmem>>
      %dma_start3A_87 = tpu.memref_squeeze %dma_start3A_86 : memref<1x512xi32, #tpu.memory_space<vmem>> -> memref<512xi32, #tpu.memory_space<vmem>>
      %dma_start3A_88 = tpu.memref_slice %arg2[%add3A_12] : memref<212992xi32, #tpu.memory_space<hbm>> -> memref<512xi32, #tpu.memory_space<hbm>>
      tpu.enqueue_dma source(%dma_start3A_88 : memref<512xi32, #tpu.memory_space<hbm>>) target(%dma_start3A_87 : memref<512xi32, #tpu.memory_space<vmem>>) target_semaphore(%run_scoped3A_80 : memref<!tpu.dma_semaphore, #tpu.memory_space<semaphore_mem>>)
      %dma_wait3A = arith.constant 0 : i32
      %dma_wait3A_89 = tpu.memref_slice %arg5[%run_scoped3A_13, %dma_wait3A] : memref<13x512xi32, #tpu.memory_space<vmem>> -> memref<1x512xi32, #tpu.memory_space<vmem>>
      %dma_wait3A_90 = tpu.memref_squeeze %dma_wait3A_89 : memref<1x512xi32, #tpu.memory_space<vmem>> -> memref<512xi32, #tpu.memory_space<vmem>>
      %dma_wait3A_91 = tpu.memref_slice %arg2[%add3A_12] : memref<212992xi32, #tpu.memory_space<hbm>> -> memref<512xi32, #tpu.memory_space<hbm>>
      %dma_wait3A_92 = arith.constant 0 : i32
      %dma_wait3A_93 = tpu.memref_slice %arg5[%run_scoped3A_13, %dma_wait3A_92] : memref<13x512xi32, #tpu.memory_space<vmem>> -> memref<1x512xi32, #tpu.memory_space<vmem>>
      %dma_wait3A_94 = tpu.memref_squeeze %dma_wait3A_93 : memref<1x512xi32, #tpu.memory_space<vmem>> -> memref<512xi32, #tpu.memory_space<vmem>>
      %dma_wait3A_95 = tpu.memref_slice %arg2[%add3A_12] : memref<212992xi32, #tpu.memory_space<hbm>> -> memref<512xi32, #tpu.memory_space<hbm>>
      tpu.wait_dma2 semaphore(%run_scoped3A_80 : memref<!tpu.dma_semaphore, #tpu.memory_space<semaphore_mem>>) src(%dma_wait3A_95 : memref<512xi32, #tpu.memory_space<hbm>>) dst(%dma_wait3A_94 : memref<512xi32, #tpu.memory_space<vmem>>)
      tpu.yield
    }) : () -> ()
    %add3A_14 = arith.constant 65536 : i32
    %add3A_15 = arith.addi %add3A_14, %mul3A_2 : i32
    %run_scoped3A_16 = arith.constant 4 : i32
    "tpu.region"() ({
      %run_scoped3A_80 = tpu.sem_alloc : memref<!tpu.dma_semaphore, #tpu.memory_space<semaphore_mem>>
      %dma_start3A_81 = arith.constant 0 : i32
      %dma_start3A_82 = tpu.memref_slice %arg5[%run_scoped3A_16, %dma_start3A_81] : memref<13x512xi32, #tpu.memory_space<vmem>> -> memref<1x512xi32, #tpu.memory_space<vmem>>
      %dma_start3A_83 = tpu.memref_squeeze %dma_start3A_82 : memref<1x512xi32, #tpu.memory_space<vmem>> -> memref<512xi32, #tpu.memory_space<vmem>>
      %dma_start3A_84 = tpu.memref_slice %arg2[%add3A_15] : memref<212992xi32, #tpu.memory_space<hbm>> -> memref<512xi32, #tpu.memory_space<hbm>>
      %dma_start3A_85 = arith.constant 0 : i32
      %dma_start3A_86 = tpu.memref_slice %arg5[%run_scoped3A_16, %dma_start3A_85] : memref<13x512xi32, #tpu.memory_space<vmem>> -> memref<1x512xi32, #tpu.memory_space<vmem>>
      %dma_start3A_87 = tpu.memref_squeeze %dma_start3A_86 : memref<1x512xi32, #tpu.memory_space<vmem>> -> memref<512xi32, #tpu.memory_space<vmem>>
      %dma_start3A_88 = tpu.memref_slice %arg2[%add3A_15] : memref<212992xi32, #tpu.memory_space<hbm>> -> memref<512xi32, #tpu.memory_space<hbm>>
      tpu.enqueue_dma source(%dma_start3A_88 : memref<512xi32, #tpu.memory_space<hbm>>) target(%dma_start3A_87 : memref<512xi32, #tpu.memory_space<vmem>>) target_semaphore(%run_scoped3A_80 : memref<!tpu.dma_semaphore, #tpu.memory_space<semaphore_mem>>)
      %dma_wait3A = arith.constant 0 : i32
      %dma_wait3A_89 = tpu.memref_slice %arg5[%run_scoped3A_16, %dma_wait3A] : memref<13x512xi32, #tpu.memory_space<vmem>> -> memref<1x512xi32, #tpu.memory_space<vmem>>
      %dma_wait3A_90 = tpu.memref_squeeze %dma_wait3A_89 : memref<1x512xi32, #tpu.memory_space<vmem>> -> memref<512xi32, #tpu.memory_space<vmem>>
      %dma_wait3A_91 = tpu.memref_slice %arg2[%add3A_15] : memref<212992xi32, #tpu.memory_space<hbm>> -> memref<512xi32, #tpu.memory_space<hbm>>
      %dma_wait3A_92 = arith.constant 0 : i32
      %dma_wait3A_93 = tpu.memref_slice %arg5[%run_scoped3A_16, %dma_wait3A_92] : memref<13x512xi32, #tpu.memory_space<vmem>> -> memref<1x512xi32, #tpu.memory_space<vmem>>
      %dma_wait3A_94 = tpu.memref_squeeze %dma_wait3A_93 : memref<1x512xi32, #tpu.memory_space<vmem>> -> memref<512xi32, #tpu.memory_space<vmem>>
      %dma_wait3A_95 = tpu.memref_slice %arg2[%add3A_15] : memref<212992xi32, #tpu.memory_space<hbm>> -> memref<512xi32, #tpu.memory_space<hbm>>
      tpu.wait_dma2 semaphore(%run_scoped3A_80 : memref<!tpu.dma_semaphore, #tpu.memory_space<semaphore_mem>>) src(%dma_wait3A_95 : memref<512xi32, #tpu.memory_space<hbm>>) dst(%dma_wait3A_94 : memref<512xi32, #tpu.memory_space<vmem>>)
      tpu.yield
    }) : () -> ()
    %add3A_17 = arith.constant 81920 : i32
    %add3A_18 = arith.addi %add3A_17, %mul3A_2 : i32
    %run_scoped3A_19 = arith.constant 5 : i32
    "tpu.region"() ({
      %run_scoped3A_80 = tpu.sem_alloc : memref<!tpu.dma_semaphore, #tpu.memory_space<semaphore_mem>>
      %dma_start3A_81 = arith.constant 0 : i32
      %dma_start3A_82 = tpu.memref_slice %arg5[%run_scoped3A_19, %dma_start3A_81] : memref<13x512xi32, #tpu.memory_space<vmem>> -> memref<1x512xi32, #tpu.memory_space<vmem>>
      %dma_start3A_83 = tpu.memref_squeeze %dma_start3A_82 : memref<1x512xi32, #tpu.memory_space<vmem>> -> memref<512xi32, #tpu.memory_space<vmem>>
      %dma_start3A_84 = tpu.memref_slice %arg2[%add3A_18] : memref<212992xi32, #tpu.memory_space<hbm>> -> memref<512xi32, #tpu.memory_space<hbm>>
      %dma_start3A_85 = arith.constant 0 : i32
      %dma_start3A_86 = tpu.memref_slice %arg5[%run_scoped3A_19, %dma_start3A_85] : memref<13x512xi32, #tpu.memory_space<vmem>> -> memref<1x512xi32, #tpu.memory_space<vmem>>
      %dma_start3A_87 = tpu.memref_squeeze %dma_start3A_86 : memref<1x512xi32, #tpu.memory_space<vmem>> -> memref<512xi32, #tpu.memory_space<vmem>>
      %dma_start3A_88 = tpu.memref_slice %arg2[%add3A_18] : memref<212992xi32, #tpu.memory_space<hbm>> -> memref<512xi32, #tpu.memory_space<hbm>>
      tpu.enqueue_dma source(%dma_start3A_88 : memref<512xi32, #tpu.memory_space<hbm>>) target(%dma_start3A_87 : memref<512xi32, #tpu.memory_space<vmem>>) target_semaphore(%run_scoped3A_80 : memref<!tpu.dma_semaphore, #tpu.memory_space<semaphore_mem>>)
      %dma_wait3A = arith.constant 0 : i32
      %dma_wait3A_89 = tpu.memref_slice %arg5[%run_scoped3A_19, %dma_wait3A] : memref<13x512xi32, #tpu.memory_space<vmem>> -> memref<1x512xi32, #tpu.memory_space<vmem>>
      %dma_wait3A_90 = tpu.memref_squeeze %dma_wait3A_89 : memref<1x512xi32, #tpu.memory_space<vmem>> -> memref<512xi32, #tpu.memory_space<vmem>>
      %dma_wait3A_91 = tpu.memref_slice %arg2[%add3A_18] : memref<212992xi32, #tpu.memory_space<hbm>> -> memref<512xi32, #tpu.memory_space<hbm>>
      %dma_wait3A_92 = arith.constant 0 : i32
      %dma_wait3A_93 = tpu.memref_slice %arg5[%run_scoped3A_19, %dma_wait3A_92] : memref<13x512xi32, #tpu.memory_space<vmem>> -> memref<1x512xi32, #tpu.memory_space<vmem>>
      %dma_wait3A_94 = tpu.memref_squeeze %dma_wait3A_93 : memref<1x512xi32, #tpu.memory_space<vmem>> -> memref<512xi32, #tpu.memory_space<vmem>>
      %dma_wait3A_95 = tpu.memref_slice %arg2[%add3A_18] : memref<212992xi32, #tpu.memory_space<hbm>> -> memref<512xi32, #tpu.memory_space<hbm>>
      tpu.wait_dma2 semaphore(%run_scoped3A_80 : memref<!tpu.dma_semaphore, #tpu.memory_space<semaphore_mem>>) src(%dma_wait3A_95 : memref<512xi32, #tpu.memory_space<hbm>>) dst(%dma_wait3A_94 : memref<512xi32, #tpu.memory_space<vmem>>)
      tpu.yield
    }) : () -> ()
    %add3A_20 = arith.constant 98304 : i32
    %add3A_21 = arith.addi %add3A_20, %mul3A_2 : i32
    %run_scoped3A_22 = arith.constant 6 : i32
    "tpu.region"() ({
      %run_scoped3A_80 = tpu.sem_alloc : memref<!tpu.dma_semaphore, #tpu.memory_space<semaphore_mem>>
      %dma_start3A_81 = arith.constant 0 : i32
      %dma_start3A_82 = tpu.memref_slice %arg5[%run_scoped3A_22, %dma_start3A_81] : memref<13x512xi32, #tpu.memory_space<vmem>> -> memref<1x512xi32, #tpu.memory_space<vmem>>
      %dma_start3A_83 = tpu.memref_squeeze %dma_start3A_82 : memref<1x512xi32, #tpu.memory_space<vmem>> -> memref<512xi32, #tpu.memory_space<vmem>>
      %dma_start3A_84 = tpu.memref_slice %arg2[%add3A_21] : memref<212992xi32, #tpu.memory_space<hbm>> -> memref<512xi32, #tpu.memory_space<hbm>>
      %dma_start3A_85 = arith.constant 0 : i32
      %dma_start3A_86 = tpu.memref_slice %arg5[%run_scoped3A_22, %dma_start3A_85] : memref<13x512xi32, #tpu.memory_space<vmem>> -> memref<1x512xi32, #tpu.memory_space<vmem>>
      %dma_start3A_87 = tpu.memref_squeeze %dma_start3A_86 : memref<1x512xi32, #tpu.memory_space<vmem>> -> memref<512xi32, #tpu.memory_space<vmem>>
      %dma_start3A_88 = tpu.memref_slice %arg2[%add3A_21] : memref<212992xi32, #tpu.memory_space<hbm>> -> memref<512xi32, #tpu.memory_space<hbm>>
      tpu.enqueue_dma source(%dma_start3A_88 : memref<512xi32, #tpu.memory_space<hbm>>) target(%dma_start3A_87 : memref<512xi32, #tpu.memory_space<vmem>>) target_semaphore(%run_scoped3A_80 : memref<!tpu.dma_semaphore, #tpu.memory_space<semaphore_mem>>)
      %dma_wait3A = arith.constant 0 : i32
      %dma_wait3A_89 = tpu.memref_slice %arg5[%run_scoped3A_22, %dma_wait3A] : memref<13x512xi32, #tpu.memory_space<vmem>> -> memref<1x512xi32, #tpu.memory_space<vmem>>
      %dma_wait3A_90 = tpu.memref_squeeze %dma_wait3A_89 : memref<1x512xi32, #tpu.memory_space<vmem>> -> memref<512xi32, #tpu.memory_space<vmem>>
      %dma_wait3A_91 = tpu.memref_slice %arg2[%add3A_21] : memref<212992xi32, #tpu.memory_space<hbm>> -> memref<512xi32, #tpu.memory_space<hbm>>
      %dma_wait3A_92 = arith.constant 0 : i32
      %dma_wait3A_93 = tpu.memref_slice %arg5[%run_scoped3A_22, %dma_wait3A_92] : memref<13x512xi32, #tpu.memory_space<vmem>> -> memref<1x512xi32, #tpu.memory_space<vmem>>
      %dma_wait3A_94 = tpu.memref_squeeze %dma_wait3A_93 : memref<1x512xi32, #tpu.memory_space<vmem>> -> memref<512xi32, #tpu.memory_space<vmem>>
      %dma_wait3A_95 = tpu.memref_slice %arg2[%add3A_21] : memref<212992xi32, #tpu.memory_space<hbm>> -> memref<512xi32, #tpu.memory_space<hbm>>
      tpu.wait_dma2 semaphore(%run_scoped3A_80 : memref<!tpu.dma_semaphore, #tpu.memory_space<semaphore_mem>>) src(%dma_wait3A_95 : memref<512xi32, #tpu.memory_space<hbm>>) dst(%dma_wait3A_94 : memref<512xi32, #tpu.memory_space<vmem>>)
      tpu.yield
    }) : () -> ()
    %add3A_23 = arith.constant 114688 : i32
    %add3A_24 = arith.addi %add3A_23, %mul3A_2 : i32
    %run_scoped3A_25 = arith.constant 7 : i32
    "tpu.region"() ({
      %run_scoped3A_80 = tpu.sem_alloc : memref<!tpu.dma_semaphore, #tpu.memory_space<semaphore_mem>>
      %dma_start3A_81 = arith.constant 0 : i32
      %dma_start3A_82 = tpu.memref_slice %arg5[%run_scoped3A_25, %dma_start3A_81] : memref<13x512xi32, #tpu.memory_space<vmem>> -> memref<1x512xi32, #tpu.memory_space<vmem>>
      %dma_start3A_83 = tpu.memref_squeeze %dma_start3A_82 : memref<1x512xi32, #tpu.memory_space<vmem>> -> memref<512xi32, #tpu.memory_space<vmem>>
      %dma_start3A_84 = tpu.memref_slice %arg2[%add3A_24] : memref<212992xi32, #tpu.memory_space<hbm>> -> memref<512xi32, #tpu.memory_space<hbm>>
      %dma_start3A_85 = arith.constant 0 : i32
      %dma_start3A_86 = tpu.memref_slice %arg5[%run_scoped3A_25, %dma_start3A_85] : memref<13x512xi32, #tpu.memory_space<vmem>> -> memref<1x512xi32, #tpu.memory_space<vmem>>
      %dma_start3A_87 = tpu.memref_squeeze %dma_start3A_86 : memref<1x512xi32, #tpu.memory_space<vmem>> -> memref<512xi32, #tpu.memory_space<vmem>>
      %dma_start3A_88 = tpu.memref_slice %arg2[%add3A_24] : memref<212992xi32, #tpu.memory_space<hbm>> -> memref<512xi32, #tpu.memory_space<hbm>>
      tpu.enqueue_dma source(%dma_start3A_88 : memref<512xi32, #tpu.memory_space<hbm>>) target(%dma_start3A_87 : memref<512xi32, #tpu.memory_space<vmem>>) target_semaphore(%run_scoped3A_80 : memref<!tpu.dma_semaphore, #tpu.memory_space<semaphore_mem>>)
      %dma_wait3A = arith.constant 0 : i32
      %dma_wait3A_89 = tpu.memref_slice %arg5[%run_scoped3A_25, %dma_wait3A] : memref<13x512xi32, #tpu.memory_space<vmem>> -> memref<1x512xi32, #tpu.memory_space<vmem>>
      %dma_wait3A_90 = tpu.memref_squeeze %dma_wait3A_89 : memref<1x512xi32, #tpu.memory_space<vmem>> -> memref<512xi32, #tpu.memory_space<vmem>>
      %dma_wait3A_91 = tpu.memref_slice %arg2[%add3A_24] : memref<212992xi32, #tpu.memory_space<hbm>> -> memref<512xi32, #tpu.memory_space<hbm>>
      %dma_wait3A_92 = arith.constant 0 : i32
      %dma_wait3A_93 = tpu.memref_slice %arg5[%run_scoped3A_25, %dma_wait3A_92] : memref<13x512xi32, #tpu.memory_space<vmem>> -> memref<1x512xi32, #tpu.memory_space<vmem>>
      %dma_wait3A_94 = tpu.memref_squeeze %dma_wait3A_93 : memref<1x512xi32, #tpu.memory_space<vmem>> -> memref<512xi32, #tpu.memory_space<vmem>>
      %dma_wait3A_95 = tpu.memref_slice %arg2[%add3A_24] : memref<212992xi32, #tpu.memory_space<hbm>> -> memref<512xi32, #tpu.memory_space<hbm>>
      tpu.wait_dma2 semaphore(%run_scoped3A_80 : memref<!tpu.dma_semaphore, #tpu.memory_space<semaphore_mem>>) src(%dma_wait3A_95 : memref<512xi32, #tpu.memory_space<hbm>>) dst(%dma_wait3A_94 : memref<512xi32, #tpu.memory_space<vmem>>)
      tpu.yield
    }) : () -> ()
    %add3A_26 = arith.constant 131072 : i32
    %add3A_27 = arith.addi %add3A_26, %mul3A_2 : i32
    %run_scoped3A_28 = arith.constant 8 : i32
    "tpu.region"() ({
      %run_scoped3A_80 = tpu.sem_alloc : memref<!tpu.dma_semaphore, #tpu.memory_space<semaphore_mem>>
      %dma_start3A_81 = arith.constant 0 : i32
      %dma_start3A_82 = tpu.memref_slice %arg5[%run_scoped3A_28, %dma_start3A_81] : memref<13x512xi32, #tpu.memory_space<vmem>> -> memref<1x512xi32, #tpu.memory_space<vmem>>
      %dma_start3A_83 = tpu.memref_squeeze %dma_start3A_82 : memref<1x512xi32, #tpu.memory_space<vmem>> -> memref<512xi32, #tpu.memory_space<vmem>>
      %dma_start3A_84 = tpu.memref_slice %arg2[%add3A_27] : memref<212992xi32, #tpu.memory_space<hbm>> -> memref<512xi32, #tpu.memory_space<hbm>>
      %dma_start3A_85 = arith.constant 0 : i32
      %dma_start3A_86 = tpu.memref_slice %arg5[%run_scoped3A_28, %dma_start3A_85] : memref<13x512xi32, #tpu.memory_space<vmem>> -> memref<1x512xi32, #tpu.memory_space<vmem>>
      %dma_start3A_87 = tpu.memref_squeeze %dma_start3A_86 : memref<1x512xi32, #tpu.memory_space<vmem>> -> memref<512xi32, #tpu.memory_space<vmem>>
      %dma_start3A_88 = tpu.memref_slice %arg2[%add3A_27] : memref<212992xi32, #tpu.memory_space<hbm>> -> memref<512xi32, #tpu.memory_space<hbm>>
      tpu.enqueue_dma source(%dma_start3A_88 : memref<512xi32, #tpu.memory_space<hbm>>) target(%dma_start3A_87 : memref<512xi32, #tpu.memory_space<vmem>>) target_semaphore(%run_scoped3A_80 : memref<!tpu.dma_semaphore, #tpu.memory_space<semaphore_mem>>)
      %dma_wait3A = arith.constant 0 : i32
      %dma_wait3A_89 = tpu.memref_slice %arg5[%run_scoped3A_28, %dma_wait3A] : memref<13x512xi32, #tpu.memory_space<vmem>> -> memref<1x512xi32, #tpu.memory_space<vmem>>
      %dma_wait3A_90 = tpu.memref_squeeze %dma_wait3A_89 : memref<1x512xi32, #tpu.memory_space<vmem>> -> memref<512xi32, #tpu.memory_space<vmem>>
      %dma_wait3A_91 = tpu.memref_slice %arg2[%add3A_27] : memref<212992xi32, #tpu.memory_space<hbm>> -> memref<512xi32, #tpu.memory_space<hbm>>
      %dma_wait3A_92 = arith.constant 0 : i32
      %dma_wait3A_93 = tpu.memref_slice %arg5[%run_scoped3A_28, %dma_wait3A_92] : memref<13x512xi32, #tpu.memory_space<vmem>> -> memref<1x512xi32, #tpu.memory_space<vmem>>
      %dma_wait3A_94 = tpu.memref_squeeze %dma_wait3A_93 : memref<1x512xi32, #tpu.memory_space<vmem>> -> memref<512xi32, #tpu.memory_space<vmem>>
      %dma_wait3A_95 = tpu.memref_slice %arg2[%add3A_27] : memref<212992xi32, #tpu.memory_space<hbm>> -> memref<512xi32, #tpu.memory_space<hbm>>
      tpu.wait_dma2 semaphore(%run_scoped3A_80 : memref<!tpu.dma_semaphore, #tpu.memory_space<semaphore_mem>>) src(%dma_wait3A_95 : memref<512xi32, #tpu.memory_space<hbm>>) dst(%dma_wait3A_94 : memref<512xi32, #tpu.memory_space<vmem>>)
      tpu.yield
    }) : () -> ()
    %add3A_29 = arith.constant 147456 : i32
    %add3A_30 = arith.addi %add3A_29, %mul3A_2 : i32
    %run_scoped3A_31 = arith.constant 9 : i32
    "tpu.region"() ({
      %run_scoped3A_80 = tpu.sem_alloc : memref<!tpu.dma_semaphore, #tpu.memory_space<semaphore_mem>>
      %dma_start3A_81 = arith.constant 0 : i32
      %dma_start3A_82 = tpu.memref_slice %arg5[%run_scoped3A_31, %dma_start3A_81] : memref<13x512xi32, #tpu.memory_space<vmem>> -> memref<1x512xi32, #tpu.memory_space<vmem>>
      %dma_start3A_83 = tpu.memref_squeeze %dma_start3A_82 : memref<1x512xi32, #tpu.memory_space<vmem>> -> memref<512xi32, #tpu.memory_space<vmem>>
      %dma_start3A_84 = tpu.memref_slice %arg2[%add3A_30] : memref<212992xi32, #tpu.memory_space<hbm>> -> memref<512xi32, #tpu.memory_space<hbm>>
      %dma_start3A_85 = arith.constant 0 : i32
      %dma_start3A_86 = tpu.memref_slice %arg5[%run_scoped3A_31, %dma_start3A_85] : memref<13x512xi32, #tpu.memory_space<vmem>> -> memref<1x512xi32, #tpu.memory_space<vmem>>
      %dma_start3A_87 = tpu.memref_squeeze %dma_start3A_86 : memref<1x512xi32, #tpu.memory_space<vmem>> -> memref<512xi32, #tpu.memory_space<vmem>>
      %dma_start3A_88 = tpu.memref_slice %arg2[%add3A_30] : memref<212992xi32, #tpu.memory_space<hbm>> -> memref<512xi32, #tpu.memory_space<hbm>>
      tpu.enqueue_dma source(%dma_start3A_88 : memref<512xi32, #tpu.memory_space<hbm>>) target(%dma_start3A_87 : memref<512xi32, #tpu.memory_space<vmem>>) target_semaphore(%run_scoped3A_80 : memref<!tpu.dma_semaphore, #tpu.memory_space<semaphore_mem>>)
      %dma_wait3A = arith.constant 0 : i32
      %dma_wait3A_89 = tpu.memref_slice %arg5[%run_scoped3A_31, %dma_wait3A] : memref<13x512xi32, #tpu.memory_space<vmem>> -> memref<1x512xi32, #tpu.memory_space<vmem>>
      %dma_wait3A_90 = tpu.memref_squeeze %dma_wait3A_89 : memref<1x512xi32, #tpu.memory_space<vmem>> -> memref<512xi32, #tpu.memory_space<vmem>>
      %dma_wait3A_91 = tpu.memref_slice %arg2[%add3A_30] : memref<212992xi32, #tpu.memory_space<hbm>> -> memref<512xi32, #tpu.memory_space<hbm>>
      %dma_wait3A_92 = arith.constant 0 : i32
      %dma_wait3A_93 = tpu.memref_slice %arg5[%run_scoped3A_31, %dma_wait3A_92] : memref<13x512xi32, #tpu.memory_space<vmem>> -> memref<1x512xi32, #tpu.memory_space<vmem>>
      %dma_wait3A_94 = tpu.memref_squeeze %dma_wait3A_93 : memref<1x512xi32, #tpu.memory_space<vmem>> -> memref<512xi32, #tpu.memory_space<vmem>>
      %dma_wait3A_95 = tpu.memref_slice %arg2[%add3A_30] : memref<212992xi32, #tpu.memory_space<hbm>> -> memref<512xi32, #tpu.memory_space<hbm>>
      tpu.wait_dma2 semaphore(%run_scoped3A_80 : memref<!tpu.dma_semaphore, #tpu.memory_space<semaphore_mem>>) src(%dma_wait3A_95 : memref<512xi32, #tpu.memory_space<hbm>>) dst(%dma_wait3A_94 : memref<512xi32, #tpu.memory_space<vmem>>)
      tpu.yield
    }) : () -> ()
    %add3A_32 = arith.constant 163840 : i32
    %add3A_33 = arith.addi %add3A_32, %mul3A_2 : i32
    %run_scoped3A_34 = arith.constant 10 : i32
    "tpu.region"() ({
      %run_scoped3A_80 = tpu.sem_alloc : memref<!tpu.dma_semaphore, #tpu.memory_space<semaphore_mem>>
      %dma_start3A_81 = arith.constant 0 : i32
      %dma_start3A_82 = tpu.memref_slice %arg5[%run_scoped3A_34, %dma_start3A_81] : memref<13x512xi32, #tpu.memory_space<vmem>> -> memref<1x512xi32, #tpu.memory_space<vmem>>
      %dma_start3A_83 = tpu.memref_squeeze %dma_start3A_82 : memref<1x512xi32, #tpu.memory_space<vmem>> -> memref<512xi32, #tpu.memory_space<vmem>>
      %dma_start3A_84 = tpu.memref_slice %arg2[%add3A_33] : memref<212992xi32, #tpu.memory_space<hbm>> -> memref<512xi32, #tpu.memory_space<hbm>>
      %dma_start3A_85 = arith.constant 0 : i32
      %dma_start3A_86 = tpu.memref_slice %arg5[%run_scoped3A_34, %dma_start3A_85] : memref<13x512xi32, #tpu.memory_space<vmem>> -> memref<1x512xi32, #tpu.memory_space<vmem>>
      %dma_start3A_87 = tpu.memref_squeeze %dma_start3A_86 : memref<1x512xi32, #tpu.memory_space<vmem>> -> memref<512xi32, #tpu.memory_space<vmem>>
      %dma_start3A_88 = tpu.memref_slice %arg2[%add3A_33] : memref<212992xi32, #tpu.memory_space<hbm>> -> memref<512xi32, #tpu.memory_space<hbm>>
      tpu.enqueue_dma source(%dma_start3A_88 : memref<512xi32, #tpu.memory_space<hbm>>) target(%dma_start3A_87 : memref<512xi32, #tpu.memory_space<vmem>>) target_semaphore(%run_scoped3A_80 : memref<!tpu.dma_semaphore, #tpu.memory_space<semaphore_mem>>)
      %dma_wait3A = arith.constant 0 : i32
      %dma_wait3A_89 = tpu.memref_slice %arg5[%run_scoped3A_34, %dma_wait3A] : memref<13x512xi32, #tpu.memory_space<vmem>> -> memref<1x512xi32, #tpu.memory_space<vmem>>
      %dma_wait3A_90 = tpu.memref_squeeze %dma_wait3A_89 : memref<1x512xi32, #tpu.memory_space<vmem>> -> memref<512xi32, #tpu.memory_space<vmem>>
      %dma_wait3A_91 = tpu.memref_slice %arg2[%add3A_33] : memref<212992xi32, #tpu.memory_space<hbm>> -> memref<512xi32, #tpu.memory_space<hbm>>
      %dma_wait3A_92 = arith.constant 0 : i32
      %dma_wait3A_93 = tpu.memref_slice %arg5[%run_scoped3A_34, %dma_wait3A_92] : memref<13x512xi32, #tpu.memory_space<vmem>> -> memref<1x512xi32, #tpu.memory_space<vmem>>
      %dma_wait3A_94 = tpu.memref_squeeze %dma_wait3A_93 : memref<1x512xi32, #tpu.memory_space<vmem>> -> memref<512xi32, #tpu.memory_space<vmem>>
      %dma_wait3A_95 = tpu.memref_slice %arg2[%add3A_33] : memref<212992xi32, #tpu.memory_space<hbm>> -> memref<512xi32, #tpu.memory_space<hbm>>
      tpu.wait_dma2 semaphore(%run_scoped3A_80 : memref<!tpu.dma_semaphore, #tpu.memory_space<semaphore_mem>>) src(%dma_wait3A_95 : memref<512xi32, #tpu.memory_space<hbm>>) dst(%dma_wait3A_94 : memref<512xi32, #tpu.memory_space<vmem>>)
      tpu.yield
    }) : () -> ()
    %add3A_35 = arith.constant 180224 : i32
    %add3A_36 = arith.addi %add3A_35, %mul3A_2 : i32
    %run_scoped3A_37 = arith.constant 11 : i32
    "tpu.region"() ({
      %run_scoped3A_80 = tpu.sem_alloc : memref<!tpu.dma_semaphore, #tpu.memory_space<semaphore_mem>>
      %dma_start3A_81 = arith.constant 0 : i32
      %dma_start3A_82 = tpu.memref_slice %arg5[%run_scoped3A_37, %dma_start3A_81] : memref<13x512xi32, #tpu.memory_space<vmem>> -> memref<1x512xi32, #tpu.memory_space<vmem>>
      %dma_start3A_83 = tpu.memref_squeeze %dma_start3A_82 : memref<1x512xi32, #tpu.memory_space<vmem>> -> memref<512xi32, #tpu.memory_space<vmem>>
      %dma_start3A_84 = tpu.memref_slice %arg2[%add3A_36] : memref<212992xi32, #tpu.memory_space<hbm>> -> memref<512xi32, #tpu.memory_space<hbm>>
      %dma_start3A_85 = arith.constant 0 : i32
      %dma_start3A_86 = tpu.memref_slice %arg5[%run_scoped3A_37, %dma_start3A_85] : memref<13x512xi32, #tpu.memory_space<vmem>> -> memref<1x512xi32, #tpu.memory_space<vmem>>
      %dma_start3A_87 = tpu.memref_squeeze %dma_start3A_86 : memref<1x512xi32, #tpu.memory_space<vmem>> -> memref<512xi32, #tpu.memory_space<vmem>>
      %dma_start3A_88 = tpu.memref_slice %arg2[%add3A_36] : memref<212992xi32, #tpu.memory_space<hbm>> -> memref<512xi32, #tpu.memory_space<hbm>>
      tpu.enqueue_dma source(%dma_start3A_88 : memref<512xi32, #tpu.memory_space<hbm>>) target(%dma_start3A_87 : memref<512xi32, #tpu.memory_space<vmem>>) target_semaphore(%run_scoped3A_80 : memref<!tpu.dma_semaphore, #tpu.memory_space<semaphore_mem>>)
      %dma_wait3A = arith.constant 0 : i32
      %dma_wait3A_89 = tpu.memref_slice %arg5[%run_scoped3A_37, %dma_wait3A] : memref<13x512xi32, #tpu.memory_space<vmem>> -> memref<1x512xi32, #tpu.memory_space<vmem>>
      %dma_wait3A_90 = tpu.memref_squeeze %dma_wait3A_89 : memref<1x512xi32, #tpu.memory_space<vmem>> -> memref<512xi32, #tpu.memory_space<vmem>>
      %dma_wait3A_91 = tpu.memref_slice %arg2[%add3A_36] : memref<212992xi32, #tpu.memory_space<hbm>> -> memref<512xi32, #tpu.memory_space<hbm>>
      %dma_wait3A_92 = arith.constant 0 : i32
      %dma_wait3A_93 = tpu.memref_slice %arg5[%run_scoped3A_37, %dma_wait3A_92] : memref<13x512xi32, #tpu.memory_space<vmem>> -> memref<1x512xi32, #tpu.memory_space<vmem>>
      %dma_wait3A_94 = tpu.memref_squeeze %dma_wait3A_93 : memref<1x512xi32, #tpu.memory_space<vmem>> -> memref<512xi32, #tpu.memory_space<vmem>>
      %dma_wait3A_95 = tpu.memref_slice %arg2[%add3A_36] : memref<212992xi32, #tpu.memory_space<hbm>> -> memref<512xi32, #tpu.memory_space<hbm>>
      tpu.wait_dma2 semaphore(%run_scoped3A_80 : memref<!tpu.dma_semaphore, #tpu.memory_space<semaphore_mem>>) src(%dma_wait3A_95 : memref<512xi32, #tpu.memory_space<hbm>>) dst(%dma_wait3A_94 : memref<512xi32, #tpu.memory_space<vmem>>)
      tpu.yield
    }) : () -> ()
    %add3A_38 = arith.constant 196608 : i32
    %add3A_39 = arith.addi %add3A_38, %mul3A_2 : i32
    %run_scoped3A_40 = arith.constant 12 : i32
    "tpu.region"() ({
      %run_scoped3A_80 = tpu.sem_alloc : memref<!tpu.dma_semaphore, #tpu.memory_space<semaphore_mem>>
      %dma_start3A_81 = arith.constant 0 : i32
      %dma_start3A_82 = tpu.memref_slice %arg5[%run_scoped3A_40, %dma_start3A_81] : memref<13x512xi32, #tpu.memory_space<vmem>> -> memref<1x512xi32, #tpu.memory_space<vmem>>
      %dma_start3A_83 = tpu.memref_squeeze %dma_start3A_82 : memref<1x512xi32, #tpu.memory_space<vmem>> -> memref<512xi32, #tpu.memory_space<vmem>>
      %dma_start3A_84 = tpu.memref_slice %arg2[%add3A_39] : memref<212992xi32, #tpu.memory_space<hbm>> -> memref<512xi32, #tpu.memory_space<hbm>>
      %dma_start3A_85 = arith.constant 0 : i32
      %dma_start3A_86 = tpu.memref_slice %arg5[%run_scoped3A_40, %dma_start3A_85] : memref<13x512xi32, #tpu.memory_space<vmem>> -> memref<1x512xi32, #tpu.memory_space<vmem>>
      %dma_start3A_87 = tpu.memref_squeeze %dma_start3A_86 : memref<1x512xi32, #tpu.memory_space<vmem>> -> memref<512xi32, #tpu.memory_space<vmem>>
      %dma_start3A_88 = tpu.memref_slice %arg2[%add3A_39] : memref<212992xi32, #tpu.memory_space<hbm>> -> memref<512xi32, #tpu.memory_space<hbm>>
      tpu.enqueue_dma source(%dma_start3A_88 : memref<512xi32, #tpu.memory_space<hbm>>) target(%dma_start3A_87 : memref<512xi32, #tpu.memory_space<vmem>>) target_semaphore(%run_scoped3A_80 : memref<!tpu.dma_semaphore, #tpu.memory_space<semaphore_mem>>)
      %dma_wait3A = arith.constant 0 : i32
      %dma_wait3A_89 = tpu.memref_slice %arg5[%run_scoped3A_40, %dma_wait3A] : memref<13x512xi32, #tpu.memory_space<vmem>> -> memref<1x512xi32, #tpu.memory_space<vmem>>
      %dma_wait3A_90 = tpu.memref_squeeze %dma_wait3A_89 : memref<1x512xi32, #tpu.memory_space<vmem>> -> memref<512xi32, #tpu.memory_space<vmem>>
      %dma_wait3A_91 = tpu.memref_slice %arg2[%add3A_39] : memref<212992xi32, #tpu.memory_space<hbm>> -> memref<512xi32, #tpu.memory_space<hbm>>
      %dma_wait3A_92 = arith.constant 0 : i32
      %dma_wait3A_93 = tpu.memref_slice %arg5[%run_scoped3A_40, %dma_wait3A_92] : memref<13x512xi32, #tpu.memory_space<vmem>> -> memref<1x512xi32, #tpu.memory_space<vmem>>
      %dma_wait3A_94 = tpu.memref_squeeze %dma_wait3A_93 : memref<1x512xi32, #tpu.memory_space<vmem>> -> memref<512xi32, #tpu.memory_space<vmem>>
      %dma_wait3A_95 = tpu.memref_slice %arg2[%add3A_39] : memref<212992xi32, #tpu.memory_space<hbm>> -> memref<512xi32, #tpu.memory_space<hbm>>
      tpu.wait_dma2 semaphore(%run_scoped3A_80 : memref<!tpu.dma_semaphore, #tpu.memory_space<semaphore_mem>>) src(%dma_wait3A_95 : memref<512xi32, #tpu.memory_space<hbm>>) dst(%dma_wait3A_94 : memref<512xi32, #tpu.memory_space<vmem>>)
      tpu.yield
    }) : () -> ()
    %dma_start3A = arith.constant 0 : i32
    %dma_start3A_41 = arith.constant 0 : i32
    %dma_start3A_42 = arith.constant 0 : i32
    %dma_start3A_43 = arith.constant 0 : i32
    %dma_start3A_44 = tpu.memref_slice %arg6[%dma_start3A_41, %dma_start3A_42, %dma_start3A_43] : memref<4x128x64xf32, #tpu.memory_space<vmem>> -> memref<1x128x64xf32, #tpu.memory_space<vmem>>
    %dma_start3A_45 = tpu.memref_squeeze %dma_start3A_44 : memref<1x128x64xf32, #tpu.memory_space<vmem>> -> memref<128x64xf32, #tpu.memory_space<vmem>>
    %dma_start3A_46 = arith.constant 0 : i32
    %dma_start3A_47 = tpu.memref_slice %arg5[%dma_start3A, %dma_start3A_46] : memref<13x512xi32, #tpu.memory_space<vmem>> -> memref<1x128xi32, #tpu.memory_space<vmem>>
    %dma_start3A_48 = tpu.memref_squeeze %dma_start3A_47 : memref<1x128xi32, #tpu.memory_space<vmem>> -> memref<128xi32, #tpu.memory_space<vmem>>
    %dma_start3A_49 = arith.constant 0 : i32
    %dma_start3A_50 = arith.constant 0 : i32
    %dma_start3A_51 = tpu.memref_slice %arg3[%dma_start3A_49, %dma_start3A_50] : memref<1000000x64xf32, #tpu.memory_space<hbm>> -> memref<1000000x64xf32, #tpu.memory_space<hbm>>
    tpu.enqueue_indirect_dma source(%dma_start3A_51 : memref<1000000x64xf32, #tpu.memory_space<hbm>>) target(%dma_start3A_45 : memref<128x64xf32, #tpu.memory_space<vmem>>) offsets(%dma_start3A_48 : memref<128xi32, #tpu.memory_space<vmem>>) semaphore(%arg7 : memref<!tpu.dma_semaphore, #tpu.memory_space<semaphore_mem>>)
    %dma_start3A_52 = arith.constant 0 : i32
    %dma_start3A_53 = arith.constant 1 : i32
    %dma_start3A_54 = arith.constant 0 : i32
    %dma_start3A_55 = arith.constant 0 : i32
    %dma_start3A_56 = tpu.memref_slice %arg6[%dma_start3A_53, %dma_start3A_54, %dma_start3A_55] : memref<4x128x64xf32, #tpu.memory_space<vmem>> -> memref<1x128x64xf32, #tpu.memory_space<vmem>>
    %dma_start3A_57 = tpu.memref_squeeze %dma_start3A_56 : memref<1x128x64xf32, #tpu.memory_space<vmem>> -> memref<128x64xf32, #tpu.memory_space<vmem>>
    %dma_start3A_58 = arith.constant 128 : i32
    %dma_start3A_59 = tpu.memref_slice %arg5[%dma_start3A_52, %dma_start3A_58] : memref<13x512xi32, #tpu.memory_space<vmem>> -> memref<1x128xi32, #tpu.memory_space<vmem>>
    %dma_start3A_60 = tpu.memref_squeeze %dma_start3A_59 : memref<1x128xi32, #tpu.memory_space<vmem>> -> memref<128xi32, #tpu.memory_space<vmem>>
    %dma_start3A_61 = arith.constant 0 : i32
    %dma_start3A_62 = arith.constant 0 : i32
    %dma_start3A_63 = tpu.memref_slice %arg3[%dma_start3A_61, %dma_start3A_62] : memref<1000000x64xf32, #tpu.memory_space<hbm>> -> memref<1000000x64xf32, #tpu.memory_space<hbm>>
    tpu.enqueue_indirect_dma source(%dma_start3A_63 : memref<1000000x64xf32, #tpu.memory_space<hbm>>) target(%dma_start3A_57 : memref<128x64xf32, #tpu.memory_space<vmem>>) offsets(%dma_start3A_60 : memref<128xi32, #tpu.memory_space<vmem>>) semaphore(%arg8 : memref<!tpu.dma_semaphore, #tpu.memory_space<semaphore_mem>>)
    %dma_start3A_64 = arith.constant 0 : i32
    %dma_start3A_65 = arith.constant 2 : i32
    %dma_start3A_66 = arith.constant 0 : i32
    %dma_start3A_67 = arith.constant 0 : i32
    %dma_start3A_68 = tpu.memref_slice %arg6[%dma_start3A_65, %dma_start3A_66, %dma_start3A_67] : memref<4x128x64xf32, #tpu.memory_space<vmem>> -> memref<1x128x64xf32, #tpu.memory_space<vmem>>
    %dma_start3A_69 = tpu.memref_squeeze %dma_start3A_68 : memref<1x128x64xf32, #tpu.memory_space<vmem>> -> memref<128x64xf32, #tpu.memory_space<vmem>>
    %dma_start3A_70 = arith.constant 256 : i32
    %dma_start3A_71 = tpu.memref_slice %arg5[%dma_start3A_64, %dma_start3A_70] : memref<13x512xi32, #tpu.memory_space<vmem>> -> memref<1x128xi32, #tpu.memory_space<vmem>>
    %dma_start3A_72 = tpu.memref_squeeze %dma_start3A_71 : memref<1x128xi32, #tpu.memory_space<vmem>> -> memref<128xi32, #tpu.memory_space<vmem>>
    %dma_start3A_73 = arith.constant 0 : i32
    %dma_start3A_74 = arith.constant 0 : i32
    %dma_start3A_75 = tpu.memref_slice %arg3[%dma_start3A_73, %dma_start3A_74] : memref<1000000x64xf32, #tpu.memory_space<hbm>> -> memref<1000000x64xf32, #tpu.memory_space<hbm>>
    tpu.enqueue_indirect_dma source(%dma_start3A_75 : memref<1000000x64xf32, #tpu.memory_space<hbm>>) target(%dma_start3A_69 : memref<128x64xf32, #tpu.memory_space<vmem>>) offsets(%dma_start3A_72 : memref<128xi32, #tpu.memory_space<vmem>>) semaphore(%arg9 : memref<!tpu.dma_semaphore, #tpu.memory_space<semaphore_mem>>)
    %scan3A = arith.constant 0 : i32
    %scan3A_76 = arith.constant 13 : i32
    %scan3A_77 = arith.addi %scan3A, %scan3A_76 : i32
    %scan3A_78 = arith.constant 1 : i32
    scf.for %scan3A_80 = %scan3A to %scan3A_77 step %scan3A_78  : i32 {
      %mul3A_81 = arith.constant 1 : i32
      %mul3A_82 = arith.muli %scan3A_80, %mul3A_81 : i32
      %add3A_83 = arith.constant 0 : i32
      %add3A_84 = arith.addi %add3A_83, %mul3A_82 : i32
      %mul3A_85 = arith.constant 4 : i32
      %mul3A_86 = arith.muli %add3A_84, %mul3A_85 : i32
      %add3A_87 = arith.constant 0 : i32
      %add3A_88 = arith.addi %mul3A_86, %add3A_87 : i32
      %dma_wait3A = arith.constant 0 : i32
      %dma_wait3A_89 = arith.constant 0 : i32
      %dma_wait3A_90 = arith.constant 0 : i32
      %dma_wait3A_91 = arith.constant 0 : i32
      %dma_wait3A_92 = tpu.memref_slice %arg6[%dma_wait3A_89, %dma_wait3A_90, %dma_wait3A_91] : memref<4x128x64xf32, #tpu.memory_space<vmem>> -> memref<1x128x64xf32, #tpu.memory_space<vmem>>
      %dma_wait3A_93 = tpu.memref_squeeze %dma_wait3A_92 : memref<1x128x64xf32, #tpu.memory_space<vmem>> -> memref<128x64xf32, #tpu.memory_space<vmem>>
      %dma_wait3A_94 = arith.constant 0 : i32
      %dma_wait3A_95 = tpu.memref_slice %arg5[%dma_wait3A, %dma_wait3A_94] : memref<13x512xi32, #tpu.memory_space<vmem>> -> memref<1x128xi32, #tpu.memory_space<vmem>>
      %dma_wait3A_96 = tpu.memref_squeeze %dma_wait3A_95 : memref<1x128xi32, #tpu.memory_space<vmem>> -> memref<128xi32, #tpu.memory_space<vmem>>
      %dma_wait3A_97 = arith.constant 0 : i32
      %dma_wait3A_98 = arith.constant 0 : i32
      %dma_wait3A_99 = tpu.memref_slice %arg3[%dma_wait3A_97, %dma_wait3A_98] : memref<1000000x64xf32, #tpu.memory_space<hbm>> -> memref<1000000x64xf32, #tpu.memory_space<hbm>>
      tpu.wait_indirect_dma semaphore(%arg7 : memref<!tpu.dma_semaphore, #tpu.memory_space<semaphore_mem>>) src(%dma_wait3A_99 : memref<1000000x64xf32, #tpu.memory_space<hbm>>) dst(%dma_wait3A_93 : memref<128x64xf32, #tpu.memory_space<vmem>>)
      %add3A_100 = arith.constant 4 : i32
      %add3A_101 = arith.addi %add3A_88, %add3A_100 : i32
      %sub3A = arith.constant 1 : i32
      %sub3A_102 = arith.subi %add3A_101, %sub3A : i32
      %lt3A = arith.constant 52 : i32
      %lt3A_103 = arith.cmpi slt, %sub3A_102, %lt3A : i32
      %convert_element_type3A = arith.extui %lt3A_103 : i1 to i32
      %cond3A = arith.constant 0 : i32
      %cond3A_104 = arith.cmpi ne, %convert_element_type3A, %cond3A : i32
      scf.if %cond3A_104 {
        %jit3A = arith.constant 4 : i32
        %div3A = arith.divsi %sub3A_102, %jit3A : i32
        %sign3A = arith.constant 0 : i32
        %sign3A_200 = arith.cmpi sgt, %sub3A_102, %sign3A : i32
        %sign3A_201 = arith.extui %sign3A_200 : i1 to i32
        %sign3A_202 = arith.constant 0 : i32
        %sign3A_203 = arith.cmpi slt, %sub3A_102, %sign3A_202 : i32
        %sign3A_204 = arith.extui %sign3A_203 : i1 to i32
        %sign3A_205 = arith.subi %sign3A_201, %sign3A_204 : i32
        %sign3A_206 = arith.constant 0 : i32
        %sign3A_207 = arith.cmpi sgt, %jit3A, %sign3A_206 : i32
        %sign3A_208 = arith.extui %sign3A_207 : i1 to i32
        %sign3A_209 = arith.constant 0 : i32
        %sign3A_210 = arith.cmpi slt, %jit3A, %sign3A_209 : i32
        %sign3A_211 = arith.extui %sign3A_210 : i1 to i32
        %sign3A_212 = arith.subi %sign3A_208, %sign3A_211 : i32
        %ne3A = arith.cmpi ne, %sign3A_205, %sign3A_212 : i32
        %rem3A = arith.remsi %sub3A_102, %jit3A : i32
        %ne3A_213 = arith.constant 0 : i32
        %ne3A_214 = arith.cmpi ne, %rem3A, %ne3A_213 : i32
        %and3A = arith.andi %ne3A, %ne3A_214 : i1
        %sub3A_215 = arith.constant 1 : i32
        %sub3A_216 = arith.subi %div3A, %sub3A_215 : i32
        %select_n3A = arith.select %and3A, %sub3A_216, %div3A : i32
        %jit3A_217 = arith.constant 4 : i32
        %eq3A = arith.constant 0 : i32
        %eq3A_218 = arith.cmpi eq, %jit3A_217, %eq3A : i32
        %jit3A_219 = arith.constant 1 : i32
        %select_n3A_220 = arith.select %eq3A_218, %jit3A_219, %jit3A_217 : i32
        %rem3A_221 = arith.remsi %sub3A_102, %select_n3A_220 : i32
        %ne3A_222 = arith.constant 0 : i32
        %ne3A_223 = arith.cmpi ne, %rem3A_221, %ne3A_222 : i32
        %lt3A_224 = arith.constant 0 : i32
        %lt3A_225 = arith.cmpi slt, %rem3A_221, %lt3A_224 : i32
        %lt3A_226 = arith.constant 0 : i32
        %lt3A_227 = arith.cmpi slt, %select_n3A_220, %lt3A_226 : i32
        %ne3A_228 = arith.xori %lt3A_225, %lt3A_227 : i1
        %and3A_229 = arith.andi %ne3A_228, %ne3A_223 : i1
        %add3A_230 = arith.addi %rem3A_221, %select_n3A_220 : i32
        %select_n3A_231 = arith.select %and3A_229, %add3A_230, %rem3A_221 : i32
        %mul3A_232 = arith.constant 128 : i32
        %mul3A_233 = arith.muli %select_n3A_231, %mul3A_232 : i32
        %dma_start3A_234 = arith.constant 3 : i32
        %dma_start3A_235 = arith.constant 0 : i32
        %dma_start3A_236 = arith.constant 0 : i32
        %dma_start3A_237 = tpu.memref_slice %arg6[%dma_start3A_234, %dma_start3A_235, %dma_start3A_236] : memref<4x128x64xf32, #tpu.memory_space<vmem>> -> memref<1x128x64xf32, #tpu.memory_space<vmem>>
        %dma_start3A_238 = tpu.memref_squeeze %dma_start3A_237 : memref<1x128x64xf32, #tpu.memory_space<vmem>> -> memref<128x64xf32, #tpu.memory_space<vmem>>
        %dma_start3A_239 = tpu.memref_slice %arg5[%select_n3A, %mul3A_233] : memref<13x512xi32, #tpu.memory_space<vmem>> -> memref<1x128xi32, #tpu.memory_space<vmem>>
        %dma_start3A_240 = tpu.memref_squeeze %dma_start3A_239 : memref<1x128xi32, #tpu.memory_space<vmem>> -> memref<128xi32, #tpu.memory_space<vmem>>
        %dma_start3A_241 = arith.constant 0 : i32
        %dma_start3A_242 = arith.constant 0 : i32
        %dma_start3A_243 = tpu.memref_slice %arg3[%dma_start3A_241, %dma_start3A_242] : memref<1000000x64xf32, #tpu.memory_space<hbm>> -> memref<1000000x64xf32, #tpu.memory_space<hbm>>
        tpu.enqueue_indirect_dma source(%dma_start3A_243 : memref<1000000x64xf32, #tpu.memory_space<hbm>>) target(%dma_start3A_238 : memref<128x64xf32, #tpu.memory_space<vmem>>) offsets(%dma_start3A_240 : memref<128xi32, #tpu.memory_space<vmem>>) semaphore(%arg10 : memref<!tpu.dma_semaphore, #tpu.memory_space<semaphore_mem>>)
      } else {
      }
      %add3A_105 = arith.constant 0 : i32
      %add3A_106 = arith.addi %mul3A_2, %add3A_105 : i32
      %mul3A_107 = arith.constant 64 : i32
      %mul3A_108 = arith.muli %add3A_84, %mul3A_107 : i32
      %run_scoped3A_109 = arith.constant 0 : i32
      "tpu.region"() ({
        %run_scoped3A_200 = tpu.sem_alloc : memref<!tpu.dma_semaphore, #tpu.memory_space<semaphore_mem>>
        %dma_start3A_201 = arith.constant 0 : i32
        %dma_start3A_202 = arith.constant 0 : i32
        %dma_start3A_203 = tpu.memref_slice %arg6[%run_scoped3A_109, %dma_start3A_201, %dma_start3A_202] : memref<4x128x64xf32, #tpu.memory_space<vmem>> -> memref<1x128x64xf32, #tpu.memory_space<vmem>>
        %dma_start3A_204 = tpu.memref_squeeze %dma_start3A_203 : memref<1x128x64xf32, #tpu.memory_space<vmem>> -> memref<128x64xf32, #tpu.memory_space<vmem>>
        %dma_start3A_205 = tpu.memref_slice %arg4[%add3A_106, %mul3A_108] : memref<16384x832xf32, #tpu.memory_space<hbm>> -> memref<128x64xf32, #tpu.memory_space<hbm>>
        %dma_start3A_206 = tpu.memref_slice %arg4[%add3A_106, %mul3A_108] : memref<16384x832xf32, #tpu.memory_space<hbm>> -> memref<128x64xf32, #tpu.memory_space<hbm>>
        %dma_start3A_207 = arith.constant 0 : i32
        %dma_start3A_208 = arith.constant 0 : i32
        %dma_start3A_209 = tpu.memref_slice %arg6[%run_scoped3A_109, %dma_start3A_207, %dma_start3A_208] : memref<4x128x64xf32, #tpu.memory_space<vmem>> -> memref<1x128x64xf32, #tpu.memory_space<vmem>>
        %dma_start3A_210 = tpu.memref_squeeze %dma_start3A_209 : memref<1x128x64xf32, #tpu.memory_space<vmem>> -> memref<128x64xf32, #tpu.memory_space<vmem>>
        tpu.enqueue_dma source(%dma_start3A_210 : memref<128x64xf32, #tpu.memory_space<vmem>>) target(%dma_start3A_206 : memref<128x64xf32, #tpu.memory_space<hbm>>) target_semaphore(%run_scoped3A_200 : memref<!tpu.dma_semaphore, #tpu.memory_space<semaphore_mem>>)
        %dma_wait3A_211 = arith.constant 0 : i32
        %dma_wait3A_212 = arith.constant 0 : i32
        %dma_wait3A_213 = tpu.memref_slice %arg6[%run_scoped3A_109, %dma_wait3A_211, %dma_wait3A_212] : memref<4x128x64xf32, #tpu.memory_space<vmem>> -> memref<1x128x64xf32, #tpu.memory_space<vmem>>
        %dma_wait3A_214 = tpu.memref_squeeze %dma_wait3A_213 : memref<1x128x64xf32, #tpu.memory_space<vmem>> -> memref<128x64xf32, #tpu.memory_space<vmem>>
        %dma_wait3A_215 = tpu.memref_slice %arg4[%add3A_106, %mul3A_108] : memref<16384x832xf32, #tpu.memory_space<hbm>> -> memref<128x64xf32, #tpu.memory_space<hbm>>
        %dma_wait3A_216 = tpu.memref_slice %arg4[%add3A_106, %mul3A_108] : memref<16384x832xf32, #tpu.memory_space<hbm>> -> memref<128x64xf32, #tpu.memory_space<hbm>>
        %dma_wait3A_217 = arith.constant 0 : i32
        %dma_wait3A_218 = arith.constant 0 : i32
        %dma_wait3A_219 = tpu.memref_slice %arg6[%run_scoped3A_109, %dma_wait3A_217, %dma_wait3A_218] : memref<4x128x64xf32, #tpu.memory_space<vmem>> -> memref<1x128x64xf32, #tpu.memory_space<vmem>>
        %dma_wait3A_220 = tpu.memref_squeeze %dma_wait3A_219 : memref<1x128x64xf32, #tpu.memory_space<vmem>> -> memref<128x64xf32, #tpu.memory_space<vmem>>
        tpu.wait_dma2 semaphore(%run_scoped3A_200 : memref<!tpu.dma_semaphore, #tpu.memory_space<semaphore_mem>>) src(%dma_wait3A_220 : memref<128x64xf32, #tpu.memory_space<vmem>>) dst(%dma_wait3A_216 : memref<128x64xf32, #tpu.memory_space<hbm>>)
        tpu.yield
      }) : () -> ()
      %mul3A_110 = arith.constant 4 : i32
      %mul3A_111 = arith.muli %add3A_84, %mul3A_110 : i32
      %add3A_112 = arith.constant 1 : i32
      %add3A_113 = arith.addi %mul3A_111, %add3A_112 : i32
      %dma_wait3A_114 = arith.constant 0 : i32
      %dma_wait3A_115 = arith.constant 1 : i32
      %dma_wait3A_116 = arith.constant 0 : i32
      %dma_wait3A_117 = arith.constant 0 : i32
      %dma_wait3A_118 = tpu.memref_slice %arg6[%dma_wait3A_115, %dma_wait3A_116, %dma_wait3A_117] : memref<4x128x64xf32, #tpu.memory_space<vmem>> -> memref<1x128x64xf32, #tpu.memory_space<vmem>>
      %dma_wait3A_119 = tpu.memref_squeeze %dma_wait3A_118 : memref<1x128x64xf32, #tpu.memory_space<vmem>> -> memref<128x64xf32, #tpu.memory_space<vmem>>
      %dma_wait3A_120 = arith.constant 0 : i32
      %dma_wait3A_121 = tpu.memref_slice %arg5[%dma_wait3A_114, %dma_wait3A_120] : memref<13x512xi32, #tpu.memory_space<vmem>> -> memref<1x128xi32, #tpu.memory_space<vmem>>
      %dma_wait3A_122 = tpu.memref_squeeze %dma_wait3A_121 : memref<1x128xi32, #tpu.memory_space<vmem>> -> memref<128xi32, #tpu.memory_space<vmem>>
      %dma_wait3A_123 = arith.constant 0 : i32
      %dma_wait3A_124 = arith.constant 0 : i32
      %dma_wait3A_125 = tpu.memref_slice %arg3[%dma_wait3A_123, %dma_wait3A_124] : memref<1000000x64xf32, #tpu.memory_space<hbm>> -> memref<1000000x64xf32, #tpu.memory_space<hbm>>
      tpu.wait_indirect_dma semaphore(%arg8 : memref<!tpu.dma_semaphore, #tpu.memory_space<semaphore_mem>>) src(%dma_wait3A_125 : memref<1000000x64xf32, #tpu.memory_space<hbm>>) dst(%dma_wait3A_119 : memref<128x64xf32, #tpu.memory_space<vmem>>)
      %add3A_126 = arith.constant 4 : i32
      %add3A_127 = arith.addi %add3A_113, %add3A_126 : i32
      %sub3A_128 = arith.constant 1 : i32
      %sub3A_129 = arith.subi %add3A_127, %sub3A_128 : i32
      %lt3A_130 = arith.constant 52 : i32
      %lt3A_131 = arith.cmpi slt, %sub3A_129, %lt3A_130 : i32
      %convert_element_type3A_132 = arith.extui %lt3A_131 : i1 to i32
      %cond3A_133 = arith.constant 0 : i32
      %cond3A_134 = arith.cmpi ne, %convert_element_type3A_132, %cond3A_133 : i32
      scf.if %cond3A_134 {
        %jit3A = arith.constant 4 : i32
        %div3A = arith.divsi %sub3A_129, %jit3A : i32
        %sign3A = arith.constant 0 : i32
        %sign3A_200 = arith.cmpi sgt, %sub3A_129, %sign3A : i32
        %sign3A_201 = arith.extui %sign3A_200 : i1 to i32
        %sign3A_202 = arith.constant 0 : i32
        %sign3A_203 = arith.cmpi slt, %sub3A_129, %sign3A_202 : i32
        %sign3A_204 = arith.extui %sign3A_203 : i1 to i32
        %sign3A_205 = arith.subi %sign3A_201, %sign3A_204 : i32
        %sign3A_206 = arith.constant 0 : i32
        %sign3A_207 = arith.cmpi sgt, %jit3A, %sign3A_206 : i32
        %sign3A_208 = arith.extui %sign3A_207 : i1 to i32
        %sign3A_209 = arith.constant 0 : i32
        %sign3A_210 = arith.cmpi slt, %jit3A, %sign3A_209 : i32
        %sign3A_211 = arith.extui %sign3A_210 : i1 to i32
        %sign3A_212 = arith.subi %sign3A_208, %sign3A_211 : i32
        %ne3A = arith.cmpi ne, %sign3A_205, %sign3A_212 : i32
        %rem3A = arith.remsi %sub3A_129, %jit3A : i32
        %ne3A_213 = arith.constant 0 : i32
        %ne3A_214 = arith.cmpi ne, %rem3A, %ne3A_213 : i32
        %and3A = arith.andi %ne3A, %ne3A_214 : i1
        %sub3A_215 = arith.constant 1 : i32
        %sub3A_216 = arith.subi %div3A, %sub3A_215 : i32
        %select_n3A = arith.select %and3A, %sub3A_216, %div3A : i32
        %jit3A_217 = arith.constant 4 : i32
        %eq3A = arith.constant 0 : i32
        %eq3A_218 = arith.cmpi eq, %jit3A_217, %eq3A : i32
        %jit3A_219 = arith.constant 1 : i32
        %select_n3A_220 = arith.select %eq3A_218, %jit3A_219, %jit3A_217 : i32
        %rem3A_221 = arith.remsi %sub3A_129, %select_n3A_220 : i32
        %ne3A_222 = arith.constant 0 : i32
        %ne3A_223 = arith.cmpi ne, %rem3A_221, %ne3A_222 : i32
        %lt3A_224 = arith.constant 0 : i32
        %lt3A_225 = arith.cmpi slt, %rem3A_221, %lt3A_224 : i32
        %lt3A_226 = arith.constant 0 : i32
        %lt3A_227 = arith.cmpi slt, %select_n3A_220, %lt3A_226 : i32
        %ne3A_228 = arith.xori %lt3A_225, %lt3A_227 : i1
        %and3A_229 = arith.andi %ne3A_228, %ne3A_223 : i1
        %add3A_230 = arith.addi %rem3A_221, %select_n3A_220 : i32
        %select_n3A_231 = arith.select %and3A_229, %add3A_230, %rem3A_221 : i32
        %mul3A_232 = arith.constant 128 : i32
        %mul3A_233 = arith.muli %select_n3A_231, %mul3A_232 : i32
        %dma_start3A_234 = arith.constant 0 : i32
        %dma_start3A_235 = arith.constant 0 : i32
        %dma_start3A_236 = arith.constant 0 : i32
        %dma_start3A_237 = tpu.memref_slice %arg6[%dma_start3A_234, %dma_start3A_235, %dma_start3A_236] : memref<4x128x64xf32, #tpu.memory_space<vmem>> -> memref<1x128x64xf32, #tpu.memory_space<vmem>>
        %dma_start3A_238 = tpu.memref_squeeze %dma_start3A_237 : memref<1x128x64xf32, #tpu.memory_space<vmem>> -> memref<128x64xf32, #tpu.memory_space<vmem>>
        %dma_start3A_239 = tpu.memref_slice %arg5[%select_n3A, %mul3A_233] : memref<13x512xi32, #tpu.memory_space<vmem>> -> memref<1x128xi32, #tpu.memory_space<vmem>>
        %dma_start3A_240 = tpu.memref_squeeze %dma_start3A_239 : memref<1x128xi32, #tpu.memory_space<vmem>> -> memref<128xi32, #tpu.memory_space<vmem>>
        %dma_start3A_241 = arith.constant 0 : i32
        %dma_start3A_242 = arith.constant 0 : i32
        %dma_start3A_243 = tpu.memref_slice %arg3[%dma_start3A_241, %dma_start3A_242] : memref<1000000x64xf32, #tpu.memory_space<hbm>> -> memref<1000000x64xf32, #tpu.memory_space<hbm>>
        tpu.enqueue_indirect_dma source(%dma_start3A_243 : memref<1000000x64xf32, #tpu.memory_space<hbm>>) target(%dma_start3A_238 : memref<128x64xf32, #tpu.memory_space<vmem>>) offsets(%dma_start3A_240 : memref<128xi32, #tpu.memory_space<vmem>>) semaphore(%arg7 : memref<!tpu.dma_semaphore, #tpu.memory_space<semaphore_mem>>)
      } else {
      }
      %add3A_135 = arith.constant 128 : i32
      %add3A_136 = arith.addi %mul3A_2, %add3A_135 : i32
      %mul3A_137 = arith.constant 64 : i32
      %mul3A_138 = arith.muli %add3A_84, %mul3A_137 : i32
      %run_scoped3A_139 = arith.constant 1 : i32
      "tpu.region"() ({
        %run_scoped3A_200 = tpu.sem_alloc : memref<!tpu.dma_semaphore, #tpu.memory_space<semaphore_mem>>
        %dma_start3A_201 = arith.constant 0 : i32
        %dma_start3A_202 = arith.constant 0 : i32
        %dma_start3A_203 = tpu.memref_slice %arg6[%run_scoped3A_139, %dma_start3A_201, %dma_start3A_202] : memref<4x128x64xf32, #tpu.memory_space<vmem>> -> memref<1x128x64xf32, #tpu.memory_space<vmem>>
        %dma_start3A_204 = tpu.memref_squeeze %dma_start3A_203 : memref<1x128x64xf32, #tpu.memory_space<vmem>> -> memref<128x64xf32, #tpu.memory_space<vmem>>
        %dma_start3A_205 = tpu.memref_slice %arg4[%add3A_136, %mul3A_138] : memref<16384x832xf32, #tpu.memory_space<hbm>> -> memref<128x64xf32, #tpu.memory_space<hbm>>
        %dma_start3A_206 = tpu.memref_slice %arg4[%add3A_136, %mul3A_138] : memref<16384x832xf32, #tpu.memory_space<hbm>> -> memref<128x64xf32, #tpu.memory_space<hbm>>
        %dma_start3A_207 = arith.constant 0 : i32
        %dma_start3A_208 = arith.constant 0 : i32
        %dma_start3A_209 = tpu.memref_slice %arg6[%run_scoped3A_139, %dma_start3A_207, %dma_start3A_208] : memref<4x128x64xf32, #tpu.memory_space<vmem>> -> memref<1x128x64xf32, #tpu.memory_space<vmem>>
        %dma_start3A_210 = tpu.memref_squeeze %dma_start3A_209 : memref<1x128x64xf32, #tpu.memory_space<vmem>> -> memref<128x64xf32, #tpu.memory_space<vmem>>
        tpu.enqueue_dma source(%dma_start3A_210 : memref<128x64xf32, #tpu.memory_space<vmem>>) target(%dma_start3A_206 : memref<128x64xf32, #tpu.memory_space<hbm>>) target_semaphore(%run_scoped3A_200 : memref<!tpu.dma_semaphore, #tpu.memory_space<semaphore_mem>>)
        %dma_wait3A_211 = arith.constant 0 : i32
        %dma_wait3A_212 = arith.constant 0 : i32
        %dma_wait3A_213 = tpu.memref_slice %arg6[%run_scoped3A_139, %dma_wait3A_211, %dma_wait3A_212] : memref<4x128x64xf32, #tpu.memory_space<vmem>> -> memref<1x128x64xf32, #tpu.memory_space<vmem>>
        %dma_wait3A_214 = tpu.memref_squeeze %dma_wait3A_213 : memref<1x128x64xf32, #tpu.memory_space<vmem>> -> memref<128x64xf32, #tpu.memory_space<vmem>>
        %dma_wait3A_215 = tpu.memref_slice %arg4[%add3A_136, %mul3A_138] : memref<16384x832xf32, #tpu.memory_space<hbm>> -> memref<128x64xf32, #tpu.memory_space<hbm>>
        %dma_wait3A_216 = tpu.memref_slice %arg4[%add3A_136, %mul3A_138] : memref<16384x832xf32, #tpu.memory_space<hbm>> -> memref<128x64xf32, #tpu.memory_space<hbm>>
        %dma_wait3A_217 = arith.constant 0 : i32
        %dma_wait3A_218 = arith.constant 0 : i32
        %dma_wait3A_219 = tpu.memref_slice %arg6[%run_scoped3A_139, %dma_wait3A_217, %dma_wait3A_218] : memref<4x128x64xf32, #tpu.memory_space<vmem>> -> memref<1x128x64xf32, #tpu.memory_space<vmem>>
        %dma_wait3A_220 = tpu.memref_squeeze %dma_wait3A_219 : memref<1x128x64xf32, #tpu.memory_space<vmem>> -> memref<128x64xf32, #tpu.memory_space<vmem>>
        tpu.wait_dma2 semaphore(%run_scoped3A_200 : memref<!tpu.dma_semaphore, #tpu.memory_space<semaphore_mem>>) src(%dma_wait3A_220 : memref<128x64xf32, #tpu.memory_space<vmem>>) dst(%dma_wait3A_216 : memref<128x64xf32, #tpu.memory_space<hbm>>)
        tpu.yield
      }) : () -> ()
      %mul3A_140 = arith.constant 4 : i32
      %mul3A_141 = arith.muli %add3A_84, %mul3A_140 : i32
      %add3A_142 = arith.constant 2 : i32
      %add3A_143 = arith.addi %mul3A_141, %add3A_142 : i32
      %dma_wait3A_144 = arith.constant 0 : i32
      %dma_wait3A_145 = arith.constant 2 : i32
      %dma_wait3A_146 = arith.constant 0 : i32
      %dma_wait3A_147 = arith.constant 0 : i32
      %dma_wait3A_148 = tpu.memref_slice %arg6[%dma_wait3A_145, %dma_wait3A_146, %dma_wait3A_147] : memref<4x128x64xf32, #tpu.memory_space<vmem>> -> memref<1x128x64xf32, #tpu.memory_space<vmem>>
      %dma_wait3A_149 = tpu.memref_squeeze %dma_wait3A_148 : memref<1x128x64xf32, #tpu.memory_space<vmem>> -> memref<128x64xf32, #tpu.memory_space<vmem>>
      %dma_wait3A_150 = arith.constant 0 : i32
      %dma_wait3A_151 = tpu.memref_slice %arg5[%dma_wait3A_144, %dma_wait3A_150] : memref<13x512xi32, #tpu.memory_space<vmem>> -> memref<1x128xi32, #tpu.memory_space<vmem>>
      %dma_wait3A_152 = tpu.memref_squeeze %dma_wait3A_151 : memref<1x128xi32, #tpu.memory_space<vmem>> -> memref<128xi32, #tpu.memory_space<vmem>>
      %dma_wait3A_153 = arith.constant 0 : i32
      %dma_wait3A_154 = arith.constant 0 : i32
      %dma_wait3A_155 = tpu.memref_slice %arg3[%dma_wait3A_153, %dma_wait3A_154] : memref<1000000x64xf32, #tpu.memory_space<hbm>> -> memref<1000000x64xf32, #tpu.memory_space<hbm>>
      tpu.wait_indirect_dma semaphore(%arg9 : memref<!tpu.dma_semaphore, #tpu.memory_space<semaphore_mem>>) src(%dma_wait3A_155 : memref<1000000x64xf32, #tpu.memory_space<hbm>>) dst(%dma_wait3A_149 : memref<128x64xf32, #tpu.memory_space<vmem>>)
      %add3A_156 = arith.constant 4 : i32
      %add3A_157 = arith.addi %add3A_143, %add3A_156 : i32
      %sub3A_158 = arith.constant 1 : i32
      %sub3A_159 = arith.subi %add3A_157, %sub3A_158 : i32
      %lt3A_160 = arith.constant 52 : i32
      %lt3A_161 = arith.cmpi slt, %sub3A_159, %lt3A_160 : i32
      %convert_element_type3A_162 = arith.extui %lt3A_161 : i1 to i32
      %cond3A_163 = arith.constant 0 : i32
      %cond3A_164 = arith.cmpi ne, %convert_element_type3A_162, %cond3A_163 : i32
      scf.if %cond3A_164 {
        %jit3A = arith.constant 4 : i32
        %div3A = arith.divsi %sub3A_159, %jit3A : i32
        %sign3A = arith.constant 0 : i32
        %sign3A_200 = arith.cmpi sgt, %sub3A_159, %sign3A : i32
        %sign3A_201 = arith.extui %sign3A_200 : i1 to i32
        %sign3A_202 = arith.constant 0 : i32
        %sign3A_203 = arith.cmpi slt, %sub3A_159, %sign3A_202 : i32
        %sign3A_204 = arith.extui %sign3A_203 : i1 to i32
        %sign3A_205 = arith.subi %sign3A_201, %sign3A_204 : i32
        %sign3A_206 = arith.constant 0 : i32
        %sign3A_207 = arith.cmpi sgt, %jit3A, %sign3A_206 : i32
        %sign3A_208 = arith.extui %sign3A_207 : i1 to i32
        %sign3A_209 = arith.constant 0 : i32
        %sign3A_210 = arith.cmpi slt, %jit3A, %sign3A_209 : i32
        %sign3A_211 = arith.extui %sign3A_210 : i1 to i32
        %sign3A_212 = arith.subi %sign3A_208, %sign3A_211 : i32
        %ne3A = arith.cmpi ne, %sign3A_205, %sign3A_212 : i32
        %rem3A = arith.remsi %sub3A_159, %jit3A : i32
        %ne3A_213 = arith.constant 0 : i32
        %ne3A_214 = arith.cmpi ne, %rem3A, %ne3A_213 : i32
        %and3A = arith.andi %ne3A, %ne3A_214 : i1
        %sub3A_215 = arith.constant 1 : i32
        %sub3A_216 = arith.subi %div3A, %sub3A_215 : i32
        %select_n3A = arith.select %and3A, %sub3A_216, %div3A : i32
        %jit3A_217 = arith.constant 4 : i32
        %eq3A = arith.constant 0 : i32
        %eq3A_218 = arith.cmpi eq, %jit3A_217, %eq3A : i32
        %jit3A_219 = arith.constant 1 : i32
        %select_n3A_220 = arith.select %eq3A_218, %jit3A_219, %jit3A_217 : i32
        %rem3A_221 = arith.remsi %sub3A_159, %select_n3A_220 : i32
        %ne3A_222 = arith.constant 0 : i32
        %ne3A_223 = arith.cmpi ne, %rem3A_221, %ne3A_222 : i32
        %lt3A_224 = arith.constant 0 : i32
        %lt3A_225 = arith.cmpi slt, %rem3A_221, %lt3A_224 : i32
        %lt3A_226 = arith.constant 0 : i32
        %lt3A_227 = arith.cmpi slt, %select_n3A_220, %lt3A_226 : i32
        %ne3A_228 = arith.xori %lt3A_225, %lt3A_227 : i1
        %and3A_229 = arith.andi %ne3A_228, %ne3A_223 : i1
        %add3A_230 = arith.addi %rem3A_221, %select_n3A_220 : i32
        %select_n3A_231 = arith.select %and3A_229, %add3A_230, %rem3A_221 : i32
        %mul3A_232 = arith.constant 128 : i32
        %mul3A_233 = arith.muli %select_n3A_231, %mul3A_232 : i32
        %dma_start3A_234 = arith.constant 1 : i32
        %dma_start3A_235 = arith.constant 0 : i32
        %dma_start3A_236 = arith.constant 0 : i32
        %dma_start3A_237 = tpu.memref_slice %arg6[%dma_start3A_234, %dma_start3A_235, %dma_start3A_236] : memref<4x128x64xf32, #tpu.memory_space<vmem>> -> memref<1x128x64xf32, #tpu.memory_space<vmem>>
        %dma_start3A_238 = tpu.memref_squeeze %dma_start3A_237 : memref<1x128x64xf32, #tpu.memory_space<vmem>> -> memref<128x64xf32, #tpu.memory_space<vmem>>
        %dma_start3A_239 = tpu.memref_slice %arg5[%select_n3A, %mul3A_233] : memref<13x512xi32, #tpu.memory_space<vmem>> -> memref<1x128xi32, #tpu.memory_space<vmem>>
        %dma_start3A_240 = tpu.memref_squeeze %dma_start3A_239 : memref<1x128xi32, #tpu.memory_space<vmem>> -> memref<128xi32, #tpu.memory_space<vmem>>
        %dma_start3A_241 = arith.constant 0 : i32
        %dma_start3A_242 = arith.constant 0 : i32
        %dma_start3A_243 = tpu.memref_slice %arg3[%dma_start3A_241, %dma_start3A_242] : memref<1000000x64xf32, #tpu.memory_space<hbm>> -> memref<1000000x64xf32, #tpu.memory_space<hbm>>
        tpu.enqueue_indirect_dma source(%dma_start3A_243 : memref<1000000x64xf32, #tpu.memory_space<hbm>>) target(%dma_start3A_238 : memref<128x64xf32, #tpu.memory_space<vmem>>) offsets(%dma_start3A_240 : memref<128xi32, #tpu.memory_space<vmem>>) semaphore(%arg8 : memref<!tpu.dma_semaphore, #tpu.memory_space<semaphore_mem>>)
      } else {
      }
      %add3A_165 = arith.constant 256 : i32
      %add3A_166 = arith.addi %mul3A_2, %add3A_165 : i32
      %mul3A_167 = arith.constant 64 : i32
      %mul3A_168 = arith.muli %add3A_84, %mul3A_167 : i32
      %run_scoped3A_169 = arith.constant 2 : i32
      "tpu.region"() ({
        %run_scoped3A_200 = tpu.sem_alloc : memref<!tpu.dma_semaphore, #tpu.memory_space<semaphore_mem>>
        %dma_start3A_201 = arith.constant 0 : i32
        %dma_start3A_202 = arith.constant 0 : i32
        %dma_start3A_203 = tpu.memref_slice %arg6[%run_scoped3A_169, %dma_start3A_201, %dma_start3A_202] : memref<4x128x64xf32, #tpu.memory_space<vmem>> -> memref<1x128x64xf32, #tpu.memory_space<vmem>>
        %dma_start3A_204 = tpu.memref_squeeze %dma_start3A_203 : memref<1x128x64xf32, #tpu.memory_space<vmem>> -> memref<128x64xf32, #tpu.memory_space<vmem>>
        %dma_start3A_205 = tpu.memref_slice %arg4[%add3A_166, %mul3A_168] : memref<16384x832xf32, #tpu.memory_space<hbm>> -> memref<128x64xf32, #tpu.memory_space<hbm>>
        %dma_start3A_206 = tpu.memref_slice %arg4[%add3A_166, %mul3A_168] : memref<16384x832xf32, #tpu.memory_space<hbm>> -> memref<128x64xf32, #tpu.memory_space<hbm>>
        %dma_start3A_207 = arith.constant 0 : i32
        %dma_start3A_208 = arith.constant 0 : i32
        %dma_start3A_209 = tpu.memref_slice %arg6[%run_scoped3A_169, %dma_start3A_207, %dma_start3A_208] : memref<4x128x64xf32, #tpu.memory_space<vmem>> -> memref<1x128x64xf32, #tpu.memory_space<vmem>>
        %dma_start3A_210 = tpu.memref_squeeze %dma_start3A_209 : memref<1x128x64xf32, #tpu.memory_space<vmem>> -> memref<128x64xf32, #tpu.memory_space<vmem>>
        tpu.enqueue_dma source(%dma_start3A_210 : memref<128x64xf32, #tpu.memory_space<vmem>>) target(%dma_start3A_206 : memref<128x64xf32, #tpu.memory_space<hbm>>) target_semaphore(%run_scoped3A_200 : memref<!tpu.dma_semaphore, #tpu.memory_space<semaphore_mem>>)
        %dma_wait3A_211 = arith.constant 0 : i32
        %dma_wait3A_212 = arith.constant 0 : i32
        %dma_wait3A_213 = tpu.memref_slice %arg6[%run_scoped3A_169, %dma_wait3A_211, %dma_wait3A_212] : memref<4x128x64xf32, #tpu.memory_space<vmem>> -> memref<1x128x64xf32, #tpu.memory_space<vmem>>
        %dma_wait3A_214 = tpu.memref_squeeze %dma_wait3A_213 : memref<1x128x64xf32, #tpu.memory_space<vmem>> -> memref<128x64xf32, #tpu.memory_space<vmem>>
        %dma_wait3A_215 = tpu.memref_slice %arg4[%add3A_166, %mul3A_168] : memref<16384x832xf32, #tpu.memory_space<hbm>> -> memref<128x64xf32, #tpu.memory_space<hbm>>
        %dma_wait3A_216 = tpu.memref_slice %arg4[%add3A_166, %mul3A_168] : memref<16384x832xf32, #tpu.memory_space<hbm>> -> memref<128x64xf32, #tpu.memory_space<hbm>>
        %dma_wait3A_217 = arith.constant 0 : i32
        %dma_wait3A_218 = arith.constant 0 : i32
        %dma_wait3A_219 = tpu.memref_slice %arg6[%run_scoped3A_169, %dma_wait3A_217, %dma_wait3A_218] : memref<4x128x64xf32, #tpu.memory_space<vmem>> -> memref<1x128x64xf32, #tpu.memory_space<vmem>>
        %dma_wait3A_220 = tpu.memref_squeeze %dma_wait3A_219 : memref<1x128x64xf32, #tpu.memory_space<vmem>> -> memref<128x64xf32, #tpu.memory_space<vmem>>
        tpu.wait_dma2 semaphore(%run_scoped3A_200 : memref<!tpu.dma_semaphore, #tpu.memory_space<semaphore_mem>>) src(%dma_wait3A_220 : memref<128x64xf32, #tpu.memory_space<vmem>>) dst(%dma_wait3A_216 : memref<128x64xf32, #tpu.memory_space<hbm>>)
        tpu.yield
      }) : () -> ()
      %mul3A_170 = arith.constant 4 : i32
      %mul3A_171 = arith.muli %add3A_84, %mul3A_170 : i32
      %add3A_172 = arith.constant 3 : i32
      %add3A_173 = arith.addi %mul3A_171, %add3A_172 : i32
      %dma_wait3A_174 = arith.constant 0 : i32
      %dma_wait3A_175 = arith.constant 3 : i32
      %dma_wait3A_176 = arith.constant 0 : i32
      %dma_wait3A_177 = arith.constant 0 : i32
      %dma_wait3A_178 = tpu.memref_slice %arg6[%dma_wait3A_175, %dma_wait3A_176, %dma_wait3A_177] : memref<4x128x64xf32, #tpu.memory_space<vmem>> -> memref<1x128x64xf32, #tpu.memory_space<vmem>>
      %dma_wait3A_179 = tpu.memref_squeeze %dma_wait3A_178 : memref<1x128x64xf32, #tpu.memory_space<vmem>> -> memref<128x64xf32, #tpu.memory_space<vmem>>
      %dma_wait3A_180 = arith.constant 0 : i32
      %dma_wait3A_181 = tpu.memref_slice %arg5[%dma_wait3A_174, %dma_wait3A_180] : memref<13x512xi32, #tpu.memory_space<vmem>> -> memref<1x128xi32, #tpu.memory_space<vmem>>
      %dma_wait3A_182 = tpu.memref_squeeze %dma_wait3A_181 : memref<1x128xi32, #tpu.memory_space<vmem>> -> memref<128xi32, #tpu.memory_space<vmem>>
      %dma_wait3A_183 = arith.constant 0 : i32
      %dma_wait3A_184 = arith.constant 0 : i32
      %dma_wait3A_185 = tpu.memref_slice %arg3[%dma_wait3A_183, %dma_wait3A_184] : memref<1000000x64xf32, #tpu.memory_space<hbm>> -> memref<1000000x64xf32, #tpu.memory_space<hbm>>
      tpu.wait_indirect_dma semaphore(%arg10 : memref<!tpu.dma_semaphore, #tpu.memory_space<semaphore_mem>>) src(%dma_wait3A_185 : memref<1000000x64xf32, #tpu.memory_space<hbm>>) dst(%dma_wait3A_179 : memref<128x64xf32, #tpu.memory_space<vmem>>)
      %add3A_186 = arith.constant 4 : i32
      %add3A_187 = arith.addi %add3A_173, %add3A_186 : i32
      %sub3A_188 = arith.constant 1 : i32
      %sub3A_189 = arith.subi %add3A_187, %sub3A_188 : i32
      %lt3A_190 = arith.constant 52 : i32
      %lt3A_191 = arith.cmpi slt, %sub3A_189, %lt3A_190 : i32
      %convert_element_type3A_192 = arith.extui %lt3A_191 : i1 to i32
      %cond3A_193 = arith.constant 0 : i32
      %cond3A_194 = arith.cmpi ne, %convert_element_type3A_192, %cond3A_193 : i32
      scf.if %cond3A_194 {
        %jit3A = arith.constant 4 : i32
        %div3A = arith.divsi %sub3A_189, %jit3A : i32
        %sign3A = arith.constant 0 : i32
        %sign3A_200 = arith.cmpi sgt, %sub3A_189, %sign3A : i32
        %sign3A_201 = arith.extui %sign3A_200 : i1 to i32
        %sign3A_202 = arith.constant 0 : i32
        %sign3A_203 = arith.cmpi slt, %sub3A_189, %sign3A_202 : i32
        %sign3A_204 = arith.extui %sign3A_203 : i1 to i32
        %sign3A_205 = arith.subi %sign3A_201, %sign3A_204 : i32
        %sign3A_206 = arith.constant 0 : i32
        %sign3A_207 = arith.cmpi sgt, %jit3A, %sign3A_206 : i32
        %sign3A_208 = arith.extui %sign3A_207 : i1 to i32
        %sign3A_209 = arith.constant 0 : i32
        %sign3A_210 = arith.cmpi slt, %jit3A, %sign3A_209 : i32
        %sign3A_211 = arith.extui %sign3A_210 : i1 to i32
        %sign3A_212 = arith.subi %sign3A_208, %sign3A_211 : i32
        %ne3A = arith.cmpi ne, %sign3A_205, %sign3A_212 : i32
        %rem3A = arith.remsi %sub3A_189, %jit3A : i32
        %ne3A_213 = arith.constant 0 : i32
        %ne3A_214 = arith.cmpi ne, %rem3A, %ne3A_213 : i32
        %and3A = arith.andi %ne3A, %ne3A_214 : i1
        %sub3A_215 = arith.constant 1 : i32
        %sub3A_216 = arith.subi %div3A, %sub3A_215 : i32
        %select_n3A = arith.select %and3A, %sub3A_216, %div3A : i32
        %jit3A_217 = arith.constant 4 : i32
        %eq3A = arith.constant 0 : i32
        %eq3A_218 = arith.cmpi eq, %jit3A_217, %eq3A : i32
        %jit3A_219 = arith.constant 1 : i32
        %select_n3A_220 = arith.select %eq3A_218, %jit3A_219, %jit3A_217 : i32
        %rem3A_221 = arith.remsi %sub3A_189, %select_n3A_220 : i32
        %ne3A_222 = arith.constant 0 : i32
        %ne3A_223 = arith.cmpi ne, %rem3A_221, %ne3A_222 : i32
        %lt3A_224 = arith.constant 0 : i32
        %lt3A_225 = arith.cmpi slt, %rem3A_221, %lt3A_224 : i32
        %lt3A_226 = arith.constant 0 : i32
        %lt3A_227 = arith.cmpi slt, %select_n3A_220, %lt3A_226 : i32
        %ne3A_228 = arith.xori %lt3A_225, %lt3A_227 : i1
        %and3A_229 = arith.andi %ne3A_228, %ne3A_223 : i1
        %add3A_230 = arith.addi %rem3A_221, %select_n3A_220 : i32
        %select_n3A_231 = arith.select %and3A_229, %add3A_230, %rem3A_221 : i32
        %mul3A_232 = arith.constant 128 : i32
        %mul3A_233 = arith.muli %select_n3A_231, %mul3A_232 : i32
        %dma_start3A_234 = arith.constant 2 : i32
        %dma_start3A_235 = arith.constant 0 : i32
        %dma_start3A_236 = arith.constant 0 : i32
        %dma_start3A_237 = tpu.memref_slice %arg6[%dma_start3A_234, %dma_start3A_235, %dma_start3A_236] : memref<4x128x64xf32, #tpu.memory_space<vmem>> -> memref<1x128x64xf32, #tpu.memory_space<vmem>>
        %dma_start3A_238 = tpu.memref_squeeze %dma_start3A_237 : memref<1x128x64xf32, #tpu.memory_space<vmem>> -> memref<128x64xf32, #tpu.memory_space<vmem>>
        %dma_start3A_239 = tpu.memref_slice %arg5[%select_n3A, %mul3A_233] : memref<13x512xi32, #tpu.memory_space<vmem>> -> memref<1x128xi32, #tpu.memory_space<vmem>>
        %dma_start3A_240 = tpu.memref_squeeze %dma_start3A_239 : memref<1x128xi32, #tpu.memory_space<vmem>> -> memref<128xi32, #tpu.memory_space<vmem>>
        %dma_start3A_241 = arith.constant 0 : i32
        %dma_start3A_242 = arith.constant 0 : i32
        %dma_start3A_243 = tpu.memref_slice %arg3[%dma_start3A_241, %dma_start3A_242] : memref<1000000x64xf32, #tpu.memory_space<hbm>> -> memref<1000000x64xf32, #tpu.memory_space<hbm>>
        tpu.enqueue_indirect_dma source(%dma_start3A_243 : memref<1000000x64xf32, #tpu.memory_space<hbm>>) target(%dma_start3A_238 : memref<128x64xf32, #tpu.memory_space<vmem>>) offsets(%dma_start3A_240 : memref<128xi32, #tpu.memory_space<vmem>>) semaphore(%arg9 : memref<!tpu.dma_semaphore, #tpu.memory_space<semaphore_mem>>)
      } else {
      }
      %add3A_195 = arith.constant 384 : i32
      %add3A_196 = arith.addi %mul3A_2, %add3A_195 : i32
      %mul3A_197 = arith.constant 64 : i32
      %mul3A_198 = arith.muli %add3A_84, %mul3A_197 : i32
      %run_scoped3A_199 = arith.constant 3 : i32
      "tpu.region"() ({
        %run_scoped3A_200 = tpu.sem_alloc : memref<!tpu.dma_semaphore, #tpu.memory_space<semaphore_mem>>
        %dma_start3A_201 = arith.constant 0 : i32
        %dma_start3A_202 = arith.constant 0 : i32
        %dma_start3A_203 = tpu.memref_slice %arg6[%run_scoped3A_199, %dma_start3A_201, %dma_start3A_202] : memref<4x128x64xf32, #tpu.memory_space<vmem>> -> memref<1x128x64xf32, #tpu.memory_space<vmem>>
        %dma_start3A_204 = tpu.memref_squeeze %dma_start3A_203 : memref<1x128x64xf32, #tpu.memory_space<vmem>> -> memref<128x64xf32, #tpu.memory_space<vmem>>
        %dma_start3A_205 = tpu.memref_slice %arg4[%add3A_196, %mul3A_198] : memref<16384x832xf32, #tpu.memory_space<hbm>> -> memref<128x64xf32, #tpu.memory_space<hbm>>
        %dma_start3A_206 = tpu.memref_slice %arg4[%add3A_196, %mul3A_198] : memref<16384x832xf32, #tpu.memory_space<hbm>> -> memref<128x64xf32, #tpu.memory_space<hbm>>
        %dma_start3A_207 = arith.constant 0 : i32
        %dma_start3A_208 = arith.constant 0 : i32
        %dma_start3A_209 = tpu.memref_slice %arg6[%run_scoped3A_199, %dma_start3A_207, %dma_start3A_208] : memref<4x128x64xf32, #tpu.memory_space<vmem>> -> memref<1x128x64xf32, #tpu.memory_space<vmem>>
        %dma_start3A_210 = tpu.memref_squeeze %dma_start3A_209 : memref<1x128x64xf32, #tpu.memory_space<vmem>> -> memref<128x64xf32, #tpu.memory_space<vmem>>
        tpu.enqueue_dma source(%dma_start3A_210 : memref<128x64xf32, #tpu.memory_space<vmem>>) target(%dma_start3A_206 : memref<128x64xf32, #tpu.memory_space<hbm>>) target_semaphore(%run_scoped3A_200 : memref<!tpu.dma_semaphore, #tpu.memory_space<semaphore_mem>>)
        %dma_wait3A_211 = arith.constant 0 : i32
        %dma_wait3A_212 = arith.constant 0 : i32
        %dma_wait3A_213 = tpu.memref_slice %arg6[%run_scoped3A_199, %dma_wait3A_211, %dma_wait3A_212] : memref<4x128x64xf32, #tpu.memory_space<vmem>> -> memref<1x128x64xf32, #tpu.memory_space<vmem>>
        %dma_wait3A_214 = tpu.memref_squeeze %dma_wait3A_213 : memref<1x128x64xf32, #tpu.memory_space<vmem>> -> memref<128x64xf32, #tpu.memory_space<vmem>>
        %dma_wait3A_215 = tpu.memref_slice %arg4[%add3A_196, %mul3A_198] : memref<16384x832xf32, #tpu.memory_space<hbm>> -> memref<128x64xf32, #tpu.memory_space<hbm>>
        %dma_wait3A_216 = tpu.memref_slice %arg4[%add3A_196, %mul3A_198] : memref<16384x832xf32, #tpu.memory_space<hbm>> -> memref<128x64xf32, #tpu.memory_space<hbm>>
        %dma_wait3A_217 = arith.constant 0 : i32
        %dma_wait3A_218 = arith.constant 0 : i32
        %dma_wait3A_219 = tpu.memref_slice %arg6[%run_scoped3A_199, %dma_wait3A_217, %dma_wait3A_218] : memref<4x128x64xf32, #tpu.memory_space<vmem>> -> memref<1x128x64xf32, #tpu.memory_space<vmem>>
        %dma_wait3A_220 = tpu.memref_squeeze %dma_wait3A_219 : memref<1x128x64xf32, #tpu.memory_space<vmem>> -> memref<128x64xf32, #tpu.memory_space<vmem>>
        tpu.wait_dma2 semaphore(%run_scoped3A_200 : memref<!tpu.dma_semaphore, #tpu.memory_space<semaphore_mem>>) src(%dma_wait3A_220 : memref<128x64xf32, #tpu.memory_space<vmem>>) dst(%dma_wait3A_216 : memref<128x64xf32, #tpu.memory_space<hbm>>)
        tpu.yield
      }) : () -> ()
    }
    %scan3A_79 = arith.constant 13 : i32
    return
  }
}

#map = affine_map<(d0, d1) -> (0)>
#map1 = affine_map<(d0, d1) -> (0, 0)>
module attributes {stable_mosaic.version = 14 : i64} {
  func.func @_gather_kernel(%arg0: i32, %arg1: i32, %arg2: memref<212992xi32, #tpu.memory_space<hbm>>, %arg3: memref<1000000x64xf32, #tpu.memory_space<hbm>>, %arg4: memref<16384x832xf32, #tpu.memory_space<hbm>>, %arg5: memref<13x512xi32, #tpu.memory_space<vmem>>, %arg6: memref<4x128x64xf32, #tpu.memory_space<vmem>>, %arg7: memref<!tpu.dma_semaphore, #tpu.memory_space<semaphore_mem>>, %arg8: memref<!tpu.dma_semaphore, #tpu.memory_space<semaphore_mem>>, %arg9: memref<!tpu.dma_semaphore, #tpu.memory_space<semaphore_mem>>, %arg10: memref<!tpu.dma_semaphore, #tpu.memory_space<semaphore_mem>>) attributes {dimension_semantics = [#tpu.dimension_semantics<core_parallel>, #tpu.dimension_semantics<subcore_parallel>], iteration_bounds = array<i64: 2, 16>, scalar_prefetch = 0 : i64, scratch_operands = 6 : i64, tpu.core_type = #tpu.core_type<sc_vector_subcore>, window_params = [{transform_indices = #map}, {transform_indices = #map1}, {transform_indices = #map1}]} {
    %mul3A = arith.constant 2 : i32
    %mul3A_0 = arith.muli %arg1, %mul3A : i32
    %add3A = arith.addi %mul3A_0, %arg0 : i32
    %mul3A_1 = arith.constant 512 : i32
    %mul3A_2 = arith.muli %add3A, %mul3A_1 : i32
    %add3A_3 = arith.constant 0 : i32
    %add3A_4 = arith.addi %add3A_3, %mul3A_2 : i32
    %run_scoped3A = arith.constant 0 : i32
    "tpu.region"() ({
      %run_scoped3A_80 = tpu.sem_alloc : memref<!tpu.dma_semaphore, #tpu.memory_space<semaphore_mem>>
      %dma_start3A_81 = arith.constant 0 : i32
      %dma_start3A_82 = tpu.memref_slice %arg5[%run_scoped3A, %dma_start3A_81] : memref<13x512xi32, #tpu.memory_space<vmem>> -> memref<1x512xi32, #tpu.memory_space<vmem>>
      %dma_start3A_83 = tpu.memref_squeeze %dma_start3A_82 : memref<1x512xi32, #tpu.memory_space<vmem>> -> memref<512xi32, #tpu.memory_space<vmem>>
      %dma_start3A_84 = tpu.memref_slice %arg2[%add3A_4] : memref<212992xi32, #tpu.memory_space<hbm>> -> memref<512xi32, #tpu.memory_space<hbm>>
      %dma_start3A_85 = arith.constant 0 : i32
      %dma_start3A_86 = tpu.memref_slice %arg5[%run_scoped3A, %dma_start3A_85] : memref<13x512xi32, #tpu.memory_space<vmem>> -> memref<1x512xi32, #tpu.memory_space<vmem>>
      %dma_start3A_87 = tpu.memref_squeeze %dma_start3A_86 : memref<1x512xi32, #tpu.memory_space<vmem>> -> memref<512xi32, #tpu.memory_space<vmem>>
      %dma_start3A_88 = tpu.memref_slice %arg2[%add3A_4] : memref<212992xi32, #tpu.memory_space<hbm>> -> memref<512xi32, #tpu.memory_space<hbm>>
      tpu.enqueue_dma source(%dma_start3A_88 : memref<512xi32, #tpu.memory_space<hbm>>) target(%dma_start3A_87 : memref<512xi32, #tpu.memory_space<vmem>>) target_semaphore(%run_scoped3A_80 : memref<!tpu.dma_semaphore, #tpu.memory_space<semaphore_mem>>)
      %dma_wait3A = arith.constant 0 : i32
      %dma_wait3A_89 = tpu.memref_slice %arg5[%run_scoped3A, %dma_wait3A] : memref<13x512xi32, #tpu.memory_space<vmem>> -> memref<1x512xi32, #tpu.memory_space<vmem>>
      %dma_wait3A_90 = tpu.memref_squeeze %dma_wait3A_89 : memref<1x512xi32, #tpu.memory_space<vmem>> -> memref<512xi32, #tpu.memory_space<vmem>>
      %dma_wait3A_91 = tpu.memref_slice %arg2[%add3A_4] : memref<212992xi32, #tpu.memory_space<hbm>> -> memref<512xi32, #tpu.memory_space<hbm>>
      %dma_wait3A_92 = arith.constant 0 : i32
      %dma_wait3A_93 = tpu.memref_slice %arg5[%run_scoped3A, %dma_wait3A_92] : memref<13x512xi32, #tpu.memory_space<vmem>> -> memref<1x512xi32, #tpu.memory_space<vmem>>
      %dma_wait3A_94 = tpu.memref_squeeze %dma_wait3A_93 : memref<1x512xi32, #tpu.memory_space<vmem>> -> memref<512xi32, #tpu.memory_space<vmem>>
      %dma_wait3A_95 = tpu.memref_slice %arg2[%add3A_4] : memref<212992xi32, #tpu.memory_space<hbm>> -> memref<512xi32, #tpu.memory_space<hbm>>
      tpu.wait_dma2 semaphore(%run_scoped3A_80 : memref<!tpu.dma_semaphore, #tpu.memory_space<semaphore_mem>>) src(%dma_wait3A_95 : memref<512xi32, #tpu.memory_space<hbm>>) dst(%dma_wait3A_94 : memref<512xi32, #tpu.memory_space<vmem>>)
      tpu.yield
    }) : () -> ()
    %add3A_5 = arith.constant 16384 : i32
    %add3A_6 = arith.addi %add3A_5, %mul3A_2 : i32
    %run_scoped3A_7 = arith.constant 1 : i32
    "tpu.region"() ({
      %run_scoped3A_80 = tpu.sem_alloc : memref<!tpu.dma_semaphore, #tpu.memory_space<semaphore_mem>>
      %dma_start3A_81 = arith.constant 0 : i32
      %dma_start3A_82 = tpu.memref_slice %arg5[%run_scoped3A_7, %dma_start3A_81] : memref<13x512xi32, #tpu.memory_space<vmem>> -> memref<1x512xi32, #tpu.memory_space<vmem>>
      %dma_start3A_83 = tpu.memref_squeeze %dma_start3A_82 : memref<1x512xi32, #tpu.memory_space<vmem>> -> memref<512xi32, #tpu.memory_space<vmem>>
      %dma_start3A_84 = tpu.memref_slice %arg2[%add3A_6] : memref<212992xi32, #tpu.memory_space<hbm>> -> memref<512xi32, #tpu.memory_space<hbm>>
      %dma_start3A_85 = arith.constant 0 : i32
      %dma_start3A_86 = tpu.memref_slice %arg5[%run_scoped3A_7, %dma_start3A_85] : memref<13x512xi32, #tpu.memory_space<vmem>> -> memref<1x512xi32, #tpu.memory_space<vmem>>
      %dma_start3A_87 = tpu.memref_squeeze %dma_start3A_86 : memref<1x512xi32, #tpu.memory_space<vmem>> -> memref<512xi32, #tpu.memory_space<vmem>>
      %dma_start3A_88 = tpu.memref_slice %arg2[%add3A_6] : memref<212992xi32, #tpu.memory_space<hbm>> -> memref<512xi32, #tpu.memory_space<hbm>>
      tpu.enqueue_dma source(%dma_start3A_88 : memref<512xi32, #tpu.memory_space<hbm>>) target(%dma_start3A_87 : memref<512xi32, #tpu.memory_space<vmem>>) target_semaphore(%run_scoped3A_80 : memref<!tpu.dma_semaphore, #tpu.memory_space<semaphore_mem>>)
      %dma_wait3A = arith.constant 0 : i32
      %dma_wait3A_89 = tpu.memref_slice %arg5[%run_scoped3A_7, %dma_wait3A] : memref<13x512xi32, #tpu.memory_space<vmem>> -> memref<1x512xi32, #tpu.memory_space<vmem>>
      %dma_wait3A_90 = tpu.memref_squeeze %dma_wait3A_89 : memref<1x512xi32, #tpu.memory_space<vmem>> -> memref<512xi32, #tpu.memory_space<vmem>>
      %dma_wait3A_91 = tpu.memref_slice %arg2[%add3A_6] : memref<212992xi32, #tpu.memory_space<hbm>> -> memref<512xi32, #tpu.memory_space<hbm>>
      %dma_wait3A_92 = arith.constant 0 : i32
      %dma_wait3A_93 = tpu.memref_slice %arg5[%run_scoped3A_7, %dma_wait3A_92] : memref<13x512xi32, #tpu.memory_space<vmem>> -> memref<1x512xi32, #tpu.memory_space<vmem>>
      %dma_wait3A_94 = tpu.memref_squeeze %dma_wait3A_93 : memref<1x512xi32, #tpu.memory_space<vmem>> -> memref<512xi32, #tpu.memory_space<vmem>>
      %dma_wait3A_95 = tpu.memref_slice %arg2[%add3A_6] : memref<212992xi32, #tpu.memory_space<hbm>> -> memref<512xi32, #tpu.memory_space<hbm>>
      tpu.wait_dma2 semaphore(%run_scoped3A_80 : memref<!tpu.dma_semaphore, #tpu.memory_space<semaphore_mem>>) src(%dma_wait3A_95 : memref<512xi32, #tpu.memory_space<hbm>>) dst(%dma_wait3A_94 : memref<512xi32, #tpu.memory_space<vmem>>)
      tpu.yield
    }) : () -> ()
    %add3A_8 = arith.constant 32768 : i32
    %add3A_9 = arith.addi %add3A_8, %mul3A_2 : i32
    %run_scoped3A_10 = arith.constant 2 : i32
    "tpu.region"() ({
      %run_scoped3A_80 = tpu.sem_alloc : memref<!tpu.dma_semaphore, #tpu.memory_space<semaphore_mem>>
      %dma_start3A_81 = arith.constant 0 : i32
      %dma_start3A_82 = tpu.memref_slice %arg5[%run_scoped3A_10, %dma_start3A_81] : memref<13x512xi32, #tpu.memory_space<vmem>> -> memref<1x512xi32, #tpu.memory_space<vmem>>
      %dma_start3A_83 = tpu.memref_squeeze %dma_start3A_82 : memref<1x512xi32, #tpu.memory_space<vmem>> -> memref<512xi32, #tpu.memory_space<vmem>>
      %dma_start3A_84 = tpu.memref_slice %arg2[%add3A_9] : memref<212992xi32, #tpu.memory_space<hbm>> -> memref<512xi32, #tpu.memory_space<hbm>>
      %dma_start3A_85 = arith.constant 0 : i32
      %dma_start3A_86 = tpu.memref_slice %arg5[%run_scoped3A_10, %dma_start3A_85] : memref<13x512xi32, #tpu.memory_space<vmem>> -> memref<1x512xi32, #tpu.memory_space<vmem>>
      %dma_start3A_87 = tpu.memref_squeeze %dma_start3A_86 : memref<1x512xi32, #tpu.memory_space<vmem>> -> memref<512xi32, #tpu.memory_space<vmem>>
      %dma_start3A_88 = tpu.memref_slice %arg2[%add3A_9] : memref<212992xi32, #tpu.memory_space<hbm>> -> memref<512xi32, #tpu.memory_space<hbm>>
      tpu.enqueue_dma source(%dma_start3A_88 : memref<512xi32, #tpu.memory_space<hbm>>) target(%dma_start3A_87 : memref<512xi32, #tpu.memory_space<vmem>>) target_semaphore(%run_scoped3A_80 : memref<!tpu.dma_semaphore, #tpu.memory_space<semaphore_mem>>)
      %dma_wait3A = arith.constant 0 : i32
      %dma_wait3A_89 = tpu.memref_slice %arg5[%run_scoped3A_10, %dma_wait3A] : memref<13x512xi32, #tpu.memory_space<vmem>> -> memref<1x512xi32, #tpu.memory_space<vmem>>
      %dma_wait3A_90 = tpu.memref_squeeze %dma_wait3A_89 : memref<1x512xi32, #tpu.memory_space<vmem>> -> memref<512xi32, #tpu.memory_space<vmem>>
      %dma_wait3A_91 = tpu.memref_slice %arg2[%add3A_9] : memref<212992xi32, #tpu.memory_space<hbm>> -> memref<512xi32, #tpu.memory_space<hbm>>
      %dma_wait3A_92 = arith.constant 0 : i32
      %dma_wait3A_93 = tpu.memref_slice %arg5[%run_scoped3A_10, %dma_wait3A_92] : memref<13x512xi32, #tpu.memory_space<vmem>> -> memref<1x512xi32, #tpu.memory_space<vmem>>
      %dma_wait3A_94 = tpu.memref_squeeze %dma_wait3A_93 : memref<1x512xi32, #tpu.memory_space<vmem>> -> memref<512xi32, #tpu.memory_space<vmem>>
      %dma_wait3A_95 = tpu.memref_slice %arg2[%add3A_9] : memref<212992xi32, #tpu.memory_space<hbm>> -> memref<512xi32, #tpu.memory_space<hbm>>
      tpu.wait_dma2 semaphore(%run_scoped3A_80 : memref<!tpu.dma_semaphore, #tpu.memory_space<semaphore_mem>>) src(%dma_wait3A_95 : memref<512xi32, #tpu.memory_space<hbm>>) dst(%dma_wait3A_94 : memref<512xi32, #tpu.memory_space<vmem>>)
      tpu.yield
    }) : () -> ()
    %add3A_11 = arith.constant 49152 : i32
    %add3A_12 = arith.addi %add3A_11, %mul3A_2 : i32
    %run_scoped3A_13 = arith.constant 3 : i32
    "tpu.region"() ({
      %run_scoped3A_80 = tpu.sem_alloc : memref<!tpu.dma_semaphore, #tpu.memory_space<semaphore_mem>>
      %dma_start3A_81 = arith.constant 0 : i32
      %dma_start3A_82 = tpu.memref_slice %arg5[%run_scoped3A_13, %dma_start3A_81] : memref<13x512xi32, #tpu.memory_space<vmem>> -> memref<1x512xi32, #tpu.memory_space<vmem>>
      %dma_start3A_83 = tpu.memref_squeeze %dma_start3A_82 : memref<1x512xi32, #tpu.memory_space<vmem>> -> memref<512xi32, #tpu.memory_space<vmem>>
      %dma_start3A_84 = tpu.memref_slice %arg2[%add3A_12] : memref<212992xi32, #tpu.memory_space<hbm>> -> memref<512xi32, #tpu.memory_space<hbm>>
      %dma_start3A_85 = arith.constant 0 : i32
      %dma_start3A_86 = tpu.memref_slice %arg5[%run_scoped3A_13, %dma_start3A_85] : memref<13x512xi32, #tpu.memory_space<vmem>> -> memref<1x512xi32, #tpu.memory_space<vmem>>
      %dma_start3A_87 = tpu.memref_squeeze %dma_start3A_86 : memref<1x512xi32, #tpu.memory_space<vmem>> -> memref<512xi32, #tpu.memory_space<vmem>>
      %dma_start3A_88 = tpu.memref_slice %arg2[%add3A_12] : memref<212992xi32, #tpu.memory_space<hbm>> -> memref<512xi32, #tpu.memory_space<hbm>>
      tpu.enqueue_dma source(%dma_start3A_88 : memref<512xi32, #tpu.memory_space<hbm>>) target(%dma_start3A_87 : memref<512xi32, #tpu.memory_space<vmem>>) target_semaphore(%run_scoped3A_80 : memref<!tpu.dma_semaphore, #tpu.memory_space<semaphore_mem>>)
      %dma_wait3A = arith.constant 0 : i32
      %dma_wait3A_89 = tpu.memref_slice %arg5[%run_scoped3A_13, %dma_wait3A] : memref<13x512xi32, #tpu.memory_space<vmem>> -> memref<1x512xi32, #tpu.memory_space<vmem>>
      %dma_wait3A_90 = tpu.memref_squeeze %dma_wait3A_89 : memref<1x512xi32, #tpu.memory_space<vmem>> -> memref<512xi32, #tpu.memory_space<vmem>>
      %dma_wait3A_91 = tpu.memref_slice %arg2[%add3A_12] : memref<212992xi32, #tpu.memory_space<hbm>> -> memref<512xi32, #tpu.memory_space<hbm>>
      %dma_wait3A_92 = arith.constant 0 : i32
      %dma_wait3A_93 = tpu.memref_slice %arg5[%run_scoped3A_13, %dma_wait3A_92] : memref<13x512xi32, #tpu.memory_space<vmem>> -> memref<1x512xi32, #tpu.memory_space<vmem>>
      %dma_wait3A_94 = tpu.memref_squeeze %dma_wait3A_93 : memref<1x512xi32, #tpu.memory_space<vmem>> -> memref<512xi32, #tpu.memory_space<vmem>>
      %dma_wait3A_95 = tpu.memref_slice %arg2[%add3A_12] : memref<212992xi32, #tpu.memory_space<hbm>> -> memref<512xi32, #tpu.memory_space<hbm>>
      tpu.wait_dma2 semaphore(%run_scoped3A_80 : memref<!tpu.dma_semaphore, #tpu.memory_space<semaphore_mem>>) src(%dma_wait3A_95 : memref<512xi32, #tpu.memory_space<hbm>>) dst(%dma_wait3A_94 : memref<512xi32, #tpu.memory_space<vmem>>)
      tpu.yield
    }) : () -> ()
    %add3A_14 = arith.constant 65536 : i32
    %add3A_15 = arith.addi %add3A_14, %mul3A_2 : i32
    %run_scoped3A_16 = arith.constant 4 : i32
    "tpu.region"() ({
      %run_scoped3A_80 = tpu.sem_alloc : memref<!tpu.dma_semaphore, #tpu.memory_space<semaphore_mem>>
      %dma_start3A_81 = arith.constant 0 : i32
      %dma_start3A_82 = tpu.memref_slice %arg5[%run_scoped3A_16, %dma_start3A_81] : memref<13x512xi32, #tpu.memory_space<vmem>> -> memref<1x512xi32, #tpu.memory_space<vmem>>
      %dma_start3A_83 = tpu.memref_squeeze %dma_start3A_82 : memref<1x512xi32, #tpu.memory_space<vmem>> -> memref<512xi32, #tpu.memory_space<vmem>>
      %dma_start3A_84 = tpu.memref_slice %arg2[%add3A_15] : memref<212992xi32, #tpu.memory_space<hbm>> -> memref<512xi32, #tpu.memory_space<hbm>>
      %dma_start3A_85 = arith.constant 0 : i32
      %dma_start3A_86 = tpu.memref_slice %arg5[%run_scoped3A_16, %dma_start3A_85] : memref<13x512xi32, #tpu.memory_space<vmem>> -> memref<1x512xi32, #tpu.memory_space<vmem>>
      %dma_start3A_87 = tpu.memref_squeeze %dma_start3A_86 : memref<1x512xi32, #tpu.memory_space<vmem>> -> memref<512xi32, #tpu.memory_space<vmem>>
      %dma_start3A_88 = tpu.memref_slice %arg2[%add3A_15] : memref<212992xi32, #tpu.memory_space<hbm>> -> memref<512xi32, #tpu.memory_space<hbm>>
      tpu.enqueue_dma source(%dma_start3A_88 : memref<512xi32, #tpu.memory_space<hbm>>) target(%dma_start3A_87 : memref<512xi32, #tpu.memory_space<vmem>>) target_semaphore(%run_scoped3A_80 : memref<!tpu.dma_semaphore, #tpu.memory_space<semaphore_mem>>)
      %dma_wait3A = arith.constant 0 : i32
      %dma_wait3A_89 = tpu.memref_slice %arg5[%run_scoped3A_16, %dma_wait3A] : memref<13x512xi32, #tpu.memory_space<vmem>> -> memref<1x512xi32, #tpu.memory_space<vmem>>
      %dma_wait3A_90 = tpu.memref_squeeze %dma_wait3A_89 : memref<1x512xi32, #tpu.memory_space<vmem>> -> memref<512xi32, #tpu.memory_space<vmem>>
      %dma_wait3A_91 = tpu.memref_slice %arg2[%add3A_15] : memref<212992xi32, #tpu.memory_space<hbm>> -> memref<512xi32, #tpu.memory_space<hbm>>
      %dma_wait3A_92 = arith.constant 0 : i32
      %dma_wait3A_93 = tpu.memref_slice %arg5[%run_scoped3A_16, %dma_wait3A_92] : memref<13x512xi32, #tpu.memory_space<vmem>> -> memref<1x512xi32, #tpu.memory_space<vmem>>
      %dma_wait3A_94 = tpu.memref_squeeze %dma_wait3A_93 : memref<1x512xi32, #tpu.memory_space<vmem>> -> memref<512xi32, #tpu.memory_space<vmem>>
      %dma_wait3A_95 = tpu.memref_slice %arg2[%add3A_15] : memref<212992xi32, #tpu.memory_space<hbm>> -> memref<512xi32, #tpu.memory_space<hbm>>
      tpu.wait_dma2 semaphore(%run_scoped3A_80 : memref<!tpu.dma_semaphore, #tpu.memory_space<semaphore_mem>>) src(%dma_wait3A_95 : memref<512xi32, #tpu.memory_space<hbm>>) dst(%dma_wait3A_94 : memref<512xi32, #tpu.memory_space<vmem>>)
      tpu.yield
    }) : () -> ()
    %add3A_17 = arith.constant 81920 : i32
    %add3A_18 = arith.addi %add3A_17, %mul3A_2 : i32
    %run_scoped3A_19 = arith.constant 5 : i32
    "tpu.region"() ({
      %run_scoped3A_80 = tpu.sem_alloc : memref<!tpu.dma_semaphore, #tpu.memory_space<semaphore_mem>>
      %dma_start3A_81 = arith.constant 0 : i32
      %dma_start3A_82 = tpu.memref_slice %arg5[%run_scoped3A_19, %dma_start3A_81] : memref<13x512xi32, #tpu.memory_space<vmem>> -> memref<1x512xi32, #tpu.memory_space<vmem>>
      %dma_start3A_83 = tpu.memref_squeeze %dma_start3A_82 : memref<1x512xi32, #tpu.memory_space<vmem>> -> memref<512xi32, #tpu.memory_space<vmem>>
      %dma_start3A_84 = tpu.memref_slice %arg2[%add3A_18] : memref<212992xi32, #tpu.memory_space<hbm>> -> memref<512xi32, #tpu.memory_space<hbm>>
      %dma_start3A_85 = arith.constant 0 : i32
      %dma_start3A_86 = tpu.memref_slice %arg5[%run_scoped3A_19, %dma_start3A_85] : memref<13x512xi32, #tpu.memory_space<vmem>> -> memref<1x512xi32, #tpu.memory_space<vmem>>
      %dma_start3A_87 = tpu.memref_squeeze %dma_start3A_86 : memref<1x512xi32, #tpu.memory_space<vmem>> -> memref<512xi32, #tpu.memory_space<vmem>>
      %dma_start3A_88 = tpu.memref_slice %arg2[%add3A_18] : memref<212992xi32, #tpu.memory_space<hbm>> -> memref<512xi32, #tpu.memory_space<hbm>>
      tpu.enqueue_dma source(%dma_start3A_88 : memref<512xi32, #tpu.memory_space<hbm>>) target(%dma_start3A_87 : memref<512xi32, #tpu.memory_space<vmem>>) target_semaphore(%run_scoped3A_80 : memref<!tpu.dma_semaphore, #tpu.memory_space<semaphore_mem>>)
      %dma_wait3A = arith.constant 0 : i32
      %dma_wait3A_89 = tpu.memref_slice %arg5[%run_scoped3A_19, %dma_wait3A] : memref<13x512xi32, #tpu.memory_space<vmem>> -> memref<1x512xi32, #tpu.memory_space<vmem>>
      %dma_wait3A_90 = tpu.memref_squeeze %dma_wait3A_89 : memref<1x512xi32, #tpu.memory_space<vmem>> -> memref<512xi32, #tpu.memory_space<vmem>>
      %dma_wait3A_91 = tpu.memref_slice %arg2[%add3A_18] : memref<212992xi32, #tpu.memory_space<hbm>> -> memref<512xi32, #tpu.memory_space<hbm>>
      %dma_wait3A_92 = arith.constant 0 : i32
      %dma_wait3A_93 = tpu.memref_slice %arg5[%run_scoped3A_19, %dma_wait3A_92] : memref<13x512xi32, #tpu.memory_space<vmem>> -> memref<1x512xi32, #tpu.memory_space<vmem>>
      %dma_wait3A_94 = tpu.memref_squeeze %dma_wait3A_93 : memref<1x512xi32, #tpu.memory_space<vmem>> -> memref<512xi32, #tpu.memory_space<vmem>>
      %dma_wait3A_95 = tpu.memref_slice %arg2[%add3A_18] : memref<212992xi32, #tpu.memory_space<hbm>> -> memref<512xi32, #tpu.memory_space<hbm>>
      tpu.wait_dma2 semaphore(%run_scoped3A_80 : memref<!tpu.dma_semaphore, #tpu.memory_space<semaphore_mem>>) src(%dma_wait3A_95 : memref<512xi32, #tpu.memory_space<hbm>>) dst(%dma_wait3A_94 : memref<512xi32, #tpu.memory_space<vmem>>)
      tpu.yield
    }) : () -> ()
    %add3A_20 = arith.constant 98304 : i32
    %add3A_21 = arith.addi %add3A_20, %mul3A_2 : i32
    %run_scoped3A_22 = arith.constant 6 : i32
    "tpu.region"() ({
      %run_scoped3A_80 = tpu.sem_alloc : memref<!tpu.dma_semaphore, #tpu.memory_space<semaphore_mem>>
      %dma_start3A_81 = arith.constant 0 : i32
      %dma_start3A_82 = tpu.memref_slice %arg5[%run_scoped3A_22, %dma_start3A_81] : memref<13x512xi32, #tpu.memory_space<vmem>> -> memref<1x512xi32, #tpu.memory_space<vmem>>
      %dma_start3A_83 = tpu.memref_squeeze %dma_start3A_82 : memref<1x512xi32, #tpu.memory_space<vmem>> -> memref<512xi32, #tpu.memory_space<vmem>>
      %dma_start3A_84 = tpu.memref_slice %arg2[%add3A_21] : memref<212992xi32, #tpu.memory_space<hbm>> -> memref<512xi32, #tpu.memory_space<hbm>>
      %dma_start3A_85 = arith.constant 0 : i32
      %dma_start3A_86 = tpu.memref_slice %arg5[%run_scoped3A_22, %dma_start3A_85] : memref<13x512xi32, #tpu.memory_space<vmem>> -> memref<1x512xi32, #tpu.memory_space<vmem>>
      %dma_start3A_87 = tpu.memref_squeeze %dma_start3A_86 : memref<1x512xi32, #tpu.memory_space<vmem>> -> memref<512xi32, #tpu.memory_space<vmem>>
      %dma_start3A_88 = tpu.memref_slice %arg2[%add3A_21] : memref<212992xi32, #tpu.memory_space<hbm>> -> memref<512xi32, #tpu.memory_space<hbm>>
      tpu.enqueue_dma source(%dma_start3A_88 : memref<512xi32, #tpu.memory_space<hbm>>) target(%dma_start3A_87 : memref<512xi32, #tpu.memory_space<vmem>>) target_semaphore(%run_scoped3A_80 : memref<!tpu.dma_semaphore, #tpu.memory_space<semaphore_mem>>)
      %dma_wait3A = arith.constant 0 : i32
      %dma_wait3A_89 = tpu.memref_slice %arg5[%run_scoped3A_22, %dma_wait3A] : memref<13x512xi32, #tpu.memory_space<vmem>> -> memref<1x512xi32, #tpu.memory_space<vmem>>
      %dma_wait3A_90 = tpu.memref_squeeze %dma_wait3A_89 : memref<1x512xi32, #tpu.memory_space<vmem>> -> memref<512xi32, #tpu.memory_space<vmem>>
      %dma_wait3A_91 = tpu.memref_slice %arg2[%add3A_21] : memref<212992xi32, #tpu.memory_space<hbm>> -> memref<512xi32, #tpu.memory_space<hbm>>
      %dma_wait3A_92 = arith.constant 0 : i32
      %dma_wait3A_93 = tpu.memref_slice %arg5[%run_scoped3A_22, %dma_wait3A_92] : memref<13x512xi32, #tpu.memory_space<vmem>> -> memref<1x512xi32, #tpu.memory_space<vmem>>
      %dma_wait3A_94 = tpu.memref_squeeze %dma_wait3A_93 : memref<1x512xi32, #tpu.memory_space<vmem>> -> memref<512xi32, #tpu.memory_space<vmem>>
      %dma_wait3A_95 = tpu.memref_slice %arg2[%add3A_21] : memref<212992xi32, #tpu.memory_space<hbm>> -> memref<512xi32, #tpu.memory_space<hbm>>
      tpu.wait_dma2 semaphore(%run_scoped3A_80 : memref<!tpu.dma_semaphore, #tpu.memory_space<semaphore_mem>>) src(%dma_wait3A_95 : memref<512xi32, #tpu.memory_space<hbm>>) dst(%dma_wait3A_94 : memref<512xi32, #tpu.memory_space<vmem>>)
      tpu.yield
    }) : () -> ()
    %add3A_23 = arith.constant 114688 : i32
    %add3A_24 = arith.addi %add3A_23, %mul3A_2 : i32
    %run_scoped3A_25 = arith.constant 7 : i32
    "tpu.region"() ({
      %run_scoped3A_80 = tpu.sem_alloc : memref<!tpu.dma_semaphore, #tpu.memory_space<semaphore_mem>>
      %dma_start3A_81 = arith.constant 0 : i32
      %dma_start3A_82 = tpu.memref_slice %arg5[%run_scoped3A_25, %dma_start3A_81] : memref<13x512xi32, #tpu.memory_space<vmem>> -> memref<1x512xi32, #tpu.memory_space<vmem>>
      %dma_start3A_83 = tpu.memref_squeeze %dma_start3A_82 : memref<1x512xi32, #tpu.memory_space<vmem>> -> memref<512xi32, #tpu.memory_space<vmem>>
      %dma_start3A_84 = tpu.memref_slice %arg2[%add3A_24] : memref<212992xi32, #tpu.memory_space<hbm>> -> memref<512xi32, #tpu.memory_space<hbm>>
      %dma_start3A_85 = arith.constant 0 : i32
      %dma_start3A_86 = tpu.memref_slice %arg5[%run_scoped3A_25, %dma_start3A_85] : memref<13x512xi32, #tpu.memory_space<vmem>> -> memref<1x512xi32, #tpu.memory_space<vmem>>
      %dma_start3A_87 = tpu.memref_squeeze %dma_start3A_86 : memref<1x512xi32, #tpu.memory_space<vmem>> -> memref<512xi32, #tpu.memory_space<vmem>>
      %dma_start3A_88 = tpu.memref_slice %arg2[%add3A_24] : memref<212992xi32, #tpu.memory_space<hbm>> -> memref<512xi32, #tpu.memory_space<hbm>>
      tpu.enqueue_dma source(%dma_start3A_88 : memref<512xi32, #tpu.memory_space<hbm>>) target(%dma_start3A_87 : memref<512xi32, #tpu.memory_space<vmem>>) target_semaphore(%run_scoped3A_80 : memref<!tpu.dma_semaphore, #tpu.memory_space<semaphore_mem>>)
      %dma_wait3A = arith.constant 0 : i32
      %dma_wait3A_89 = tpu.memref_slice %arg5[%run_scoped3A_25, %dma_wait3A] : memref<13x512xi32, #tpu.memory_space<vmem>> -> memref<1x512xi32, #tpu.memory_space<vmem>>
      %dma_wait3A_90 = tpu.memref_squeeze %dma_wait3A_89 : memref<1x512xi32, #tpu.memory_space<vmem>> -> memref<512xi32, #tpu.memory_space<vmem>>
      %dma_wait3A_91 = tpu.memref_slice %arg2[%add3A_24] : memref<212992xi32, #tpu.memory_space<hbm>> -> memref<512xi32, #tpu.memory_space<hbm>>
      %dma_wait3A_92 = arith.constant 0 : i32
      %dma_wait3A_93 = tpu.memref_slice %arg5[%run_scoped3A_25, %dma_wait3A_92] : memref<13x512xi32, #tpu.memory_space<vmem>> -> memref<1x512xi32, #tpu.memory_space<vmem>>
      %dma_wait3A_94 = tpu.memref_squeeze %dma_wait3A_93 : memref<1x512xi32, #tpu.memory_space<vmem>> -> memref<512xi32, #tpu.memory_space<vmem>>
      %dma_wait3A_95 = tpu.memref_slice %arg2[%add3A_24] : memref<212992xi32, #tpu.memory_space<hbm>> -> memref<512xi32, #tpu.memory_space<hbm>>
      tpu.wait_dma2 semaphore(%run_scoped3A_80 : memref<!tpu.dma_semaphore, #tpu.memory_space<semaphore_mem>>) src(%dma_wait3A_95 : memref<512xi32, #tpu.memory_space<hbm>>) dst(%dma_wait3A_94 : memref<512xi32, #tpu.memory_space<vmem>>)
      tpu.yield
    }) : () -> ()
    %add3A_26 = arith.constant 131072 : i32
    %add3A_27 = arith.addi %add3A_26, %mul3A_2 : i32
    %run_scoped3A_28 = arith.constant 8 : i32
    "tpu.region"() ({
      %run_scoped3A_80 = tpu.sem_alloc : memref<!tpu.dma_semaphore, #tpu.memory_space<semaphore_mem>>
      %dma_start3A_81 = arith.constant 0 : i32
      %dma_start3A_82 = tpu.memref_slice %arg5[%run_scoped3A_28, %dma_start3A_81] : memref<13x512xi32, #tpu.memory_space<vmem>> -> memref<1x512xi32, #tpu.memory_space<vmem>>
      %dma_start3A_83 = tpu.memref_squeeze %dma_start3A_82 : memref<1x512xi32, #tpu.memory_space<vmem>> -> memref<512xi32, #tpu.memory_space<vmem>>
      %dma_start3A_84 = tpu.memref_slice %arg2[%add3A_27] : memref<212992xi32, #tpu.memory_space<hbm>> -> memref<512xi32, #tpu.memory_space<hbm>>
      %dma_start3A_85 = arith.constant 0 : i32
      %dma_start3A_86 = tpu.memref_slice %arg5[%run_scoped3A_28, %dma_start3A_85] : memref<13x512xi32, #tpu.memory_space<vmem>> -> memref<1x512xi32, #tpu.memory_space<vmem>>
      %dma_start3A_87 = tpu.memref_squeeze %dma_start3A_86 : memref<1x512xi32, #tpu.memory_space<vmem>> -> memref<512xi32, #tpu.memory_space<vmem>>
      %dma_start3A_88 = tpu.memref_slice %arg2[%add3A_27] : memref<212992xi32, #tpu.memory_space<hbm>> -> memref<512xi32, #tpu.memory_space<hbm>>
      tpu.enqueue_dma source(%dma_start3A_88 : memref<512xi32, #tpu.memory_space<hbm>>) target(%dma_start3A_87 : memref<512xi32, #tpu.memory_space<vmem>>) target_semaphore(%run_scoped3A_80 : memref<!tpu.dma_semaphore, #tpu.memory_space<semaphore_mem>>)
      %dma_wait3A = arith.constant 0 : i32
      %dma_wait3A_89 = tpu.memref_slice %arg5[%run_scoped3A_28, %dma_wait3A] : memref<13x512xi32, #tpu.memory_space<vmem>> -> memref<1x512xi32, #tpu.memory_space<vmem>>
      %dma_wait3A_90 = tpu.memref_squeeze %dma_wait3A_89 : memref<1x512xi32, #tpu.memory_space<vmem>> -> memref<512xi32, #tpu.memory_space<vmem>>
      %dma_wait3A_91 = tpu.memref_slice %arg2[%add3A_27] : memref<212992xi32, #tpu.memory_space<hbm>> -> memref<512xi32, #tpu.memory_space<hbm>>
      %dma_wait3A_92 = arith.constant 0 : i32
      %dma_wait3A_93 = tpu.memref_slice %arg5[%run_scoped3A_28, %dma_wait3A_92] : memref<13x512xi32, #tpu.memory_space<vmem>> -> memref<1x512xi32, #tpu.memory_space<vmem>>
      %dma_wait3A_94 = tpu.memref_squeeze %dma_wait3A_93 : memref<1x512xi32, #tpu.memory_space<vmem>> -> memref<512xi32, #tpu.memory_space<vmem>>
      %dma_wait3A_95 = tpu.memref_slice %arg2[%add3A_27] : memref<212992xi32, #tpu.memory_space<hbm>> -> memref<512xi32, #tpu.memory_space<hbm>>
      tpu.wait_dma2 semaphore(%run_scoped3A_80 : memref<!tpu.dma_semaphore, #tpu.memory_space<semaphore_mem>>) src(%dma_wait3A_95 : memref<512xi32, #tpu.memory_space<hbm>>) dst(%dma_wait3A_94 : memref<512xi32, #tpu.memory_space<vmem>>)
      tpu.yield
    }) : () -> ()
    %add3A_29 = arith.constant 147456 : i32
    %add3A_30 = arith.addi %add3A_29, %mul3A_2 : i32
    %run_scoped3A_31 = arith.constant 9 : i32
    "tpu.region"() ({
      %run_scoped3A_80 = tpu.sem_alloc : memref<!tpu.dma_semaphore, #tpu.memory_space<semaphore_mem>>
      %dma_start3A_81 = arith.constant 0 : i32
      %dma_start3A_82 = tpu.memref_slice %arg5[%run_scoped3A_31, %dma_start3A_81] : memref<13x512xi32, #tpu.memory_space<vmem>> -> memref<1x512xi32, #tpu.memory_space<vmem>>
      %dma_start3A_83 = tpu.memref_squeeze %dma_start3A_82 : memref<1x512xi32, #tpu.memory_space<vmem>> -> memref<512xi32, #tpu.memory_space<vmem>>
      %dma_start3A_84 = tpu.memref_slice %arg2[%add3A_30] : memref<212992xi32, #tpu.memory_space<hbm>> -> memref<512xi32, #tpu.memory_space<hbm>>
      %dma_start3A_85 = arith.constant 0 : i32
      %dma_start3A_86 = tpu.memref_slice %arg5[%run_scoped3A_31, %dma_start3A_85] : memref<13x512xi32, #tpu.memory_space<vmem>> -> memref<1x512xi32, #tpu.memory_space<vmem>>
      %dma_start3A_87 = tpu.memref_squeeze %dma_start3A_86 : memref<1x512xi32, #tpu.memory_space<vmem>> -> memref<512xi32, #tpu.memory_space<vmem>>
      %dma_start3A_88 = tpu.memref_slice %arg2[%add3A_30] : memref<212992xi32, #tpu.memory_space<hbm>> -> memref<512xi32, #tpu.memory_space<hbm>>
      tpu.enqueue_dma source(%dma_start3A_88 : memref<512xi32, #tpu.memory_space<hbm>>) target(%dma_start3A_87 : memref<512xi32, #tpu.memory_space<vmem>>) target_semaphore(%run_scoped3A_80 : memref<!tpu.dma_semaphore, #tpu.memory_space<semaphore_mem>>)
      %dma_wait3A = arith.constant 0 : i32
      %dma_wait3A_89 = tpu.memref_slice %arg5[%run_scoped3A_31, %dma_wait3A] : memref<13x512xi32, #tpu.memory_space<vmem>> -> memref<1x512xi32, #tpu.memory_space<vmem>>
      %dma_wait3A_90 = tpu.memref_squeeze %dma_wait3A_89 : memref<1x512xi32, #tpu.memory_space<vmem>> -> memref<512xi32, #tpu.memory_space<vmem>>
      %dma_wait3A_91 = tpu.memref_slice %arg2[%add3A_30] : memref<212992xi32, #tpu.memory_space<hbm>> -> memref<512xi32, #tpu.memory_space<hbm>>
      %dma_wait3A_92 = arith.constant 0 : i32
      %dma_wait3A_93 = tpu.memref_slice %arg5[%run_scoped3A_31, %dma_wait3A_92] : memref<13x512xi32, #tpu.memory_space<vmem>> -> memref<1x512xi32, #tpu.memory_space<vmem>>
      %dma_wait3A_94 = tpu.memref_squeeze %dma_wait3A_93 : memref<1x512xi32, #tpu.memory_space<vmem>> -> memref<512xi32, #tpu.memory_space<vmem>>
      %dma_wait3A_95 = tpu.memref_slice %arg2[%add3A_30] : memref<212992xi32, #tpu.memory_space<hbm>> -> memref<512xi32, #tpu.memory_space<hbm>>
      tpu.wait_dma2 semaphore(%run_scoped3A_80 : memref<!tpu.dma_semaphore, #tpu.memory_space<semaphore_mem>>) src(%dma_wait3A_95 : memref<512xi32, #tpu.memory_space<hbm>>) dst(%dma_wait3A_94 : memref<512xi32, #tpu.memory_space<vmem>>)
      tpu.yield
    }) : () -> ()
    %add3A_32 = arith.constant 163840 : i32
    %add3A_33 = arith.addi %add3A_32, %mul3A_2 : i32
    %run_scoped3A_34 = arith.constant 10 : i32
    "tpu.region"() ({
      %run_scoped3A_80 = tpu.sem_alloc : memref<!tpu.dma_semaphore, #tpu.memory_space<semaphore_mem>>
      %dma_start3A_81 = arith.constant 0 : i32
      %dma_start3A_82 = tpu.memref_slice %arg5[%run_scoped3A_34, %dma_start3A_81] : memref<13x512xi32, #tpu.memory_space<vmem>> -> memref<1x512xi32, #tpu.memory_space<vmem>>
      %dma_start3A_83 = tpu.memref_squeeze %dma_start3A_82 : memref<1x512xi32, #tpu.memory_space<vmem>> -> memref<512xi32, #tpu.memory_space<vmem>>
      %dma_start3A_84 = tpu.memref_slice %arg2[%add3A_33] : memref<212992xi32, #tpu.memory_space<hbm>> -> memref<512xi32, #tpu.memory_space<hbm>>
      %dma_start3A_85 = arith.constant 0 : i32
      %dma_start3A_86 = tpu.memref_slice %arg5[%run_scoped3A_34, %dma_start3A_85] : memref<13x512xi32, #tpu.memory_space<vmem>> -> memref<1x512xi32, #tpu.memory_space<vmem>>
      %dma_start3A_87 = tpu.memref_squeeze %dma_start3A_86 : memref<1x512xi32, #tpu.memory_space<vmem>> -> memref<512xi32, #tpu.memory_space<vmem>>
      %dma_start3A_88 = tpu.memref_slice %arg2[%add3A_33] : memref<212992xi32, #tpu.memory_space<hbm>> -> memref<512xi32, #tpu.memory_space<hbm>>
      tpu.enqueue_dma source(%dma_start3A_88 : memref<512xi32, #tpu.memory_space<hbm>>) target(%dma_start3A_87 : memref<512xi32, #tpu.memory_space<vmem>>) target_semaphore(%run_scoped3A_80 : memref<!tpu.dma_semaphore, #tpu.memory_space<semaphore_mem>>)
      %dma_wait3A = arith.constant 0 : i32
      %dma_wait3A_89 = tpu.memref_slice %arg5[%run_scoped3A_34, %dma_wait3A] : memref<13x512xi32, #tpu.memory_space<vmem>> -> memref<1x512xi32, #tpu.memory_space<vmem>>
      %dma_wait3A_90 = tpu.memref_squeeze %dma_wait3A_89 : memref<1x512xi32, #tpu.memory_space<vmem>> -> memref<512xi32, #tpu.memory_space<vmem>>
      %dma_wait3A_91 = tpu.memref_slice %arg2[%add3A_33] : memref<212992xi32, #tpu.memory_space<hbm>> -> memref<512xi32, #tpu.memory_space<hbm>>
      %dma_wait3A_92 = arith.constant 0 : i32
      %dma_wait3A_93 = tpu.memref_slice %arg5[%run_scoped3A_34, %dma_wait3A_92] : memref<13x512xi32, #tpu.memory_space<vmem>> -> memref<1x512xi32, #tpu.memory_space<vmem>>
      %dma_wait3A_94 = tpu.memref_squeeze %dma_wait3A_93 : memref<1x512xi32, #tpu.memory_space<vmem>> -> memref<512xi32, #tpu.memory_space<vmem>>
      %dma_wait3A_95 = tpu.memref_slice %arg2[%add3A_33] : memref<212992xi32, #tpu.memory_space<hbm>> -> memref<512xi32, #tpu.memory_space<hbm>>
      tpu.wait_dma2 semaphore(%run_scoped3A_80 : memref<!tpu.dma_semaphore, #tpu.memory_space<semaphore_mem>>) src(%dma_wait3A_95 : memref<512xi32, #tpu.memory_space<hbm>>) dst(%dma_wait3A_94 : memref<512xi32, #tpu.memory_space<vmem>>)
      tpu.yield
    }) : () -> ()
    %add3A_35 = arith.constant 180224 : i32
    %add3A_36 = arith.addi %add3A_35, %mul3A_2 : i32
    %run_scoped3A_37 = arith.constant 11 : i32
    "tpu.region"() ({
      %run_scoped3A_80 = tpu.sem_alloc : memref<!tpu.dma_semaphore, #tpu.memory_space<semaphore_mem>>
      %dma_start3A_81 = arith.constant 0 : i32
      %dma_start3A_82 = tpu.memref_slice %arg5[%run_scoped3A_37, %dma_start3A_81] : memref<13x512xi32, #tpu.memory_space<vmem>> -> memref<1x512xi32, #tpu.memory_space<vmem>>
      %dma_start3A_83 = tpu.memref_squeeze %dma_start3A_82 : memref<1x512xi32, #tpu.memory_space<vmem>> -> memref<512xi32, #tpu.memory_space<vmem>>
      %dma_start3A_84 = tpu.memref_slice %arg2[%add3A_36] : memref<212992xi32, #tpu.memory_space<hbm>> -> memref<512xi32, #tpu.memory_space<hbm>>
      %dma_start3A_85 = arith.constant 0 : i32
      %dma_start3A_86 = tpu.memref_slice %arg5[%run_scoped3A_37, %dma_start3A_85] : memref<13x512xi32, #tpu.memory_space<vmem>> -> memref<1x512xi32, #tpu.memory_space<vmem>>
      %dma_start3A_87 = tpu.memref_squeeze %dma_start3A_86 : memref<1x512xi32, #tpu.memory_space<vmem>> -> memref<512xi32, #tpu.memory_space<vmem>>
      %dma_start3A_88 = tpu.memref_slice %arg2[%add3A_36] : memref<212992xi32, #tpu.memory_space<hbm>> -> memref<512xi32, #tpu.memory_space<hbm>>
      tpu.enqueue_dma source(%dma_start3A_88 : memref<512xi32, #tpu.memory_space<hbm>>) target(%dma_start3A_87 : memref<512xi32, #tpu.memory_space<vmem>>) target_semaphore(%run_scoped3A_80 : memref<!tpu.dma_semaphore, #tpu.memory_space<semaphore_mem>>)
      %dma_wait3A = arith.constant 0 : i32
      %dma_wait3A_89 = tpu.memref_slice %arg5[%run_scoped3A_37, %dma_wait3A] : memref<13x512xi32, #tpu.memory_space<vmem>> -> memref<1x512xi32, #tpu.memory_space<vmem>>
      %dma_wait3A_90 = tpu.memref_squeeze %dma_wait3A_89 : memref<1x512xi32, #tpu.memory_space<vmem>> -> memref<512xi32, #tpu.memory_space<vmem>>
      %dma_wait3A_91 = tpu.memref_slice %arg2[%add3A_36] : memref<212992xi32, #tpu.memory_space<hbm>> -> memref<512xi32, #tpu.memory_space<hbm>>
      %dma_wait3A_92 = arith.constant 0 : i32
      %dma_wait3A_93 = tpu.memref_slice %arg5[%run_scoped3A_37, %dma_wait3A_92] : memref<13x512xi32, #tpu.memory_space<vmem>> -> memref<1x512xi32, #tpu.memory_space<vmem>>
      %dma_wait3A_94 = tpu.memref_squeeze %dma_wait3A_93 : memref<1x512xi32, #tpu.memory_space<vmem>> -> memref<512xi32, #tpu.memory_space<vmem>>
      %dma_wait3A_95 = tpu.memref_slice %arg2[%add3A_36] : memref<212992xi32, #tpu.memory_space<hbm>> -> memref<512xi32, #tpu.memory_space<hbm>>
      tpu.wait_dma2 semaphore(%run_scoped3A_80 : memref<!tpu.dma_semaphore, #tpu.memory_space<semaphore_mem>>) src(%dma_wait3A_95 : memref<512xi32, #tpu.memory_space<hbm>>) dst(%dma_wait3A_94 : memref<512xi32, #tpu.memory_space<vmem>>)
      tpu.yield
    }) : () -> ()
    %add3A_38 = arith.constant 196608 : i32
    %add3A_39 = arith.addi %add3A_38, %mul3A_2 : i32
    %run_scoped3A_40 = arith.constant 12 : i32
    "tpu.region"() ({
      %run_scoped3A_80 = tpu.sem_alloc : memref<!tpu.dma_semaphore, #tpu.memory_space<semaphore_mem>>
      %dma_start3A_81 = arith.constant 0 : i32
      %dma_start3A_82 = tpu.memref_slice %arg5[%run_scoped3A_40, %dma_start3A_81] : memref<13x512xi32, #tpu.memory_space<vmem>> -> memref<1x512xi32, #tpu.memory_space<vmem>>
      %dma_start3A_83 = tpu.memref_squeeze %dma_start3A_82 : memref<1x512xi32, #tpu.memory_space<vmem>> -> memref<512xi32, #tpu.memory_space<vmem>>
      %dma_start3A_84 = tpu.memref_slice %arg2[%add3A_39] : memref<212992xi32, #tpu.memory_space<hbm>> -> memref<512xi32, #tpu.memory_space<hbm>>
      %dma_start3A_85 = arith.constant 0 : i32
      %dma_start3A_86 = tpu.memref_slice %arg5[%run_scoped3A_40, %dma_start3A_85] : memref<13x512xi32, #tpu.memory_space<vmem>> -> memref<1x512xi32, #tpu.memory_space<vmem>>
      %dma_start3A_87 = tpu.memref_squeeze %dma_start3A_86 : memref<1x512xi32, #tpu.memory_space<vmem>> -> memref<512xi32, #tpu.memory_space<vmem>>
      %dma_start3A_88 = tpu.memref_slice %arg2[%add3A_39] : memref<212992xi32, #tpu.memory_space<hbm>> -> memref<512xi32, #tpu.memory_space<hbm>>
      tpu.enqueue_dma source(%dma_start3A_88 : memref<512xi32, #tpu.memory_space<hbm>>) target(%dma_start3A_87 : memref<512xi32, #tpu.memory_space<vmem>>) target_semaphore(%run_scoped3A_80 : memref<!tpu.dma_semaphore, #tpu.memory_space<semaphore_mem>>)
      %dma_wait3A = arith.constant 0 : i32
      %dma_wait3A_89 = tpu.memref_slice %arg5[%run_scoped3A_40, %dma_wait3A] : memref<13x512xi32, #tpu.memory_space<vmem>> -> memref<1x512xi32, #tpu.memory_space<vmem>>
      %dma_wait3A_90 = tpu.memref_squeeze %dma_wait3A_89 : memref<1x512xi32, #tpu.memory_space<vmem>> -> memref<512xi32, #tpu.memory_space<vmem>>
      %dma_wait3A_91 = tpu.memref_slice %arg2[%add3A_39] : memref<212992xi32, #tpu.memory_space<hbm>> -> memref<512xi32, #tpu.memory_space<hbm>>
      %dma_wait3A_92 = arith.constant 0 : i32
      %dma_wait3A_93 = tpu.memref_slice %arg5[%run_scoped3A_40, %dma_wait3A_92] : memref<13x512xi32, #tpu.memory_space<vmem>> -> memref<1x512xi32, #tpu.memory_space<vmem>>
      %dma_wait3A_94 = tpu.memref_squeeze %dma_wait3A_93 : memref<1x512xi32, #tpu.memory_space<vmem>> -> memref<512xi32, #tpu.memory_space<vmem>>
      %dma_wait3A_95 = tpu.memref_slice %arg2[%add3A_39] : memref<212992xi32, #tpu.memory_space<hbm>> -> memref<512xi32, #tpu.memory_space<hbm>>
      tpu.wait_dma2 semaphore(%run_scoped3A_80 : memref<!tpu.dma_semaphore, #tpu.memory_space<semaphore_mem>>) src(%dma_wait3A_95 : memref<512xi32, #tpu.memory_space<hbm>>) dst(%dma_wait3A_94 : memref<512xi32, #tpu.memory_space<vmem>>)
      tpu.yield
    }) : () -> ()
    %dma_start3A = arith.constant 0 : i32
    %dma_start3A_41 = arith.constant 0 : i32
    %dma_start3A_42 = arith.constant 0 : i32
    %dma_start3A_43 = arith.constant 0 : i32
    %dma_start3A_44 = tpu.memref_slice %arg6[%dma_start3A_41, %dma_start3A_42, %dma_start3A_43] : memref<4x128x64xf32, #tpu.memory_space<vmem>> -> memref<1x128x64xf32, #tpu.memory_space<vmem>>
    %dma_start3A_45 = tpu.memref_squeeze %dma_start3A_44 : memref<1x128x64xf32, #tpu.memory_space<vmem>> -> memref<128x64xf32, #tpu.memory_space<vmem>>
    %dma_start3A_46 = arith.constant 0 : i32
    %dma_start3A_47 = tpu.memref_slice %arg5[%dma_start3A, %dma_start3A_46] : memref<13x512xi32, #tpu.memory_space<vmem>> -> memref<1x128xi32, #tpu.memory_space<vmem>>
    %dma_start3A_48 = tpu.memref_squeeze %dma_start3A_47 : memref<1x128xi32, #tpu.memory_space<vmem>> -> memref<128xi32, #tpu.memory_space<vmem>>
    %dma_start3A_49 = arith.constant 0 : i32
    %dma_start3A_50 = arith.constant 0 : i32
    %dma_start3A_51 = tpu.memref_slice %arg3[%dma_start3A_49, %dma_start3A_50] : memref<1000000x64xf32, #tpu.memory_space<hbm>> -> memref<1000000x64xf32, #tpu.memory_space<hbm>>
    tpu.enqueue_indirect_dma source(%dma_start3A_51 : memref<1000000x64xf32, #tpu.memory_space<hbm>>) target(%dma_start3A_45 : memref<128x64xf32, #tpu.memory_space<vmem>>) offsets(%dma_start3A_48 : memref<128xi32, #tpu.memory_space<vmem>>) semaphore(%arg7 : memref<!tpu.dma_semaphore, #tpu.memory_space<semaphore_mem>>)
    %dma_start3A_52 = arith.constant 0 : i32
    %dma_start3A_53 = arith.constant 1 : i32
    %dma_start3A_54 = arith.constant 0 : i32
    %dma_start3A_55 = arith.constant 0 : i32
    %dma_start3A_56 = tpu.memref_slice %arg6[%dma_start3A_53, %dma_start3A_54, %dma_start3A_55] : memref<4x128x64xf32, #tpu.memory_space<vmem>> -> memref<1x128x64xf32, #tpu.memory_space<vmem>>
    %dma_start3A_57 = tpu.memref_squeeze %dma_start3A_56 : memref<1x128x64xf32, #tpu.memory_space<vmem>> -> memref<128x64xf32, #tpu.memory_space<vmem>>
    %dma_start3A_58 = arith.constant 128 : i32
    %dma_start3A_59 = tpu.memref_slice %arg5[%dma_start3A_52, %dma_start3A_58] : memref<13x512xi32, #tpu.memory_space<vmem>> -> memref<1x128xi32, #tpu.memory_space<vmem>>
    %dma_start3A_60 = tpu.memref_squeeze %dma_start3A_59 : memref<1x128xi32, #tpu.memory_space<vmem>> -> memref<128xi32, #tpu.memory_space<vmem>>
    %dma_start3A_61 = arith.constant 0 : i32
    %dma_start3A_62 = arith.constant 0 : i32
    %dma_start3A_63 = tpu.memref_slice %arg3[%dma_start3A_61, %dma_start3A_62] : memref<1000000x64xf32, #tpu.memory_space<hbm>> -> memref<1000000x64xf32, #tpu.memory_space<hbm>>
    tpu.enqueue_indirect_dma source(%dma_start3A_63 : memref<1000000x64xf32, #tpu.memory_space<hbm>>) target(%dma_start3A_57 : memref<128x64xf32, #tpu.memory_space<vmem>>) offsets(%dma_start3A_60 : memref<128xi32, #tpu.memory_space<vmem>>) semaphore(%arg8 : memref<!tpu.dma_semaphore, #tpu.memory_space<semaphore_mem>>)
    %dma_start3A_64 = arith.constant 0 : i32
    %dma_start3A_65 = arith.constant 2 : i32
    %dma_start3A_66 = arith.constant 0 : i32
    %dma_start3A_67 = arith.constant 0 : i32
    %dma_start3A_68 = tpu.memref_slice %arg6[%dma_start3A_65, %dma_start3A_66, %dma_start3A_67] : memref<4x128x64xf32, #tpu.memory_space<vmem>> -> memref<1x128x64xf32, #tpu.memory_space<vmem>>
    %dma_start3A_69 = tpu.memref_squeeze %dma_start3A_68 : memref<1x128x64xf32, #tpu.memory_space<vmem>> -> memref<128x64xf32, #tpu.memory_space<vmem>>
    %dma_start3A_70 = arith.constant 256 : i32
    %dma_start3A_71 = tpu.memref_slice %arg5[%dma_start3A_64, %dma_start3A_70] : memref<13x512xi32, #tpu.memory_space<vmem>> -> memref<1x128xi32, #tpu.memory_space<vmem>>
    %dma_start3A_72 = tpu.memref_squeeze %dma_start3A_71 : memref<1x128xi32, #tpu.memory_space<vmem>> -> memref<128xi32, #tpu.memory_space<vmem>>
    %dma_start3A_73 = arith.constant 0 : i32
    %dma_start3A_74 = arith.constant 0 : i32
    %dma_start3A_75 = tpu.memref_slice %arg3[%dma_start3A_73, %dma_start3A_74] : memref<1000000x64xf32, #tpu.memory_space<hbm>> -> memref<1000000x64xf32, #tpu.memory_space<hbm>>
    tpu.enqueue_indirect_dma source(%dma_start3A_75 : memref<1000000x64xf32, #tpu.memory_space<hbm>>) target(%dma_start3A_69 : memref<128x64xf32, #tpu.memory_space<vmem>>) offsets(%dma_start3A_72 : memref<128xi32, #tpu.memory_space<vmem>>) semaphore(%arg9 : memref<!tpu.dma_semaphore, #tpu.memory_space<semaphore_mem>>)
    %scan3A = arith.constant 0 : i32
    %scan3A_76 = arith.constant 13 : i32
    %scan3A_77 = arith.addi %scan3A, %scan3A_76 : i32
    %scan3A_78 = arith.constant 1 : i32
    scf.for %scan3A_80 = %scan3A to %scan3A_77 step %scan3A_78  : i32 {
      %mul3A_81 = arith.constant 1 : i32
      %mul3A_82 = arith.muli %scan3A_80, %mul3A_81 : i32
      %add3A_83 = arith.constant 0 : i32
      %add3A_84 = arith.addi %add3A_83, %mul3A_82 : i32
      %mul3A_85 = arith.constant 4 : i32
      %mul3A_86 = arith.muli %add3A_84, %mul3A_85 : i32
      %add3A_87 = arith.constant 0 : i32
      %add3A_88 = arith.addi %mul3A_86, %add3A_87 : i32
      %dma_wait3A = arith.constant 0 : i32
      %dma_wait3A_89 = arith.constant 0 : i32
      %dma_wait3A_90 = arith.constant 0 : i32
      %dma_wait3A_91 = arith.constant 0 : i32
      %dma_wait3A_92 = tpu.memref_slice %arg6[%dma_wait3A_89, %dma_wait3A_90, %dma_wait3A_91] : memref<4x128x64xf32, #tpu.memory_space<vmem>> -> memref<1x128x64xf32, #tpu.memory_space<vmem>>
      %dma_wait3A_93 = tpu.memref_squeeze %dma_wait3A_92 : memref<1x128x64xf32, #tpu.memory_space<vmem>> -> memref<128x64xf32, #tpu.memory_space<vmem>>
      %dma_wait3A_94 = arith.constant 0 : i32
      %dma_wait3A_95 = tpu.memref_slice %arg5[%dma_wait3A, %dma_wait3A_94] : memref<13x512xi32, #tpu.memory_space<vmem>> -> memref<1x128xi32, #tpu.memory_space<vmem>>
      %dma_wait3A_96 = tpu.memref_squeeze %dma_wait3A_95 : memref<1x128xi32, #tpu.memory_space<vmem>> -> memref<128xi32, #tpu.memory_space<vmem>>
      %dma_wait3A_97 = arith.constant 0 : i32
      %dma_wait3A_98 = arith.constant 0 : i32
      %dma_wait3A_99 = tpu.memref_slice %arg3[%dma_wait3A_97, %dma_wait3A_98] : memref<1000000x64xf32, #tpu.memory_space<hbm>> -> memref<1000000x64xf32, #tpu.memory_space<hbm>>
      tpu.wait_indirect_dma semaphore(%arg7 : memref<!tpu.dma_semaphore, #tpu.memory_space<semaphore_mem>>) src(%dma_wait3A_99 : memref<1000000x64xf32, #tpu.memory_space<hbm>>) dst(%dma_wait3A_93 : memref<128x64xf32, #tpu.memory_space<vmem>>)
      %add3A_100 = arith.constant 4 : i32
      %add3A_101 = arith.addi %add3A_88, %add3A_100 : i32
      %sub3A = arith.constant 1 : i32
      %sub3A_102 = arith.subi %add3A_101, %sub3A : i32
      %lt3A = arith.constant 52 : i32
      %lt3A_103 = arith.cmpi slt, %sub3A_102, %lt3A : i32
      %convert_element_type3A = arith.extui %lt3A_103 : i1 to i32
      %cond3A = arith.constant 0 : i32
      %cond3A_104 = arith.cmpi ne, %convert_element_type3A, %cond3A : i32
      scf.if %cond3A_104 {
        %jit3A = arith.constant 4 : i32
        %div3A = arith.divsi %sub3A_102, %jit3A : i32
        %sign3A = arith.constant 0 : i32
        %sign3A_200 = arith.cmpi sgt, %sub3A_102, %sign3A : i32
        %sign3A_201 = arith.extui %sign3A_200 : i1 to i32
        %sign3A_202 = arith.constant 0 : i32
        %sign3A_203 = arith.cmpi slt, %sub3A_102, %sign3A_202 : i32
        %sign3A_204 = arith.extui %sign3A_203 : i1 to i32
        %sign3A_205 = arith.subi %sign3A_201, %sign3A_204 : i32
        %sign3A_206 = arith.constant 0 : i32
        %sign3A_207 = arith.cmpi sgt, %jit3A, %sign3A_206 : i32
        %sign3A_208 = arith.extui %sign3A_207 : i1 to i32
        %sign3A_209 = arith.constant 0 : i32
        %sign3A_210 = arith.cmpi slt, %jit3A, %sign3A_209 : i32
        %sign3A_211 = arith.extui %sign3A_210 : i1 to i32
        %sign3A_212 = arith.subi %sign3A_208, %sign3A_211 : i32
        %ne3A = arith.cmpi ne, %sign3A_205, %sign3A_212 : i32
        %rem3A = arith.remsi %sub3A_102, %jit3A : i32
        %ne3A_213 = arith.constant 0 : i32
        %ne3A_214 = arith.cmpi ne, %rem3A, %ne3A_213 : i32
        %and3A = arith.andi %ne3A, %ne3A_214 : i1
        %sub3A_215 = arith.constant 1 : i32
        %sub3A_216 = arith.subi %div3A, %sub3A_215 : i32
        %select_n3A = arith.select %and3A, %sub3A_216, %div3A : i32
        %jit3A_217 = arith.constant 4 : i32
        %eq3A = arith.constant 0 : i32
        %eq3A_218 = arith.cmpi eq, %jit3A_217, %eq3A : i32
        %jit3A_219 = arith.constant 1 : i32
        %select_n3A_220 = arith.select %eq3A_218, %jit3A_219, %jit3A_217 : i32
        %rem3A_221 = arith.remsi %sub3A_102, %select_n3A_220 : i32
        %ne3A_222 = arith.constant 0 : i32
        %ne3A_223 = arith.cmpi ne, %rem3A_221, %ne3A_222 : i32
        %lt3A_224 = arith.constant 0 : i32
        %lt3A_225 = arith.cmpi slt, %rem3A_221, %lt3A_224 : i32
        %lt3A_226 = arith.constant 0 : i32
        %lt3A_227 = arith.cmpi slt, %select_n3A_220, %lt3A_226 : i32
        %ne3A_228 = arith.xori %lt3A_225, %lt3A_227 : i1
        %and3A_229 = arith.andi %ne3A_228, %ne3A_223 : i1
        %add3A_230 = arith.addi %rem3A_221, %select_n3A_220 : i32
        %select_n3A_231 = arith.select %and3A_229, %add3A_230, %rem3A_221 : i32
        %mul3A_232 = arith.constant 128 : i32
        %mul3A_233 = arith.muli %select_n3A_231, %mul3A_232 : i32
        %dma_start3A_234 = arith.constant 3 : i32
        %dma_start3A_235 = arith.constant 0 : i32
        %dma_start3A_236 = arith.constant 0 : i32
        %dma_start3A_237 = tpu.memref_slice %arg6[%dma_start3A_234, %dma_start3A_235, %dma_start3A_236] : memref<4x128x64xf32, #tpu.memory_space<vmem>> -> memref<1x128x64xf32, #tpu.memory_space<vmem>>
        %dma_start3A_238 = tpu.memref_squeeze %dma_start3A_237 : memref<1x128x64xf32, #tpu.memory_space<vmem>> -> memref<128x64xf32, #tpu.memory_space<vmem>>
        %dma_start3A_239 = tpu.memref_slice %arg5[%select_n3A, %mul3A_233] : memref<13x512xi32, #tpu.memory_space<vmem>> -> memref<1x128xi32, #tpu.memory_space<vmem>>
        %dma_start3A_240 = tpu.memref_squeeze %dma_start3A_239 : memref<1x128xi32, #tpu.memory_space<vmem>> -> memref<128xi32, #tpu.memory_space<vmem>>
        %dma_start3A_241 = arith.constant 0 : i32
        %dma_start3A_242 = arith.constant 0 : i32
        %dma_start3A_243 = tpu.memref_slice %arg3[%dma_start3A_241, %dma_start3A_242] : memref<1000000x64xf32, #tpu.memory_space<hbm>> -> memref<1000000x64xf32, #tpu.memory_space<hbm>>
        tpu.enqueue_indirect_dma source(%dma_start3A_243 : memref<1000000x64xf32, #tpu.memory_space<hbm>>) target(%dma_start3A_238 : memref<128x64xf32, #tpu.memory_space<vmem>>) offsets(%dma_start3A_240 : memref<128xi32, #tpu.memory_space<vmem>>) semaphore(%arg10 : memref<!tpu.dma_semaphore, #tpu.memory_space<semaphore_mem>>)
      } else {
      }
      %add3A_105 = arith.constant 0 : i32
      %add3A_106 = arith.addi %mul3A_2, %add3A_105 : i32
      %mul3A_107 = arith.constant 64 : i32
      %mul3A_108 = arith.muli %add3A_84, %mul3A_107 : i32
      %run_scoped3A_109 = arith.constant 0 : i32
      "tpu.region"() ({
        %run_scoped3A_200 = tpu.sem_alloc : memref<!tpu.dma_semaphore, #tpu.memory_space<semaphore_mem>>
        %dma_start3A_201 = arith.constant 0 : i32
        %dma_start3A_202 = arith.constant 0 : i32
        %dma_start3A_203 = tpu.memref_slice %arg6[%run_scoped3A_109, %dma_start3A_201, %dma_start3A_202] : memref<4x128x64xf32, #tpu.memory_space<vmem>> -> memref<1x128x64xf32, #tpu.memory_space<vmem>>
        %dma_start3A_204 = tpu.memref_squeeze %dma_start3A_203 : memref<1x128x64xf32, #tpu.memory_space<vmem>> -> memref<128x64xf32, #tpu.memory_space<vmem>>
        %dma_start3A_205 = tpu.memref_slice %arg4[%add3A_106, %mul3A_108] : memref<16384x832xf32, #tpu.memory_space<hbm>> -> memref<128x64xf32, #tpu.memory_space<hbm>>
        %dma_start3A_206 = tpu.memref_slice %arg4[%add3A_106, %mul3A_108] : memref<16384x832xf32, #tpu.memory_space<hbm>> -> memref<128x64xf32, #tpu.memory_space<hbm>>
        %dma_start3A_207 = arith.constant 0 : i32
        %dma_start3A_208 = arith.constant 0 : i32
        %dma_start3A_209 = tpu.memref_slice %arg6[%run_scoped3A_109, %dma_start3A_207, %dma_start3A_208] : memref<4x128x64xf32, #tpu.memory_space<vmem>> -> memref<1x128x64xf32, #tpu.memory_space<vmem>>
        %dma_start3A_210 = tpu.memref_squeeze %dma_start3A_209 : memref<1x128x64xf32, #tpu.memory_space<vmem>> -> memref<128x64xf32, #tpu.memory_space<vmem>>
        tpu.enqueue_dma source(%dma_start3A_210 : memref<128x64xf32, #tpu.memory_space<vmem>>) target(%dma_start3A_206 : memref<128x64xf32, #tpu.memory_space<hbm>>) target_semaphore(%run_scoped3A_200 : memref<!tpu.dma_semaphore, #tpu.memory_space<semaphore_mem>>)
        %dma_wait3A_211 = arith.constant 0 : i32
        %dma_wait3A_212 = arith.constant 0 : i32
        %dma_wait3A_213 = tpu.memref_slice %arg6[%run_scoped3A_109, %dma_wait3A_211, %dma_wait3A_212] : memref<4x128x64xf32, #tpu.memory_space<vmem>> -> memref<1x128x64xf32, #tpu.memory_space<vmem>>
        %dma_wait3A_214 = tpu.memref_squeeze %dma_wait3A_213 : memref<1x128x64xf32, #tpu.memory_space<vmem>> -> memref<128x64xf32, #tpu.memory_space<vmem>>
        %dma_wait3A_215 = tpu.memref_slice %arg4[%add3A_106, %mul3A_108] : memref<16384x832xf32, #tpu.memory_space<hbm>> -> memref<128x64xf32, #tpu.memory_space<hbm>>
        %dma_wait3A_216 = tpu.memref_slice %arg4[%add3A_106, %mul3A_108] : memref<16384x832xf32, #tpu.memory_space<hbm>> -> memref<128x64xf32, #tpu.memory_space<hbm>>
        %dma_wait3A_217 = arith.constant 0 : i32
        %dma_wait3A_218 = arith.constant 0 : i32
        %dma_wait3A_219 = tpu.memref_slice %arg6[%run_scoped3A_109, %dma_wait3A_217, %dma_wait3A_218] : memref<4x128x64xf32, #tpu.memory_space<vmem>> -> memref<1x128x64xf32, #tpu.memory_space<vmem>>
        %dma_wait3A_220 = tpu.memref_squeeze %dma_wait3A_219 : memref<1x128x64xf32, #tpu.memory_space<vmem>> -> memref<128x64xf32, #tpu.memory_space<vmem>>
        tpu.wait_dma2 semaphore(%run_scoped3A_200 : memref<!tpu.dma_semaphore, #tpu.memory_space<semaphore_mem>>) src(%dma_wait3A_220 : memref<128x64xf32, #tpu.memory_space<vmem>>) dst(%dma_wait3A_216 : memref<128x64xf32, #tpu.memory_space<hbm>>)
        tpu.yield
      }) : () -> ()
      %mul3A_110 = arith.constant 4 : i32
      %mul3A_111 = arith.muli %add3A_84, %mul3A_110 : i32
      %add3A_112 = arith.constant 1 : i32
      %add3A_113 = arith.addi %mul3A_111, %add3A_112 : i32
      %dma_wait3A_114 = arith.constant 0 : i32
      %dma_wait3A_115 = arith.constant 1 : i32
      %dma_wait3A_116 = arith.constant 0 : i32
      %dma_wait3A_117 = arith.constant 0 : i32
      %dma_wait3A_118 = tpu.memref_slice %arg6[%dma_wait3A_115, %dma_wait3A_116, %dma_wait3A_117] : memref<4x128x64xf32, #tpu.memory_space<vmem>> -> memref<1x128x64xf32, #tpu.memory_space<vmem>>
      %dma_wait3A_119 = tpu.memref_squeeze %dma_wait3A_118 : memref<1x128x64xf32, #tpu.memory_space<vmem>> -> memref<128x64xf32, #tpu.memory_space<vmem>>
      %dma_wait3A_120 = arith.constant 0 : i32
      %dma_wait3A_121 = tpu.memref_slice %arg5[%dma_wait3A_114, %dma_wait3A_120] : memref<13x512xi32, #tpu.memory_space<vmem>> -> memref<1x128xi32, #tpu.memory_space<vmem>>
      %dma_wait3A_122 = tpu.memref_squeeze %dma_wait3A_121 : memref<1x128xi32, #tpu.memory_space<vmem>> -> memref<128xi32, #tpu.memory_space<vmem>>
      %dma_wait3A_123 = arith.constant 0 : i32
      %dma_wait3A_124 = arith.constant 0 : i32
      %dma_wait3A_125 = tpu.memref_slice %arg3[%dma_wait3A_123, %dma_wait3A_124] : memref<1000000x64xf32, #tpu.memory_space<hbm>> -> memref<1000000x64xf32, #tpu.memory_space<hbm>>
      tpu.wait_indirect_dma semaphore(%arg8 : memref<!tpu.dma_semaphore, #tpu.memory_space<semaphore_mem>>) src(%dma_wait3A_125 : memref<1000000x64xf32, #tpu.memory_space<hbm>>) dst(%dma_wait3A_119 : memref<128x64xf32, #tpu.memory_space<vmem>>)
      %add3A_126 = arith.constant 4 : i32
      %add3A_127 = arith.addi %add3A_113, %add3A_126 : i32
      %sub3A_128 = arith.constant 1 : i32
      %sub3A_129 = arith.subi %add3A_127, %sub3A_128 : i32
      %lt3A_130 = arith.constant 52 : i32
      %lt3A_131 = arith.cmpi slt, %sub3A_129, %lt3A_130 : i32
      %convert_element_type3A_132 = arith.extui %lt3A_131 : i1 to i32
      %cond3A_133 = arith.constant 0 : i32
      %cond3A_134 = arith.cmpi ne, %convert_element_type3A_132, %cond3A_133 : i32
      scf.if %cond3A_134 {
        %jit3A = arith.constant 4 : i32
        %div3A = arith.divsi %sub3A_129, %jit3A : i32
        %sign3A = arith.constant 0 : i32
        %sign3A_200 = arith.cmpi sgt, %sub3A_129, %sign3A : i32
        %sign3A_201 = arith.extui %sign3A_200 : i1 to i32
        %sign3A_202 = arith.constant 0 : i32
        %sign3A_203 = arith.cmpi slt, %sub3A_129, %sign3A_202 : i32
        %sign3A_204 = arith.extui %sign3A_203 : i1 to i32
        %sign3A_205 = arith.subi %sign3A_201, %sign3A_204 : i32
        %sign3A_206 = arith.constant 0 : i32
        %sign3A_207 = arith.cmpi sgt, %jit3A, %sign3A_206 : i32
        %sign3A_208 = arith.extui %sign3A_207 : i1 to i32
        %sign3A_209 = arith.constant 0 : i32
        %sign3A_210 = arith.cmpi slt, %jit3A, %sign3A_209 : i32
        %sign3A_211 = arith.extui %sign3A_210 : i1 to i32
        %sign3A_212 = arith.subi %sign3A_208, %sign3A_211 : i32
        %ne3A = arith.cmpi ne, %sign3A_205, %sign3A_212 : i32
        %rem3A = arith.remsi %sub3A_129, %jit3A : i32
        %ne3A_213 = arith.constant 0 : i32
        %ne3A_214 = arith.cmpi ne, %rem3A, %ne3A_213 : i32
        %and3A = arith.andi %ne3A, %ne3A_214 : i1
        %sub3A_215 = arith.constant 1 : i32
        %sub3A_216 = arith.subi %div3A, %sub3A_215 : i32
        %select_n3A = arith.select %and3A, %sub3A_216, %div3A : i32
        %jit3A_217 = arith.constant 4 : i32
        %eq3A = arith.constant 0 : i32
        %eq3A_218 = arith.cmpi eq, %jit3A_217, %eq3A : i32
        %jit3A_219 = arith.constant 1 : i32
        %select_n3A_220 = arith.select %eq3A_218, %jit3A_219, %jit3A_217 : i32
        %rem3A_221 = arith.remsi %sub3A_129, %select_n3A_220 : i32
        %ne3A_222 = arith.constant 0 : i32
        %ne3A_223 = arith.cmpi ne, %rem3A_221, %ne3A_222 : i32
        %lt3A_224 = arith.constant 0 : i32
        %lt3A_225 = arith.cmpi slt, %rem3A_221, %lt3A_224 : i32
        %lt3A_226 = arith.constant 0 : i32
        %lt3A_227 = arith.cmpi slt, %select_n3A_220, %lt3A_226 : i32
        %ne3A_228 = arith.xori %lt3A_225, %lt3A_227 : i1
        %and3A_229 = arith.andi %ne3A_228, %ne3A_223 : i1
        %add3A_230 = arith.addi %rem3A_221, %select_n3A_220 : i32
        %select_n3A_231 = arith.select %and3A_229, %add3A_230, %rem3A_221 : i32
        %mul3A_232 = arith.constant 128 : i32
        %mul3A_233 = arith.muli %select_n3A_231, %mul3A_232 : i32
        %dma_start3A_234 = arith.constant 0 : i32
        %dma_start3A_235 = arith.constant 0 : i32
        %dma_start3A_236 = arith.constant 0 : i32
        %dma_start3A_237 = tpu.memref_slice %arg6[%dma_start3A_234, %dma_start3A_235, %dma_start3A_236] : memref<4x128x64xf32, #tpu.memory_space<vmem>> -> memref<1x128x64xf32, #tpu.memory_space<vmem>>
        %dma_start3A_238 = tpu.memref_squeeze %dma_start3A_237 : memref<1x128x64xf32, #tpu.memory_space<vmem>> -> memref<128x64xf32, #tpu.memory_space<vmem>>
        %dma_start3A_239 = tpu.memref_slice %arg5[%select_n3A, %mul3A_233] : memref<13x512xi32, #tpu.memory_space<vmem>> -> memref<1x128xi32, #tpu.memory_space<vmem>>
        %dma_start3A_240 = tpu.memref_squeeze %dma_start3A_239 : memref<1x128xi32, #tpu.memory_space<vmem>> -> memref<128xi32, #tpu.memory_space<vmem>>
        %dma_start3A_241 = arith.constant 0 : i32
        %dma_start3A_242 = arith.constant 0 : i32
        %dma_start3A_243 = tpu.memref_slice %arg3[%dma_start3A_241, %dma_start3A_242] : memref<1000000x64xf32, #tpu.memory_space<hbm>> -> memref<1000000x64xf32, #tpu.memory_space<hbm>>
        tpu.enqueue_indirect_dma source(%dma_start3A_243 : memref<1000000x64xf32, #tpu.memory_space<hbm>>) target(%dma_start3A_238 : memref<128x64xf32, #tpu.memory_space<vmem>>) offsets(%dma_start3A_240 : memref<128xi32, #tpu.memory_space<vmem>>) semaphore(%arg7 : memref<!tpu.dma_semaphore, #tpu.memory_space<semaphore_mem>>)
      } else {
      }
      %add3A_135 = arith.constant 128 : i32
      %add3A_136 = arith.addi %mul3A_2, %add3A_135 : i32
      %mul3A_137 = arith.constant 64 : i32
      %mul3A_138 = arith.muli %add3A_84, %mul3A_137 : i32
      %run_scoped3A_139 = arith.constant 1 : i32
      "tpu.region"() ({
        %run_scoped3A_200 = tpu.sem_alloc : memref<!tpu.dma_semaphore, #tpu.memory_space<semaphore_mem>>
        %dma_start3A_201 = arith.constant 0 : i32
        %dma_start3A_202 = arith.constant 0 : i32
        %dma_start3A_203 = tpu.memref_slice %arg6[%run_scoped3A_139, %dma_start3A_201, %dma_start3A_202] : memref<4x128x64xf32, #tpu.memory_space<vmem>> -> memref<1x128x64xf32, #tpu.memory_space<vmem>>
        %dma_start3A_204 = tpu.memref_squeeze %dma_start3A_203 : memref<1x128x64xf32, #tpu.memory_space<vmem>> -> memref<128x64xf32, #tpu.memory_space<vmem>>
        %dma_start3A_205 = tpu.memref_slice %arg4[%add3A_136, %mul3A_138] : memref<16384x832xf32, #tpu.memory_space<hbm>> -> memref<128x64xf32, #tpu.memory_space<hbm>>
        %dma_start3A_206 = tpu.memref_slice %arg4[%add3A_136, %mul3A_138] : memref<16384x832xf32, #tpu.memory_space<hbm>> -> memref<128x64xf32, #tpu.memory_space<hbm>>
        %dma_start3A_207 = arith.constant 0 : i32
        %dma_start3A_208 = arith.constant 0 : i32
        %dma_start3A_209 = tpu.memref_slice %arg6[%run_scoped3A_139, %dma_start3A_207, %dma_start3A_208] : memref<4x128x64xf32, #tpu.memory_space<vmem>> -> memref<1x128x64xf32, #tpu.memory_space<vmem>>
        %dma_start3A_210 = tpu.memref_squeeze %dma_start3A_209 : memref<1x128x64xf32, #tpu.memory_space<vmem>> -> memref<128x64xf32, #tpu.memory_space<vmem>>
        tpu.enqueue_dma source(%dma_start3A_210 : memref<128x64xf32, #tpu.memory_space<vmem>>) target(%dma_start3A_206 : memref<128x64xf32, #tpu.memory_space<hbm>>) target_semaphore(%run_scoped3A_200 : memref<!tpu.dma_semaphore, #tpu.memory_space<semaphore_mem>>)
        %dma_wait3A_211 = arith.constant 0 : i32
        %dma_wait3A_212 = arith.constant 0 : i32
        %dma_wait3A_213 = tpu.memref_slice %arg6[%run_scoped3A_139, %dma_wait3A_211, %dma_wait3A_212] : memref<4x128x64xf32, #tpu.memory_space<vmem>> -> memref<1x128x64xf32, #tpu.memory_space<vmem>>
        %dma_wait3A_214 = tpu.memref_squeeze %dma_wait3A_213 : memref<1x128x64xf32, #tpu.memory_space<vmem>> -> memref<128x64xf32, #tpu.memory_space<vmem>>
        %dma_wait3A_215 = tpu.memref_slice %arg4[%add3A_136, %mul3A_138] : memref<16384x832xf32, #tpu.memory_space<hbm>> -> memref<128x64xf32, #tpu.memory_space<hbm>>
        %dma_wait3A_216 = tpu.memref_slice %arg4[%add3A_136, %mul3A_138] : memref<16384x832xf32, #tpu.memory_space<hbm>> -> memref<128x64xf32, #tpu.memory_space<hbm>>
        %dma_wait3A_217 = arith.constant 0 : i32
        %dma_wait3A_218 = arith.constant 0 : i32
        %dma_wait3A_219 = tpu.memref_slice %arg6[%run_scoped3A_139, %dma_wait3A_217, %dma_wait3A_218] : memref<4x128x64xf32, #tpu.memory_space<vmem>> -> memref<1x128x64xf32, #tpu.memory_space<vmem>>
        %dma_wait3A_220 = tpu.memref_squeeze %dma_wait3A_219 : memref<1x128x64xf32, #tpu.memory_space<vmem>> -> memref<128x64xf32, #tpu.memory_space<vmem>>
        tpu.wait_dma2 semaphore(%run_scoped3A_200 : memref<!tpu.dma_semaphore, #tpu.memory_space<semaphore_mem>>) src(%dma_wait3A_220 : memref<128x64xf32, #tpu.memory_space<vmem>>) dst(%dma_wait3A_216 : memref<128x64xf32, #tpu.memory_space<hbm>>)
        tpu.yield
      }) : () -> ()
      %mul3A_140 = arith.constant 4 : i32
      %mul3A_141 = arith.muli %add3A_84, %mul3A_140 : i32
      %add3A_142 = arith.constant 2 : i32
      %add3A_143 = arith.addi %mul3A_141, %add3A_142 : i32
      %dma_wait3A_144 = arith.constant 0 : i32
      %dma_wait3A_145 = arith.constant 2 : i32
      %dma_wait3A_146 = arith.constant 0 : i32
      %dma_wait3A_147 = arith.constant 0 : i32
      %dma_wait3A_148 = tpu.memref_slice %arg6[%dma_wait3A_145, %dma_wait3A_146, %dma_wait3A_147] : memref<4x128x64xf32, #tpu.memory_space<vmem>> -> memref<1x128x64xf32, #tpu.memory_space<vmem>>
      %dma_wait3A_149 = tpu.memref_squeeze %dma_wait3A_148 : memref<1x128x64xf32, #tpu.memory_space<vmem>> -> memref<128x64xf32, #tpu.memory_space<vmem>>
      %dma_wait3A_150 = arith.constant 0 : i32
      %dma_wait3A_151 = tpu.memref_slice %arg5[%dma_wait3A_144, %dma_wait3A_150] : memref<13x512xi32, #tpu.memory_space<vmem>> -> memref<1x128xi32, #tpu.memory_space<vmem>>
      %dma_wait3A_152 = tpu.memref_squeeze %dma_wait3A_151 : memref<1x128xi32, #tpu.memory_space<vmem>> -> memref<128xi32, #tpu.memory_space<vmem>>
      %dma_wait3A_153 = arith.constant 0 : i32
      %dma_wait3A_154 = arith.constant 0 : i32
      %dma_wait3A_155 = tpu.memref_slice %arg3[%dma_wait3A_153, %dma_wait3A_154] : memref<1000000x64xf32, #tpu.memory_space<hbm>> -> memref<1000000x64xf32, #tpu.memory_space<hbm>>
      tpu.wait_indirect_dma semaphore(%arg9 : memref<!tpu.dma_semaphore, #tpu.memory_space<semaphore_mem>>) src(%dma_wait3A_155 : memref<1000000x64xf32, #tpu.memory_space<hbm>>) dst(%dma_wait3A_149 : memref<128x64xf32, #tpu.memory_space<vmem>>)
      %add3A_156 = arith.constant 4 : i32
      %add3A_157 = arith.addi %add3A_143, %add3A_156 : i32
      %sub3A_158 = arith.constant 1 : i32
      %sub3A_159 = arith.subi %add3A_157, %sub3A_158 : i32
      %lt3A_160 = arith.constant 52 : i32
      %lt3A_161 = arith.cmpi slt, %sub3A_159, %lt3A_160 : i32
      %convert_element_type3A_162 = arith.extui %lt3A_161 : i1 to i32
      %cond3A_163 = arith.constant 0 : i32
      %cond3A_164 = arith.cmpi ne, %convert_element_type3A_162, %cond3A_163 : i32
      scf.if %cond3A_164 {
        %jit3A = arith.constant 4 : i32
        %div3A = arith.divsi %sub3A_159, %jit3A : i32
        %sign3A = arith.constant 0 : i32
        %sign3A_200 = arith.cmpi sgt, %sub3A_159, %sign3A : i32
        %sign3A_201 = arith.extui %sign3A_200 : i1 to i32
        %sign3A_202 = arith.constant 0 : i32
        %sign3A_203 = arith.cmpi slt, %sub3A_159, %sign3A_202 : i32
        %sign3A_204 = arith.extui %sign3A_203 : i1 to i32
        %sign3A_205 = arith.subi %sign3A_201, %sign3A_204 : i32
        %sign3A_206 = arith.constant 0 : i32
        %sign3A_207 = arith.cmpi sgt, %jit3A, %sign3A_206 : i32
        %sign3A_208 = arith.extui %sign3A_207 : i1 to i32
        %sign3A_209 = arith.constant 0 : i32
        %sign3A_210 = arith.cmpi slt, %jit3A, %sign3A_209 : i32
        %sign3A_211 = arith.extui %sign3A_210 : i1 to i32
        %sign3A_212 = arith.subi %sign3A_208, %sign3A_211 : i32
        %ne3A = arith.cmpi ne, %sign3A_205, %sign3A_212 : i32
        %rem3A = arith.remsi %sub3A_159, %jit3A : i32
        %ne3A_213 = arith.constant 0 : i32
        %ne3A_214 = arith.cmpi ne, %rem3A, %ne3A_213 : i32
        %and3A = arith.andi %ne3A, %ne3A_214 : i1
        %sub3A_215 = arith.constant 1 : i32
        %sub3A_216 = arith.subi %div3A, %sub3A_215 : i32
        %select_n3A = arith.select %and3A, %sub3A_216, %div3A : i32
        %jit3A_217 = arith.constant 4 : i32
        %eq3A = arith.constant 0 : i32
        %eq3A_218 = arith.cmpi eq, %jit3A_217, %eq3A : i32
        %jit3A_219 = arith.constant 1 : i32
        %select_n3A_220 = arith.select %eq3A_218, %jit3A_219, %jit3A_217 : i32
        %rem3A_221 = arith.remsi %sub3A_159, %select_n3A_220 : i32
        %ne3A_222 = arith.constant 0 : i32
        %ne3A_223 = arith.cmpi ne, %rem3A_221, %ne3A_222 : i32
        %lt3A_224 = arith.constant 0 : i32
        %lt3A_225 = arith.cmpi slt, %rem3A_221, %lt3A_224 : i32
        %lt3A_226 = arith.constant 0 : i32
        %lt3A_227 = arith.cmpi slt, %select_n3A_220, %lt3A_226 : i32
        %ne3A_228 = arith.xori %lt3A_225, %lt3A_227 : i1
        %and3A_229 = arith.andi %ne3A_228, %ne3A_223 : i1
        %add3A_230 = arith.addi %rem3A_221, %select_n3A_220 : i32
        %select_n3A_231 = arith.select %and3A_229, %add3A_230, %rem3A_221 : i32
        %mul3A_232 = arith.constant 128 : i32
        %mul3A_233 = arith.muli %select_n3A_231, %mul3A_232 : i32
        %dma_start3A_234 = arith.constant 1 : i32
        %dma_start3A_235 = arith.constant 0 : i32
        %dma_start3A_236 = arith.constant 0 : i32
        %dma_start3A_237 = tpu.memref_slice %arg6[%dma_start3A_234, %dma_start3A_235, %dma_start3A_236] : memref<4x128x64xf32, #tpu.memory_space<vmem>> -> memref<1x128x64xf32, #tpu.memory_space<vmem>>
        %dma_start3A_238 = tpu.memref_squeeze %dma_start3A_237 : memref<1x128x64xf32, #tpu.memory_space<vmem>> -> memref<128x64xf32, #tpu.memory_space<vmem>>
        %dma_start3A_239 = tpu.memref_slice %arg5[%select_n3A, %mul3A_233] : memref<13x512xi32, #tpu.memory_space<vmem>> -> memref<1x128xi32, #tpu.memory_space<vmem>>
        %dma_start3A_240 = tpu.memref_squeeze %dma_start3A_239 : memref<1x128xi32, #tpu.memory_space<vmem>> -> memref<128xi32, #tpu.memory_space<vmem>>
        %dma_start3A_241 = arith.constant 0 : i32
        %dma_start3A_242 = arith.constant 0 : i32
        %dma_start3A_243 = tpu.memref_slice %arg3[%dma_start3A_241, %dma_start3A_242] : memref<1000000x64xf32, #tpu.memory_space<hbm>> -> memref<1000000x64xf32, #tpu.memory_space<hbm>>
        tpu.enqueue_indirect_dma source(%dma_start3A_243 : memref<1000000x64xf32, #tpu.memory_space<hbm>>) target(%dma_start3A_238 : memref<128x64xf32, #tpu.memory_space<vmem>>) offsets(%dma_start3A_240 : memref<128xi32, #tpu.memory_space<vmem>>) semaphore(%arg8 : memref<!tpu.dma_semaphore, #tpu.memory_space<semaphore_mem>>)
      } else {
      }
      %add3A_165 = arith.constant 256 : i32
      %add3A_166 = arith.addi %mul3A_2, %add3A_165 : i32
      %mul3A_167 = arith.constant 64 : i32
      %mul3A_168 = arith.muli %add3A_84, %mul3A_167 : i32
      %run_scoped3A_169 = arith.constant 2 : i32
      "tpu.region"() ({
        %run_scoped3A_200 = tpu.sem_alloc : memref<!tpu.dma_semaphore, #tpu.memory_space<semaphore_mem>>
        %dma_start3A_201 = arith.constant 0 : i32
        %dma_start3A_202 = arith.constant 0 : i32
        %dma_start3A_203 = tpu.memref_slice %arg6[%run_scoped3A_169, %dma_start3A_201, %dma_start3A_202] : memref<4x128x64xf32, #tpu.memory_space<vmem>> -> memref<1x128x64xf32, #tpu.memory_space<vmem>>
        %dma_start3A_204 = tpu.memref_squeeze %dma_start3A_203 : memref<1x128x64xf32, #tpu.memory_space<vmem>> -> memref<128x64xf32, #tpu.memory_space<vmem>>
        %dma_start3A_205 = tpu.memref_slice %arg4[%add3A_166, %mul3A_168] : memref<16384x832xf32, #tpu.memory_space<hbm>> -> memref<128x64xf32, #tpu.memory_space<hbm>>
        %dma_start3A_206 = tpu.memref_slice %arg4[%add3A_166, %mul3A_168] : memref<16384x832xf32, #tpu.memory_space<hbm>> -> memref<128x64xf32, #tpu.memory_space<hbm>>
        %dma_start3A_207 = arith.constant 0 : i32
        %dma_start3A_208 = arith.constant 0 : i32
        %dma_start3A_209 = tpu.memref_slice %arg6[%run_scoped3A_169, %dma_start3A_207, %dma_start3A_208] : memref<4x128x64xf32, #tpu.memory_space<vmem>> -> memref<1x128x64xf32, #tpu.memory_space<vmem>>
        %dma_start3A_210 = tpu.memref_squeeze %dma_start3A_209 : memref<1x128x64xf32, #tpu.memory_space<vmem>> -> memref<128x64xf32, #tpu.memory_space<vmem>>
        tpu.enqueue_dma source(%dma_start3A_210 : memref<128x64xf32, #tpu.memory_space<vmem>>) target(%dma_start3A_206 : memref<128x64xf32, #tpu.memory_space<hbm>>) target_semaphore(%run_scoped3A_200 : memref<!tpu.dma_semaphore, #tpu.memory_space<semaphore_mem>>)
        %dma_wait3A_211 = arith.constant 0 : i32
        %dma_wait3A_212 = arith.constant 0 : i32
        %dma_wait3A_213 = tpu.memref_slice %arg6[%run_scoped3A_169, %dma_wait3A_211, %dma_wait3A_212] : memref<4x128x64xf32, #tpu.memory_space<vmem>> -> memref<1x128x64xf32, #tpu.memory_space<vmem>>
        %dma_wait3A_214 = tpu.memref_squeeze %dma_wait3A_213 : memref<1x128x64xf32, #tpu.memory_space<vmem>> -> memref<128x64xf32, #tpu.memory_space<vmem>>
        %dma_wait3A_215 = tpu.memref_slice %arg4[%add3A_166, %mul3A_168] : memref<16384x832xf32, #tpu.memory_space<hbm>> -> memref<128x64xf32, #tpu.memory_space<hbm>>
        %dma_wait3A_216 = tpu.memref_slice %arg4[%add3A_166, %mul3A_168] : memref<16384x832xf32, #tpu.memory_space<hbm>> -> memref<128x64xf32, #tpu.memory_space<hbm>>
        %dma_wait3A_217 = arith.constant 0 : i32
        %dma_wait3A_218 = arith.constant 0 : i32
        %dma_wait3A_219 = tpu.memref_slice %arg6[%run_scoped3A_169, %dma_wait3A_217, %dma_wait3A_218] : memref<4x128x64xf32, #tpu.memory_space<vmem>> -> memref<1x128x64xf32, #tpu.memory_space<vmem>>
        %dma_wait3A_220 = tpu.memref_squeeze %dma_wait3A_219 : memref<1x128x64xf32, #tpu.memory_space<vmem>> -> memref<128x64xf32, #tpu.memory_space<vmem>>
        tpu.wait_dma2 semaphore(%run_scoped3A_200 : memref<!tpu.dma_semaphore, #tpu.memory_space<semaphore_mem>>) src(%dma_wait3A_220 : memref<128x64xf32, #tpu.memory_space<vmem>>) dst(%dma_wait3A_216 : memref<128x64xf32, #tpu.memory_space<hbm>>)
        tpu.yield
      }) : () -> ()
      %mul3A_170 = arith.constant 4 : i32
      %mul3A_171 = arith.muli %add3A_84, %mul3A_170 : i32
      %add3A_172 = arith.constant 3 : i32
      %add3A_173 = arith.addi %mul3A_171, %add3A_172 : i32
      %dma_wait3A_174 = arith.constant 0 : i32
      %dma_wait3A_175 = arith.constant 3 : i32
      %dma_wait3A_176 = arith.constant 0 : i32
      %dma_wait3A_177 = arith.constant 0 : i32
      %dma_wait3A_178 = tpu.memref_slice %arg6[%dma_wait3A_175, %dma_wait3A_176, %dma_wait3A_177] : memref<4x128x64xf32, #tpu.memory_space<vmem>> -> memref<1x128x64xf32, #tpu.memory_space<vmem>>
      %dma_wait3A_179 = tpu.memref_squeeze %dma_wait3A_178 : memref<1x128x64xf32, #tpu.memory_space<vmem>> -> memref<128x64xf32, #tpu.memory_space<vmem>>
      %dma_wait3A_180 = arith.constant 0 : i32
      %dma_wait3A_181 = tpu.memref_slice %arg5[%dma_wait3A_174, %dma_wait3A_180] : memref<13x512xi32, #tpu.memory_space<vmem>> -> memref<1x128xi32, #tpu.memory_space<vmem>>
      %dma_wait3A_182 = tpu.memref_squeeze %dma_wait3A_181 : memref<1x128xi32, #tpu.memory_space<vmem>> -> memref<128xi32, #tpu.memory_space<vmem>>
      %dma_wait3A_183 = arith.constant 0 : i32
      %dma_wait3A_184 = arith.constant 0 : i32
      %dma_wait3A_185 = tpu.memref_slice %arg3[%dma_wait3A_183, %dma_wait3A_184] : memref<1000000x64xf32, #tpu.memory_space<hbm>> -> memref<1000000x64xf32, #tpu.memory_space<hbm>>
      tpu.wait_indirect_dma semaphore(%arg10 : memref<!tpu.dma_semaphore, #tpu.memory_space<semaphore_mem>>) src(%dma_wait3A_185 : memref<1000000x64xf32, #tpu.memory_space<hbm>>) dst(%dma_wait3A_179 : memref<128x64xf32, #tpu.memory_space<vmem>>)
      %add3A_186 = arith.constant 4 : i32
      %add3A_187 = arith.addi %add3A_173, %add3A_186 : i32
      %sub3A_188 = arith.constant 1 : i32
      %sub3A_189 = arith.subi %add3A_187, %sub3A_188 : i32
      %lt3A_190 = arith.constant 52 : i32
      %lt3A_191 = arith.cmpi slt, %sub3A_189, %lt3A_190 : i32
      %convert_element_type3A_192 = arith.extui %lt3A_191 : i1 to i32
      %cond3A_193 = arith.constant 0 : i32
      %cond3A_194 = arith.cmpi ne, %convert_element_type3A_192, %cond3A_193 : i32
      scf.if %cond3A_194 {
        %jit3A = arith.constant 4 : i32
        %div3A = arith.divsi %sub3A_189, %jit3A : i32
        %sign3A = arith.constant 0 : i32
        %sign3A_200 = arith.cmpi sgt, %sub3A_189, %sign3A : i32
        %sign3A_201 = arith.extui %sign3A_200 : i1 to i32
        %sign3A_202 = arith.constant 0 : i32
        %sign3A_203 = arith.cmpi slt, %sub3A_189, %sign3A_202 : i32
        %sign3A_204 = arith.extui %sign3A_203 : i1 to i32
        %sign3A_205 = arith.subi %sign3A_201, %sign3A_204 : i32
        %sign3A_206 = arith.constant 0 : i32
        %sign3A_207 = arith.cmpi sgt, %jit3A, %sign3A_206 : i32
        %sign3A_208 = arith.extui %sign3A_207 : i1 to i32
        %sign3A_209 = arith.constant 0 : i32
        %sign3A_210 = arith.cmpi slt, %jit3A, %sign3A_209 : i32
        %sign3A_211 = arith.extui %sign3A_210 : i1 to i32
        %sign3A_212 = arith.subi %sign3A_208, %sign3A_211 : i32
        %ne3A = arith.cmpi ne, %sign3A_205, %sign3A_212 : i32
        %rem3A = arith.remsi %sub3A_189, %jit3A : i32
        %ne3A_213 = arith.constant 0 : i32
        %ne3A_214 = arith.cmpi ne, %rem3A, %ne3A_213 : i32
        %and3A = arith.andi %ne3A, %ne3A_214 : i1
        %sub3A_215 = arith.constant 1 : i32
        %sub3A_216 = arith.subi %div3A, %sub3A_215 : i32
        %select_n3A = arith.select %and3A, %sub3A_216, %div3A : i32
        %jit3A_217 = arith.constant 4 : i32
        %eq3A = arith.constant 0 : i32
        %eq3A_218 = arith.cmpi eq, %jit3A_217, %eq3A : i32
        %jit3A_219 = arith.constant 1 : i32
        %select_n3A_220 = arith.select %eq3A_218, %jit3A_219, %jit3A_217 : i32
        %rem3A_221 = arith.remsi %sub3A_189, %select_n3A_220 : i32
        %ne3A_222 = arith.constant 0 : i32
        %ne3A_223 = arith.cmpi ne, %rem3A_221, %ne3A_222 : i32
        %lt3A_224 = arith.constant 0 : i32
        %lt3A_225 = arith.cmpi slt, %rem3A_221, %lt3A_224 : i32
        %lt3A_226 = arith.constant 0 : i32
        %lt3A_227 = arith.cmpi slt, %select_n3A_220, %lt3A_226 : i32
        %ne3A_228 = arith.xori %lt3A_225, %lt3A_227 : i1
        %and3A_229 = arith.andi %ne3A_228, %ne3A_223 : i1
        %add3A_230 = arith.addi %rem3A_221, %select_n3A_220 : i32
        %select_n3A_231 = arith.select %and3A_229, %add3A_230, %rem3A_221 : i32
        %mul3A_232 = arith.constant 128 : i32
        %mul3A_233 = arith.muli %select_n3A_231, %mul3A_232 : i32
        %dma_start3A_234 = arith.constant 2 : i32
        %dma_start3A_235 = arith.constant 0 : i32
        %dma_start3A_236 = arith.constant 0 : i32
        %dma_start3A_237 = tpu.memref_slice %arg6[%dma_start3A_234, %dma_start3A_235, %dma_start3A_236] : memref<4x128x64xf32, #tpu.memory_space<vmem>> -> memref<1x128x64xf32, #tpu.memory_space<vmem>>
        %dma_start3A_238 = tpu.memref_squeeze %dma_start3A_237 : memref<1x128x64xf32, #tpu.memory_space<vmem>> -> memref<128x64xf32, #tpu.memory_space<vmem>>
        %dma_start3A_239 = tpu.memref_slice %arg5[%select_n3A, %mul3A_233] : memref<13x512xi32, #tpu.memory_space<vmem>> -> memref<1x128xi32, #tpu.memory_space<vmem>>
        %dma_start3A_240 = tpu.memref_squeeze %dma_start3A_239 : memref<1x128xi32, #tpu.memory_space<vmem>> -> memref<128xi32, #tpu.memory_space<vmem>>
        %dma_start3A_241 = arith.constant 0 : i32
        %dma_start3A_242 = arith.constant 0 : i32
        %dma_start3A_243 = tpu.memref_slice %arg3[%dma_start3A_241, %dma_start3A_242] : memref<1000000x64xf32, #tpu.memory_space<hbm>> -> memref<1000000x64xf32, #tpu.memory_space<hbm>>
        tpu.enqueue_indirect_dma source(%dma_start3A_243 : memref<1000000x64xf32, #tpu.memory_space<hbm>>) target(%dma_start3A_238 : memref<128x64xf32, #tpu.memory_space<vmem>>) offsets(%dma_start3A_240 : memref<128xi32, #tpu.memory_space<vmem>>) semaphore(%arg9 : memref<!tpu.dma_semaphore, #tpu.memory_space<semaphore_mem>>)
      } else {
      }
      %add3A_195 = arith.constant 384 : i32
      %add3A_196 = arith.addi %mul3A_2, %add3A_195 : i32
      %mul3A_197 = arith.constant 64 : i32
      %mul3A_198 = arith.muli %add3A_84, %mul3A_197 : i32
      %run_scoped3A_199 = arith.constant 3 : i32
      "tpu.region"() ({
        %run_scoped3A_200 = tpu.sem_alloc : memref<!tpu.dma_semaphore, #tpu.memory_space<semaphore_mem>>
        %dma_start3A_201 = arith.constant 0 : i32
        %dma_start3A_202 = arith.constant 0 : i32
        %dma_start3A_203 = tpu.memref_slice %arg6[%run_scoped3A_199, %dma_start3A_201, %dma_start3A_202] : memref<4x128x64xf32, #tpu.memory_space<vmem>> -> memref<1x128x64xf32, #tpu.memory_space<vmem>>
        %dma_start3A_204 = tpu.memref_squeeze %dma_start3A_203 : memref<1x128x64xf32, #tpu.memory_space<vmem>> -> memref<128x64xf32, #tpu.memory_space<vmem>>
        %dma_start3A_205 = tpu.memref_slice %arg4[%add3A_196, %mul3A_198] : memref<16384x832xf32, #tpu.memory_space<hbm>> -> memref<128x64xf32, #tpu.memory_space<hbm>>
        %dma_start3A_206 = tpu.memref_slice %arg4[%add3A_196, %mul3A_198] : memref<16384x832xf32, #tpu.memory_space<hbm>> -> memref<128x64xf32, #tpu.memory_space<hbm>>
        %dma_start3A_207 = arith.constant 0 : i32
        %dma_start3A_208 = arith.constant 0 : i32
        %dma_start3A_209 = tpu.memref_slice %arg6[%run_scoped3A_199, %dma_start3A_207, %dma_start3A_208] : memref<4x128x64xf32, #tpu.memory_space<vmem>> -> memref<1x128x64xf32, #tpu.memory_space<vmem>>
        %dma_start3A_210 = tpu.memref_squeeze %dma_start3A_209 : memref<1x128x64xf32, #tpu.memory_space<vmem>> -> memref<128x64xf32, #tpu.memory_space<vmem>>
        tpu.enqueue_dma source(%dma_start3A_210 : memref<128x64xf32, #tpu.memory_space<vmem>>) target(%dma_start3A_206 : memref<128x64xf32, #tpu.memory_space<hbm>>) target_semaphore(%run_scoped3A_200 : memref<!tpu.dma_semaphore, #tpu.memory_space<semaphore_mem>>)
        %dma_wait3A_211 = arith.constant 0 : i32
        %dma_wait3A_212 = arith.constant 0 : i32
        %dma_wait3A_213 = tpu.memref_slice %arg6[%run_scoped3A_199, %dma_wait3A_211, %dma_wait3A_212] : memref<4x128x64xf32, #tpu.memory_space<vmem>> -> memref<1x128x64xf32, #tpu.memory_space<vmem>>
        %dma_wait3A_214 = tpu.memref_squeeze %dma_wait3A_213 : memref<1x128x64xf32, #tpu.memory_space<vmem>> -> memref<128x64xf32, #tpu.memory_space<vmem>>
        %dma_wait3A_215 = tpu.memref_slice %arg4[%add3A_196, %mul3A_198] : memref<16384x832xf32, #tpu.memory_space<hbm>> -> memref<128x64xf32, #tpu.memory_space<hbm>>
        %dma_wait3A_216 = tpu.memref_slice %arg4[%add3A_196, %mul3A_198] : memref<16384x832xf32, #tpu.memory_space<hbm>> -> memref<128x64xf32, #tpu.memory_space<hbm>>
        %dma_wait3A_217 = arith.constant 0 : i32
        %dma_wait3A_218 = arith.constant 0 : i32
        %dma_wait3A_219 = tpu.memref_slice %arg6[%run_scoped3A_199, %dma_wait3A_217, %dma_wait3A_218] : memref<4x128x64xf32, #tpu.memory_space<vmem>> -> memref<1x128x64xf32, #tpu.memory_space<vmem>>
        %dma_wait3A_220 = tpu.memref_squeeze %dma_wait3A_219 : memref<1x128x64xf32, #tpu.memory_space<vmem>> -> memref<128x64xf32, #tpu.memory_space<vmem>>
        tpu.wait_dma2 semaphore(%run_scoped3A_200 : memref<!tpu.dma_semaphore, #tpu.memory_space<semaphore_mem>>) src(%dma_wait3A_220 : memref<128x64xf32, #tpu.memory_space<vmem>>) dst(%dma_wait3A_216 : memref<128x64xf32, #tpu.memory_space<hbm>>)
        tpu.yield
      }) : () -> ()
    }
    %scan3A_79 = arith.constant 13 : i32
    return
  }
}

</mosaic_0001>

<sc_bundles>
// kernel: kernel.11.cloned.1.call-start
scs
__scs_entry_jumppad:
0x0: {  	(pc) =	sbr.rel $0x88, $3  }
0x1: {  	(tag) =	ssettag $0x0;
	lr =	simm.s32 $0x1  }
0x2: {  	[smem:$0x3F9F] =	sst lr;
	_ =	strace $0xD0000000  }
0x3: {  	_ = 	snop  }
0x4: {  	_ = 	snop  }
0x5: {  	_ = 	snop  }
0x6: {  	_ = 	snop  }
0x7: {  	_ = 	snop  }
__scs_overlays_trampoline_lowered:
0x8: {  	[smem:$0x3FAE] =	sst s0  }
0x9: {  	[smem:$0x3FAF] =	sst s1  }
0xa: {  	[smem:$0x3FB0] =	sst s2  }
0xb: {  	[smem:$0x3FB1] =	sst s3  }
0xc: {  	[smem:$0x3FB2] =	sst s4  }
0xd: {  	[smem:$0x3FB3] =	sst s5  }
0xe: {  	[smem:$0x3FB4] =	sst s6  }
0xf: {  	[smem:$0x3FB5] =	sst s7  }
0x10: {  	[smem:$0x3FB6] =	sst s8  }
0x11: {  	[smem:$0x3FB7] =	sst s9;
	s0 =	simm.s32 @!p0 $0x0  }
0x12: {  	s1 =	sld [smem:$0x3F9D];
	s0 =	simm.s32 @p0 $0x1  }
0x13: {  	[smem:$0x3FB8] =	sst s0;
	s0 =	simm.s32 @!p1 $0x0  }
0x14: {  	s2 =	sld [smem:$0x3F9C];
	s0 =	simm.s32 @p1 $0x1  }
0x15: {  	[smem:$0x3FB9] =	sst s0;
	s0 =	simm.s32 @!p2 $0x0  }
0x16: {  	s3 =	sld [smem:$0x3FDB];
	s0 =	simm.s32 @p2 $0x1  }
0x17: {  	s4 =	simm.s32 $0x1BF5;
	[smem:$0x3FBB] =	sst s0  }
0x18: {  	s0 =	sld [smem:$0x3F9E];
	_ =	swait.ge [sflag:s4], $0x0  }
0x19: {  	s7 =	sld [smem:$0x3F9F]  }
0x1a: {  	s8 =	sadd.s32 $0xFFFFE003, lr  }
0x1b: {  	s9 =	sadd.s32 $0xFFFFFEF7, lr;
	s5 =	simm.s32 $0xFFFFFFFF;
	p2 =	slt.u32 s8, $0xFFFFF086  }
0x1c: {  	p1 =	slt.u32 s9, $0xF7A;
	s5 =	simm.s32 @!p2 $0x0  }
0x1d: {  	s5 =	simm.s32 @p1 $0x1;
	p0 =	seq.s32 s7, s2  }
0x1e: {  	s7 =	smul.u32 @!p0 $0xF7A, s2;
	p2 =	seq.s32 @!p0 s5, $0x0  }
0x1f: {  	s9 =	smul.u32 $0xF7A, s1;
	s8 =	simm.s32 @!p0 $0x1BF5;
	p2 =	por !p2, p0  }
0x20: {  	[sflag:s8] =	ssyncset.s32 @!p0 $0xFFFFF086;
	s6 =	sadd.s32 @!p0 s3, s7;
	s7 =	simm.s32 @!p0 $0x108  }
0x21: {  	s3 =	sadd.s32 s3, s9;
	s6 =	sadd.s32 @!p0 $0x88, s6;
	s7 =	simm.s32 @p2 $0x1082  }
0x22: {  	[simem:s7], [sflag:s8] =	dma.local @!p0 [hbm:s6], $0xF7A  }
0x23: {  	s9 =	sor.u32 $0xD0000000, s2;
	s6 =	simm.s32 $0x108;
	_ =	swait.ge @!p0 [sflag:s8], $0x0  }
0x24: {  	s3 =	sadd.s32 $0x88, s3;
	s6 =	simm.s32 @!p1 $0x1082;
	[sflag:s4] =	ssyncset.s32 $0xFFFFF086  }
0x25: {  	[simem:s6], [sflag:s4] =	dma.local [hbm:s3], $0xF7A  }
0x26: {  	[smem:$0x3F9F] =	sst s1;
	(tag) =	ssettag s2;
	_ =	strace s9  }
0x27: {  	s1 =	sld [smem:$0x3FAF]  }
0x28: {  	s2 =	sld [smem:$0x3FB0]  }
0x29: {  	s4 =	sld [smem:$0x3FB2]  }
0x2a: {  	p0 =	seq.s32 s5, $0x0;
	s5 =	sld [smem:$0x3FB3]  }
0x2b: {  	s6 =	sld [smem:$0x3FB4]  }
0x2c: {  	s7 =	sld [smem:$0x3FB5]  }
0x2d: {  	s3 =	simm.s32 $0x108;
	s8 =	sld [smem:$0x3FB6]  }
0x2e: {  	s3 =	simm.s32 @!p0 $0x1082;
	s9 =	sld [smem:$0x3FB7]  }
0x2f: {  	lr =	sadd.s32 s0, s3;
	s0 =	sld [smem:$0x3FAE]  }
0x30: {  	s3 =	sld [smem:$0x3FB1]  }
0x31: {  	[smem:$0x3FBA] =	sst s10  }
0x32: {  	s10 =	sld [smem:$0x3FB8];
	_ =	sdelay $0x3  }
0x33: {  	p0 =	seq.s32 s10, $0x1;
	s10 =	sld [smem:$0x3FBA];
	_ =	sdelay $0x3  }
0x34: {  	[smem:$0x3FBA] =	sst s10  }
0x35: {  	s10 =	sld [smem:$0x3FB9];
	_ =	sdelay $0x3  }
0x36: {  	p1 =	seq.s32 s10, $0x1;
	s10 =	sld [smem:$0x3FBA];
	_ =	sdelay $0x3  }
0x37: {  	[smem:$0x3FBA] =	sst s10  }
0x38: {  	s10 =	sld [smem:$0x3FBB]  }
0x39: {  	_ = 	snop;
	(pc) =	sbr.ind lr, $3  }
0x3a: {  	_ = 	snop  }
0x3b: {  	_ = 	snop  }
0x3c: {  	p2 =	seq.s32 s10, $0x1;
	s10 =	sld [smem:$0x3FBA]  }
0x3d: {  	_ =	shalt  }
0x3e: {  	_ =	shalt  }
0x3f: {  	_ =	shalt  }
0x40: {  	_ =	shalt  }
0x41: {  	_ =	shalt  }
0x42: {  	_ =	shalt  }
0x43: {  	_ =	shalt  }
0x44: {  	_ =	shalt  }
0x45: {  	_ =	shalt  }
0x46: {  	_ =	shalt  }
0x47: {  	_ =	shalt  }
0x48: {  	_ =	shalt  }
0x49: {  	_ =	shalt  }
0x4a: {  	_ =	shalt  }
0x4b: {  	_ =	shalt  }
0x4c: {  	_ =	shalt  }
0x4d: {  	_ =	shalt  }
0x4e: {  	_ =	shalt  }
0x4f: {  	_ =	shalt  }
0x50: {  	_ =	shalt  }
0x51: {  	_ =	shalt  }
0x52: {  	_ =	shalt  }
0x53: {  	_ =	shalt  }
0x54: {  	_ =	shalt  }
0x55: {  	_ =	shalt  }
0x56: {  	_ =	shalt  }
0x57: {  	_ =	shalt  }
0x58: {  	_ =	shalt  }
0x59: {  	_ =	shalt  }
0x5a: {  	_ =	shalt  }
0x5b: {  	_ =	shalt  }
0x5c: {  	_ =	shalt  }
0x5d: {  	_ =	shalt  }
0x5e: {  	_ =	shalt  }
0x5f: {  	_ =	shalt  }
0x60: {  	_ =	shalt  }
0x61: {  	_ =	shalt  }
0x62: {  	_ =	shalt  }
0x63: {  	_ =	shalt  }
0x64: {  	_ =	shalt  }
0x65: {  	_ =	shalt  }
0x66: {  	_ =	shalt  }
0x67: {  	_ =	shalt  }
0x68: {  	_ =	shalt  }
0x69: {  	_ =	shalt  }
0x6a: {  	_ =	shalt  }
0x6b: {  	_ =	shalt  }
0x6c: {  	_ =	shalt  }
0x6d: {  	_ =	shalt  }
0x6e: {  	_ =	shalt  }
0x6f: {  	_ =	shalt  }
0x70: {  	_ =	shalt  }
0x71: {  	_ =	shalt  }
0x72: {  	_ =	shalt  }
0x73: {  	_ =	shalt  }
0x74: {  	_ =	shalt  }
0x75: {  	_ =	shalt  }
0x76: {  	_ =	shalt  }
0x77: {  	_ =	shalt  }
0x78: {  	_ =	shalt  }
0x79: {  	_ =	shalt  }
0x7a: {  	_ =	shalt  }
0x7b: {  	_ =	shalt  }
0x7c: {  	_ =	shalt  }
0x7d: {  	_ =	shalt  }
0x7e: {  	_ =	shalt  }
0x7f: {  	_ =	shalt  }
0x80: {  	_ =	shalt  }
0x81: {  	_ =	shalt  }
0x82: {  	_ =	shalt  }
0x83: {  	_ =	shalt  }
0x84: {  	_ =	shalt  }
0x85: {  	_ =	shalt  }
0x86: {  	_ =	shalt  }
0x87: {  	_ =	shalt  }
.Lfunc_end0:
.L_simem_size_0:
called_computation.4_lowered:
.L_overlay_start_0:
0x88: {  	s2 =	sld [smem:$0x3FD9]  }
0x89: {  	s3 =	sld [smem:$0x3FFE];
	_ =	sdelay $0x1  }
0x8a: {  	s1 =	srdreg.scid  }
0x8b: {  	s0 =	sand.u32 $0x1, s1  }
0x8c: {  	s17 =	sshll.u32 s0, $0xA;
	s2 =	sadd.s32 s3, s2  }
0x8d: {  	s2 =	sadd.s32 s2, s17  }
0x8e: {  	[smem:$0x3FC6] =	sst s2  }
0x8f: {  	_ = 	snop  }
0x90: {  	(tm) =	ssettm $0x1  }
0x91: {  	s18 =	sld [smem:$0x3FFB];
	_ =	sdelay $0x3  }
0x92: {  	_ =	strace s18  }
0x93: {  	s2 =	sld [smem:$0x3FFC];
	_ =	sdelay $0x3  }
0x94: {  	_ =	strace s2  }
0x95: {  	s2 =	sld [smem:$0x3FFD];
	_ =	sdelay $0x3  }
0x96: {  	_ =	strace s2  }
0x97: {  	_ =	strace $0x8FFFFFFF  }
0x98: {  	s19 =	sld [smem:$0x3FDB];
	_ =	sdelay $0x1  }
0x99: {  	s20 =	simm.s32 $_scs_section_size  }
0x9a: {  	s4 =	simm.s32 $_size__tile_overlayer_lowered;
	s5 =	simm.s32 $_tile_overlayer_lowered  }
0x9b: {  	s6 =	simm.s32 $0x1BFF;
	s21 =	sshll.u32 s5, $0x1;
	s3 =	sadd.s32 s20, s19  }
0x9c: {  	s22 =	simm.s32 $0x0;
	s4 =	sshll.u32 s4, $0x1;
	s5 =	sadd.s32 s21, s3  }
0x9d: {  	[timem:s22], [sflag:s6] =	dma.local [hbm:s5], s4  }
0x9e: {  	_ =	swait.ge [sflag:s6], s4  }
0x9f: {  	s4 =	ssub.s32 $0x0, s4;
	[sflag:s6] =	ssyncset.done $0x0  }
0xa0: {  	[sflag:s6] =	ssyncadd.s32 s4;
	_ =	sdelay $0x1  }
0xa1: {  	s23 =	simm.s32 $0x1B8B  }
0xa2: {  	_ =	swait.ge [sflag:s23], $0x1  }
0xa3: {  	[sflag:s23] =	ssyncset.done $0x0  }
0xa4: {  	[sflag:s23] =	ssyncadd.s32 $0xFFFFFFFF  }
0xa5: {  	s4 =	sld [smem:$0x0]  }
0xa6: {  	s5 =	sand.u32 $0xFFFFFFFE, s1  }
0xa7: {  	p0 =	sne.s32 s1, s5  }
0xa8: {  	s5 =	sshll.u32 @p0 s5, $0xE  }
0xa9: {  	s5 =	sadd.s32 @p0 $0x11B8D, s5;
	s6 =	sshll.u32 @p0 s4, $0x11  }
0xaa: {  	s5 =	sor.u32 @p0 s6, s5  }
0xab: {  	[sflag:s5] =	ssyncadd.remote.s32 @p0 $0x1;
	_ =	sdelay $0x1  }
0xac: {  	s5 =	simm.s32 @p0 $0x1B8D  }
0xad: {  	_ =	swait.eq @p0 [sflag:s5], $0x1  }
0xae: {  	[sflag:s5] =	ssyncadd.s32 @p0 $0xFFFFFFFF  }
0xaf: {  	s6 =	sshll.u32 @!p0 s1, $0xE  }
0xb0: {  	s6 =	sor.u32 @!p0 $0x4000, s6;
	s5 =	simm.s32 @!p0 $0x1B8D  }
0xb1: {  	s4 =	sshll.u32 @!p0 s4, $0x11;
	s6 =	sadd.s32 @!p0 $0x11B8D, s6;
	_ =	swait.eq @!p0 [sflag:s5], $0x1  }
0xb2: {  	s4 =	sor.u32 @!p0 s4, s6;
	[sflag:s5] =	ssyncadd.s32 @!p0 $0xFFFFFFFF  }
0xb3: {  	s25 =	simm.s32 $0x1B8E;
	s24 =	sld [smem:$0x3FFE];
	[sflag:s4] =	ssyncadd.remote.s32 @!p0 $0x1  }
0xb4: {  	s26 =	simm.s32 $execute0_lowered;
	[smem:$0x3FD2] =	sst s25  }
0xb5: {  	s5 =	sshll.u32 s26, $0x1;
	_ =	strace $0x8000004C;
	[dreg:$0x1] =	wrdreg $0xFFFFFFFF  }
0xb6: {  	s28 =	simm.s32 $_size_execute0_lowered;
	s3 =	sadd.s32 s3, s5;
	[dreg:$0x0] =	wrdreg $0x0  }
0xb7: {  	s5 =	sshll.u32 s28, $0x1;
	[dreg:$0x2] =	wrdreg s3  }
0xb8: {  	[dreg:$0x3] =	wrdreg s5  }
0xb9: {  	[dreg:$0x4] =	wrdreg $0xC0  }
0xba: {  	_ =	task [dreg:s22], $0x5FFFF  }
0xbb: {  	[dreg:$0x1] =	wrdreg $0xFFFFFFFF  }
0xbc: {  	[dreg:$0x0] =	wrdreg $0x60  }
0xbd: {  	[dreg:$0x2] =	wrdreg s24  }
0xbe: {  	[dreg:$0x3] =	wrdreg $0xA  }
0xbf: {  	_ =	task.clear_ibuf [dreg:s22], $0x4FFFF;
	_ =	strace $0x9000004C  }
0xc0: {  	s29 =	simm.s32 $0xA;
	_ =	strace $0x8000004E  }
0xc1: {  	_ =	swait.ge [sflag:s29], $0x1  }
0xc2: {  	[sflag:s29] =	ssyncadd.s32 $0xFFFFFFFF  }
0xc3: {  	_ =	strace $0x9000004E  }
0xc4: {  	_ =	sfence  }
0xc5: {  	s30 =	sld [smem:$0x0];
	_ =	sdelay $0x2  }
0xc6: {  	s31 =	sshll.u32 s1, $0xD;
	s1 =	sshrl.u32 s1, $0x2  }
0xc7: {  	s4 =	sand.u32 $0x4000, s31;
	s1 =	sadd.s32 s1, s30  }
0xc8: {  	s0 =	sor.u32 s4, s0;
	s1 =	sshll.u32 s1, $0x11  }
0xc9: {  	s0 =	sor.u32 s1, s0  }
0xca: {  	s0 =	sadd.s32 $0x8F2B, s0  }
0xcb: {  	[sflag:s0] =	ssyncadd.remote.s32 $0x1  }
0xcc: {  	_ =	sfence.sel $0xFFFF  }
0xcd: {  	[dreg:$0x0] =	wrdreg $0xFFFFFFFF;
	(pc) =	sbr.abs _section_cstart, $3  }
0xce: {  	[dreg:$0x1] =	wrdreg $0xFFFFFFFF  }
0xcf: {  	_ =	task.clear_ibuf [dreg:s22], $0x2FFFF;
	_ =	strace $0x9FFFFFFF  }
0xd0: {  	(tm) =	ssettm $0x7FFFFFFF  }
0xd1: {  	_ =	shalt  }
tec
execute0_lowered:
.L_overlay_start_1:
0x0: {  	(tag) =	ssettag $0x1  }
0x1: {  	s0 =	srdreg.scid  }
0x2: {  	s8 =	stileid.u32;
	s1 =	rddreg [dreg:$0x0]  }
0x3: {  	s2 =	simm.s32 $0x0;
	s28 =	simm.s32 $0x80;
	s29 =	simm.s32 $0x1A00  }
0x4: {  	s30 =	simm.s32 $0x3A00;
	s31 =	simm.s32 $0x7A00;
	s9 =	simm.s32 $0x0  }
0x5: {  	s0 =	sand.u32 $0x1, s0;
	s3 =	sshll.u32 s8, $0xA;
	[smem:$0x7FF] =	sst s2  }
0x6: {  	s21 =	smul.u32 $0xD0000, s8;
	s8 =	simm.s32 $0x4;
	s4 =	sshll.u32 s0, $0x9  }
0x7: {  	_ =	strace $0x8000004D;
	s6 =	ssub.s32 $0x2, s0;
	s4 =	sor.u32 s4, s3  }
0x8: {  	s0 =	smul.u32 $0x68000, s0;
	s7 =	sshrl.u32 s6, $0x1;
	s3 =	sshrl.u32 s4, $0x3  }
0x9: {  	s6 =	ssub.s32 s6, s7;
	s4 =	smul.u32 $0x340, s4;
	s5 =	sadd.s32 s3, s1  }
0xa: {  	s0 =	sadd.s32 s0, s21;
	s3 =	sadd.s32 $0xF43A00, s1;
	s12 =	sadd.s32 $0x7E00, s5  }
0xb: {  	s1 =	sadd.s32 $0xE600, s1;
	s13 =	sadd.s32 $0x8600, s5;
	[dreg:$0x2] =	wrdreg s12  }
0xc: {  	s23 =	sadd.s32 $0x4E000, s0;
	s14 =	sadd.s32 $0x8E00, s5;
	[dreg:$0x3] =	wrdreg s13  }
0xd: {  	s24 =	sadd.s32 $0x34000, s0;
	s15 =	sadd.s32 $0x9600, s5;
	[dreg:$0x4] =	wrdreg s14  }
0xe: {  	s7 =	sadd.s32 $0x1A000, s0;
	s16 =	sadd.s32 $0x9E00, s5;
	[dreg:$0x5] =	wrdreg s15  }
0xf: {  	s0 =	sshrl.u32 s0, $0x3;
	s17 =	sadd.s32 $0xA600, s5;
	[dreg:$0x6] =	wrdreg s16  }
0x10: {  	s18 =	sadd.s32 $0xAE00, s5;
	s19 =	sadd.s32 $0xB600, s5;
	[dreg:$0x7] =	wrdreg s17  }
0x11: {  	s20 =	sadd.s32 $0xBE00, s5;
	s22 =	sadd.s32 $0xC600, s5;
	[dreg:$0x8] =	wrdreg s18  }
0x12: {  	s4 =	sshrl.u32 s4, $0x3;
	s25 =	sshrl.u32 s24, $0x3;
	[dreg:$0x9] =	wrdreg s19  }
0x13: {  	s26 =	sshrl.u32 s7, $0x3;
	s7 =	simm.s32 $0x3;
	[dreg:$0xa] =	wrdreg s20  }
0x14: {  	[dreg:$0xb] =	wrdreg s22;
	s14 =	sadd.s32 $0xCE00, s5;
	s15 =	sadd.s32 $0xD600, s5  }
0x15: {  	s16 =	sadd.s32 $0xDE00, s5;
	s17 =	smax.u32 s6, $0x1;
	s4 =	sadd.s32 s1, s4  }
0x16: {  	s5 =	sshrl.u32 s23, $0x3;
	s21 =	sadd.s32 s25, s1;
	s22 =	sadd.s32 s26, s1  }
0x17: {  	s23 =	sadd.s32 s0, s1;
	s26 =	simm.s32 $0x5;
	s0 =	simm.s32 $0x1  }
0x18: {  	s6 =	simm.s32 $0x2;
	s18 =	sadd.s32 $0x60, s4;
	s19 =	sadd.s32 $0x3460, s4  }
0x19: {  	s20 =	sadd.s32 s5, s1;
	s24 =	sadd.s32 $0x6860, s4;
	s25 =	sadd.s32 $0x9C60, s4  }
0x1a: {  	s1 =	simm.s32 $0x5A00;
	s4 =	simm.s32 $0x40;
	s5 =	simm.s32 $0x340  }
.LBB2_1:
0x1b: {  	s10 =	rddreg [dreg:$0x2]  }
0x1c: {  	[tilespmem:s2], [sflag:$0x5] =	stream.linear.gather [hbm4b:s10+s2], $0x200, $0x38;
	[tilespmem:$0x9A00] =	vst v63  }
0x1d: {  	_ =	swait.ge [sflag:s26], $0x200  }
0x1e: {  	[sflag:s26] =	ssyncset.done $0x0  }
0x1f: {  	s11 =	simm.s32 $0x200;
	s13 =	rddreg [dreg:$0x3];
	[sflag:s26] =	ssyncadd.s32 $0xFFFFFE00  }
0x20: {  	[tilespmem:s11], [sflag:$0x5] =	stream.linear.gather [hbm4b:s13+s2], $0x200, $0x38;
	[tilespmem:$0x9A00] =	vst v63  }
0x21: {  	_ =	swait.ge [sflag:s26], $0x200  }
0x22: {  	[sflag:s26] =	ssyncset.done $0x0  }
0x23: {  	s13 =	simm.s32 $0x400;
	s12 =	rddreg [dreg:$0x4];
	[sflag:s26] =	ssyncadd.s32 $0xFFFFFE00  }
0x24: {  	[tilespmem:s13], [sflag:$0x5] =	stream.linear.gather [hbm4b:s12+s2], $0x200, $0x38;
	[tilespmem:$0x9A00] =	vst v63  }
0x25: {  	_ =	swait.ge [sflag:s26], $0x200  }
0x26: {  	[sflag:s26] =	ssyncset.done $0x0  }
0x27: {  	s13 =	simm.s32 $0x600;
	s12 =	rddreg [dreg:$0x5];
	[sflag:s26] =	ssyncadd.s32 $0xFFFFFE00  }
0x28: {  	[tilespmem:s13], [sflag:$0x5] =	stream.linear.gather [hbm4b:s12+s2], $0x200, $0x38;
	[tilespmem:$0x9A00] =	vst v63  }
0x29: {  	_ =	swait.ge [sflag:s26], $0x200  }
0x2a: {  	[sflag:s26] =	ssyncset.done $0x0  }
0x2b: {  	s13 =	simm.s32 $0x800;
	s12 =	rddreg [dreg:$0x6];
	[sflag:s26] =	ssyncadd.s32 $0xFFFFFE00  }
0x2c: {  	[tilespmem:s13], [sflag:$0x5] =	stream.linear.gather [hbm4b:s12+s2], $0x200, $0x38;
	[tilespmem:$0x9A00] =	vst v63  }
0x2d: {  	_ =	swait.ge [sflag:s26], $0x200  }
0x2e: {  	[sflag:s26] =	ssyncset.done $0x0  }
0x2f: {  	s13 =	simm.s32 $0xA00;
	s12 =	rddreg [dreg:$0x7];
	[sflag:s26] =	ssyncadd.s32 $0xFFFFFE00  }
0x30: {  	[tilespmem:s13], [sflag:$0x5] =	stream.linear.gather [hbm4b:s12+s2], $0x200, $0x38;
	[tilespmem:$0x9A00] =	vst v63  }
0x31: {  	_ =	swait.ge [sflag:s26], $0x200  }
0x32: {  	[sflag:s26] =	ssyncset.done $0x0  }
0x33: {  	s13 =	simm.s32 $0xC00;
	s12 =	rddreg [dreg:$0x8];
	[sflag:s26] =	ssyncadd.s32 $0xFFFFFE00  }
0x34: {  	[tilespmem:s13], [sflag:$0x5] =	stream.linear.gather [hbm4b:s12+s2], $0x200, $0x38;
	[tilespmem:$0x9A00] =	vst v63  }
0x35: {  	_ =	swait.ge [sflag:s26], $0x200  }
0x36: {  	[sflag:s26] =	ssyncset.done $0x0  }
0x37: {  	s13 =	simm.s32 $0xE00;
	s12 =	rddreg [dreg:$0x9];
	[sflag:s26] =	ssyncadd.s32 $0xFFFFFE00  }
0x38: {  	[tilespmem:s13], [sflag:$0x5] =	stream.linear.gather [hbm4b:s12+s2], $0x200, $0x38;
	[tilespmem:$0x9A00] =	vst v63  }
0x39: {  	_ =	swait.ge [sflag:s26], $0x200  }
0x3a: {  	[sflag:s26] =	ssyncset.done $0x0  }
0x3b: {  	s13 =	simm.s32 $0x1000;
	s12 =	rddreg [dreg:$0xa];
	[sflag:s26] =	ssyncadd.s32 $0xFFFFFE00  }
0x3c: {  	[tilespmem:s13], [sflag:$0x5] =	stream.linear.gather [hbm4b:s12+s2], $0x200, $0x38;
	[tilespmem:$0x9A00] =	vst v63  }
0x3d: {  	_ =	swait.ge [sflag:s26], $0x200  }
0x3e: {  	[sflag:s26] =	ssyncset.done $0x0  }
0x3f: {  	s13 =	simm.s32 $0x1200;
	s12 =	rddreg [dreg:$0xb];
	[sflag:s26] =	ssyncadd.s32 $0xFFFFFE00  }
0x40: {  	[tilespmem:s13], [sflag:$0x5] =	stream.linear.gather [hbm4b:s12+s2], $0x200, $0x38;
	[tilespmem:$0x9A00] =	vst v63  }
0x41: {  	_ =	swait.ge [sflag:s26], $0x200  }
0x42: {  	[sflag:s26] =	ssyncset.done $0x0  }
0x43: {  	s12 =	simm.s32 $0x1400;
	[sflag:s26] =	ssyncadd.s32 $0xFFFFFE00  }
0x44: {  	[tilespmem:s12], [sflag:$0x5] =	stream.linear.gather [hbm4b:s14+s2], $0x200, $0x38;
	[tilespmem:$0x9A00] =	vst v63  }
0x45: {  	_ =	swait.ge [sflag:s26], $0x200  }
0x46: {  	[sflag:s26] =	ssyncset.done $0x0  }
0x47: {  	s13 =	simm.s32 $0x1600;
	[sflag:s26] =	ssyncadd.s32 $0xFFFFFE00  }
0x48: {  	[tilespmem:s13], [sflag:$0x5] =	stream.linear.gather [hbm4b:s15+s2], $0x200, $0x38;
	[tilespmem:$0x9A00] =	vst v63  }
0x49: {  	_ =	swait.ge [sflag:s26], $0x200  }
0x4a: {  	[sflag:s26] =	ssyncset.done $0x0  }
0x4b: {  	s11 =	simm.s32 $0x1800;
	[sflag:s26] =	ssyncadd.s32 $0xFFFFFE00  }
0x4c: {  	[tilespmem:s11], [sflag:$0x5] =	stream.linear.gather [hbm4b:s16+s2], $0x200, $0x38;
	[tilespmem:$0x9A00] =	vst v63  }
0x4d: {  	_ =	swait.ge [sflag:s26], $0x200  }
0x4e: {  	[sflag:s26] =	ssyncset.done $0x0  }
0x4f: {  	[sflag:s26] =	ssyncadd.s32 $0xFFFFFE00  }
0x50: {  	[tilespmem:s29], [sflag:$0x1] =	stream.indirect.gather [hbm4b:s3+s28], $0x40, s2, s28, $0xb8;
	[tilespmem:$0x9A00] =	vst v63  }
0x51: {  	_ = 	snop  }
0x52: {  	[tilespmem:s30], [sflag:$0x2] =	stream.indirect.gather [hbm4b:s3+s28], $0x40, s28, s28, $0xb8;
	[tilespmem:$0x9A00] =	vst v63  }
0x53: {  	s12 =	simm.s32 $0x100  }
0x54: {  	[tilespmem:s1], [sflag:$0x3] =	stream.indirect.gather [hbm4b:s3+s28], $0x40, s12, s28, $0xb8;
	[tilespmem:$0x9A00] =	vst v63  }
0x55: {  	_ =	swait.ge [sflag:s0], $0x2000  }
0x56: {  	[sflag:s0] =	ssyncset.done $0x0  }
0x57: {  	s13 =	simm.s32 $0x180;
	[sflag:s0] =	ssyncadd.s32 $0xFFFFE000  }
0x58: {  	[tilespmem:s31], [sflag:$0x4] =	stream.indirect.gather [hbm4b:s3+s28], $0x40, s13, s28, $0xb8;
	[tilespmem:$0x9A00] =	vst v63  }
0x59: {  	s11 =	sadd.s32 $0x0, s23  }
0x5a: {  	[hbm4b:s11+s4] =	stream.strided.scatter [tilespmem:s29], [sflag:$0x5], $0x2000, s5, s4, $0x38;
	[tilespmem:$0x9A00] =	vst v63  }
0x5b: {  	_ =	swait.ge [sflag:s26], $0x2000  }
0x5c: {  	[sflag:s26] =	ssyncset.done $0x0  }
0x5d: {  	[sflag:s26] =	ssyncadd.s32 $0xFFFFE000  }
0x5e: {  	_ =	swait.ge [sflag:s6], $0x2000  }
0x5f: {  	[sflag:s6] =	ssyncset.done $0x0  }
0x60: {  	s12 =	simm.s32 $0x200;
	[sflag:s6] =	ssyncadd.s32 $0xFFFFE000  }
0x61: {  	[tilespmem:s29], [sflag:$0x1] =	stream.indirect.gather [hbm4b:s3+s28], $0x40, s12, s28, $0xb8;
	[tilespmem:$0x9A00] =	vst v63  }
0x62: {  	s13 =	sadd.s32 $0x0, s22  }
0x63: {  	[hbm4b:s13+s4] =	stream.strided.scatter [tilespmem:s30], [sflag:$0x5], $0x2000, s5, s4, $0x38;
	[tilespmem:$0x9A00] =	vst v63  }
0x64: {  	_ =	swait.ge [sflag:s26], $0x2000  }
0x65: {  	[sflag:s26] =	ssyncset.done $0x0  }
0x66: {  	[sflag:s26] =	ssyncadd.s32 $0xFFFFE000  }
0x67: {  	_ =	swait.ge [sflag:s7], $0x2000  }
0x68: {  	[sflag:s7] =	ssyncset.done $0x0  }
0x69: {  	s11 =	simm.s32 $0x280;
	[sflag:s7] =	ssyncadd.s32 $0xFFFFE000  }
0x6a: {  	[tilespmem:s30], [sflag:$0x2] =	stream.indirect.gather [hbm4b:s3+s28], $0x40, s11, s28, $0xb8;
	[tilespmem:$0x9A00] =	vst v63  }
0x6b: {  	s12 =	sadd.s32 $0x0, s21  }
0x6c: {  	[hbm4b:s12+s4] =	stream.strided.scatter [tilespmem:s1], [sflag:$0x5], $0x2000, s5, s4, $0x38;
	[tilespmem:$0x9A00] =	vst v63  }
0x6d: {  	_ =	swait.ge [sflag:s26], $0x2000  }
0x6e: {  	[sflag:s26] =	ssyncset.done $0x0  }
0x6f: {  	[sflag:s26] =	ssyncadd.s32 $0xFFFFE000  }
0x70: {  	_ =	swait.ge [sflag:s8], $0x2000  }
0x71: {  	[sflag:s8] =	ssyncset.done $0x0  }
0x72: {  	s10 =	simm.s32 $0x300;
	[sflag:s8] =	ssyncadd.s32 $0xFFFFE000  }
0x73: {  	[tilespmem:s1], [sflag:$0x3] =	stream.indirect.gather [hbm4b:s3+s28], $0x40, s10, s28, $0xb8;
	[tilespmem:$0x9A00] =	vst v63  }
0x74: {  	s13 =	sadd.s32 $0x0, s20  }
0x75: {  	[hbm4b:s13+s4] =	stream.strided.scatter [tilespmem:s31], [sflag:$0x5], $0x2000, s5, s4, $0x38;
	[tilespmem:$0x9A00] =	vst v63  }
0x76: {  	_ =	swait.ge [sflag:s26], $0x2000  }
0x77: {  	s11 =	simm.s32 $0x8;
	[sflag:s26] =	ssyncset.done $0x0  }
.LBB2_2:
0x78: {  	p0 =	sne.s32 s11, $0x58;
	[sflag:s26] =	ssyncadd.s32 $0xFFFFE000;
	s10 =	sadd.s32 $0x200, s10  }
0x79: {  	s12 =	smov.u32 s11;
	s11 =	sadd.s32 $0x8, s11  }
0x7a: {  	_ =	swait.ge [sflag:s0], $0x2000  }
0x7b: {  	[sflag:s0] =	ssyncset.done $0x0  }
0x7c: {  	s13 =	sadd.s32 $0xFFFFFE80, s10;
	[sflag:s0] =	ssyncadd.s32 $0xFFFFE000  }
0x7d: {  	[tilespmem:s31], [sflag:$0x4] =	stream.indirect.gather [hbm4b:s3+s28], $0x40, s13, s28, $0xb8;
	[tilespmem:$0x9A00] =	vst v63  }
0x7e: {  	s13 =	sadd.s32 s12, s23  }
0x7f: {  	[hbm4b:s13+s4] =	stream.strided.scatter [tilespmem:s29], [sflag:$0x5], $0x2000, s5, s4, $0x38;
	[tilespmem:$0x9A00] =	vst v63  }
0x80: {  	_ =	swait.ge [sflag:s26], $0x2000  }
0x81: {  	[sflag:s26] =	ssyncset.done $0x0  }
0x82: {  	[sflag:s26] =	ssyncadd.s32 $0xFFFFE000  }
0x83: {  	_ =	swait.ge [sflag:s6], $0x2000  }
0x84: {  	[sflag:s6] =	ssyncset.done $0x0  }
0x85: {  	s13 =	sadd.s32 $0xFFFFFF00, s10;
	[sflag:s6] =	ssyncadd.s32 $0xFFFFE000  }
0x86: {  	[tilespmem:s29], [sflag:$0x1] =	stream.indirect.gather [hbm4b:s3+s28], $0x40, s13, s28, $0xb8;
	[tilespmem:$0x9A00] =	vst v63  }
0x87: {  	s13 =	sadd.s32 s12, s22  }
0x88: {  	[hbm4b:s13+s4] =	stream.strided.scatter [tilespmem:s30], [sflag:$0x5], $0x2000, s5, s4, $0x38;
	[tilespmem:$0x9A00] =	vst v63  }
0x89: {  	_ =	swait.ge [sflag:s26], $0x2000  }
0x8a: {  	[sflag:s26] =	ssyncset.done $0x0  }
0x8b: {  	[sflag:s26] =	ssyncadd.s32 $0xFFFFE000  }
0x8c: {  	_ =	swait.ge [sflag:s7], $0x2000  }
0x8d: {  	[sflag:s7] =	ssyncset.done $0x0  }
0x8e: {  	s13 =	sadd.s32 $0xFFFFFF80, s10;
	[sflag:s7] =	ssyncadd.s32 $0xFFFFE000  }
0x8f: {  	[tilespmem:s30], [sflag:$0x2] =	stream.indirect.gather [hbm4b:s3+s28], $0x40, s13, s28, $0xb8;
	[tilespmem:$0x9A00] =	vst v63  }
0x90: {  	s13 =	sadd.s32 s12, s21  }
0x91: {  	[hbm4b:s13+s4] =	stream.strided.scatter [tilespmem:s1], [sflag:$0x5], $0x2000, s5, s4, $0x38;
	[tilespmem:$0x9A00] =	vst v63  }
0x92: {  	_ =	swait.ge [sflag:s26], $0x2000  }
0x93: {  	[sflag:s26] =	ssyncset.done $0x0  }
0x94: {  	[sflag:s26] =	ssyncadd.s32 $0xFFFFE000  }
0x95: {  	_ =	swait.ge [sflag:s8], $0x2000  }
0x96: {  	[sflag:s8] =	ssyncset.done $0x0  }
0x97: {  	[sflag:s8] =	ssyncadd.s32 $0xFFFFE000  }
0x98: {  	[tilespmem:s1], [sflag:$0x3] =	stream.indirect.gather [hbm4b:s3+s28], $0x40, s10, s28, $0xb8;
	[tilespmem:$0x9A00] =	vst v63  }
.Ltmp0:
0x99: {  	_ = 	snop;
	(pc) =	sbr.rel @p0 .LBB2_2-.Ltmp0, $4  }
0x9a: {  	s12 =	sadd.s32 s12, s20  }
0x9b: {  	[hbm4b:s12+s4] =	stream.strided.scatter [tilespmem:s31], [sflag:$0x5], $0x2000, s5, s4, $0x38;
	[tilespmem:$0x9A00] =	vst v63  }
0x9c: {  	_ =	swait.ge [sflag:s26], $0x2000  }
0x9d: {  	[sflag:s26] =	ssyncset.done $0x0  }
0x9e: {  	[sflag:s26] =	ssyncadd.s32 $0xFFFFE000  }
0x9f: {  	_ =	swait.ge [sflag:s0], $0x2000  }
0xa0: {  	[sflag:s0] =	ssyncset.done $0x0  }
0xa1: {  	s10 =	simm.s32 $0x1980;
	[sflag:s0] =	ssyncadd.s32 $0xFFFFE000  }
0xa2: {  	[tilespmem:s31], [sflag:$0x4] =	stream.indirect.gather [hbm4b:s3+s28], $0x40, s10, s28, $0xb8;
	[tilespmem:$0x9A00] =	vst v63  }
0xa3: {  	_ = 	snop  }
0xa4: {  	[hbm4b:s18+s4] =	stream.strided.scatter [tilespmem:s29], [sflag:$0x5], $0x2000, s5, s4, $0x38;
	[tilespmem:$0x9A00] =	vst v63  }
0xa5: {  	_ =	swait.ge [sflag:s26], $0x2000  }
0xa6: {  	[sflag:s26] =	ssyncset.done $0x0  }
0xa7: {  	[sflag:s26] =	ssyncadd.s32 $0xFFFFE000  }
0xa8: {  	_ =	swait.ge [sflag:s6], $0x2000  }
0xa9: {  	[sflag:s6] =	ssyncset.done $0x0  }
0xaa: {  	[sflag:s6] =	ssyncadd.s32 $0xFFFFE000  }
0xab: {  	[hbm4b:s19+s4] =	stream.strided.scatter [tilespmem:s30], [sflag:$0x5], $0x2000, s5, s4, $0x38;
	[tilespmem:$0x9A00] =	vst v63  }
0xac: {  	_ =	swait.ge [sflag:s26], $0x2000  }
0xad: {  	[sflag:s26] =	ssyncset.done $0x0  }
0xae: {  	[sflag:s26] =	ssyncadd.s32 $0xFFFFE000  }
0xaf: {  	_ =	swait.ge [sflag:s7], $0x2000  }
0xb0: {  	[sflag:s7] =	ssyncset.done $0x0  }
0xb1: {  	[sflag:s7] =	ssyncadd.s32 $0xFFFFE000  }
0xb2: {  	[hbm4b:s24+s4] =	stream.strided.scatter [tilespmem:s1], [sflag:$0x5], $0x2000, s5, s4, $0x38;
	[tilespmem:$0x9A00] =	vst v63  }
0xb3: {  	_ =	swait.ge [sflag:s26], $0x2000  }
0xb4: {  	[sflag:s26] =	ssyncset.done $0x0  }
0xb5: {  	[sflag:s26] =	ssyncadd.s32 $0xFFFFE000  }
0xb6: {  	s9 =	sadd.s32 $0x1, s9;
	_ =	swait.ge [sflag:s8], $0x2000  }
0xb7: {  	p0 =	sne.s32 s9, s17;
	[sflag:s8] =	ssyncset.done $0x0  }
.Ltmp1:
0xb8: {  	[sflag:s8] =	ssyncadd.s32 $0xFFFFE000;
	(pc) =	sbr.rel @p0 .LBB2_1-.Ltmp1, $4  }
0xb9: {  	[hbm4b:s25+s4] =	stream.strided.scatter [tilespmem:s31], [sflag:$0x5], $0x2000, s5, s4, $0x38;
	[tilespmem:$0x9A00] =	vst v63  }
0xba: {  	_ =	swait.ge [sflag:s26], $0x2000  }
0xbb: {  	[sflag:s26] =	ssyncset.done $0x0  }
0xbc: {  	[sflag:s26] =	ssyncadd.s32 $0xFFFFE000  }
0xbd: {  	_ =	sfence.sel $0x180000  }
0xbe: {  	[bflag:$0x0] =	sbarrier.arrive $0xFFFF  }
0xbf: {  	_ =	strace $0x9000004D  }
0xc0: {  	s0 =	stileid.u32;
	[bflag:$0x2] =	sbarrier.arrive $0xFFFF  }
0xc1: {  	p0 =	sne.s32 s0, $0x0;
	s0 =	rddreg [dreg:$0x1]  }
0xc2: {  	s0 =	sadd.s32 @!p0 $0x100000, s0  }
0xc3: {  	[sflag:s0] =	ssyncadd.tile.s32 @!p0 $0x1;
	_ =	shalt  }
.Lfunc_end2:
_tile_overlayer_lowered:
.L_overlay_start_2:
0xc4: {  	(tag) =	ssettag $0x2  }
0xc5: {  	s0 =	rddreg [dreg:$0x0];
	s2 =	stileid.u32  }
0xc6: {  	s1 =	rddreg [dreg:$0x1];
	p0 =	sne.s32 s2, $0x0  }
0xc7: {  	s3 =	rddreg [dreg:$0x2];
	[bflag:$0x3] =	sbarrier.arrive $0xFFFF;
	s2 =	simm.s32 @!p0 $0x1C05  }
0xc8: {  	[timem:s3], [sflag:s2] =	dma.local @!p0 [hbm:s0], s1  }
0xc9: {  	s0 =	simm.s32 @!p0 $0x5  }
0xca: {  	_ =	swait.ge @!p0 [sflag:s0], s1  }
0xcb: {  	s1 =	ssub.s32 @!p0 $0x0, s1;
	[sflag:s0] =	ssyncset.done @!p0 $0x0  }
0xcc: {  	[sflag:s0] =	ssyncadd.s32 @!p0 s1  }
0xcd: {  	[bflag:$0x3] =	sbarrier.arrive $0xFFFF  }
0xce: {  	_ =	shalt  }

// kernel: kernel.5.cloned.1.call-start
scs
__scs_entry_jumppad:
0x0: {  	(pc) =	sbr.rel $0x88, $3  }
0x1: {  	(tag) =	ssettag $0x0;
	lr =	simm.s32 $0x1  }
0x2: {  	[smem:$0x3F9F] =	sst lr;
	_ =	strace $0xD0000000  }
0x3: {  	_ = 	snop  }
0x4: {  	_ = 	snop  }
0x5: {  	_ = 	snop  }
0x6: {  	_ = 	snop  }
0x7: {  	_ = 	snop  }
__scs_overlays_trampoline_lowered:
0x8: {  	[smem:$0x3FAE] =	sst s0  }
0x9: {  	[smem:$0x3FAF] =	sst s1  }
0xa: {  	[smem:$0x3FB0] =	sst s2  }
0xb: {  	[smem:$0x3FB1] =	sst s3  }
0xc: {  	[smem:$0x3FB2] =	sst s4  }
0xd: {  	[smem:$0x3FB3] =	sst s5  }
0xe: {  	[smem:$0x3FB4] =	sst s6  }
0xf: {  	[smem:$0x3FB5] =	sst s7  }
0x10: {  	[smem:$0x3FB6] =	sst s8  }
0x11: {  	[smem:$0x3FB7] =	sst s9;
	s0 =	simm.s32 @!p0 $0x0  }
0x12: {  	s1 =	sld [smem:$0x3F9D];
	s0 =	simm.s32 @p0 $0x1  }
0x13: {  	[smem:$0x3FB8] =	sst s0;
	s0 =	simm.s32 @!p1 $0x0  }
0x14: {  	s2 =	sld [smem:$0x3F9C];
	s0 =	simm.s32 @p1 $0x1  }
0x15: {  	[smem:$0x3FB9] =	sst s0;
	s0 =	simm.s32 @!p2 $0x0  }
0x16: {  	s3 =	sld [smem:$0x3FDB];
	s0 =	simm.s32 @p2 $0x1  }
0x17: {  	s4 =	simm.s32 $0x1BF5;
	[smem:$0x3FBB] =	sst s0  }
0x18: {  	s0 =	sld [smem:$0x3F9E];
	_ =	swait.ge [sflag:s4], $0x0  }
0x19: {  	s7 =	sld [smem:$0x3F9F]  }
0x1a: {  	s8 =	sadd.s32 $0xFFFFE003, lr  }
0x1b: {  	s9 =	sadd.s32 $0xFFFFFEF7, lr;
	s5 =	simm.s32 $0xFFFFFFFF;
	p2 =	slt.u32 s8, $0xFFFFF086  }
0x1c: {  	p1 =	slt.u32 s9, $0xF7A;
	s5 =	simm.s32 @!p2 $0x0  }
0x1d: {  	s5 =	simm.s32 @p1 $0x1;
	p0 =	seq.s32 s7, s2  }
0x1e: {  	s7 =	smul.u32 @!p0 $0xF7A, s2;
	p2 =	seq.s32 @!p0 s5, $0x0  }
0x1f: {  	s9 =	smul.u32 $0xF7A, s1;
	s8 =	simm.s32 @!p0 $0x1BF5;
	p2 =	por !p2, p0  }
0x20: {  	[sflag:s8] =	ssyncset.s32 @!p0 $0xFFFFF086;
	s6 =	sadd.s32 @!p0 s3, s7;
	s7 =	simm.s32 @!p0 $0x108  }
0x21: {  	s3 =	sadd.s32 s3, s9;
	s6 =	sadd.s32 @!p0 $0x88, s6;
	s7 =	simm.s32 @p2 $0x1082  }
0x22: {  	[simem:s7], [sflag:s8] =	dma.local @!p0 [hbm:s6], $0xF7A  }
0x23: {  	s9 =	sor.u32 $0xD0000000, s2;
	s6 =	simm.s32 $0x108;
	_ =	swait.ge @!p0 [sflag:s8], $0x0  }
0x24: {  	s3 =	sadd.s32 $0x88, s3;
	s6 =	simm.s32 @!p1 $0x1082;
	[sflag:s4] =	ssyncset.s32 $0xFFFFF086  }
0x25: {  	[simem:s6], [sflag:s4] =	dma.local [hbm:s3], $0xF7A  }
0x26: {  	[smem:$0x3F9F] =	sst s1;
	(tag) =	ssettag s2;
	_ =	strace s9  }
0x27: {  	s1 =	sld [smem:$0x3FAF]  }
0x28: {  	s2 =	sld [smem:$0x3FB0]  }
0x29: {  	s4 =	sld [smem:$0x3FB2]  }
0x2a: {  	p0 =	seq.s32 s5, $0x0;
	s5 =	sld [smem:$0x3FB3]  }
0x2b: {  	s6 =	sld [smem:$0x3FB4]  }
0x2c: {  	s7 =	sld [smem:$0x3FB5]  }
0x2d: {  	s3 =	simm.s32 $0x108;
	s8 =	sld [smem:$0x3FB6]  }
0x2e: {  	s3 =	simm.s32 @!p0 $0x1082;
	s9 =	sld [smem:$0x3FB7]  }
0x2f: {  	lr =	sadd.s32 s0, s3;
	s0 =	sld [smem:$0x3FAE]  }
0x30: {  	s3 =	sld [smem:$0x3FB1]  }
0x31: {  	[smem:$0x3FBA] =	sst s10  }
0x32: {  	s10 =	sld [smem:$0x3FB8];
	_ =	sdelay $0x3  }
0x33: {  	p0 =	seq.s32 s10, $0x1;
	s10 =	sld [smem:$0x3FBA];
	_ =	sdelay $0x3  }
0x34: {  	[smem:$0x3FBA] =	sst s10  }
0x35: {  	s10 =	sld [smem:$0x3FB9];
	_ =	sdelay $0x3  }
0x36: {  	p1 =	seq.s32 s10, $0x1;
	s10 =	sld [smem:$0x3FBA];
	_ =	sdelay $0x3  }
0x37: {  	[smem:$0x3FBA] =	sst s10  }
0x38: {  	s10 =	sld [smem:$0x3FBB]  }
0x39: {  	_ = 	snop;
	(pc) =	sbr.ind lr, $3  }
0x3a: {  	_ = 	snop  }
0x3b: {  	_ = 	snop  }
0x3c: {  	p2 =	seq.s32 s10, $0x1;
	s10 =	sld [smem:$0x3FBA]  }
0x3d: {  	_ =	shalt  }
0x3e: {  	_ =	shalt  }
0x3f: {  	_ =	shalt  }
0x40: {  	_ =	shalt  }
0x41: {  	_ =	shalt  }
0x42: {  	_ =	shalt  }
0x43: {  	_ =	shalt  }
0x44: {  	_ =	shalt  }
0x45: {  	_ =	shalt  }
0x46: {  	_ =	shalt  }
0x47: {  	_ =	shalt  }
0x48: {  	_ =	shalt  }
0x49: {  	_ =	shalt  }
0x4a: {  	_ =	shalt  }
0x4b: {  	_ =	shalt  }
0x4c: {  	_ =	shalt  }
0x4d: {  	_ =	shalt  }
0x4e: {  	_ =	shalt  }
0x4f: {  	_ =	shalt  }
0x50: {  	_ =	shalt  }
0x51: {  	_ =	shalt  }
0x52: {  	_ =	shalt  }
0x53: {  	_ =	shalt  }
0x54: {  	_ =	shalt  }
0x55: {  	_ =	shalt  }
0x56: {  	_ =	shalt  }
0x57: {  	_ =	shalt  }
0x58: {  	_ =	shalt  }
0x59: {  	_ =	shalt  }
0x5a: {  	_ =	shalt  }
0x5b: {  	_ =	shalt  }
0x5c: {  	_ =	shalt  }
0x5d: {  	_ =	shalt  }
0x5e: {  	_ =	shalt  }
0x5f: {  	_ =	shalt  }
0x60: {  	_ =	shalt  }
0x61: {  	_ =	shalt  }
0x62: {  	_ =	shalt  }
0x63: {  	_ =	shalt  }
0x64: {  	_ =	shalt  }
0x65: {  	_ =	shalt  }
0x66: {  	_ =	shalt  }
0x67: {  	_ =	shalt  }
0x68: {  	_ =	shalt  }
0x69: {  	_ =	shalt  }
0x6a: {  	_ =	shalt  }
0x6b: {  	_ =	shalt  }
0x6c: {  	_ =	shalt  }
0x6d: {  	_ =	shalt  }
0x6e: {  	_ =	shalt  }
0x6f: {  	_ =	shalt  }
0x70: {  	_ =	shalt  }
0x71: {  	_ =	shalt  }
0x72: {  	_ =	shalt  }
0x73: {  	_ =	shalt  }
0x74: {  	_ =	shalt  }
0x75: {  	_ =	shalt  }
0x76: {  	_ =	shalt  }
0x77: {  	_ =	shalt  }
0x78: {  	_ =	shalt  }
0x79: {  	_ =	shalt  }
0x7a: {  	_ =	shalt  }
0x7b: {  	_ =	shalt  }
0x7c: {  	_ =	shalt  }
0x7d: {  	_ =	shalt  }
0x7e: {  	_ =	shalt  }
0x7f: {  	_ =	shalt  }
0x80: {  	_ =	shalt  }
0x81: {  	_ =	shalt  }
0x82: {  	_ =	shalt  }
0x83: {  	_ =	shalt  }
0x84: {  	_ =	shalt  }
0x85: {  	_ =	shalt  }
0x86: {  	_ =	shalt  }
0x87: {  	_ =	shalt  }
.Lfunc_end0:
.L_simem_size_0:
called_computation.2_lowered:
.L_overlay_start_0:
0x88: {  	s2 =	sld [smem:$0x3FD9]  }
0x89: {  	s3 =	sld [smem:$0x3FFE];
	_ =	sdelay $0x1  }
0x8a: {  	s1 =	srdreg.scid  }
0x8b: {  	s0 =	sand.u32 $0x1, s1  }
0x8c: {  	s18 =	sshll.u32 s0, $0xA;
	s2 =	sadd.s32 s3, s2  }
0x8d: {  	s2 =	sadd.s32 s2, s18  }
0x8e: {  	[smem:$0x3FC6] =	sst s2  }
0x8f: {  	_ = 	snop  }
0x90: {  	s2 =	sld [smem:$0x3FC9]  }
0x91: {  	s19 =	sld [smem:$0x3FD0];
	(tm) =	ssettm $0x1  }
0x92: {  	s4 =	sld [smem:$0x3FFB];
	_ =	sdelay $0x3  }
0x93: {  	_ =	strace s4  }
0x94: {  	s4 =	sld [smem:$0x3FFC];
	_ =	sdelay $0x3  }
0x95: {  	_ =	strace s4  }
0x96: {  	s4 =	sld [smem:$0x3FFD];
	_ =	sdelay $0x3  }
0x97: {  	_ =	strace s4  }
0x98: {  	_ =	strace $0x8FFFFFFF  }
0x99: {  	s20 =	sld [smem:$0x3FDB];
	_ =	sdelay $0x1  }
0x9a: {  	s5 =	simm.s32 $_scs_section_size  }
0x9b: {  	s6 =	simm.s32 $_size__tile_overlayer_lowered;
	s7 =	simm.s32 $_tile_overlayer_lowered  }
0x9c: {  	s23 =	simm.s32 $0x1BFF;
	s22 =	sshll.u32 s7, $0x1;
	s4 =	sadd.s32 s5, s20  }
0x9d: {  	s8 =	simm.s32 $0x0;
	s21 =	sshll.u32 s6, $0x1;
	s6 =	sadd.s32 s22, s4  }
0x9e: {  	[timem:s8], [sflag:s23] =	dma.local [hbm:s6], s21  }
0x9f: {  	_ =	swait.ge [sflag:s23], s21  }
0xa0: {  	s5 =	ssub.s32 $0x0, s21;
	[sflag:s23] =	ssyncset.done $0x0  }
0xa1: {  	[sflag:s23] =	ssyncadd.s32 s5;
	_ =	sdelay $0x1  }
0xa2: {  	s24 =	simm.s32 $0x1B8B  }
0xa3: {  	_ =	swait.ge [sflag:s24], $0x1  }
0xa4: {  	[sflag:s24] =	ssyncset.done $0x0  }
0xa5: {  	s25 =	simm.s32 $0x1B8E;
	[sflag:s24] =	ssyncadd.s32 $0xFFFFFFFF  }
0xa6: {  	s26 =	simm.s32 $execute0_lowered;
	[smem:$0x3FD2] =	sst s25  }
0xa7: {  	s5 =	sshll.u32 s26, $0x1;
	_ =	strace $0x80000046;
	[dreg:$0x1] =	wrdreg $0xFFFFFFFF  }
0xa8: {  	s28 =	simm.s32 $_size_execute0_lowered;
	s4 =	sadd.s32 s4, s5;
	[dreg:$0x0] =	wrdreg $0x0  }
0xa9: {  	s5 =	sshll.u32 s28, $0x1;
	[dreg:$0x2] =	wrdreg s4  }
0xaa: {  	[dreg:$0x3] =	wrdreg s5  }
0xab: {  	[dreg:$0x4] =	wrdreg $0xC0  }
0xac: {  	_ =	task [dreg:s8], $0x5FFFF  }
0xad: {  	[dreg:$0x1] =	wrdreg $0xFFFFFFFF  }
0xae: {  	[dreg:$0x0] =	wrdreg $0x60  }
0xaf: {  	[dreg:$0x2] =	wrdreg s2  }
0xb0: {  	[dreg:$0x3] =	wrdreg s19  }
0xb1: {  	[dreg:$0x4] =	wrdreg $0x9  }
0xb2: {  	_ =	task.clear_ibuf [dreg:s8], $0x5FFFF;
	_ =	strace $0x90000046  }
0xb3: {  	s29 =	simm.s32 $0x9;
	_ =	strace $0x80000048  }
0xb4: {  	_ =	swait.ge [sflag:s29], $0x1  }
0xb5: {  	[sflag:s29] =	ssyncadd.s32 $0xFFFFFFFF  }
0xb6: {  	_ =	strace $0x90000048  }
0xb7: {  	_ =	sfence  }
0xb8: {  	s30 =	sld [smem:$0x0];
	_ =	sdelay $0x2  }
0xb9: {  	s31 =	sshll.u32 s1, $0xD;
	s1 =	sshrl.u32 s1, $0x2  }
0xba: {  	s3 =	sand.u32 $0x4000, s31;
	s1 =	sadd.s32 s1, s30  }
0xbb: {  	s0 =	sor.u32 s3, s0;
	s1 =	sshll.u32 s1, $0x11  }
0xbc: {  	s0 =	sor.u32 s1, s0  }
0xbd: {  	s0 =	sadd.s32 $0x8F2B, s0  }
0xbe: {  	[sflag:s0] =	ssyncadd.remote.s32 $0x1  }
0xbf: {  	_ =	sfence.sel $0xFFFF  }
0xc0: {  	[dreg:$0x0] =	wrdreg $0xFFFFFFFF;
	(pc) =	sbr.abs _section_cstart, $3  }
0xc1: {  	[dreg:$0x1] =	wrdreg $0xFFFFFFFF  }
0xc2: {  	_ =	task.clear_ibuf [dreg:s8], $0x2FFFF;
	_ =	strace $0x9FFFFFFF  }
0xc3: {  	(tm) =	ssettm $0x7FFFFFFF  }
tec
execute0_lowered:
.L_overlay_start_1:
0x0: {  	(tag) =	ssettag $0x1  }
0x1: {  	s0 =	rddreg [dreg:$0x0]  }
0x2: {  	s1 =	rddreg [dreg:$0x1];
	s3 =	srdreg.scid  }
0x3: {  	s2 =	simm.s32 $0x0;
	s4 =	stileid.u32;
	p0 =	por $0x0, $0x0  }
0x4: {  	s28 =	simm.s32 $0x600;
	s3 =	sand.u32 $0x1, s3;
	[smem:$0x7FF] =	sst s2  }
0x5: {  	s4 =	sshll.u32 s4, $0xA;
	s5 =	sshll.u32 s3, $0x9;
	s3 =	ssub.s32 $0x2, s3  }
0x6: {  	_ =	strace $0x80000047;
	s4 =	sor.u32 s5, s4;
	s23 =	sshrl.u32 s3, $0x1  }
0x7: {  	s6 =	sadd.s32 s0, s4;
	s7 =	sshrl.u32 s4, $0x3;
	s3 =	ssub.s32 s3, s23  }
0x8: {  	s24 =	sor.u32 $0x4000, s4;
	s25 =	sor.u32 $0x8000, s4;
	s4 =	sor.u32 $0xC000, s4  }
0x9: {  	[dreg:$0x3] =	wrdreg s6;
	s11 =	sadd.s32 s1, s7;
	s26 =	sshrl.u32 s24, $0x3  }
0xa: {  	s8 =	sshrl.u32 s25, $0x3;
	s9 =	sshrl.u32 s4, $0x3;
	s14 =	sadd.s32 s0, s24  }
0xb: {  	s23 =	sadd.s32 s0, s25;
	s25 =	smax.u32 s3, $0x1;
	s3 =	simm.s32 $0x1  }
0xc: {  	s6 =	simm.s32 $0xC80;
	s7 =	sadd.s32 s1, s26;
	[dreg:$0x4] =	wrdreg s14  }
0xd: {  	s10 =	sadd.s32 s1, s8;
	s1 =	sadd.s32 s1, s9;
	[dreg:$0x5] =	wrdreg s23  }
0xe: {  	s12 =	sadd.s32 $0x2000, s11;
	s13 =	sadd.s32 $0x2800, s11;
	[dreg:$0x12] =	wrdreg s7  }
0xf: {  	s16 =	sadd.s32 $0x3000, s11;
	s15 =	sadd.s32 $0x3800, s11;
	[dreg:$0x11] =	wrdreg s10  }
0x10: {  	s5 =	sadd.s32 $0x4000, s11;
	s17 =	sadd.s32 $0x4800, s11;
	[dreg:$0x10] =	wrdreg s1  }
0x11: {  	s9 =	sadd.s32 $0x5000, s11;
	s18 =	sadd.s32 $0x5800, s11;
	[dreg:$0xf] =	wrdreg s12  }
0x12: {  	s19 =	sadd.s32 $0x6000, s11;
	s20 =	sadd.s32 $0x6800, s11;
	[dreg:$0xe] =	wrdreg s13  }
0x13: {  	s21 =	sadd.s32 $0x7000, s11;
	s22 =	sadd.s32 $0x7800, s11;
	[dreg:$0xd] =	wrdreg s15  }
0x14: {  	s29 =	sadd.s32 $0x8000, s11;
	s24 =	sadd.s32 $0x8800, s11;
	[dreg:$0xc] =	wrdreg s17  }
0x15: {  	s23 =	sadd.s32 $0x9000, s11;
	s26 =	sadd.s32 s0, s4;
	[dreg:$0xb] =	wrdreg s18  }
0x16: {  	p1 =	sne.s32 s25, $0x1;
	s0 =	sadd.s32 $0xFFFFFFFF, s25;
	[dreg:$0xa] =	wrdreg s19  }
0x17: {  	s25 =	sadd.s32 $0xA800, s11;
	s30 =	sadd.s32 $0xB000, s11;
	[dreg:$0x9] =	wrdreg s20  }
0x18: {  	s31 =	sadd.s32 $0xC800, s11;
	s8 =	simm.s32 $0x480;
	[dreg:$0x8] =	wrdreg s21  }
0x19: {  	s4 =	simm.s32 $0x200;
	s14 =	simm.s32 $0xA00;
	[dreg:$0x7] =	wrdreg s22  }
.Ltmp0:
0x1a: {  	[dreg:$0x6] =	wrdreg s24;
	s10 =	sadd.s32 $0x9800, s11;
	(pc) =	sbr.rel @!p1 .LBB2_5-.Ltmp0, $4  }
0x1b: {  	s15 =	sadd.s32 $0xA000, s11;
	s1 =	smov.u32 s11;
	s24 =	sadd.s32 $0xB800, s11  }
0x1c: {  	s22 =	sadd.s32 $0xC000, s11;
	s13 =	simm.s32 $0x400;
	s12 =	simm.s32 $0x800  }
0x1d: {  	s11 =	simm.s32 $0xC00;
	s18 =	simm.s32 $0x80;
	s19 =	simm.s32 $0x880  }
0x1e: {  	s7 =	simm.s32 $0xD80;
	s20 =	simm.s32 $0xE00;
	s21 =	simm.s32 $0x280  }
0x1f: {  	[smem:$0x7FD] =	sst s0  }
0x20: {  	s17 =	rddreg [dreg:$0x3]  }
0x21: {  	[tilespmem:s2], [sflag:$0x1] =	stream.linear.gather [hbm4b:s17+s2], $0x1000, $0x38;
	[tilespmem:$0x1000] =	vst v63  }
0x22: {  	_ =	swait.ge [sflag:s3], $0x1000  }
0x23: {  	[sflag:s3] =	ssyncset.done $0x0  }
0x24: {  	s19 =	sadd.s32 $0x10, s1;
	[sflag:s3] =	ssyncadd.s32 $0xFFFFF000  }
0x25: {  	[hbm4b:s1+s2] =	stream.linear.scatter [tilespmem:s2], [sflag:$0x1], $0x80, $0x38;
	[tilespmem:$0x1000] =	vst v63  }
0x26: {  	s17 =	sadd.s32 $0x20, s1;
	[dreg:$0x13] =	wrdreg s19  }
0x27: {  	[hbm4b:s19+s2] =	stream.linear.scatter [tilespmem:s13], [sflag:$0x1], $0x80, $0x38;
	[tilespmem:$0x1000] =	vst v63  }
0x28: {  	[dreg:$0x14] =	wrdreg s17;
	s19 =	sadd.s32 $0x30, s1  }
0x29: {  	[hbm4b:s17+s2] =	stream.linear.scatter [tilespmem:s12], [sflag:$0x1], $0x80, $0x38;
	[tilespmem:$0x1000] =	vst v63  }
0x2a: {  	[dreg:$0x15] =	wrdreg s19  }
0x2b: {  	[hbm4b:s19+s2] =	stream.linear.scatter [tilespmem:s11], [sflag:$0x1], $0x80, $0x38;
	[tilespmem:$0x1000] =	vst v63  }
0x2c: {  	_ =	swait.ge [sflag:s3], $0x200  }
0x2d: {  	[sflag:s3] =	ssyncset.done $0x0;
	s12 =	rddreg [dreg:$0x12]  }
0x2e: {  	[sflag:s3] =	ssyncadd.s32 $0xFFFFFE00;
	s19 =	sadd.s32 $0x10, s12  }
0x2f: {  	[hbm4b:s12+s2] =	stream.linear.scatter [tilespmem:s18], [sflag:$0x1], $0x80, $0x38;
	[tilespmem:$0x1000] =	vst v63  }
0x30: {  	s17 =	sadd.s32 $0x20, s12;
	[dreg:$0x16] =	wrdreg s19  }
0x31: {  	[hbm4b:s19+s2] =	stream.linear.scatter [tilespmem:s8], [sflag:$0x1], $0x80, $0x38;
	[tilespmem:$0x1000] =	vst v63  }
0x32: {  	s13 =	simm.s32 $0x880;
	s0 =	sadd.s32 $0x30, s12;
	[dreg:$0x17] =	wrdreg s17  }
0x33: {  	[hbm4b:s17+s2] =	stream.linear.scatter [tilespmem:s13], [sflag:$0x1], $0x80, $0x38;
	[tilespmem:$0x1000] =	vst v63  }
0x34: {  	[dreg:$0x18] =	wrdreg s0  }
0x35: {  	[hbm4b:s0+s2] =	stream.linear.scatter [tilespmem:s6], [sflag:$0x1], $0x80, $0x38;
	[tilespmem:$0x1000] =	vst v63  }
0x36: {  	_ =	swait.ge [sflag:s3], $0x200  }
0x37: {  	[sflag:s3] =	ssyncset.done $0x0;
	s0 =	rddreg [dreg:$0x11]  }
0x38: {  	s12 =	simm.s32 $0x100;
	[sflag:s3] =	ssyncadd.s32 $0xFFFFFE00;
	s13 =	sadd.s32 $0x10, s0  }
0x39: {  	[hbm4b:s0+s2] =	stream.linear.scatter [tilespmem:s12], [sflag:$0x1], $0x80, $0x38;
	[tilespmem:$0x1000] =	vst v63  }
0x3a: {  	s17 =	simm.s32 $0x500;
	[dreg:$0x19] =	wrdreg s13;
	s12 =	sadd.s32 $0x20, s0  }
0x3b: {  	[hbm4b:s13+s2] =	stream.linear.scatter [tilespmem:s17], [sflag:$0x1], $0x80, $0x38;
	[tilespmem:$0x1000] =	vst v63  }
0x3c: {  	s0 =	sadd.s32 $0x30, s0;
	[dreg:$0x1a] =	wrdreg s12;
	s13 =	simm.s32 $0x900  }
0x3d: {  	[hbm4b:s12+s2] =	stream.linear.scatter [tilespmem:s13], [sflag:$0x1], $0x80, $0x38;
	[tilespmem:$0x1000] =	vst v63  }
0x3e: {  	[dreg:$0x1b] =	wrdreg s0;
	s17 =	simm.s32 $0xD00  }
0x3f: {  	[hbm4b:s0+s2] =	stream.linear.scatter [tilespmem:s17], [sflag:$0x1], $0x80, $0x38;
	[tilespmem:$0x1000] =	vst v63  }
0x40: {  	_ =	swait.ge [sflag:s3], $0x200  }
0x41: {  	[sflag:s3] =	ssyncset.done $0x0;
	s0 =	rddreg [dreg:$0x10]  }
0x42: {  	s19 =	simm.s32 $0x180;
	[sflag:s3] =	ssyncadd.s32 $0xFFFFFE00;
	s11 =	sadd.s32 $0x10, s0  }
0x43: {  	[hbm4b:s0+s2] =	stream.linear.scatter [tilespmem:s19], [sflag:$0x1], $0x80, $0x38;
	[tilespmem:$0x1000] =	vst v63  }
0x44: {  	s12 =	simm.s32 $0x580;
	s13 =	sadd.s32 $0x20, s0;
	[dreg:$0x1c] =	wrdreg s11  }
0x45: {  	[hbm4b:s11+s2] =	stream.linear.scatter [tilespmem:s12], [sflag:$0x1], $0x80, $0x38;
	[tilespmem:$0x1000] =	vst v63  }
0x46: {  	s17 =	simm.s32 $0x980;
	[dreg:$0x1d] =	wrdreg s13;
	s0 =	sadd.s32 $0x30, s0  }
0x47: {  	[hbm4b:s13+s2] =	stream.linear.scatter [tilespmem:s17], [sflag:$0x1], $0x80, $0x38;
	[tilespmem:$0x1000] =	vst v63  }
0x48: {  	[dreg:$0x1e] =	wrdreg s0  }
0x49: {  	[hbm4b:s0+s2] =	stream.linear.scatter [tilespmem:s7], [sflag:$0x1], $0x80, $0x38;
	[tilespmem:$0x1000] =	vst v63  }
0x4a: {  	_ =	swait.ge [sflag:s3], $0x200  }
0x4b: {  	[sflag:s3] =	ssyncset.done $0x0;
	s13 =	rddreg [dreg:$0xf]  }
0x4c: {  	[sflag:s3] =	ssyncadd.s32 $0xFFFFFE00;
	s17 =	sadd.s32 $0x10, s13  }
0x4d: {  	[hbm4b:s13+s2] =	stream.linear.scatter [tilespmem:s4], [sflag:$0x1], $0x80, $0x38;
	[tilespmem:$0x1000] =	vst v63  }
0x4e: {  	s19 =	sadd.s32 $0x20, s13;
	[smem:$0x7AC] =	sst s17  }
0x4f: {  	[hbm4b:s17+s2] =	stream.linear.scatter [tilespmem:s28], [sflag:$0x1], $0x80, $0x38;
	[tilespmem:$0x1000] =	vst v63  }
0x50: {  	s0 =	sadd.s32 $0x30, s13;
	[smem:$0x7AD] =	sst s19  }
0x51: {  	[hbm4b:s19+s2] =	stream.linear.scatter [tilespmem:s14], [sflag:$0x1], $0x80, $0x38;
	[tilespmem:$0x1000] =	vst v63  }
0x52: {  	[smem:$0x7AE] =	sst s0  }
0x53: {  	[hbm4b:s0+s2] =	stream.linear.scatter [tilespmem:s20], [sflag:$0x1], $0x80, $0x38;
	[tilespmem:$0x1000] =	vst v63  }
0x54: {  	_ =	swait.ge [sflag:s3], $0x200  }
0x55: {  	[sflag:s3] =	ssyncset.done $0x0;
	s20 =	rddreg [dreg:$0xe]  }
0x56: {  	[sflag:s3] =	ssyncadd.s32 $0xFFFFFE00;
	s7 =	sadd.s32 $0x10, s20  }
0x57: {  	[hbm4b:s20+s2] =	stream.linear.scatter [tilespmem:s21], [sflag:$0x1], $0x80, $0x38;
	[tilespmem:$0x1000] =	vst v63  }
0x58: {  	s14 =	simm.s32 $0x680;
	s19 =	sadd.s32 $0x20, s20;
	[smem:$0x7AF] =	sst s7  }
0x59: {  	[hbm4b:s7+s2] =	stream.linear.scatter [tilespmem:s14], [sflag:$0x1], $0x80, $0x38;
	[tilespmem:$0x1000] =	vst v63  }
0x5a: {  	s12 =	simm.s32 $0xA80;
	s0 =	sadd.s32 $0x30, s20;
	[smem:$0x7B0] =	sst s19  }
0x5b: {  	[hbm4b:s19+s2] =	stream.linear.scatter [tilespmem:s12], [sflag:$0x1], $0x80, $0x38;
	[tilespmem:$0x1000] =	vst v63  }
0x5c: {  	[smem:$0x7B1] =	sst s0;
	s7 =	simm.s32 $0xE80  }
0x5d: {  	[hbm4b:s0+s2] =	stream.linear.scatter [tilespmem:s7], [sflag:$0x1], $0x80, $0x38;
	[tilespmem:$0x1000] =	vst v63  }
0x5e: {  	_ =	swait.ge [sflag:s3], $0x200  }
0x5f: {  	[sflag:s3] =	ssyncset.done $0x0  }
0x60: {  	s20 =	sadd.s32 $0x10, s16;
	s14 =	simm.s32 $0x300;
	[sflag:s3] =	ssyncadd.s32 $0xFFFFFE00  }
0x61: {  	[hbm4b:s16+s2] =	stream.linear.scatter [tilespmem:s14], [sflag:$0x1], $0x80, $0x38;
	[tilespmem:$0x1000] =	vst v63  }
0x62: {  	s21 =	sadd.s32 $0x20, s16;
	s19 =	simm.s32 $0x700;
	[smem:$0x7B2] =	sst s20  }
0x63: {  	[hbm4b:s20+s2] =	stream.linear.scatter [tilespmem:s19], [sflag:$0x1], $0x80, $0x38;
	[tilespmem:$0x1000] =	vst v63  }
0x64: {  	s4 =	sadd.s32 $0x30, s16;
	[smem:$0x7B3] =	sst s21;
	s20 =	simm.s32 $0xB00  }
0x65: {  	[hbm4b:s21+s2] =	stream.linear.scatter [tilespmem:s20], [sflag:$0x1], $0x80, $0x38;
	[tilespmem:$0x1000] =	vst v63  }
0x66: {  	[smem:$0x7B4] =	sst s4;
	s21 =	simm.s32 $0xF00  }
0x67: {  	[hbm4b:s4+s2] =	stream.linear.scatter [tilespmem:s21], [sflag:$0x1], $0x80, $0x38;
	[tilespmem:$0x1000] =	vst v63  }
0x68: {  	_ =	swait.ge [sflag:s3], $0x200  }
0x69: {  	[sflag:s3] =	ssyncset.done $0x0  }
0x6a: {  	s12 =	simm.s32 $0x380;
	s0 =	rddreg [dreg:$0xd];
	[sflag:s3] =	ssyncadd.s32 $0xFFFFFE00  }
0x6b: {  	[hbm4b:s0+s2] =	stream.linear.scatter [tilespmem:s12], [sflag:$0x1], $0x80, $0x38;
	[tilespmem:$0x1000] =	vst v63  }
0x6c: {  	s4 =	sadd.s32 $0x10, s0;
	s12 =	simm.s32 $0x780  }
0x6d: {  	[hbm4b:s4+s2] =	stream.linear.scatter [tilespmem:s12], [sflag:$0x1], $0x80, $0x38;
	[tilespmem:$0x1000] =	vst v63  }
0x6e: {  	[smem:$0x7B5] =	sst s4;
	s4 =	sadd.s32 $0x20, s0  }
0x6f: {  	s12 =	simm.s32 $0xB80;
	s0 =	sadd.s32 $0x30, s0;
	[smem:$0x7B6] =	sst s4  }
0x70: {  	[hbm4b:s4+s2] =	stream.linear.scatter [tilespmem:s12], [sflag:$0x1], $0x80, $0x38;
	[tilespmem:$0x1000] =	vst v63  }
0x71: {  	[smem:$0x7B7] =	sst s0;
	s12 =	simm.s32 $0xF80  }
0x72: {  	[hbm4b:s0+s2] =	stream.linear.scatter [tilespmem:s12], [sflag:$0x1], $0x80, $0x38;
	[tilespmem:$0x1000] =	vst v63  }
0x73: {  	_ =	swait.ge [sflag:s3], $0x200  }
0x74: {  	[sflag:s3] =	ssyncset.done $0x0  }
0x75: {  	s4 =	rddreg [dreg:$0x4];
	[sflag:s3] =	ssyncadd.s32 $0xFFFFFE00  }
0x76: {  	[tilespmem:s2], [sflag:$0x1] =	stream.linear.gather [hbm4b:s4+s2], $0x1000, $0x38;
	[tilespmem:$0x1000] =	vst v63  }
0x77: {  	_ =	swait.ge [sflag:s3], $0x1000  }
0x78: {  	[sflag:s3] =	ssyncset.done $0x0  }
0x79: {  	[sflag:s3] =	ssyncadd.s32 $0xFFFFF000  }
0x7a: {  	[hbm4b:s5+s2] =	stream.linear.scatter [tilespmem:s2], [sflag:$0x1], $0x80, $0x38;
	[tilespmem:$0x1000] =	vst v63  }
0x7b: {  	s17 =	simm.s32 $0x400;
	s12 =	sadd.s32 $0x10, s5  }
0x7c: {  	[hbm4b:s12+s2] =	stream.linear.scatter [tilespmem:s17], [sflag:$0x1], $0x80, $0x38;
	[tilespmem:$0x1000] =	vst v63  }
0x7d: {  	s4 =	sadd.s32 $0x20, s5;
	[smem:$0x7B8] =	sst s12;
	s12 =	simm.s32 $0x800  }
0x7e: {  	[hbm4b:s4+s2] =	stream.linear.scatter [tilespmem:s12], [sflag:$0x1], $0x80, $0x38;
	[tilespmem:$0x1000] =	vst v63  }
0x7f: {  	[smem:$0x7B9] =	sst s4;
	s4 =	sadd.s32 $0x30, s5  }
0x80: {  	s12 =	simm.s32 $0xC00;
	[smem:$0x7BA] =	sst s4  }
0x81: {  	[hbm4b:s4+s2] =	stream.linear.scatter [tilespmem:s12], [sflag:$0x1], $0x80, $0x38;
	[tilespmem:$0x1000] =	vst v63  }
0x82: {  	_ =	swait.ge [sflag:s3], $0x200  }
0x83: {  	[sflag:s3] =	ssyncset.done $0x0;
	s0 =	rddreg [dreg:$0xc]  }
0x84: {  	[sflag:s3] =	ssyncadd.s32 $0xFFFFFE00;
	s12 =	sadd.s32 $0x10, s0  }
0x85: {  	[hbm4b:s0+s2] =	stream.linear.scatter [tilespmem:s18], [sflag:$0x1], $0x80, $0x38;
	[tilespmem:$0x1000] =	vst v63  }
0x86: {  	s4 =	sadd.s32 $0x20, s0;
	[smem:$0x7BB] =	sst s12  }
0x87: {  	[hbm4b:s12+s2] =	stream.linear.scatter [tilespmem:s8], [sflag:$0x1], $0x80, $0x38;
	[tilespmem:$0x1000] =	vst v63  }
0x88: {  	[smem:$0x7BC] =	sst s4;
	s0 =	sadd.s32 $0x30, s0;
	s12 =	simm.s32 $0x880  }
0x89: {  	[hbm4b:s4+s2] =	stream.linear.scatter [tilespmem:s12], [sflag:$0x1], $0x80, $0x38;
	[tilespmem:$0x1000] =	vst v63  }
0x8a: {  	[smem:$0x7BD] =	sst s0  }
0x8b: {  	[hbm4b:s0+s2] =	stream.linear.scatter [tilespmem:s6], [sflag:$0x1], $0x80, $0x38;
	[tilespmem:$0x1000] =	vst v63  }
0x8c: {  	_ =	swait.ge [sflag:s3], $0x200  }
0x8d: {  	[sflag:s3] =	ssyncset.done $0x0  }
0x8e: {  	s12 =	simm.s32 $0x100;
	[sflag:s3] =	ssyncadd.s32 $0xFFFFFE00  }
0x8f: {  	[hbm4b:s9+s2] =	stream.linear.scatter [tilespmem:s12], [sflag:$0x1], $0x80, $0x38;
	[tilespmem:$0x1000] =	vst v63  }
0x90: {  	s4 =	sadd.s32 $0x10, s9;
	s12 =	simm.s32 $0x500  }
0x91: {  	[hbm4b:s4+s2] =	stream.linear.scatter [tilespmem:s12], [sflag:$0x1], $0x80, $0x38;
	[tilespmem:$0x1000] =	vst v63  }
0x92: {  	[smem:$0x7BE] =	sst s4;
	s4 =	sadd.s32 $0x20, s9;
	s12 =	simm.s32 $0x900  }
0x93: {  	[hbm4b:s4+s2] =	stream.linear.scatter [tilespmem:s12], [sflag:$0x1], $0x80, $0x38;
	[tilespmem:$0x1000] =	vst v63  }
0x94: {  	[smem:$0x7BF] =	sst s4;
	s4 =	sadd.s32 $0x30, s9  }
0x95: {  	s12 =	simm.s32 $0xD00;
	[smem:$0x7C0] =	sst s4  }
0x96: {  	[hbm4b:s4+s2] =	stream.linear.scatter [tilespmem:s12], [sflag:$0x1], $0x80, $0x38;
	[tilespmem:$0x1000] =	vst v63  }
0x97: {  	_ =	swait.ge [sflag:s3], $0x200  }
0x98: {  	[sflag:s3] =	ssyncset.done $0x0  }
0x99: {  	s12 =	simm.s32 $0x180;
	s0 =	rddreg [dreg:$0xb];
	[sflag:s3] =	ssyncadd.s32 $0xFFFFFE00  }
0x9a: {  	[hbm4b:s0+s2] =	stream.linear.scatter [tilespmem:s12], [sflag:$0x1], $0x80, $0x38;
	[tilespmem:$0x1000] =	vst v63  }
0x9b: {  	s4 =	sadd.s32 $0x10, s0;
	s12 =	simm.s32 $0x580  }
0x9c: {  	[hbm4b:s4+s2] =	stream.linear.scatter [tilespmem:s12], [sflag:$0x1], $0x80, $0x38;
	[tilespmem:$0x1000] =	vst v63  }
0x9d: {  	[smem:$0x7C1] =	sst s4;
	s4 =	sadd.s32 $0x20, s0  }
0x9e: {  	s12 =	simm.s32 $0x980;
	s0 =	sadd.s32 $0x30, s0;
	[smem:$0x7C2] =	sst s4  }
0x9f: {  	[hbm4b:s4+s2] =	stream.linear.scatter [tilespmem:s12], [sflag:$0x1], $0x80, $0x38;
	[tilespmem:$0x1000] =	vst v63  }
0xa0: {  	s11 =	simm.s32 $0xD80;
	[smem:$0x7C3] =	sst s0  }
0xa1: {  	[hbm4b:s0+s2] =	stream.linear.scatter [tilespmem:s11], [sflag:$0x1], $0x80, $0x38;
	[tilespmem:$0x1000] =	vst v63  }
0xa2: {  	_ =	swait.ge [sflag:s3], $0x200  }
0xa3: {  	[sflag:s3] =	ssyncset.done $0x0  }
0xa4: {  	s13 =	simm.s32 $0x200;
	s0 =	rddreg [dreg:$0xa];
	[sflag:s3] =	ssyncadd.s32 $0xFFFFFE00  }
0xa5: {  	[hbm4b:s0+s2] =	stream.linear.scatter [tilespmem:s13], [sflag:$0x1], $0x80, $0x38;
	[tilespmem:$0x1000] =	vst v63  }
0xa6: {  	s28 =	simm.s32 $0x600;
	s13 =	sadd.s32 $0x10, s0  }
0xa7: {  	[hbm4b:s13+s2] =	stream.linear.scatter [tilespmem:s28], [sflag:$0x1], $0x80, $0x38;
	[tilespmem:$0x1000] =	vst v63  }
0xa8: {  	[smem:$0x7C4] =	sst s13;
	s28 =	sadd.s32 $0x20, s0  }
0xa9: {  	s11 =	simm.s32 $0xA00;
	s0 =	sadd.s32 $0x30, s0;
	[smem:$0x7C5] =	sst s28  }
0xaa: {  	[hbm4b:s28+s2] =	stream.linear.scatter [tilespmem:s11], [sflag:$0x1], $0x80, $0x38;
	[tilespmem:$0x1000] =	vst v63  }
0xab: {  	s12 =	simm.s32 $0xE00;
	[smem:$0x7C6] =	sst s0  }
0xac: {  	[hbm4b:s0+s2] =	stream.linear.scatter [tilespmem:s12], [sflag:$0x1], $0x80, $0x38;
	[tilespmem:$0x1000] =	vst v63  }
0xad: {  	_ =	swait.ge [sflag:s3], $0x200  }
0xae: {  	[sflag:s3] =	ssyncset.done $0x0;
	s0 =	rddreg [dreg:$0x9]  }
0xaf: {  	s13 =	simm.s32 $0x280;
	[sflag:s3] =	ssyncadd.s32 $0xFFFFFE00;
	s28 =	sadd.s32 $0x10, s0  }
0xb0: {  	[hbm4b:s0+s2] =	stream.linear.scatter [tilespmem:s13], [sflag:$0x1], $0x80, $0x38;
	[tilespmem:$0x1000] =	vst v63  }
0xb1: {  	s11 =	simm.s32 $0x680;
	[smem:$0x7C7] =	sst s28;
	s13 =	sadd.s32 $0x20, s0  }
0xb2: {  	[hbm4b:s28+s2] =	stream.linear.scatter [tilespmem:s11], [sflag:$0x1], $0x80, $0x38;
	[tilespmem:$0x1000] =	vst v63  }
0xb3: {  	s0 =	sadd.s32 $0x30, s0;
	[smem:$0x7C8] =	sst s13;
	s28 =	simm.s32 $0xA80  }
0xb4: {  	[hbm4b:s13+s2] =	stream.linear.scatter [tilespmem:s28], [sflag:$0x1], $0x80, $0x38;
	[tilespmem:$0x1000] =	vst v63  }
0xb5: {  	[smem:$0x7C9] =	sst s0  }
0xb6: {  	[hbm4b:s0+s2] =	stream.linear.scatter [tilespmem:s7], [sflag:$0x1], $0x80, $0x38;
	[tilespmem:$0x1000] =	vst v63  }
0xb7: {  	_ =	swait.ge [sflag:s3], $0x200  }
0xb8: {  	[sflag:s3] =	ssyncset.done $0x0;
	s11 =	rddreg [dreg:$0x8]  }
0xb9: {  	[sflag:s3] =	ssyncadd.s32 $0xFFFFFE00;
	s12 =	sadd.s32 $0x10, s11  }
0xba: {  	[hbm4b:s11+s2] =	stream.linear.scatter [tilespmem:s14], [sflag:$0x1], $0x80, $0x38;
	[tilespmem:$0x1000] =	vst v63  }
0xbb: {  	s13 =	sadd.s32 $0x20, s11;
	[smem:$0x7CA] =	sst s12  }
0xbc: {  	[hbm4b:s12+s2] =	stream.linear.scatter [tilespmem:s19], [sflag:$0x1], $0x80, $0x38;
	[tilespmem:$0x1000] =	vst v63  }
0xbd: {  	s0 =	sadd.s32 $0x30, s11;
	[smem:$0x7CB] =	sst s13  }
0xbe: {  	[hbm4b:s13+s2] =	stream.linear.scatter [tilespmem:s20], [sflag:$0x1], $0x80, $0x38;
	[tilespmem:$0x1000] =	vst v63  }
0xbf: {  	[smem:$0x7CC] =	sst s0  }
0xc0: {  	[hbm4b:s0+s2] =	stream.linear.scatter [tilespmem:s21], [sflag:$0x1], $0x80, $0x38;
	[tilespmem:$0x1000] =	vst v63  }
0xc1: {  	_ =	swait.ge [sflag:s3], $0x200  }
0xc2: {  	[sflag:s3] =	ssyncset.done $0x0;
	s0 =	rddreg [dreg:$0x7]  }
0xc3: {  	s28 =	simm.s32 $0x380;
	[sflag:s3] =	ssyncadd.s32 $0xFFFFFE00;
	s11 =	sadd.s32 $0x10, s0  }
0xc4: {  	[hbm4b:s0+s2] =	stream.linear.scatter [tilespmem:s28], [sflag:$0x1], $0x80, $0x38;
	[tilespmem:$0x1000] =	vst v63  }
0xc5: {  	s12 =	simm.s32 $0x780;
	s13 =	sadd.s32 $0x20, s0;
	[smem:$0x7CD] =	sst s11  }
0xc6: {  	[hbm4b:s11+s2] =	stream.linear.scatter [tilespmem:s12], [sflag:$0x1], $0x80, $0x38;
	[tilespmem:$0x1000] =	vst v63  }
0xc7: {  	[smem:$0x7CE] =	sst s13;
	s0 =	sadd.s32 $0x30, s0;
	s11 =	simm.s32 $0xB80  }
0xc8: {  	[hbm4b:s13+s2] =	stream.linear.scatter [tilespmem:s11], [sflag:$0x1], $0x80, $0x38;
	[tilespmem:$0x1000] =	vst v63  }
0xc9: {  	[smem:$0x7CF] =	sst s0;
	s13 =	simm.s32 $0xF80  }
0xca: {  	[hbm4b:s0+s2] =	stream.linear.scatter [tilespmem:s13], [sflag:$0x1], $0x80, $0x38;
	[tilespmem:$0x1000] =	vst v63  }
0xcb: {  	_ =	swait.ge [sflag:s3], $0x200  }
0xcc: {  	[sflag:s3] =	ssyncset.done $0x0  }
0xcd: {  	s4 =	rddreg [dreg:$0x5];
	[sflag:s3] =	ssyncadd.s32 $0xFFFFFE00  }
0xce: {  	[tilespmem:s2], [sflag:$0x1] =	stream.linear.gather [hbm4b:s4+s2], $0x1000, $0x38;
	[tilespmem:$0x1000] =	vst v63  }
0xcf: {  	_ =	swait.ge [sflag:s3], $0x1000  }
0xd0: {  	[sflag:s3] =	ssyncset.done $0x0  }
0xd1: {  	s11 =	sadd.s32 $0x10, s29;
	[dreg:$0x1f] =	wrdreg s29;
	[sflag:s3] =	ssyncadd.s32 $0xFFFFF000  }
0xd2: {  	[hbm4b:s29+s2] =	stream.linear.scatter [tilespmem:s2], [sflag:$0x1], $0x80, $0x38;
	[tilespmem:$0x1000] =	vst v63  }
0xd3: {  	s12 =	sadd.s32 $0x20, s29;
	[smem:$0x7D0] =	sst s11  }
0xd4: {  	[hbm4b:s11+s2] =	stream.linear.scatter [tilespmem:s17], [sflag:$0x1], $0x80, $0x38;
	[tilespmem:$0x1000] =	vst v63  }
0xd5: {  	s13 =	simm.s32 $0x800;
	[smem:$0x7D1] =	sst s12;
	s17 =	sadd.s32 $0x30, s29  }
0xd6: {  	[hbm4b:s12+s2] =	stream.linear.scatter [tilespmem:s13], [sflag:$0x1], $0x80, $0x38;
	[tilespmem:$0x1000] =	vst v63  }
0xd7: {  	s29 =	simm.s32 $0xC00;
	[smem:$0x7D2] =	sst s17  }
0xd8: {  	[hbm4b:s17+s2] =	stream.linear.scatter [tilespmem:s29], [sflag:$0x1], $0x80, $0x38;
	[tilespmem:$0x1000] =	vst v63  }
0xd9: {  	_ =	swait.ge [sflag:s3], $0x200  }
0xda: {  	[sflag:s3] =	ssyncset.done $0x0;
	s0 =	rddreg [dreg:$0x6]  }
0xdb: {  	[sflag:s3] =	ssyncadd.s32 $0xFFFFFE00;
	s11 =	sadd.s32 $0x10, s0  }
0xdc: {  	[hbm4b:s0+s2] =	stream.linear.scatter [tilespmem:s18], [sflag:$0x1], $0x80, $0x38;
	[tilespmem:$0x1000] =	vst v63  }
0xdd: {  	s17 =	sadd.s32 $0x20, s0;
	[smem:$0x7D3] =	sst s11  }
0xde: {  	[hbm4b:s11+s2] =	stream.linear.scatter [tilespmem:s8], [sflag:$0x1], $0x80, $0x38;
	[tilespmem:$0x1000] =	vst v63  }
0xdf: {  	s29 =	simm.s32 $0x880;
	[smem:$0x7D4] =	sst s17;
	s0 =	sadd.s32 $0x30, s0  }
0xe0: {  	[hbm4b:s17+s2] =	stream.linear.scatter [tilespmem:s29], [sflag:$0x1], $0x80, $0x38;
	[tilespmem:$0x1000] =	vst v63  }
0xe1: {  	[smem:$0x7D5] =	sst s0  }
0xe2: {  	[hbm4b:s0+s2] =	stream.linear.scatter [tilespmem:s6], [sflag:$0x1], $0x80, $0x38;
	[tilespmem:$0x1000] =	vst v63  }
0xe3: {  	_ =	swait.ge [sflag:s3], $0x200  }
0xe4: {  	[sflag:s3] =	ssyncset.done $0x0  }
0xe5: {  	s11 =	sadd.s32 $0x10, s23;
	s6 =	simm.s32 $0x100;
	[sflag:s3] =	ssyncadd.s32 $0xFFFFFE00  }
0xe6: {  	[hbm4b:s23+s2] =	stream.linear.scatter [tilespmem:s6], [sflag:$0x1], $0x80, $0x38;
	[tilespmem:$0x1000] =	vst v63  }
0xe7: {  	s4 =	sadd.s32 $0x20, s23;
	s17 =	simm.s32 $0x500;
	[smem:$0x7D6] =	sst s11  }
0xe8: {  	[hbm4b:s11+s2] =	stream.linear.scatter [tilespmem:s17], [sflag:$0x1], $0x80, $0x38;
	[tilespmem:$0x1000] =	vst v63  }
0xe9: {  	[smem:$0x7D7] =	sst s4;
	s6 =	simm.s32 $0x900;
	s11 =	sadd.s32 $0x30, s23  }
0xea: {  	[hbm4b:s4+s2] =	stream.linear.scatter [tilespmem:s6], [sflag:$0x1], $0x80, $0x38;
	[tilespmem:$0x1000] =	vst v63  }
0xeb: {  	s17 =	simm.s32 $0xD00;
	[smem:$0x7D8] =	sst s11  }
0xec: {  	[hbm4b:s11+s2] =	stream.linear.scatter [tilespmem:s17], [sflag:$0x1], $0x80, $0x38;
	[tilespmem:$0x1000] =	vst v63  }
0xed: {  	_ =	swait.ge [sflag:s3], $0x200  }
0xee: {  	[sflag:s3] =	ssyncset.done $0x0  }
0xef: {  	s6 =	simm.s32 $0x180;
	s11 =	sadd.s32 $0x10, s10;
	[sflag:s3] =	ssyncadd.s32 $0xFFFFFE00  }
0xf0: {  	[hbm4b:s10+s2] =	stream.linear.scatter [tilespmem:s6], [sflag:$0x1], $0x80, $0x38;
	[tilespmem:$0x1000] =	vst v63  }
0xf1: {  	s4 =	sadd.s32 $0x20, s10;
	s17 =	simm.s32 $0x580;
	[smem:$0x7D9] =	sst s11  }
0xf2: {  	[hbm4b:s11+s2] =	stream.linear.scatter [tilespmem:s17], [sflag:$0x1], $0x80, $0x38;
	[tilespmem:$0x1000] =	vst v63  }
0xf3: {  	[smem:$0x7DA] =	sst s4;
	s6 =	simm.s32 $0x980;
	s11 =	sadd.s32 $0x30, s10  }
0xf4: {  	[hbm4b:s4+s2] =	stream.linear.scatter [tilespmem:s6], [sflag:$0x1], $0x80, $0x38;
	[tilespmem:$0x1000] =	vst v63  }
0xf5: {  	s17 =	simm.s32 $0xD80;
	[smem:$0x7DB] =	sst s11  }
0xf6: {  	[hbm4b:s11+s2] =	stream.linear.scatter [tilespmem:s17], [sflag:$0x1], $0x80, $0x38;
	[tilespmem:$0x1000] =	vst v63  }
0xf7: {  	_ =	swait.ge [sflag:s3], $0x200  }
0xf8: {  	[sflag:s3] =	ssyncset.done $0x0  }
0xf9: {  	s4 =	simm.s32 $0x200;
	[sflag:s3] =	ssyncadd.s32 $0xFFFFFE00  }
0xfa: {  	[hbm4b:s15+s2] =	stream.linear.scatter [tilespmem:s4], [sflag:$0x1], $0x80, $0x38;
	[tilespmem:$0x1000] =	vst v63  }
0xfb: {  	s6 =	sadd.s32 $0x10, s15;
	s17 =	simm.s32 $0x600  }
0xfc: {  	[hbm4b:s6+s2] =	stream.linear.scatter [tilespmem:s17], [sflag:$0x1], $0x80, $0x38;
	[tilespmem:$0x1000] =	vst v63  }
0xfd: {  	[smem:$0x7DC] =	sst s6;
	s6 =	sadd.s32 $0x20, s15;
	s17 =	simm.s32 $0xA00  }
0xfe: {  	[hbm4b:s6+s2] =	stream.linear.scatter [tilespmem:s17], [sflag:$0x1], $0x80, $0x38;
	[tilespmem:$0x1000] =	vst v63  }
0xff: {  	[smem:$0x7DD] =	sst s6;
	s6 =	sadd.s32 $0x30, s15  }
0x100: {  	s17 =	simm.s32 $0xE00;
	[smem:$0x7DE] =	sst s6  }
0x101: {  	[hbm4b:s6+s2] =	stream.linear.scatter [tilespmem:s17], [sflag:$0x1], $0x80, $0x38;
	[tilespmem:$0x1000] =	vst v63  }
0x102: {  	_ =	swait.ge [sflag:s3], $0x200  }
0x103: {  	[sflag:s3] =	ssyncset.done $0x0  }
0x104: {  	s4 =	simm.s32 $0x280;
	[sflag:s3] =	ssyncadd.s32 $0xFFFFFE00  }
0x105: {  	[hbm4b:s25+s2] =	stream.linear.scatter [tilespmem:s4], [sflag:$0x1], $0x80, $0x38;
	[tilespmem:$0x1000] =	vst v63  }
0x106: {  	s6 =	sadd.s32 $0x10, s25;
	s17 =	simm.s32 $0x680  }
0x107: {  	[hbm4b:s6+s2] =	stream.linear.scatter [tilespmem:s17], [sflag:$0x1], $0x80, $0x38;
	[tilespmem:$0x1000] =	vst v63  }
0x108: {  	[smem:$0x7DF] =	sst s6;
	s6 =	sadd.s32 $0x20, s25;
	s17 =	simm.s32 $0xA80  }
0x109: {  	[hbm4b:s6+s2] =	stream.linear.scatter [tilespmem:s17], [sflag:$0x1], $0x80, $0x38;
	[tilespmem:$0x1000] =	vst v63  }
0x10a: {  	[smem:$0x7E0] =	sst s6;
	s6 =	sadd.s32 $0x30, s25  }
0x10b: {  	[smem:$0x7E1] =	sst s6  }
0x10c: {  	[hbm4b:s6+s2] =	stream.linear.scatter [tilespmem:s7], [sflag:$0x1], $0x80, $0x38;
	[tilespmem:$0x1000] =	vst v63  }
0x10d: {  	_ =	swait.ge [sflag:s3], $0x200  }
0x10e: {  	s17 =	sadd.s32 $0x10, s30;
	[sflag:s3] =	ssyncset.done $0x0  }
0x10f: {  	[smem:$0x7E2] =	sst s17;
	[sflag:s3] =	ssyncadd.s32 $0xFFFFFE00  }
0x110: {  	[hbm4b:s30+s2] =	stream.linear.scatter [tilespmem:s14], [sflag:$0x1], $0x80, $0x38;
	[tilespmem:$0x1000] =	vst v63  }
0x111: {  	[smem:$0x7E3] =	sst s25  }
0x112: {  	[hbm4b:s17+s2] =	stream.linear.scatter [tilespmem:s19], [sflag:$0x1], $0x80, $0x38;
	[tilespmem:$0x1000] =	vst v63  }
0x113: {  	[smem:$0x7E4] =	sst s15;
	s19 =	sadd.s32 $0x20, s30  }
0x114: {  	[hbm4b:s19+s2] =	stream.linear.scatter [tilespmem:s20], [sflag:$0x1], $0x80, $0x38;
	[tilespmem:$0x1000] =	vst v63  }
0x115: {  	[smem:$0x7E5] =	sst s19;
	s20 =	sadd.s32 $0x30, s30  }
0x116: {  	[smem:$0x7E6] =	sst s20  }
0x117: {  	[hbm4b:s20+s2] =	stream.linear.scatter [tilespmem:s21], [sflag:$0x1], $0x80, $0x38;
	[tilespmem:$0x1000] =	vst v63  }
0x118: {  	s4 =	sadd.s32 $0x10, s24;
	_ =	swait.ge [sflag:s3], $0x200  }
0x119: {  	[sflag:s3] =	ssyncset.done $0x0;
	[smem:$0x7E7] =	sst s4  }
0x11a: {  	s25 =	simm.s32 $0x380;
	[smem:$0x7E8] =	sst s16;
	[sflag:s3] =	ssyncadd.s32 $0xFFFFFE00  }
0x11b: {  	[hbm4b:s24+s2] =	stream.linear.scatter [tilespmem:s25], [sflag:$0x1], $0x80, $0x38;
	[tilespmem:$0x1000] =	vst v63  }
0x11c: {  	s28 =	simm.s32 $0x780;
	s6 =	sadd.s32 $0x20, s24;
	[smem:$0x7E9] =	sst s1  }
0x11d: {  	[hbm4b:s4+s2] =	stream.linear.scatter [tilespmem:s28], [sflag:$0x1], $0x80, $0x38;
	[tilespmem:$0x1000] =	vst v63  }
0x11e: {  	s7 =	simm.s32 $0xB80;
	s14 =	sadd.s32 $0x30, s24;
	[smem:$0x7EA] =	sst s6  }
0x11f: {  	[hbm4b:s6+s2] =	stream.linear.scatter [tilespmem:s7], [sflag:$0x1], $0x80, $0x38;
	[tilespmem:$0x1000] =	vst v63  }
0x120: {  	s15 =	simm.s32 $0xF80;
	[smem:$0x7EB] =	sst s14  }
0x121: {  	[hbm4b:s14+s2] =	stream.linear.scatter [tilespmem:s15], [sflag:$0x1], $0x80, $0x38;
	[tilespmem:$0x1000] =	vst v63  }
0x122: {  	s16 =	sadd.s32 $0x80, s26;
	_ =	swait.ge [sflag:s3], $0x200  }
0x123: {  	[sflag:s3] =	ssyncset.done $0x0;
	[smem:$0x7EC] =	sst s16  }
0x124: {  	s17 =	sadd.s32 $0x100, s26;
	[smem:$0x7ED] =	sst s24;
	[sflag:s3] =	ssyncadd.s32 $0xFFFFFE00  }
0x125: {  	[tilespmem:s2], [sflag:$0x1] =	stream.linear.gather [hbm4b:s26+s2], $0x100, $0x38;
	[tilespmem:$0x1000] =	vst v63  }
0x126: {  	s13 =	simm.s32 $0x400;
	[smem:$0x7EE] =	sst s17  }
0x127: {  	[tilespmem:s13], [sflag:$0x1] =	stream.linear.gather [hbm4b:s16+s2], $0x100, $0x38;
	[tilespmem:$0x1000] =	vst v63  }
0x128: {  	s12 =	simm.s32 $0x800;
	s19 =	sadd.s32 $0x180, s26;
	[smem:$0x7EF] =	sst s10  }
0x129: {  	[tilespmem:s12], [sflag:$0x1] =	stream.linear.gather [hbm4b:s17+s2], $0x100, $0x38;
	[tilespmem:$0x1000] =	vst v63  }
0x12a: {  	s11 =	simm.s32 $0xC00;
	[smem:$0x7F0] =	sst s19  }
0x12b: {  	[tilespmem:s11], [sflag:$0x1] =	stream.linear.gather [hbm4b:s19+s2], $0x100, $0x38;
	[tilespmem:$0x1000] =	vst v63  }
0x12c: {  	s20 =	sadd.s32 $0x10, s22;
	_ =	swait.ge [sflag:s3], $0x400  }
0x12d: {  	[smem:$0x7F1] =	sst s20  }
0x12e: {  	[sflag:s3] =	ssyncset.done $0x0;
	[smem:$0x7F2] =	sst s5  }
0x12f: {  	[smem:$0x7F3] =	sst s9;
	[sflag:s3] =	ssyncadd.s32 $0xFFFFFC00  }
0x130: {  	[hbm4b:s22+s2] =	stream.linear.scatter [tilespmem:s2], [sflag:$0x1], $0x80, $0x38;
	[tilespmem:$0x1000] =	vst v63  }
0x131: {  	s24 =	sadd.s32 $0x20, s22;
	[smem:$0x7F4] =	sst s23  }
0x132: {  	[hbm4b:s20+s2] =	stream.linear.scatter [tilespmem:s13], [sflag:$0x1], $0x80, $0x38;
	[tilespmem:$0x1000] =	vst v63  }
0x133: {  	s25 =	sadd.s32 $0x30, s22;
	[smem:$0x7F5] =	sst s24  }
0x134: {  	[hbm4b:s24+s2] =	stream.linear.scatter [tilespmem:s12], [sflag:$0x1], $0x80, $0x38;
	[tilespmem:$0x1000] =	vst v63  }
0x135: {  	[smem:$0x7F6] =	sst s25  }
0x136: {  	[hbm4b:s25+s2] =	stream.linear.scatter [tilespmem:s11], [sflag:$0x1], $0x80, $0x38;
	[tilespmem:$0x1000] =	vst v63  }
0x137: {  	_ =	swait.ge [sflag:s3], $0x200  }
0x138: {  	[smem:$0x7F7] =	sst s22  }
0x139: {  	[sflag:s3] =	ssyncset.done $0x0;
	[smem:$0x7F9] =	sst s30  }
0x13a: {  	s30 =	sld [smem:$0x7FD];
	[sflag:s3] =	ssyncadd.s32 $0xFFFFFE00  }
0x13b: {  	[hbm4b:s31+s2] =	stream.linear.scatter [tilespmem:s18], [sflag:$0x1], $0x80, $0x38;
	[tilespmem:$0x1000] =	vst v63  }
0x13c: {  	s28 =	sadd.s32 $0x20, s31;
	[smem:$0x7F8] =	sst s26;
	s26 =	sadd.s32 $0x10, s31  }
0x13d: {  	[hbm4b:s26+s2] =	stream.linear.scatter [tilespmem:s8], [sflag:$0x1], $0x80, $0x38;
	[tilespmem:$0x1000] =	vst v63  }
0x13e: {  	[smem:$0x7FB] =	sst s28;
	p1 =	sne.s32 s30, $0x1  }
0x13f: {  	[hbm4b:s28+s2] =	stream.linear.scatter [tilespmem:s29], [sflag:$0x1], $0x80, $0x38;
	[tilespmem:$0x1000] =	vst v63  }
.Ltmp1:
0x140: {  	[smem:$0x7FA] =	sst s26;
	s29 =	sadd.s32 $0x30, s31;
	(pc) =	sbr.rel @!p1 .LBB2_6-.Ltmp1, $4  }
0x141: {  	s21 =	simm.s32 $0xC80;
	[smem:$0x7FC] =	sst s29  }
0x142: {  	[hbm4b:s29+s2] =	stream.linear.scatter [tilespmem:s21], [sflag:$0x1], $0x80, $0x38;
	[tilespmem:$0x1000] =	vst v63  }
0x143: {  	_ =	swait.ge [sflag:s3], $0x200  }
0x144: {  	p0 =	por $0x1, $0x1;
	s23 =	sadd.s32 $0xFFFFFFFF, s30;
	[sflag:s3] =	ssyncset.done $0x0  }
0x145: {  	s29 =	simm.s32 $0x500;
	s28 =	simm.s32 $0xD00;
	s30 =	simm.s32 $0x980  }
0x146: {  	s17 =	simm.s32 $0xD80;
	s16 =	simm.s32 $0x600;
	s7 =	simm.s32 $0xA00  }
0x147: {  	s19 =	simm.s32 $0x280;
	s9 =	simm.s32 $0xA80;
	s21 =	simm.s32 $0xE80  }
0x148: {  	s25 =	simm.s32 $0x300;
	s15 =	simm.s32 $0x700;
	s8 =	simm.s32 $0xB00  }
0x149: {  	s18 =	simm.s32 $0x380;
	s10 =	simm.s32 $0x780;
	s24 =	simm.s32 $0xB80  }
.LBB2_3:
0x14a: {  	s0 =	smov.u32 s31;
	s31 =	rddreg [dreg:$0x3];
	[sflag:s3] =	ssyncadd.s32 $0xFFFFFE00  }
0x14b: {  	[tilespmem:s2], [sflag:$0x1] =	stream.linear.gather [hbm4b:s31+s2], $0x1000, $0x38;
	[tilespmem:$0x1000] =	vst v63  }
0x14c: {  	_ =	swait.ge [sflag:s3], $0x1000  }
0x14d: {  	s1 =	sld [smem:$0x7E9]  }
0x14e: {  	[sflag:s3] =	ssyncset.done $0x0  }
0x14f: {  	[sflag:s3] =	ssyncadd.s32 $0xFFFFF000  }
0x150: {  	[hbm4b:s1+s2] =	stream.linear.scatter [tilespmem:s2], [sflag:$0x1], $0x80, $0x38;
	[tilespmem:$0x1000] =	vst v63  }
0x151: {  	s4 =	rddreg [dreg:$0x13]  }
0x152: {  	[hbm4b:s4+s2] =	stream.linear.scatter [tilespmem:s13], [sflag:$0x1], $0x80, $0x38;
	[tilespmem:$0x1000] =	vst v63  }
0x153: {  	s26 =	rddreg [dreg:$0x14]  }
0x154: {  	[hbm4b:s26+s2] =	stream.linear.scatter [tilespmem:s12], [sflag:$0x1], $0x80, $0x38;
	[tilespmem:$0x1000] =	vst v63  }
0x155: {  	s1 =	rddreg [dreg:$0x15]  }
0x156: {  	[hbm4b:s1+s2] =	stream.linear.scatter [tilespmem:s11], [sflag:$0x1], $0x80, $0x38;
	[tilespmem:$0x1000] =	vst v63  }
0x157: {  	_ =	swait.ge [sflag:s3], $0x200  }
0x158: {  	[sflag:s3] =	ssyncset.done $0x0  }
0x159: {  	s6 =	simm.s32 $0x80;
	s5 =	rddreg [dreg:$0x12];
	[sflag:s3] =	ssyncadd.s32 $0xFFFFFE00  }
0x15a: {  	[hbm4b:s5+s2] =	stream.linear.scatter [tilespmem:s6], [sflag:$0x1], $0x80, $0x38;
	[tilespmem:$0x1000] =	vst v63  }
0x15b: {  	s12 =	simm.s32 $0x480;
	s11 =	rddreg [dreg:$0x16]  }
0x15c: {  	[hbm4b:s11+s2] =	stream.linear.scatter [tilespmem:s12], [sflag:$0x1], $0x80, $0x38;
	[tilespmem:$0x1000] =	vst v63  }
0x15d: {  	s14 =	simm.s32 $0x880;
	s13 =	rddreg [dreg:$0x17]  }
0x15e: {  	[hbm4b:s13+s2] =	stream.linear.scatter [tilespmem:s14], [sflag:$0x1], $0x80, $0x38;
	[tilespmem:$0x1000] =	vst v63  }
0x15f: {  	s22 =	simm.s32 $0xC80;
	s20 =	rddreg [dreg:$0x18]  }
0x160: {  	[hbm4b:s20+s2] =	stream.linear.scatter [tilespmem:s22], [sflag:$0x1], $0x80, $0x38;
	[tilespmem:$0x1000] =	vst v63  }
0x161: {  	_ =	swait.ge [sflag:s3], $0x200  }
0x162: {  	[sflag:s3] =	ssyncset.done $0x0  }
0x163: {  	s26 =	simm.s32 $0x100;
	s14 =	rddreg [dreg:$0x11];
	[sflag:s3] =	ssyncadd.s32 $0xFFFFFE00  }
0x164: {  	[hbm4b:s14+s2] =	stream.linear.scatter [tilespmem:s26], [sflag:$0x1], $0x80, $0x38;
	[tilespmem:$0x1000] =	vst v63  }
0x165: {  	s1 =	rddreg [dreg:$0x19]  }
0x166: {  	[hbm4b:s1+s2] =	stream.linear.scatter [tilespmem:s29], [sflag:$0x1], $0x80, $0x38;
	[tilespmem:$0x1000] =	vst v63  }
0x167: {  	s4 =	simm.s32 $0x900;
	s20 =	rddreg [dreg:$0x1a]  }
0x168: {  	[hbm4b:s20+s2] =	stream.linear.scatter [tilespmem:s4], [sflag:$0x1], $0x80, $0x38;
	[tilespmem:$0x1000] =	vst v63  }
0x169: {  	s5 =	rddreg [dreg:$0x1b]  }
0x16a: {  	[hbm4b:s5+s2] =	stream.linear.scatter [tilespmem:s28], [sflag:$0x1], $0x80, $0x38;
	[tilespmem:$0x1000] =	vst v63  }
0x16b: {  	_ =	swait.ge [sflag:s3], $0x200  }
0x16c: {  	[sflag:s3] =	ssyncset.done $0x0  }
0x16d: {  	s6 =	simm.s32 $0x180;
	s22 =	rddreg [dreg:$0x10];
	[sflag:s3] =	ssyncadd.s32 $0xFFFFFE00  }
0x16e: {  	[hbm4b:s22+s2] =	stream.linear.scatter [tilespmem:s6], [sflag:$0x1], $0x80, $0x38;
	[tilespmem:$0x1000] =	vst v63  }
0x16f: {  	s11 =	simm.s32 $0x580;
	s26 =	rddreg [dreg:$0x1c]  }
0x170: {  	[hbm4b:s26+s2] =	stream.linear.scatter [tilespmem:s11], [sflag:$0x1], $0x80, $0x38;
	[tilespmem:$0x1000] =	vst v63  }
0x171: {  	s12 =	rddreg [dreg:$0x1d]  }
0x172: {  	[hbm4b:s12+s2] =	stream.linear.scatter [tilespmem:s30], [sflag:$0x1], $0x80, $0x38;
	[tilespmem:$0x1000] =	vst v63  }
0x173: {  	s13 =	rddreg [dreg:$0x1e]  }
0x174: {  	[hbm4b:s13+s2] =	stream.linear.scatter [tilespmem:s17], [sflag:$0x1], $0x80, $0x38;
	[tilespmem:$0x1000] =	vst v63  }
0x175: {  	_ =	swait.ge [sflag:s3], $0x200  }
0x176: {  	[sflag:s3] =	ssyncset.done $0x0;
	s14 =	rddreg [dreg:$0xf]  }
0x177: {  	s11 =	simm.s32 $0x200;
	s20 =	sld [smem:$0x7AC];
	[sflag:s3] =	ssyncadd.s32 $0xFFFFFE00  }
0x178: {  	[hbm4b:s14+s2] =	stream.linear.scatter [tilespmem:s11], [sflag:$0x1], $0x80, $0x38;
	[tilespmem:$0x1000] =	vst v63  }
0x179: {  	s22 =	sld [smem:$0x7AD]  }
0x17a: {  	[hbm4b:s20+s2] =	stream.linear.scatter [tilespmem:s16], [sflag:$0x1], $0x80, $0x38;
	[tilespmem:$0x1000] =	vst v63  }
0x17b: {  	s1 =	sld [smem:$0x7AE]  }
0x17c: {  	[hbm4b:s22+s2] =	stream.linear.scatter [tilespmem:s7], [sflag:$0x1], $0x80, $0x38;
	[tilespmem:$0x1000] =	vst v63  }
0x17d: {  	s14 =	simm.s32 $0xE00  }
0x17e: {  	[hbm4b:s1+s2] =	stream.linear.scatter [tilespmem:s14], [sflag:$0x1], $0x80, $0x38;
	[tilespmem:$0x1000] =	vst v63  }
0x17f: {  	_ =	swait.ge [sflag:s3], $0x200  }
0x180: {  	[sflag:s3] =	ssyncset.done $0x0;
	s4 =	rddreg [dreg:$0xe]  }
0x181: {  	s31 =	sld [smem:$0x7AF];
	[sflag:s3] =	ssyncadd.s32 $0xFFFFFE00  }
0x182: {  	[hbm4b:s4+s2] =	stream.linear.scatter [tilespmem:s19], [sflag:$0x1], $0x80, $0x38;
	[tilespmem:$0x1000] =	vst v63  }
0x183: {  	s26 =	simm.s32 $0x680  }
0x184: {  	[hbm4b:s31+s2] =	stream.linear.scatter [tilespmem:s26], [sflag:$0x1], $0x80, $0x38;
	[tilespmem:$0x1000] =	vst v63  }
0x185: {  	s31 =	sld [smem:$0x7B0];
	_ =	sdelay $0x2  }
0x186: {  	[hbm4b:s31+s2] =	stream.linear.scatter [tilespmem:s9], [sflag:$0x1], $0x80, $0x38;
	[tilespmem:$0x1000] =	vst v63  }
0x187: {  	s31 =	sld [smem:$0x7B1];
	_ =	sdelay $0x2  }
0x188: {  	[hbm4b:s31+s2] =	stream.linear.scatter [tilespmem:s21], [sflag:$0x1], $0x80, $0x38;
	[tilespmem:$0x1000] =	vst v63  }
0x189: {  	_ =	swait.ge [sflag:s3], $0x200  }
0x18a: {  	s31 =	sld [smem:$0x7E8]  }
0x18b: {  	[sflag:s3] =	ssyncset.done $0x0  }
0x18c: {  	[sflag:s3] =	ssyncadd.s32 $0xFFFFFE00  }
0x18d: {  	[hbm4b:s31+s2] =	stream.linear.scatter [tilespmem:s25], [sflag:$0x1], $0x80, $0x38;
	[tilespmem:$0x1000] =	vst v63  }
0x18e: {  	s31 =	sld [smem:$0x7B2];
	_ =	sdelay $0x2  }
0x18f: {  	[hbm4b:s31+s2] =	stream.linear.scatter [tilespmem:s15], [sflag:$0x1], $0x80, $0x38;
	[tilespmem:$0x1000] =	vst v63  }
0x190: {  	s31 =	sld [smem:$0x7B3];
	_ =	sdelay $0x2  }
0x191: {  	[hbm4b:s31+s2] =	stream.linear.scatter [tilespmem:s8], [sflag:$0x1], $0x80, $0x38;
	[tilespmem:$0x1000] =	vst v63  }
0x192: {  	s31 =	sld [smem:$0x7B4];
	_ =	sdelay $0x1  }
0x193: {  	s20 =	simm.s32 $0xF00  }
0x194: {  	[hbm4b:s31+s2] =	stream.linear.scatter [tilespmem:s20], [sflag:$0x1], $0x80, $0x38;
	[tilespmem:$0x1000] =	vst v63  }
0x195: {  	_ =	swait.ge [sflag:s3], $0x200  }
0x196: {  	[sflag:s3] =	ssyncset.done $0x0  }
0x197: {  	s31 =	rddreg [dreg:$0xd];
	[sflag:s3] =	ssyncadd.s32 $0xFFFFFE00  }
0x198: {  	[hbm4b:s31+s2] =	stream.linear.scatter [tilespmem:s18], [sflag:$0x1], $0x80, $0x38;
	[tilespmem:$0x1000] =	vst v63  }
0x199: {  	s31 =	sld [smem:$0x7B5];
	_ =	sdelay $0x2  }
0x19a: {  	[hbm4b:s31+s2] =	stream.linear.scatter [tilespmem:s10], [sflag:$0x1], $0x80, $0x38;
	[tilespmem:$0x1000] =	vst v63  }
0x19b: {  	s31 =	sld [smem:$0x7B6];
	_ =	sdelay $0x2  }
0x19c: {  	[hbm4b:s31+s2] =	stream.linear.scatter [tilespmem:s24], [sflag:$0x1], $0x80, $0x38;
	[tilespmem:$0x1000] =	vst v63  }
0x19d: {  	s31 =	sld [smem:$0x7B7];
	_ =	sdelay $0x1  }
0x19e: {  	s22 =	simm.s32 $0xF80  }
0x19f: {  	[hbm4b:s31+s2] =	stream.linear.scatter [tilespmem:s22], [sflag:$0x1], $0x80, $0x38;
	[tilespmem:$0x1000] =	vst v63  }
0x1a0: {  	_ =	swait.ge [sflag:s3], $0x200  }
0x1a1: {  	[sflag:s3] =	ssyncset.done $0x0  }
0x1a2: {  	s31 =	rddreg [dreg:$0x4];
	[sflag:s3] =	ssyncadd.s32 $0xFFFFFE00  }
0x1a3: {  	[tilespmem:s2], [sflag:$0x1] =	stream.linear.gather [hbm4b:s31+s2], $0x1000, $0x38;
	[tilespmem:$0x1000] =	vst v63  }
0x1a4: {  	_ =	swait.ge [sflag:s3], $0x1000  }
0x1a5: {  	s31 =	sld [smem:$0x7F2]  }
0x1a6: {  	[sflag:s3] =	ssyncset.done $0x0  }
0x1a7: {  	[sflag:s3] =	ssyncadd.s32 $0xFFFFF000  }
0x1a8: {  	[hbm4b:s31+s2] =	stream.linear.scatter [tilespmem:s2], [sflag:$0x1], $0x80, $0x38;
	[tilespmem:$0x1000] =	vst v63  }
0x1a9: {  	s31 =	sld [smem:$0x7B8];
	_ =	sdelay $0x1  }
0x1aa: {  	s12 =	simm.s32 $0x400  }
0x1ab: {  	[hbm4b:s31+s2] =	stream.linear.scatter [tilespmem:s12], [sflag:$0x1], $0x80, $0x38;
	[tilespmem:$0x1000] =	vst v63  }
0x1ac: {  	s31 =	sld [smem:$0x7B9];
	_ =	sdelay $0x1  }
0x1ad: {  	s5 =	simm.s32 $0x800  }
0x1ae: {  	[hbm4b:s31+s2] =	stream.linear.scatter [tilespmem:s5], [sflag:$0x1], $0x80, $0x38;
	[tilespmem:$0x1000] =	vst v63  }
0x1af: {  	s31 =	sld [smem:$0x7BA];
	_ =	sdelay $0x1  }
0x1b0: {  	s6 =	simm.s32 $0xC00  }
0x1b1: {  	[hbm4b:s31+s2] =	stream.linear.scatter [tilespmem:s6], [sflag:$0x1], $0x80, $0x38;
	[tilespmem:$0x1000] =	vst v63  }
0x1b2: {  	_ =	swait.ge [sflag:s3], $0x200  }
0x1b3: {  	[sflag:s3] =	ssyncset.done $0x0  }
0x1b4: {  	s4 =	simm.s32 $0x80;
	s31 =	rddreg [dreg:$0xc];
	[sflag:s3] =	ssyncadd.s32 $0xFFFFFE00  }
0x1b5: {  	[hbm4b:s31+s2] =	stream.linear.scatter [tilespmem:s4], [sflag:$0x1], $0x80, $0x38;
	[tilespmem:$0x1000] =	vst v63  }
0x1b6: {  	s31 =	sld [smem:$0x7BB];
	_ =	sdelay $0x1  }
0x1b7: {  	s5 =	simm.s32 $0x480  }
0x1b8: {  	[hbm4b:s31+s2] =	stream.linear.scatter [tilespmem:s5], [sflag:$0x1], $0x80, $0x38;
	[tilespmem:$0x1000] =	vst v63  }
0x1b9: {  	s31 =	sld [smem:$0x7BC];
	_ =	sdelay $0x1  }
0x1ba: {  	s6 =	simm.s32 $0x880  }
0x1bb: {  	[hbm4b:s31+s2] =	stream.linear.scatter [tilespmem:s6], [sflag:$0x1], $0x80, $0x38;
	[tilespmem:$0x1000] =	vst v63  }
0x1bc: {  	s31 =	sld [smem:$0x7BD];
	_ =	sdelay $0x1  }
0x1bd: {  	s1 =	simm.s32 $0xC80  }
0x1be: {  	[hbm4b:s31+s2] =	stream.linear.scatter [tilespmem:s1], [sflag:$0x1], $0x80, $0x38;
	[tilespmem:$0x1000] =	vst v63  }
0x1bf: {  	_ =	swait.ge [sflag:s3], $0x200  }
0x1c0: {  	s31 =	sld [smem:$0x7F3]  }
0x1c1: {  	[sflag:s3] =	ssyncset.done $0x0  }
0x1c2: {  	s13 =	simm.s32 $0x100;
	[sflag:s3] =	ssyncadd.s32 $0xFFFFFE00  }
0x1c3: {  	[hbm4b:s31+s2] =	stream.linear.scatter [tilespmem:s13], [sflag:$0x1], $0x80, $0x38;
	[tilespmem:$0x1000] =	vst v63  }
0x1c4: {  	s31 =	sld [smem:$0x7BE];
	_ =	sdelay $0x2  }
0x1c5: {  	[hbm4b:s31+s2] =	stream.linear.scatter [tilespmem:s29], [sflag:$0x1], $0x80, $0x38;
	[tilespmem:$0x1000] =	vst v63  }
0x1c6: {  	s31 =	sld [smem:$0x7BF];
	_ =	sdelay $0x1  }
0x1c7: {  	s13 =	simm.s32 $0x900  }
0x1c8: {  	[hbm4b:s31+s2] =	stream.linear.scatter [tilespmem:s13], [sflag:$0x1], $0x80, $0x38;
	[tilespmem:$0x1000] =	vst v63  }
0x1c9: {  	s31 =	sld [smem:$0x7C0];
	_ =	sdelay $0x2  }
0x1ca: {  	[hbm4b:s31+s2] =	stream.linear.scatter [tilespmem:s28], [sflag:$0x1], $0x80, $0x38;
	[tilespmem:$0x1000] =	vst v63  }
0x1cb: {  	_ =	swait.ge [sflag:s3], $0x200  }
0x1cc: {  	[sflag:s3] =	ssyncset.done $0x0  }
0x1cd: {  	s13 =	simm.s32 $0x180;
	s31 =	rddreg [dreg:$0xb];
	[sflag:s3] =	ssyncadd.s32 $0xFFFFFE00  }
0x1ce: {  	[hbm4b:s31+s2] =	stream.linear.scatter [tilespmem:s13], [sflag:$0x1], $0x80, $0x38;
	[tilespmem:$0x1000] =	vst v63  }
0x1cf: {  	s31 =	sld [smem:$0x7C1];
	_ =	sdelay $0x1  }
0x1d0: {  	s13 =	simm.s32 $0x580  }
0x1d1: {  	[hbm4b:s31+s2] =	stream.linear.scatter [tilespmem:s13], [sflag:$0x1], $0x80, $0x38;
	[tilespmem:$0x1000] =	vst v63  }
0x1d2: {  	s31 =	sld [smem:$0x7C2];
	_ =	sdelay $0x2  }
0x1d3: {  	[hbm4b:s31+s2] =	stream.linear.scatter [tilespmem:s30], [sflag:$0x1], $0x80, $0x38;
	[tilespmem:$0x1000] =	vst v63  }
0x1d4: {  	s31 =	sld [smem:$0x7C3];
	_ =	sdelay $0x2  }
0x1d5: {  	[hbm4b:s31+s2] =	stream.linear.scatter [tilespmem:s17], [sflag:$0x1], $0x80, $0x38;
	[tilespmem:$0x1000] =	vst v63  }
0x1d6: {  	_ =	swait.ge [sflag:s3], $0x200  }
0x1d7: {  	[sflag:s3] =	ssyncset.done $0x0  }
0x1d8: {  	s31 =	rddreg [dreg:$0xa];
	[sflag:s3] =	ssyncadd.s32 $0xFFFFFE00  }
0x1d9: {  	[hbm4b:s31+s2] =	stream.linear.scatter [tilespmem:s11], [sflag:$0x1], $0x80, $0x38;
	[tilespmem:$0x1000] =	vst v63  }
0x1da: {  	s31 =	sld [smem:$0x7C4];
	_ =	sdelay $0x2  }
0x1db: {  	[hbm4b:s31+s2] =	stream.linear.scatter [tilespmem:s16], [sflag:$0x1], $0x80, $0x38;
	[tilespmem:$0x1000] =	vst v63  }
0x1dc: {  	s31 =	sld [smem:$0x7C5];
	_ =	sdelay $0x2  }
0x1dd: {  	[hbm4b:s31+s2] =	stream.linear.scatter [tilespmem:s7], [sflag:$0x1], $0x80, $0x38;
	[tilespmem:$0x1000] =	vst v63  }
0x1de: {  	s31 =	sld [smem:$0x7C6];
	_ =	sdelay $0x2  }
0x1df: {  	[hbm4b:s31+s2] =	stream.linear.scatter [tilespmem:s14], [sflag:$0x1], $0x80, $0x38;
	[tilespmem:$0x1000] =	vst v63  }
0x1e0: {  	_ =	swait.ge [sflag:s3], $0x200  }
0x1e1: {  	[sflag:s3] =	ssyncset.done $0x0  }
0x1e2: {  	s31 =	rddreg [dreg:$0x9];
	[sflag:s3] =	ssyncadd.s32 $0xFFFFFE00  }
0x1e3: {  	[hbm4b:s31+s2] =	stream.linear.scatter [tilespmem:s19], [sflag:$0x1], $0x80, $0x38;
	[tilespmem:$0x1000] =	vst v63  }
0x1e4: {  	s31 =	sld [smem:$0x7C7];
	_ =	sdelay $0x2  }
0x1e5: {  	[hbm4b:s31+s2] =	stream.linear.scatter [tilespmem:s26], [sflag:$0x1], $0x80, $0x38;
	[tilespmem:$0x1000] =	vst v63  }
0x1e6: {  	s31 =	sld [smem:$0x7C8];
	_ =	sdelay $0x2  }
0x1e7: {  	[hbm4b:s31+s2] =	stream.linear.scatter [tilespmem:s9], [sflag:$0x1], $0x80, $0x38;
	[tilespmem:$0x1000] =	vst v63  }
0x1e8: {  	s31 =	sld [smem:$0x7C9];
	_ =	sdelay $0x2  }
0x1e9: {  	[hbm4b:s31+s2] =	stream.linear.scatter [tilespmem:s21], [sflag:$0x1], $0x80, $0x38;
	[tilespmem:$0x1000] =	vst v63  }
0x1ea: {  	_ =	swait.ge [sflag:s3], $0x200  }
0x1eb: {  	[sflag:s3] =	ssyncset.done $0x0  }
0x1ec: {  	s31 =	rddreg [dreg:$0x8];
	[sflag:s3] =	ssyncadd.s32 $0xFFFFFE00  }
0x1ed: {  	[hbm4b:s31+s2] =	stream.linear.scatter [tilespmem:s25], [sflag:$0x1], $0x80, $0x38;
	[tilespmem:$0x1000] =	vst v63  }
0x1ee: {  	s31 =	sld [smem:$0x7CA];
	_ =	sdelay $0x2  }
0x1ef: {  	[hbm4b:s31+s2] =	stream.linear.scatter [tilespmem:s15], [sflag:$0x1], $0x80, $0x38;
	[tilespmem:$0x1000] =	vst v63  }
0x1f0: {  	s31 =	sld [smem:$0x7CB];
	_ =	sdelay $0x2  }
0x1f1: {  	[hbm4b:s31+s2] =	stream.linear.scatter [tilespmem:s8], [sflag:$0x1], $0x80, $0x38;
	[tilespmem:$0x1000] =	vst v63  }
0x1f2: {  	s31 =	sld [smem:$0x7CC];
	_ =	sdelay $0x2  }
0x1f3: {  	[hbm4b:s31+s2] =	stream.linear.scatter [tilespmem:s20], [sflag:$0x1], $0x80, $0x38;
	[tilespmem:$0x1000] =	vst v63  }
0x1f4: {  	_ =	swait.ge [sflag:s3], $0x200  }
0x1f5: {  	[sflag:s3] =	ssyncset.done $0x0  }
0x1f6: {  	s31 =	rddreg [dreg:$0x7];
	[sflag:s3] =	ssyncadd.s32 $0xFFFFFE00  }
0x1f7: {  	[hbm4b:s31+s2] =	stream.linear.scatter [tilespmem:s18], [sflag:$0x1], $0x80, $0x38;
	[tilespmem:$0x1000] =	vst v63  }
0x1f8: {  	s31 =	sld [smem:$0x7CD];
	_ =	sdelay $0x2  }
0x1f9: {  	[hbm4b:s31+s2] =	stream.linear.scatter [tilespmem:s10], [sflag:$0x1], $0x80, $0x38;
	[tilespmem:$0x1000] =	vst v63  }
0x1fa: {  	s31 =	sld [smem:$0x7CE];
	_ =	sdelay $0x2  }
0x1fb: {  	[hbm4b:s31+s2] =	stream.linear.scatter [tilespmem:s24], [sflag:$0x1], $0x80, $0x38;
	[tilespmem:$0x1000] =	vst v63  }
0x1fc: {  	s31 =	sld [smem:$0x7CF];
	_ =	sdelay $0x2  }
0x1fd: {  	[hbm4b:s31+s2] =	stream.linear.scatter [tilespmem:s22], [sflag:$0x1], $0x80, $0x38;
	[tilespmem:$0x1000] =	vst v63  }
0x1fe: {  	_ =	swait.ge [sflag:s3], $0x200  }
0x1ff: {  	[sflag:s3] =	ssyncset.done $0x0  }
0x200: {  	s31 =	rddreg [dreg:$0x5];
	[sflag:s3] =	ssyncadd.s32 $0xFFFFFE00  }
0x201: {  	[tilespmem:s2], [sflag:$0x1] =	stream.linear.gather [hbm4b:s31+s2], $0x1000, $0x38;
	[tilespmem:$0x1000] =	vst v63  }
0x202: {  	_ =	swait.ge [sflag:s3], $0x1000  }
0x203: {  	[sflag:s3] =	ssyncset.done $0x0  }
0x204: {  	s13 =	rddreg [dreg:$0x1f];
	[sflag:s3] =	ssyncadd.s32 $0xFFFFF000  }
0x205: {  	[hbm4b:s13+s2] =	stream.linear.scatter [tilespmem:s2], [sflag:$0x1], $0x80, $0x38;
	[tilespmem:$0x1000] =	vst v63  }
0x206: {  	s13 =	sld [smem:$0x7D0];
	_ =	sdelay $0x2  }
0x207: {  	[hbm4b:s13+s2] =	stream.linear.scatter [tilespmem:s12], [sflag:$0x1], $0x80, $0x38;
	[tilespmem:$0x1000] =	vst v63  }
0x208: {  	s12 =	sld [smem:$0x7D1];
	_ =	sdelay $0x1  }
0x209: {  	s31 =	smov.u32 s0;
	s0 =	sld [smem:$0x7D2];
	s13 =	simm.s32 $0x800  }
0x20a: {  	[hbm4b:s12+s2] =	stream.linear.scatter [tilespmem:s13], [sflag:$0x1], $0x80, $0x38;
	[tilespmem:$0x1000] =	vst v63  }
0x20b: {  	s12 =	simm.s32 $0xC00  }
0x20c: {  	[hbm4b:s0+s2] =	stream.linear.scatter [tilespmem:s12], [sflag:$0x1], $0x80, $0x38;
	[tilespmem:$0x1000] =	vst v63  }
0x20d: {  	_ =	swait.ge [sflag:s3], $0x200  }
0x20e: {  	[sflag:s3] =	ssyncset.done $0x0  }
0x20f: {  	s0 =	rddreg [dreg:$0x6];
	[sflag:s3] =	ssyncadd.s32 $0xFFFFFE00  }
0x210: {  	[hbm4b:s0+s2] =	stream.linear.scatter [tilespmem:s4], [sflag:$0x1], $0x80, $0x38;
	[tilespmem:$0x1000] =	vst v63  }
0x211: {  	s4 =	sld [smem:$0x7D3];
	_ =	sdelay $0x2  }
0x212: {  	[hbm4b:s4+s2] =	stream.linear.scatter [tilespmem:s5], [sflag:$0x1], $0x80, $0x38;
	[tilespmem:$0x1000] =	vst v63  }
0x213: {  	s5 =	sld [smem:$0x7D4];
	_ =	sdelay $0x2  }
0x214: {  	[hbm4b:s5+s2] =	stream.linear.scatter [tilespmem:s6], [sflag:$0x1], $0x80, $0x38;
	[tilespmem:$0x1000] =	vst v63  }
0x215: {  	s6 =	sld [smem:$0x7D5];
	_ =	sdelay $0x2  }
0x216: {  	[hbm4b:s6+s2] =	stream.linear.scatter [tilespmem:s1], [sflag:$0x1], $0x80, $0x38;
	[tilespmem:$0x1000] =	vst v63  }
0x217: {  	_ =	swait.ge [sflag:s3], $0x200  }
0x218: {  	s0 =	sld [smem:$0x7F4]  }
0x219: {  	[sflag:s3] =	ssyncset.done $0x0  }
0x21a: {  	s6 =	simm.s32 $0x100;
	[sflag:s3] =	ssyncadd.s32 $0xFFFFFE00  }
0x21b: {  	[hbm4b:s0+s2] =	stream.linear.scatter [tilespmem:s6], [sflag:$0x1], $0x80, $0x38;
	[tilespmem:$0x1000] =	vst v63  }
0x21c: {  	s6 =	sld [smem:$0x7D6];
	_ =	sdelay $0x1  }
0x21d: {  	s0 =	sld [smem:$0x7D7]  }
0x21e: {  	[hbm4b:s6+s2] =	stream.linear.scatter [tilespmem:s29], [sflag:$0x1], $0x80, $0x38;
	[tilespmem:$0x1000] =	vst v63  }
0x21f: {  	s6 =	simm.s32 $0x900  }
0x220: {  	[hbm4b:s0+s2] =	stream.linear.scatter [tilespmem:s6], [sflag:$0x1], $0x80, $0x38;
	[tilespmem:$0x1000] =	vst v63  }
0x221: {  	s6 =	sld [smem:$0x7D8];
	_ =	sdelay $0x2  }
0x222: {  	[hbm4b:s6+s2] =	stream.linear.scatter [tilespmem:s28], [sflag:$0x1], $0x80, $0x38;
	[tilespmem:$0x1000] =	vst v63  }
0x223: {  	_ =	swait.ge [sflag:s3], $0x200  }
0x224: {  	s0 =	sld [smem:$0x7EF]  }
0x225: {  	[sflag:s3] =	ssyncset.done $0x0  }
0x226: {  	s6 =	simm.s32 $0x180;
	[sflag:s3] =	ssyncadd.s32 $0xFFFFFE00  }
0x227: {  	[hbm4b:s0+s2] =	stream.linear.scatter [tilespmem:s6], [sflag:$0x1], $0x80, $0x38;
	[tilespmem:$0x1000] =	vst v63  }
0x228: {  	s0 =	sld [smem:$0x7D9];
	_ =	sdelay $0x1  }
0x229: {  	s6 =	simm.s32 $0x580  }
0x22a: {  	[hbm4b:s0+s2] =	stream.linear.scatter [tilespmem:s6], [sflag:$0x1], $0x80, $0x38;
	[tilespmem:$0x1000] =	vst v63  }
0x22b: {  	s6 =	sld [smem:$0x7DA];
	_ =	sdelay $0x2  }
0x22c: {  	[hbm4b:s6+s2] =	stream.linear.scatter [tilespmem:s30], [sflag:$0x1], $0x80, $0x38;
	[tilespmem:$0x1000] =	vst v63  }
0x22d: {  	s6 =	sld [smem:$0x7DB];
	_ =	sdelay $0x2  }
0x22e: {  	[hbm4b:s6+s2] =	stream.linear.scatter [tilespmem:s17], [sflag:$0x1], $0x80, $0x38;
	[tilespmem:$0x1000] =	vst v63  }
0x22f: {  	_ =	swait.ge [sflag:s3], $0x200  }
0x230: {  	s6 =	sld [smem:$0x7E4]  }
0x231: {  	[sflag:s3] =	ssyncset.done $0x0  }
0x232: {  	[sflag:s3] =	ssyncadd.s32 $0xFFFFFE00  }
0x233: {  	[hbm4b:s6+s2] =	stream.linear.scatter [tilespmem:s11], [sflag:$0x1], $0x80, $0x38;
	[tilespmem:$0x1000] =	vst v63  }
0x234: {  	s6 =	sld [smem:$0x7DC];
	_ =	sdelay $0x2  }
0x235: {  	[hbm4b:s6+s2] =	stream.linear.scatter [tilespmem:s16], [sflag:$0x1], $0x80, $0x38;
	[tilespmem:$0x1000] =	vst v63  }
0x236: {  	s6 =	sld [smem:$0x7DD];
	_ =	sdelay $0x2  }
0x237: {  	[hbm4b:s6+s2] =	stream.linear.scatter [tilespmem:s7], [sflag:$0x1], $0x80, $0x38;
	[tilespmem:$0x1000] =	vst v63  }
0x238: {  	s6 =	sld [smem:$0x7DE];
	_ =	sdelay $0x2  }
0x239: {  	[hbm4b:s6+s2] =	stream.linear.scatter [tilespmem:s14], [sflag:$0x1], $0x80, $0x38;
	[tilespmem:$0x1000] =	vst v63  }
0x23a: {  	_ =	swait.ge [sflag:s3], $0x200  }
0x23b: {  	s6 =	sld [smem:$0x7E3]  }
0x23c: {  	[sflag:s3] =	ssyncset.done $0x0  }
0x23d: {  	s14 =	sld [smem:$0x7DF];
	[sflag:s3] =	ssyncadd.s32 $0xFFFFFE00  }
0x23e: {  	[hbm4b:s6+s2] =	stream.linear.scatter [tilespmem:s19], [sflag:$0x1], $0x80, $0x38;
	[tilespmem:$0x1000] =	vst v63  }
0x23f: {  	_ = 	snop  }
0x240: {  	[hbm4b:s14+s2] =	stream.linear.scatter [tilespmem:s26], [sflag:$0x1], $0x80, $0x38;
	[tilespmem:$0x1000] =	vst v63  }
0x241: {  	s26 =	sld [smem:$0x7E0];
	_ =	sdelay $0x1  }
0x242: {  	s6 =	sld [smem:$0x7E1]  }
0x243: {  	[hbm4b:s26+s2] =	stream.linear.scatter [tilespmem:s9], [sflag:$0x1], $0x80, $0x38;
	[tilespmem:$0x1000] =	vst v63  }
0x244: {  	_ = 	snop  }
0x245: {  	[hbm4b:s6+s2] =	stream.linear.scatter [tilespmem:s21], [sflag:$0x1], $0x80, $0x38;
	[tilespmem:$0x1000] =	vst v63  }
0x246: {  	_ =	swait.ge [sflag:s3], $0x200  }
0x247: {  	s14 =	sld [smem:$0x7F9]  }
0x248: {  	[sflag:s3] =	ssyncset.done $0x0  }
0x249: {  	s26 =	sld [smem:$0x7E2];
	[sflag:s3] =	ssyncadd.s32 $0xFFFFFE00  }
0x24a: {  	[hbm4b:s14+s2] =	stream.linear.scatter [tilespmem:s25], [sflag:$0x1], $0x80, $0x38;
	[tilespmem:$0x1000] =	vst v63  }
0x24b: {  	s6 =	sld [smem:$0x7E5]  }
0x24c: {  	[hbm4b:s26+s2] =	stream.linear.scatter [tilespmem:s15], [sflag:$0x1], $0x80, $0x38;
	[tilespmem:$0x1000] =	vst v63  }
0x24d: {  	s14 =	sld [smem:$0x7E6]  }
0x24e: {  	[hbm4b:s6+s2] =	stream.linear.scatter [tilespmem:s8], [sflag:$0x1], $0x80, $0x38;
	[tilespmem:$0x1000] =	vst v63  }
0x24f: {  	_ = 	snop  }
0x250: {  	[hbm4b:s14+s2] =	stream.linear.scatter [tilespmem:s20], [sflag:$0x1], $0x80, $0x38;
	[tilespmem:$0x1000] =	vst v63  }
0x251: {  	_ =	swait.ge [sflag:s3], $0x200  }
0x252: {  	s26 =	sld [smem:$0x7ED]  }
0x253: {  	[sflag:s3] =	ssyncset.done $0x0  }
0x254: {  	s6 =	sld [smem:$0x7E7];
	[sflag:s3] =	ssyncadd.s32 $0xFFFFFE00  }
0x255: {  	[hbm4b:s26+s2] =	stream.linear.scatter [tilespmem:s18], [sflag:$0x1], $0x80, $0x38;
	[tilespmem:$0x1000] =	vst v63  }
0x256: {  	s14 =	sld [smem:$0x7EA]  }
0x257: {  	[hbm4b:s6+s2] =	stream.linear.scatter [tilespmem:s10], [sflag:$0x1], $0x80, $0x38;
	[tilespmem:$0x1000] =	vst v63  }
0x258: {  	s20 =	sld [smem:$0x7EB]  }
0x259: {  	[hbm4b:s14+s2] =	stream.linear.scatter [tilespmem:s24], [sflag:$0x1], $0x80, $0x38;
	[tilespmem:$0x1000] =	vst v63  }
0x25a: {  	_ = 	snop  }
0x25b: {  	[hbm4b:s20+s2] =	stream.linear.scatter [tilespmem:s22], [sflag:$0x1], $0x80, $0x38;
	[tilespmem:$0x1000] =	vst v63  }
0x25c: {  	_ =	swait.ge [sflag:s3], $0x200  }
0x25d: {  	s22 =	sld [smem:$0x7F8]  }
0x25e: {  	[sflag:s3] =	ssyncset.done $0x0  }
0x25f: {  	s26 =	sld [smem:$0x7EC];
	[sflag:s3] =	ssyncadd.s32 $0xFFFFFE00  }
0x260: {  	[tilespmem:s2], [sflag:$0x1] =	stream.linear.gather [hbm4b:s22+s2], $0x100, $0x38;
	[tilespmem:$0x1000] =	vst v63  }
0x261: {  	s13 =	simm.s32 $0x400;
	s6 =	sld [smem:$0x7EE]  }
0x262: {  	[tilespmem:s13], [sflag:$0x1] =	stream.linear.gather [hbm4b:s26+s2], $0x100, $0x38;
	[tilespmem:$0x1000] =	vst v63  }
0x263: {  	s12 =	simm.s32 $0x800;
	s14 =	sld [smem:$0x7F0]  }
0x264: {  	[tilespmem:s12], [sflag:$0x1] =	stream.linear.gather [hbm4b:s6+s2], $0x100, $0x38;
	[tilespmem:$0x1000] =	vst v63  }
0x265: {  	s11 =	simm.s32 $0xC00  }
0x266: {  	[tilespmem:s11], [sflag:$0x1] =	stream.linear.gather [hbm4b:s14+s2], $0x100, $0x38;
	[tilespmem:$0x1000] =	vst v63  }
0x267: {  	_ =	swait.ge [sflag:s3], $0x400  }
0x268: {  	s20 =	sld [smem:$0x7F7]  }
0x269: {  	[sflag:s3] =	ssyncset.done $0x0  }
0x26a: {  	s22 =	sld [smem:$0x7F1];
	[sflag:s3] =	ssyncadd.s32 $0xFFFFFC00  }
0x26b: {  	[hbm4b:s20+s2] =	stream.linear.scatter [tilespmem:s2], [sflag:$0x1], $0x80, $0x38;
	[tilespmem:$0x1000] =	vst v63  }
0x26c: {  	s26 =	sld [smem:$0x7F5]  }
0x26d: {  	[hbm4b:s22+s2] =	stream.linear.scatter [tilespmem:s13], [sflag:$0x1], $0x80, $0x38;
	[tilespmem:$0x1000] =	vst v63  }
0x26e: {  	s6 =	sld [smem:$0x7F6]  }
0x26f: {  	[hbm4b:s26+s2] =	stream.linear.scatter [tilespmem:s12], [sflag:$0x1], $0x80, $0x38;
	[tilespmem:$0x1000] =	vst v63  }
0x270: {  	_ = 	snop  }
0x271: {  	[hbm4b:s6+s2] =	stream.linear.scatter [tilespmem:s11], [sflag:$0x1], $0x80, $0x38;
	[tilespmem:$0x1000] =	vst v63  }
0x272: {  	_ =	swait.ge [sflag:s3], $0x200  }
0x273: {  	[sflag:s3] =	ssyncset.done $0x0  }
0x274: {  	s14 =	simm.s32 $0x80;
	s20 =	sld [smem:$0x7FA];
	[sflag:s3] =	ssyncadd.s32 $0xFFFFFE00  }
0x275: {  	[hbm4b:s31+s2] =	stream.linear.scatter [tilespmem:s14], [sflag:$0x1], $0x80, $0x38;
	[tilespmem:$0x1000] =	vst v63  }
0x276: {  	s4 =	simm.s32 $0x480;
	s22 =	sld [smem:$0x7FB]  }
0x277: {  	[hbm4b:s20+s2] =	stream.linear.scatter [tilespmem:s4], [sflag:$0x1], $0x80, $0x38;
	[tilespmem:$0x1000] =	vst v63  }
0x278: {  	p1 =	sne.s32 s23, $0x1;
	s5 =	simm.s32 $0x880;
	s26 =	sld [smem:$0x7FC]  }
0x279: {  	[hbm4b:s22+s2] =	stream.linear.scatter [tilespmem:s5], [sflag:$0x1], $0x80, $0x38;
	[tilespmem:$0x1000] =	vst v63  }
.Ltmp2:
0x27a: {  	_ = 	snop;
	(pc) =	sbr.rel @p1 .LBB2_3-.Ltmp2, $4  }
0x27b: {  	s1 =	simm.s32 $0xC80  }
0x27c: {  	[hbm4b:s26+s2] =	stream.linear.scatter [tilespmem:s1], [sflag:$0x1], $0x80, $0x38;
	[tilespmem:$0x1000] =	vst v63  }
0x27d: {  	_ =	swait.ge [sflag:s3], $0x200  }
0x27e: {  	s23 =	sadd.s32 $0xFFFFFFFF, s23;
	[sflag:s3] =	ssyncset.done $0x0  }
0x27f: {  	s22 =	sld [smem:$0x7F7]  }
0x280: {  	s26 =	sld [smem:$0x7F8]  }
0x281: {  	s24 =	sld [smem:$0x7ED]  }
0x282: {  	s30 =	sld [smem:$0x7F9]  }
0x283: {  	s25 =	sld [smem:$0x7E3]  }
0x284: {  	s15 =	sld [smem:$0x7E4]  }
0x285: {  	s10 =	sld [smem:$0x7EF]  }
0x286: {  	s23 =	sld [smem:$0x7F4]  }
0x287: {  	s6 =	simm.s32 $0xC80;
	s19 =	simm.s32 $0x880;
	s29 =	rddreg [dreg:$0x1f]  }
0x288: {  	s8 =	simm.s32 $0x480;
	s18 =	simm.s32 $0x80;
	s9 =	sld [smem:$0x7F3]  }
0x289: {  	s21 =	simm.s32 $0x280;
	s20 =	simm.s32 $0xE00;
	s5 =	sld [smem:$0x7F2]  }
0x28a: {  	s14 =	simm.s32 $0xA00;
	s28 =	simm.s32 $0x600;
	s16 =	sld [smem:$0x7E8]  }
0x28b: {  	s4 =	simm.s32 $0x200;
	s7 =	simm.s32 $0xD80;
	s1 =	sld [smem:$0x7E9]  }
.LBB2_5:
0x28c: {  	s0 =	rddreg [dreg:$0x3];
	[sflag:s3] =	ssyncadd.s32 @p0 $0xFFFFFE00  }
0x28d: {  	[tilespmem:s2], [sflag:$0x1] =	stream.linear.gather [hbm4b:s0+s2], $0x1000, $0x38;
	[tilespmem:$0x1000] =	vst v63  }
0x28e: {  	_ =	swait.ge [sflag:s3], $0x1000  }
0x28f: {  	[sflag:s3] =	ssyncset.done $0x0  }
0x290: {  	[sflag:s3] =	ssyncadd.s32 $0xFFFFF000  }
0x291: {  	[hbm4b:s1+s2] =	stream.linear.scatter [tilespmem:s2], [sflag:$0x1], $0x80, $0x38;
	[tilespmem:$0x1000] =	vst v63  }
0x292: {  	s17 =	sadd.s32 $0x10, s1  }
0x293: {  	[hbm4b:s17+s2] =	stream.linear.scatter [tilespmem:s13], [sflag:$0x1], $0x80, $0x38;
	[tilespmem:$0x1000] =	vst v63  }
0x294: {  	s17 =	sadd.s32 $0x20, s1  }
0x295: {  	[hbm4b:s17+s2] =	stream.linear.scatter [tilespmem:s12], [sflag:$0x1], $0x80, $0x38;
	[tilespmem:$0x1000] =	vst v63  }
0x296: {  	s1 =	sadd.s32 $0x30, s1  }
0x297: {  	[hbm4b:s1+s2] =	stream.linear.scatter [tilespmem:s11], [sflag:$0x1], $0x80, $0x38;
	[tilespmem:$0x1000] =	vst v63  }
0x298: {  	_ =	swait.ge [sflag:s3], $0x200  }
0x299: {  	[sflag:s3] =	ssyncset.done $0x0  }
0x29a: {  	s1 =	rddreg [dreg:$0x12];
	[sflag:s3] =	ssyncadd.s32 $0xFFFFFE00  }
0x29b: {  	[hbm4b:s1+s2] =	stream.linear.scatter [tilespmem:s18], [sflag:$0x1], $0x80, $0x38;
	[tilespmem:$0x1000] =	vst v63  }
0x29c: {  	s17 =	sadd.s32 $0x10, s1  }
0x29d: {  	[hbm4b:s17+s2] =	stream.linear.scatter [tilespmem:s8], [sflag:$0x1], $0x80, $0x38;
	[tilespmem:$0x1000] =	vst v63  }
0x29e: {  	s17 =	sadd.s32 $0x20, s1  }
0x29f: {  	[hbm4b:s17+s2] =	stream.linear.scatter [tilespmem:s19], [sflag:$0x1], $0x80, $0x38;
	[tilespmem:$0x1000] =	vst v63  }
0x2a0: {  	s8 =	sadd.s32 $0x30, s1  }
0x2a1: {  	[hbm4b:s8+s2] =	stream.linear.scatter [tilespmem:s6], [sflag:$0x1], $0x80, $0x38;
	[tilespmem:$0x1000] =	vst v63  }
0x2a2: {  	_ =	swait.ge [sflag:s3], $0x200  }
0x2a3: {  	[sflag:s3] =	ssyncset.done $0x0  }
0x2a4: {  	s17 =	simm.s32 $0x100;
	s1 =	rddreg [dreg:$0x11];
	[sflag:s3] =	ssyncadd.s32 $0xFFFFFE00  }
0x2a5: {  	[hbm4b:s1+s2] =	stream.linear.scatter [tilespmem:s17], [sflag:$0x1], $0x80, $0x38;
	[tilespmem:$0x1000] =	vst v63  }
0x2a6: {  	s8 =	sadd.s32 $0x10, s1;
	s17 =	simm.s32 $0x500  }
0x2a7: {  	[hbm4b:s8+s2] =	stream.linear.scatter [tilespmem:s17], [sflag:$0x1], $0x80, $0x38;
	[tilespmem:$0x1000] =	vst v63  }
0x2a8: {  	s8 =	sadd.s32 $0x20, s1;
	s17 =	simm.s32 $0x900  }
0x2a9: {  	[hbm4b:s8+s2] =	stream.linear.scatter [tilespmem:s17], [sflag:$0x1], $0x80, $0x38;
	[tilespmem:$0x1000] =	vst v63  }
0x2aa: {  	s1 =	sadd.s32 $0x30, s1;
	s8 =	simm.s32 $0xD00  }
0x2ab: {  	[hbm4b:s1+s2] =	stream.linear.scatter [tilespmem:s8], [sflag:$0x1], $0x80, $0x38;
	[tilespmem:$0x1000] =	vst v63  }
0x2ac: {  	_ =	swait.ge [sflag:s3], $0x200  }
0x2ad: {  	[sflag:s3] =	ssyncset.done $0x0  }
0x2ae: {  	s17 =	simm.s32 $0x180;
	s1 =	rddreg [dreg:$0x10];
	[sflag:s3] =	ssyncadd.s32 $0xFFFFFE00  }
0x2af: {  	[hbm4b:s1+s2] =	stream.linear.scatter [tilespmem:s17], [sflag:$0x1], $0x80, $0x38;
	[tilespmem:$0x1000] =	vst v63  }
0x2b0: {  	s8 =	sadd.s32 $0x10, s1;
	s17 =	simm.s32 $0x580  }
0x2b1: {  	[hbm4b:s8+s2] =	stream.linear.scatter [tilespmem:s17], [sflag:$0x1], $0x80, $0x38;
	[tilespmem:$0x1000] =	vst v63  }
0x2b2: {  	s0 =	sadd.s32 $0x20, s1;
	s17 =	simm.s32 $0x980  }
0x2b3: {  	[hbm4b:s0+s2] =	stream.linear.scatter [tilespmem:s17], [sflag:$0x1], $0x80, $0x38;
	[tilespmem:$0x1000] =	vst v63  }
0x2b4: {  	s1 =	sadd.s32 $0x30, s1  }
0x2b5: {  	[hbm4b:s1+s2] =	stream.linear.scatter [tilespmem:s7], [sflag:$0x1], $0x80, $0x38;
	[tilespmem:$0x1000] =	vst v63  }
0x2b6: {  	_ =	swait.ge [sflag:s3], $0x200  }
0x2b7: {  	[sflag:s3] =	ssyncset.done $0x0  }
0x2b8: {  	s1 =	rddreg [dreg:$0xf];
	[sflag:s3] =	ssyncadd.s32 $0xFFFFFE00  }
0x2b9: {  	[hbm4b:s1+s2] =	stream.linear.scatter [tilespmem:s4], [sflag:$0x1], $0x80, $0x38;
	[tilespmem:$0x1000] =	vst v63  }
0x2ba: {  	s17 =	sadd.s32 $0x10, s1  }
0x2bb: {  	[hbm4b:s17+s2] =	stream.linear.scatter [tilespmem:s28], [sflag:$0x1], $0x80, $0x38;
	[tilespmem:$0x1000] =	vst v63  }
0x2bc: {  	s17 =	sadd.s32 $0x20, s1  }
0x2bd: {  	[hbm4b:s17+s2] =	stream.linear.scatter [tilespmem:s14], [sflag:$0x1], $0x80, $0x38;
	[tilespmem:$0x1000] =	vst v63  }
0x2be: {  	s1 =	sadd.s32 $0x30, s1  }
0x2bf: {  	[hbm4b:s1+s2] =	stream.linear.scatter [tilespmem:s20], [sflag:$0x1], $0x80, $0x38;
	[tilespmem:$0x1000] =	vst v63  }
0x2c0: {  	_ =	swait.ge [sflag:s3], $0x200  }
0x2c1: {  	[sflag:s3] =	ssyncset.done $0x0  }
0x2c2: {  	s1 =	rddreg [dreg:$0xe];
	[sflag:s3] =	ssyncadd.s32 $0xFFFFFE00  }
0x2c3: {  	[hbm4b:s1+s2] =	stream.linear.scatter [tilespmem:s21], [sflag:$0x1], $0x80, $0x38;
	[tilespmem:$0x1000] =	vst v63  }
0x2c4: {  	s17 =	sadd.s32 $0x10, s1;
	s21 =	simm.s32 $0x680  }
0x2c5: {  	[hbm4b:s17+s2] =	stream.linear.scatter [tilespmem:s21], [sflag:$0x1], $0x80, $0x38;
	[tilespmem:$0x1000] =	vst v63  }
0x2c6: {  	s8 =	simm.s32 $0xA80;
	s21 =	sadd.s32 $0x20, s1  }
0x2c7: {  	[hbm4b:s21+s2] =	stream.linear.scatter [tilespmem:s8], [sflag:$0x1], $0x80, $0x38;
	[tilespmem:$0x1000] =	vst v63  }
0x2c8: {  	s17 =	sadd.s32 $0x30, s1;
	s21 =	simm.s32 $0xE80  }
0x2c9: {  	[hbm4b:s17+s2] =	stream.linear.scatter [tilespmem:s21], [sflag:$0x1], $0x80, $0x38;
	[tilespmem:$0x1000] =	vst v63  }
0x2ca: {  	_ =	swait.ge [sflag:s3], $0x200  }
0x2cb: {  	[sflag:s3] =	ssyncset.done $0x0  }
0x2cc: {  	s8 =	simm.s32 $0x300;
	[sflag:s3] =	ssyncadd.s32 $0xFFFFFE00  }
0x2cd: {  	[hbm4b:s16+s2] =	stream.linear.scatter [tilespmem:s8], [sflag:$0x1], $0x80, $0x38;
	[tilespmem:$0x1000] =	vst v63  }
0x2ce: {  	s17 =	sadd.s32 $0x10, s16;
	s21 =	simm.s32 $0x700  }
0x2cf: {  	[hbm4b:s17+s2] =	stream.linear.scatter [tilespmem:s21], [sflag:$0x1], $0x80, $0x38;
	[tilespmem:$0x1000] =	vst v63  }
0x2d0: {  	s1 =	sadd.s32 $0x20, s16;
	s8 =	simm.s32 $0xB00  }
0x2d1: {  	[hbm4b:s1+s2] =	stream.linear.scatter [tilespmem:s8], [sflag:$0x1], $0x80, $0x38;
	[tilespmem:$0x1000] =	vst v63  }
0x2d2: {  	s17 =	sadd.s32 $0x30, s16;
	s21 =	simm.s32 $0xF00  }
0x2d3: {  	[hbm4b:s17+s2] =	stream.linear.scatter [tilespmem:s21], [sflag:$0x1], $0x80, $0x38;
	[tilespmem:$0x1000] =	vst v63  }
0x2d4: {  	_ =	swait.ge [sflag:s3], $0x200  }
0x2d5: {  	[sflag:s3] =	ssyncset.done $0x0  }
0x2d6: {  	s1 =	simm.s32 $0x380;
	s16 =	rddreg [dreg:$0xd];
	[sflag:s3] =	ssyncadd.s32 $0xFFFFFE00  }
0x2d7: {  	[hbm4b:s16+s2] =	stream.linear.scatter [tilespmem:s1], [sflag:$0x1], $0x80, $0x38;
	[tilespmem:$0x1000] =	vst v63  }
0x2d8: {  	s17 =	simm.s32 $0x780;
	s8 =	sadd.s32 $0x10, s16  }
0x2d9: {  	[hbm4b:s8+s2] =	stream.linear.scatter [tilespmem:s17], [sflag:$0x1], $0x80, $0x38;
	[tilespmem:$0x1000] =	vst v63  }
0x2da: {  	s21 =	sadd.s32 $0x20, s16;
	s1 =	simm.s32 $0xB80  }
0x2db: {  	[hbm4b:s21+s2] =	stream.linear.scatter [tilespmem:s1], [sflag:$0x1], $0x80, $0x38;
	[tilespmem:$0x1000] =	vst v63  }
0x2dc: {  	s17 =	sadd.s32 $0x30, s16;
	s21 =	simm.s32 $0xF80  }
0x2dd: {  	[hbm4b:s17+s2] =	stream.linear.scatter [tilespmem:s21], [sflag:$0x1], $0x80, $0x38;
	[tilespmem:$0x1000] =	vst v63  }
0x2de: {  	_ =	swait.ge [sflag:s3], $0x200  }
0x2df: {  	[sflag:s3] =	ssyncset.done $0x0  }
0x2e0: {  	s1 =	rddreg [dreg:$0x4];
	[sflag:s3] =	ssyncadd.s32 $0xFFFFFE00  }
0x2e1: {  	[tilespmem:s2], [sflag:$0x1] =	stream.linear.gather [hbm4b:s1+s2], $0x1000, $0x38;
	[tilespmem:$0x1000] =	vst v63  }
0x2e2: {  	_ =	swait.ge [sflag:s3], $0x1000  }
0x2e3: {  	[sflag:s3] =	ssyncset.done $0x0  }
0x2e4: {  	[sflag:s3] =	ssyncadd.s32 $0xFFFFF000  }
0x2e5: {  	[hbm4b:s5+s2] =	stream.linear.scatter [tilespmem:s2], [sflag:$0x1], $0x80, $0x38;
	[tilespmem:$0x1000] =	vst v63  }
0x2e6: {  	s8 =	sadd.s32 $0x10, s5  }
0x2e7: {  	[hbm4b:s8+s2] =	stream.linear.scatter [tilespmem:s13], [sflag:$0x1], $0x80, $0x38;
	[tilespmem:$0x1000] =	vst v63  }
0x2e8: {  	s16 =	sadd.s32 $0x20, s5  }
0x2e9: {  	[hbm4b:s16+s2] =	stream.linear.scatter [tilespmem:s12], [sflag:$0x1], $0x80, $0x38;
	[tilespmem:$0x1000] =	vst v63  }
0x2ea: {  	s17 =	sadd.s32 $0x30, s5  }
0x2eb: {  	[hbm4b:s17+s2] =	stream.linear.scatter [tilespmem:s11], [sflag:$0x1], $0x80, $0x38;
	[tilespmem:$0x1000] =	vst v63  }
0x2ec: {  	_ =	swait.ge [sflag:s3], $0x200  }
0x2ed: {  	[sflag:s3] =	ssyncset.done $0x0  }
0x2ee: {  	s21 =	rddreg [dreg:$0xc];
	[sflag:s3] =	ssyncadd.s32 $0xFFFFFE00  }
0x2ef: {  	[hbm4b:s21+s2] =	stream.linear.scatter [tilespmem:s18], [sflag:$0x1], $0x80, $0x38;
	[tilespmem:$0x1000] =	vst v63  }
0x2f0: {  	s16 =	simm.s32 $0x480;
	s8 =	sadd.s32 $0x10, s21  }
0x2f1: {  	[hbm4b:s8+s2] =	stream.linear.scatter [tilespmem:s16], [sflag:$0x1], $0x80, $0x38;
	[tilespmem:$0x1000] =	vst v63  }
0x2f2: {  	s17 =	sadd.s32 $0x20, s21  }
0x2f3: {  	[hbm4b:s17+s2] =	stream.linear.scatter [tilespmem:s19], [sflag:$0x1], $0x80, $0x38;
	[tilespmem:$0x1000] =	vst v63  }
0x2f4: {  	s21 =	sadd.s32 $0x30, s21  }
0x2f5: {  	[hbm4b:s21+s2] =	stream.linear.scatter [tilespmem:s6], [sflag:$0x1], $0x80, $0x38;
	[tilespmem:$0x1000] =	vst v63  }
0x2f6: {  	_ =	swait.ge [sflag:s3], $0x200  }
0x2f7: {  	[sflag:s3] =	ssyncset.done $0x0  }
0x2f8: {  	s1 =	simm.s32 $0x100;
	[sflag:s3] =	ssyncadd.s32 $0xFFFFFE00  }
0x2f9: {  	[hbm4b:s9+s2] =	stream.linear.scatter [tilespmem:s1], [sflag:$0x1], $0x80, $0x38;
	[tilespmem:$0x1000] =	vst v63  }
0x2fa: {  	s5 =	sadd.s32 $0x10, s9;
	s21 =	simm.s32 $0x500  }
0x2fb: {  	[hbm4b:s5+s2] =	stream.linear.scatter [tilespmem:s21], [sflag:$0x1], $0x80, $0x38;
	[tilespmem:$0x1000] =	vst v63  }
0x2fc: {  	s8 =	sadd.s32 $0x20, s9;
	s17 =	simm.s32 $0x900  }
0x2fd: {  	[hbm4b:s8+s2] =	stream.linear.scatter [tilespmem:s17], [sflag:$0x1], $0x80, $0x38;
	[tilespmem:$0x1000] =	vst v63  }
0x2fe: {  	s9 =	sadd.s32 $0x30, s9;
	s8 =	simm.s32 $0xD00  }
0x2ff: {  	[hbm4b:s9+s2] =	stream.linear.scatter [tilespmem:s8], [sflag:$0x1], $0x80, $0x38;
	[tilespmem:$0x1000] =	vst v63  }
0x300: {  	_ =	swait.ge [sflag:s3], $0x200  }
0x301: {  	[sflag:s3] =	ssyncset.done $0x0  }
0x302: {  	s1 =	simm.s32 $0x180;
	s9 =	rddreg [dreg:$0xb];
	[sflag:s3] =	ssyncadd.s32 $0xFFFFFE00  }
0x303: {  	[hbm4b:s9+s2] =	stream.linear.scatter [tilespmem:s1], [sflag:$0x1], $0x80, $0x38;
	[tilespmem:$0x1000] =	vst v63  }
0x304: {  	s5 =	simm.s32 $0x580;
	s16 =	sadd.s32 $0x10, s9  }
0x305: {  	[hbm4b:s16+s2] =	stream.linear.scatter [tilespmem:s5], [sflag:$0x1], $0x80, $0x38;
	[tilespmem:$0x1000] =	vst v63  }
0x306: {  	s0 =	sadd.s32 $0x20, s9;
	s16 =	simm.s32 $0x980  }
0x307: {  	[hbm4b:s0+s2] =	stream.linear.scatter [tilespmem:s16], [sflag:$0x1], $0x80, $0x38;
	[tilespmem:$0x1000] =	vst v63  }
0x308: {  	s9 =	sadd.s32 $0x30, s9  }
0x309: {  	[hbm4b:s9+s2] =	stream.linear.scatter [tilespmem:s7], [sflag:$0x1], $0x80, $0x38;
	[tilespmem:$0x1000] =	vst v63  }
0x30a: {  	_ =	swait.ge [sflag:s3], $0x200  }
0x30b: {  	[sflag:s3] =	ssyncset.done $0x0  }
0x30c: {  	s16 =	rddreg [dreg:$0xa];
	[sflag:s3] =	ssyncadd.s32 $0xFFFFFE00  }
0x30d: {  	[hbm4b:s16+s2] =	stream.linear.scatter [tilespmem:s4], [sflag:$0x1], $0x80, $0x38;
	[tilespmem:$0x1000] =	vst v63  }
0x30e: {  	s4 =	sadd.s32 $0x10, s16  }
0x30f: {  	[hbm4b:s4+s2] =	stream.linear.scatter [tilespmem:s28], [sflag:$0x1], $0x80, $0x38;
	[tilespmem:$0x1000] =	vst v63  }
0x310: {  	s9 =	sadd.s32 $0x20, s16  }
0x311: {  	[hbm4b:s9+s2] =	stream.linear.scatter [tilespmem:s14], [sflag:$0x1], $0x80, $0x38;
	[tilespmem:$0x1000] =	vst v63  }
0x312: {  	s16 =	sadd.s32 $0x30, s16  }
0x313: {  	[hbm4b:s16+s2] =	stream.linear.scatter [tilespmem:s20], [sflag:$0x1], $0x80, $0x38;
	[tilespmem:$0x1000] =	vst v63  }
0x314: {  	_ =	swait.ge [sflag:s3], $0x200  }
0x315: {  	[sflag:s3] =	ssyncset.done $0x0  }
0x316: {  	s7 =	simm.s32 $0x280;
	s28 =	rddreg [dreg:$0x9];
	[sflag:s3] =	ssyncadd.s32 $0xFFFFFE00  }
0x317: {  	[hbm4b:s28+s2] =	stream.linear.scatter [tilespmem:s7], [sflag:$0x1], $0x80, $0x38;
	[tilespmem:$0x1000] =	vst v63  }
0x318: {  	s14 =	simm.s32 $0x680;
	s9 =	sadd.s32 $0x10, s28  }
0x319: {  	[hbm4b:s9+s2] =	stream.linear.scatter [tilespmem:s14], [sflag:$0x1], $0x80, $0x38;
	[tilespmem:$0x1000] =	vst v63  }
0x31a: {  	s16 =	sadd.s32 $0x20, s28;
	s9 =	simm.s32 $0xA80  }
0x31b: {  	[hbm4b:s16+s2] =	stream.linear.scatter [tilespmem:s9], [sflag:$0x1], $0x80, $0x38;
	[tilespmem:$0x1000] =	vst v63  }
0x31c: {  	s20 =	sadd.s32 $0x30, s28;
	s28 =	simm.s32 $0xE80  }
0x31d: {  	[hbm4b:s20+s2] =	stream.linear.scatter [tilespmem:s28], [sflag:$0x1], $0x80, $0x38;
	[tilespmem:$0x1000] =	vst v63  }
0x31e: {  	_ =	swait.ge [sflag:s3], $0x200  }
0x31f: {  	[sflag:s3] =	ssyncset.done $0x0  }
0x320: {  	s7 =	simm.s32 $0x300;
	s4 =	rddreg [dreg:$0x8];
	[sflag:s3] =	ssyncadd.s32 $0xFFFFFE00  }
0x321: {  	[hbm4b:s4+s2] =	stream.linear.scatter [tilespmem:s7], [sflag:$0x1], $0x80, $0x38;
	[tilespmem:$0x1000] =	vst v63  }
0x322: {  	s16 =	simm.s32 $0x700;
	s14 =	sadd.s32 $0x10, s4  }
0x323: {  	[hbm4b:s14+s2] =	stream.linear.scatter [tilespmem:s16], [sflag:$0x1], $0x80, $0x38;
	[tilespmem:$0x1000] =	vst v63  }
0x324: {  	s28 =	simm.s32 $0xB00;
	s20 =	sadd.s32 $0x20, s4  }
0x325: {  	[hbm4b:s20+s2] =	stream.linear.scatter [tilespmem:s28], [sflag:$0x1], $0x80, $0x38;
	[tilespmem:$0x1000] =	vst v63  }
0x326: {  	s7 =	sadd.s32 $0x30, s4;
	s14 =	simm.s32 $0xF00  }
0x327: {  	[hbm4b:s7+s2] =	stream.linear.scatter [tilespmem:s14], [sflag:$0x1], $0x80, $0x38;
	[tilespmem:$0x1000] =	vst v63  }
0x328: {  	_ =	swait.ge [sflag:s3], $0x200  }
0x329: {  	[sflag:s3] =	ssyncset.done $0x0  }
0x32a: {  	s16 =	simm.s32 $0x380;
	s4 =	rddreg [dreg:$0x7];
	[sflag:s3] =	ssyncadd.s32 $0xFFFFFE00  }
0x32b: {  	[hbm4b:s4+s2] =	stream.linear.scatter [tilespmem:s16], [sflag:$0x1], $0x80, $0x38;
	[tilespmem:$0x1000] =	vst v63  }
0x32c: {  	s28 =	simm.s32 $0x780;
	s20 =	sadd.s32 $0x10, s4  }
0x32d: {  	[hbm4b:s20+s2] =	stream.linear.scatter [tilespmem:s28], [sflag:$0x1], $0x80, $0x38;
	[tilespmem:$0x1000] =	vst v63  }
0x32e: {  	s14 =	sadd.s32 $0x20, s4;
	s16 =	simm.s32 $0xB80  }
0x32f: {  	[hbm4b:s14+s2] =	stream.linear.scatter [tilespmem:s16], [sflag:$0x1], $0x80, $0x38;
	[tilespmem:$0x1000] =	vst v63  }
0x330: {  	s20 =	sadd.s32 $0x30, s4;
	s28 =	simm.s32 $0xF80  }
0x331: {  	[hbm4b:s20+s2] =	stream.linear.scatter [tilespmem:s28], [sflag:$0x1], $0x80, $0x38;
	[tilespmem:$0x1000] =	vst v63  }
0x332: {  	_ =	swait.ge [sflag:s3], $0x200  }
0x333: {  	[sflag:s3] =	ssyncset.done $0x0  }
0x334: {  	s4 =	rddreg [dreg:$0x5];
	[sflag:s3] =	ssyncadd.s32 $0xFFFFFE00  }
0x335: {  	[tilespmem:s2], [sflag:$0x1] =	stream.linear.gather [hbm4b:s4+s2], $0x1000, $0x38;
	[tilespmem:$0x1000] =	vst v63  }
0x336: {  	_ =	swait.ge [sflag:s3], $0x1000  }
0x337: {  	[sflag:s3] =	ssyncset.done $0x0  }
0x338: {  	[sflag:s3] =	ssyncadd.s32 $0xFFFFF000  }
0x339: {  	[hbm4b:s29+s2] =	stream.linear.scatter [tilespmem:s2], [sflag:$0x1], $0x80, $0x38;
	[tilespmem:$0x1000] =	vst v63  }
0x33a: {  	s7 =	sadd.s32 $0x10, s29  }
0x33b: {  	[hbm4b:s7+s2] =	stream.linear.scatter [tilespmem:s13], [sflag:$0x1], $0x80, $0x38;
	[tilespmem:$0x1000] =	vst v63  }
0x33c: {  	s14 =	sadd.s32 $0x20, s29  }
0x33d: {  	[hbm4b:s14+s2] =	stream.linear.scatter [tilespmem:s12], [sflag:$0x1], $0x80, $0x38;
	[tilespmem:$0x1000] =	vst v63  }
0x33e: {  	s16 =	sadd.s32 $0x30, s29  }
0x33f: {  	[hbm4b:s16+s2] =	stream.linear.scatter [tilespmem:s11], [sflag:$0x1], $0x80, $0x38;
	[tilespmem:$0x1000] =	vst v63  }
0x340: {  	_ =	swait.ge [sflag:s3], $0x200  }
0x341: {  	[sflag:s3] =	ssyncset.done $0x0  }
0x342: {  	s20 =	rddreg [dreg:$0x6];
	[sflag:s3] =	ssyncadd.s32 $0xFFFFFE00  }
0x343: {  	[hbm4b:s20+s2] =	stream.linear.scatter [tilespmem:s18], [sflag:$0x1], $0x80, $0x38;
	[tilespmem:$0x1000] =	vst v63  }
0x344: {  	s16 =	simm.s32 $0x480;
	s0 =	sadd.s32 $0x10, s20  }
0x345: {  	[hbm4b:s0+s2] =	stream.linear.scatter [tilespmem:s16], [sflag:$0x1], $0x80, $0x38;
	[tilespmem:$0x1000] =	vst v63  }
0x346: {  	s0 =	sadd.s32 $0x20, s20  }
0x347: {  	[hbm4b:s0+s2] =	stream.linear.scatter [tilespmem:s19], [sflag:$0x1], $0x80, $0x38;
	[tilespmem:$0x1000] =	vst v63  }
0x348: {  	s20 =	sadd.s32 $0x30, s20  }
0x349: {  	[hbm4b:s20+s2] =	stream.linear.scatter [tilespmem:s6], [sflag:$0x1], $0x80, $0x38;
	[tilespmem:$0x1000] =	vst v63  }
0x34a: {  	_ =	swait.ge [sflag:s3], $0x200  }
0x34b: {  	[sflag:s3] =	ssyncset.done $0x0  }
0x34c: {  	s20 =	simm.s32 $0x100;
	[sflag:s3] =	ssyncadd.s32 $0xFFFFFE00  }
0x34d: {  	[hbm4b:s23+s2] =	stream.linear.scatter [tilespmem:s20], [sflag:$0x1], $0x80, $0x38;
	[tilespmem:$0x1000] =	vst v63  }
0x34e: {  	s20 =	sadd.s32 $0x10, s23  }
0x34f: {  	[hbm4b:s20+s2] =	stream.linear.scatter [tilespmem:s21], [sflag:$0x1], $0x80, $0x38;
	[tilespmem:$0x1000] =	vst v63  }
0x350: {  	s21 =	sadd.s32 $0x20, s23  }
0x351: {  	[hbm4b:s21+s2] =	stream.linear.scatter [tilespmem:s17], [sflag:$0x1], $0x80, $0x38;
	[tilespmem:$0x1000] =	vst v63  }
0x352: {  	s17 =	sadd.s32 $0x30, s23  }
0x353: {  	[hbm4b:s17+s2] =	stream.linear.scatter [tilespmem:s8], [sflag:$0x1], $0x80, $0x38;
	[tilespmem:$0x1000] =	vst v63  }
0x354: {  	_ =	swait.ge [sflag:s3], $0x200  }
0x355: {  	[sflag:s3] =	ssyncset.done $0x0  }
0x356: {  	[sflag:s3] =	ssyncadd.s32 $0xFFFFFE00  }
0x357: {  	[hbm4b:s10+s2] =	stream.linear.scatter [tilespmem:s1], [sflag:$0x1], $0x80, $0x38;
	[tilespmem:$0x1000] =	vst v63  }
0x358: {  	s20 =	sadd.s32 $0x10, s10  }
0x359: {  	[hbm4b:s20+s2] =	stream.linear.scatter [tilespmem:s5], [sflag:$0x1], $0x80, $0x38;
	[tilespmem:$0x1000] =	vst v63  }
0x35a: {  	s21 =	sadd.s32 $0x20, s10;
	s23 =	simm.s32 $0x980  }
0x35b: {  	[hbm4b:s21+s2] =	stream.linear.scatter [tilespmem:s23], [sflag:$0x1], $0x80, $0x38;
	[tilespmem:$0x1000] =	vst v63  }
0x35c: {  	s7 =	simm.s32 $0xD80;
	s1 =	sadd.s32 $0x30, s10  }
0x35d: {  	[hbm4b:s1+s2] =	stream.linear.scatter [tilespmem:s7], [sflag:$0x1], $0x80, $0x38;
	[tilespmem:$0x1000] =	vst v63  }
0x35e: {  	_ =	swait.ge [sflag:s3], $0x200  }
0x35f: {  	[sflag:s3] =	ssyncset.done $0x0  }
0x360: {  	s4 =	simm.s32 $0x200;
	[sflag:s3] =	ssyncadd.s32 $0xFFFFFE00  }
0x361: {  	[hbm4b:s15+s2] =	stream.linear.scatter [tilespmem:s4], [sflag:$0x1], $0x80, $0x38;
	[tilespmem:$0x1000] =	vst v63  }
0x362: {  	s29 =	simm.s32 $0x600;
	s4 =	sadd.s32 $0x10, s15  }
0x363: {  	[hbm4b:s4+s2] =	stream.linear.scatter [tilespmem:s29], [sflag:$0x1], $0x80, $0x38;
	[tilespmem:$0x1000] =	vst v63  }
0x364: {  	s14 =	simm.s32 $0xA00;
	s5 =	sadd.s32 $0x20, s15  }
0x365: {  	[hbm4b:s5+s2] =	stream.linear.scatter [tilespmem:s14], [sflag:$0x1], $0x80, $0x38;
	[tilespmem:$0x1000] =	vst v63  }
0x366: {  	s28 =	simm.s32 $0xE00;
	s7 =	sadd.s32 $0x30, s15  }
0x367: {  	[hbm4b:s7+s2] =	stream.linear.scatter [tilespmem:s28], [sflag:$0x1], $0x80, $0x38;
	[tilespmem:$0x1000] =	vst v63  }
0x368: {  	_ =	swait.ge [sflag:s3], $0x200  }
0x369: {  	[sflag:s3] =	ssyncset.done $0x0  }
0x36a: {  	s8 =	simm.s32 $0x280;
	[sflag:s3] =	ssyncadd.s32 $0xFFFFFE00  }
0x36b: {  	[hbm4b:s25+s2] =	stream.linear.scatter [tilespmem:s8], [sflag:$0x1], $0x80, $0x38;
	[tilespmem:$0x1000] =	vst v63  }
0x36c: {  	s10 =	sadd.s32 $0x10, s25;
	s14 =	simm.s32 $0x680  }
0x36d: {  	[hbm4b:s10+s2] =	stream.linear.scatter [tilespmem:s14], [sflag:$0x1], $0x80, $0x38;
	[tilespmem:$0x1000] =	vst v63  }
0x36e: {  	s15 =	sadd.s32 $0x20, s25  }
0x36f: {  	[hbm4b:s15+s2] =	stream.linear.scatter [tilespmem:s9], [sflag:$0x1], $0x80, $0x38;
	[tilespmem:$0x1000] =	vst v63  }
0x370: {  	s17 =	sadd.s32 $0x30, s25;
	s20 =	simm.s32 $0xE80  }
0x371: {  	[hbm4b:s17+s2] =	stream.linear.scatter [tilespmem:s20], [sflag:$0x1], $0x80, $0x38;
	[tilespmem:$0x1000] =	vst v63  }
0x372: {  	_ =	swait.ge [sflag:s3], $0x200  }
0x373: {  	[sflag:s3] =	ssyncset.done $0x0  }
0x374: {  	s21 =	simm.s32 $0x300;
	[sflag:s3] =	ssyncadd.s32 $0xFFFFFE00  }
0x375: {  	[hbm4b:s30+s2] =	stream.linear.scatter [tilespmem:s21], [sflag:$0x1], $0x80, $0x38;
	[tilespmem:$0x1000] =	vst v63  }
0x376: {  	s23 =	sadd.s32 $0x10, s30;
	s25 =	simm.s32 $0x700  }
0x377: {  	[hbm4b:s23+s2] =	stream.linear.scatter [tilespmem:s25], [sflag:$0x1], $0x80, $0x38;
	[tilespmem:$0x1000] =	vst v63  }
0x378: {  	s29 =	simm.s32 $0xB00;
	s28 =	sadd.s32 $0x20, s30  }
0x379: {  	[hbm4b:s28+s2] =	stream.linear.scatter [tilespmem:s29], [sflag:$0x1], $0x80, $0x38;
	[tilespmem:$0x1000] =	vst v63  }
0x37a: {  	s4 =	sadd.s32 $0x30, s30;
	s5 =	simm.s32 $0xF00  }
0x37b: {  	[hbm4b:s4+s2] =	stream.linear.scatter [tilespmem:s5], [sflag:$0x1], $0x80, $0x38;
	[tilespmem:$0x1000] =	vst v63  }
0x37c: {  	_ =	swait.ge [sflag:s3], $0x200  }
0x37d: {  	[sflag:s3] =	ssyncset.done $0x0  }
0x37e: {  	s7 =	simm.s32 $0x380;
	[sflag:s3] =	ssyncadd.s32 $0xFFFFFE00  }
0x37f: {  	[hbm4b:s24+s2] =	stream.linear.scatter [tilespmem:s7], [sflag:$0x1], $0x80, $0x38;
	[tilespmem:$0x1000] =	vst v63  }
0x380: {  	s8 =	sadd.s32 $0x10, s24;
	s9 =	simm.s32 $0x780  }
0x381: {  	[hbm4b:s8+s2] =	stream.linear.scatter [tilespmem:s9], [sflag:$0x1], $0x80, $0x38;
	[tilespmem:$0x1000] =	vst v63  }
0x382: {  	s10 =	sadd.s32 $0x20, s24;
	s14 =	simm.s32 $0xB80  }
0x383: {  	[hbm4b:s10+s2] =	stream.linear.scatter [tilespmem:s14], [sflag:$0x1], $0x80, $0x38;
	[tilespmem:$0x1000] =	vst v63  }
0x384: {  	s15 =	sadd.s32 $0x30, s24;
	s17 =	simm.s32 $0xF80  }
0x385: {  	[hbm4b:s15+s2] =	stream.linear.scatter [tilespmem:s17], [sflag:$0x1], $0x80, $0x38;
	[tilespmem:$0x1000] =	vst v63  }
0x386: {  	_ =	swait.ge [sflag:s3], $0x200  }
0x387: {  	[sflag:s3] =	ssyncset.done $0x0  }
0x388: {  	[sflag:s3] =	ssyncadd.s32 $0xFFFFFE00  }
0x389: {  	[tilespmem:s2], [sflag:$0x1] =	stream.linear.gather [hbm4b:s26+s2], $0x100, $0x38;
	[tilespmem:$0x1000] =	vst v63  }
0x38a: {  	s20 =	sadd.s32 $0x80, s26  }
0x38b: {  	[tilespmem:s13], [sflag:$0x1] =	stream.linear.gather [hbm4b:s20+s2], $0x100, $0x38;
	[tilespmem:$0x1000] =	vst v63  }
0x38c: {  	s21 =	sadd.s32 $0x100, s26  }
0x38d: {  	[tilespmem:s12], [sflag:$0x1] =	stream.linear.gather [hbm4b:s21+s2], $0x100, $0x38;
	[tilespmem:$0x1000] =	vst v63  }
0x38e: {  	s23 =	sadd.s32 $0x180, s26  }
0x38f: {  	[tilespmem:s11], [sflag:$0x1] =	stream.linear.gather [hbm4b:s23+s2], $0x100, $0x38;
	[tilespmem:$0x1000] =	vst v63  }
0x390: {  	_ =	swait.ge [sflag:s3], $0x400  }
0x391: {  	[sflag:s3] =	ssyncset.done $0x0  }
0x392: {  	[sflag:s3] =	ssyncadd.s32 $0xFFFFFC00  }
0x393: {  	[hbm4b:s22+s2] =	stream.linear.scatter [tilespmem:s2], [sflag:$0x1], $0x80, $0x38;
	[tilespmem:$0x1000] =	vst v63  }
0x394: {  	s24 =	sadd.s32 $0x10, s22  }
0x395: {  	[hbm4b:s24+s2] =	stream.linear.scatter [tilespmem:s13], [sflag:$0x1], $0x80, $0x38;
	[tilespmem:$0x1000] =	vst v63  }
0x396: {  	s25 =	sadd.s32 $0x20, s22  }
0x397: {  	[hbm4b:s25+s2] =	stream.linear.scatter [tilespmem:s12], [sflag:$0x1], $0x80, $0x38;
	[tilespmem:$0x1000] =	vst v63  }
0x398: {  	s26 =	sadd.s32 $0x30, s22  }
0x399: {  	[hbm4b:s26+s2] =	stream.linear.scatter [tilespmem:s11], [sflag:$0x1], $0x80, $0x38;
	[tilespmem:$0x1000] =	vst v63  }
0x39a: {  	_ =	swait.ge [sflag:s3], $0x200  }
0x39b: {  	[sflag:s3] =	ssyncset.done $0x0  }
0x39c: {  	[sflag:s3] =	ssyncadd.s32 $0xFFFFFE00  }
0x39d: {  	[hbm4b:s31+s2] =	stream.linear.scatter [tilespmem:s18], [sflag:$0x1], $0x80, $0x38;
	[tilespmem:$0x1000] =	vst v63  }
0x39e: {  	s16 =	simm.s32 $0x480;
	s28 =	sadd.s32 $0x10, s31  }
0x39f: {  	[hbm4b:s28+s2] =	stream.linear.scatter [tilespmem:s16], [sflag:$0x1], $0x80, $0x38;
	[tilespmem:$0x1000] =	vst v63  }
0x3a0: {  	s29 =	sadd.s32 $0x20, s31  }
0x3a1: {  	[hbm4b:s29+s2] =	stream.linear.scatter [tilespmem:s19], [sflag:$0x1], $0x80, $0x38;
	[tilespmem:$0x1000] =	vst v63  }
0x3a2: {  	s30 =	sadd.s32 $0x30, s31  }
0x3a3: {  	[hbm4b:s30+s2] =	stream.linear.scatter [tilespmem:s6], [sflag:$0x1], $0x80, $0x38;
	[tilespmem:$0x1000] =	vst v63  }
0x3a4: {  	_ =	swait.ge [sflag:s3], $0x200  }
0x3a5: {  	[sflag:s3] =	ssyncset.done $0x0  }
0x3a6: {  	[sflag:s3] =	ssyncadd.s32 $0xFFFFFE00  }
0x3a7: {  	_ =	sfence.sel $0x180000  }
0x3a8: {  	[bflag:$0x0] =	sbarrier.arrive $0xFFFF  }
0x3a9: {  	_ =	strace $0x90000047  }
0x3aa: {  	s31 =	stileid.u32;
	[bflag:$0x2] =	sbarrier.arrive $0xFFFF  }
0x3ab: {  	p0 =	sne.s32 s31, $0x0;
	s0 =	rddreg [dreg:$0x2]  }
0x3ac: {  	s0 =	sadd.s32 @!p0 $0x100000, s0  }
0x3ad: {  	[sflag:s0] =	ssyncadd.tile.s32 @!p0 $0x1;
	_ =	shalt  }
.LBB2_6:
0x3ae: {  	s22 =	sld [smem:$0x7F7]  }
0x3af: {  	s26 =	sld [smem:$0x7F8]  }
0x3b0: {  	s24 =	sld [smem:$0x7ED]  }
0x3b1: {  	s30 =	sld [smem:$0x7F9]  }
0x3b2: {  	s25 =	sld [smem:$0x7E3]  }
0x3b3: {  	s15 =	sld [smem:$0x7E4]  }
0x3b4: {  	s10 =	sld [smem:$0x7EF]  }
0x3b5: {  	s6 =	simm.s32 $0xC80;
	s23 =	sld [smem:$0x7F4]  }
.Ltmp3:
0x3b6: {  	s19 =	simm.s32 $0x880;
	s29 =	rddreg [dreg:$0x1f];
	(pc) =	sbr.rel .LBB2_5-.Ltmp3, $4  }
0x3b7: {  	s8 =	simm.s32 $0x480;
	s18 =	simm.s32 $0x80;
	s9 =	sld [smem:$0x7F3]  }
0x3b8: {  	s21 =	simm.s32 $0x280;
	s20 =	simm.s32 $0xE00;
	s5 =	sld [smem:$0x7F2]  }
0x3b9: {  	s14 =	simm.s32 $0xA00;
	s28 =	simm.s32 $0x600;
	s16 =	sld [smem:$0x7E8]  }
0x3ba: {  	s4 =	simm.s32 $0x200;
	s7 =	simm.s32 $0xD80;
	s1 =	sld [smem:$0x7E9]  }
.Lfunc_end2:
_tile_overlayer_lowered:
.L_overlay_start_2:
0x3bb: {  	(tag) =	ssettag $0x2  }
0x3bc: {  	s0 =	rddreg [dreg:$0x0];
	s2 =	stileid.u32  }
0x3bd: {  	s1 =	rddreg [dreg:$0x1];
	p0 =	sne.s32 s2, $0x0  }
0x3be: {  	s3 =	rddreg [dreg:$0x2];
	[bflag:$0x3] =	sbarrier.arrive $0xFFFF;
	s2 =	simm.s32 @!p0 $0x1C01  }
0x3bf: {  	[timem:s3], [sflag:s2] =	dma.local @!p0 [hbm:s0], s1  }
0x3c0: {  	s0 =	simm.s32 @!p0 $0x1  }
0x3c1: {  	_ =	swait.ge @!p0 [sflag:s0], s1  }
0x3c2: {  	s1 =	ssub.s32 @!p0 $0x0, s1;
	[sflag:s0] =	ssyncset.done @!p0 $0x0  }
0x3c3: {  	[sflag:s0] =	ssyncadd.s32 @!p0 s1  }
0x3c4: {  	[bflag:$0x3] =	sbarrier.arrive $0xFFFF  }
0x3c5: {  	_ =	shalt  }

// kernel: kernel.8.cloned.1.call-start
scs
__scs_entry_jumppad:
0x0: {  	(pc) =	sbr.rel $0x88, $3  }
0x1: {  	(tag) =	ssettag $0x0;
	lr =	simm.s32 $0x1  }
0x2: {  	[smem:$0x3F9F] =	sst lr;
	_ =	strace $0xD0000000  }
0x3: {  	_ = 	snop  }
0x4: {  	_ = 	snop  }
0x5: {  	_ = 	snop  }
0x6: {  	_ = 	snop  }
0x7: {  	_ = 	snop  }
__scs_overlays_trampoline_lowered:
0x8: {  	[smem:$0x3FAE] =	sst s0  }
0x9: {  	[smem:$0x3FAF] =	sst s1  }
0xa: {  	[smem:$0x3FB0] =	sst s2  }
0xb: {  	[smem:$0x3FB1] =	sst s3  }
0xc: {  	[smem:$0x3FB2] =	sst s4  }
0xd: {  	[smem:$0x3FB3] =	sst s5  }
0xe: {  	[smem:$0x3FB4] =	sst s6  }
0xf: {  	[smem:$0x3FB5] =	sst s7  }
0x10: {  	[smem:$0x3FB6] =	sst s8  }
0x11: {  	[smem:$0x3FB7] =	sst s9;
	s0 =	simm.s32 @!p0 $0x0  }
0x12: {  	s1 =	sld [smem:$0x3F9D];
	s0 =	simm.s32 @p0 $0x1  }
0x13: {  	[smem:$0x3FB8] =	sst s0;
	s0 =	simm.s32 @!p1 $0x0  }
0x14: {  	s2 =	sld [smem:$0x3F9C];
	s0 =	simm.s32 @p1 $0x1  }
0x15: {  	[smem:$0x3FB9] =	sst s0;
	s0 =	simm.s32 @!p2 $0x0  }
0x16: {  	s3 =	sld [smem:$0x3FDB];
	s0 =	simm.s32 @p2 $0x1  }
0x17: {  	s4 =	simm.s32 $0x1BF5;
	[smem:$0x3FBB] =	sst s0  }
0x18: {  	s0 =	sld [smem:$0x3F9E];
	_ =	swait.ge [sflag:s4], $0x0  }
0x19: {  	s7 =	sld [smem:$0x3F9F]  }
0x1a: {  	s8 =	sadd.s32 $0xFFFFE003, lr  }
0x1b: {  	s9 =	sadd.s32 $0xFFFFFEF7, lr;
	s5 =	simm.s32 $0xFFFFFFFF;
	p2 =	slt.u32 s8, $0xFFFFF086  }
0x1c: {  	p1 =	slt.u32 s9, $0xF7A;
	s5 =	simm.s32 @!p2 $0x0  }
0x1d: {  	s5 =	simm.s32 @p1 $0x1;
	p0 =	seq.s32 s7, s2  }
0x1e: {  	s7 =	smul.u32 @!p0 $0xF7A, s2;
	p2 =	seq.s32 @!p0 s5, $0x0  }
0x1f: {  	s9 =	smul.u32 $0xF7A, s1;
	s8 =	simm.s32 @!p0 $0x1BF5;
	p2 =	por !p2, p0  }
0x20: {  	[sflag:s8] =	ssyncset.s32 @!p0 $0xFFFFF086;
	s6 =	sadd.s32 @!p0 s3, s7;
	s7 =	simm.s32 @!p0 $0x108  }
0x21: {  	s3 =	sadd.s32 s3, s9;
	s6 =	sadd.s32 @!p0 $0x88, s6;
	s7 =	simm.s32 @p2 $0x1082  }
0x22: {  	[simem:s7], [sflag:s8] =	dma.local @!p0 [hbm:s6], $0xF7A  }
0x23: {  	s9 =	sor.u32 $0xD0000000, s2;
	s6 =	simm.s32 $0x108;
	_ =	swait.ge @!p0 [sflag:s8], $0x0  }
0x24: {  	s3 =	sadd.s32 $0x88, s3;
	s6 =	simm.s32 @!p1 $0x1082;
	[sflag:s4] =	ssyncset.s32 $0xFFFFF086  }
0x25: {  	[simem:s6], [sflag:s4] =	dma.local [hbm:s3], $0xF7A  }
0x26: {  	[smem:$0x3F9F] =	sst s1;
	(tag) =	ssettag s2;
	_ =	strace s9  }
0x27: {  	s1 =	sld [smem:$0x3FAF]  }
0x28: {  	s2 =	sld [smem:$0x3FB0]  }
0x29: {  	s4 =	sld [smem:$0x3FB2]  }
0x2a: {  	p0 =	seq.s32 s5, $0x0;
	s5 =	sld [smem:$0x3FB3]  }
0x2b: {  	s6 =	sld [smem:$0x3FB4]  }
0x2c: {  	s7 =	sld [smem:$0x3FB5]  }
0x2d: {  	s3 =	simm.s32 $0x108;
	s8 =	sld [smem:$0x3FB6]  }
0x2e: {  	s3 =	simm.s32 @!p0 $0x1082;
	s9 =	sld [smem:$0x3FB7]  }
0x2f: {  	lr =	sadd.s32 s0, s3;
	s0 =	sld [smem:$0x3FAE]  }
0x30: {  	s3 =	sld [smem:$0x3FB1]  }
0x31: {  	[smem:$0x3FBA] =	sst s10  }
0x32: {  	s10 =	sld [smem:$0x3FB8];
	_ =	sdelay $0x3  }
0x33: {  	p0 =	seq.s32 s10, $0x1;
	s10 =	sld [smem:$0x3FBA];
	_ =	sdelay $0x3  }
0x34: {  	[smem:$0x3FBA] =	sst s10  }
0x35: {  	s10 =	sld [smem:$0x3FB9];
	_ =	sdelay $0x3  }
0x36: {  	p1 =	seq.s32 s10, $0x1;
	s10 =	sld [smem:$0x3FBA];
	_ =	sdelay $0x3  }
0x37: {  	[smem:$0x3FBA] =	sst s10  }
0x38: {  	s10 =	sld [smem:$0x3FBB]  }
0x39: {  	_ = 	snop;
	(pc) =	sbr.ind lr, $3  }
0x3a: {  	_ = 	snop  }
0x3b: {  	_ = 	snop  }
0x3c: {  	p2 =	seq.s32 s10, $0x1;
	s10 =	sld [smem:$0x3FBA]  }
0x3d: {  	_ =	shalt  }
0x3e: {  	_ =	shalt  }
0x3f: {  	_ =	shalt  }
0x40: {  	_ =	shalt  }
0x41: {  	_ =	shalt  }
0x42: {  	_ =	shalt  }
0x43: {  	_ =	shalt  }
0x44: {  	_ =	shalt  }
0x45: {  	_ =	shalt  }
0x46: {  	_ =	shalt  }
0x47: {  	_ =	shalt  }
0x48: {  	_ =	shalt  }
0x49: {  	_ =	shalt  }
0x4a: {  	_ =	shalt  }
0x4b: {  	_ =	shalt  }
0x4c: {  	_ =	shalt  }
0x4d: {  	_ =	shalt  }
0x4e: {  	_ =	shalt  }
0x4f: {  	_ =	shalt  }
0x50: {  	_ =	shalt  }
0x51: {  	_ =	shalt  }
0x52: {  	_ =	shalt  }
0x53: {  	_ =	shalt  }
0x54: {  	_ =	shalt  }
0x55: {  	_ =	shalt  }
0x56: {  	_ =	shalt  }
0x57: {  	_ =	shalt  }
0x58: {  	_ =	shalt  }
0x59: {  	_ =	shalt  }
0x5a: {  	_ =	shalt  }
0x5b: {  	_ =	shalt  }
0x5c: {  	_ =	shalt  }
0x5d: {  	_ =	shalt  }
0x5e: {  	_ =	shalt  }
0x5f: {  	_ =	shalt  }
0x60: {  	_ =	shalt  }
0x61: {  	_ =	shalt  }
0x62: {  	_ =	shalt  }
0x63: {  	_ =	shalt  }
0x64: {  	_ =	shalt  }
0x65: {  	_ =	shalt  }
0x66: {  	_ =	shalt  }
0x67: {  	_ =	shalt  }
0x68: {  	_ =	shalt  }
0x69: {  	_ =	shalt  }
0x6a: {  	_ =	shalt  }
0x6b: {  	_ =	shalt  }
0x6c: {  	_ =	shalt  }
0x6d: {  	_ =	shalt  }
0x6e: {  	_ =	shalt  }
0x6f: {  	_ =	shalt  }
0x70: {  	_ =	shalt  }
0x71: {  	_ =	shalt  }
0x72: {  	_ =	shalt  }
0x73: {  	_ =	shalt  }
0x74: {  	_ =	shalt  }
0x75: {  	_ =	shalt  }
0x76: {  	_ =	shalt  }
0x77: {  	_ =	shalt  }
0x78: {  	_ =	shalt  }
0x79: {  	_ =	shalt  }
0x7a: {  	_ =	shalt  }
0x7b: {  	_ =	shalt  }
0x7c: {  	_ =	shalt  }
0x7d: {  	_ =	shalt  }
0x7e: {  	_ =	shalt  }
0x7f: {  	_ =	shalt  }
0x80: {  	_ =	shalt  }
0x81: {  	_ =	shalt  }
0x82: {  	_ =	shalt  }
0x83: {  	_ =	shalt  }
0x84: {  	_ =	shalt  }
0x85: {  	_ =	shalt  }
0x86: {  	_ =	shalt  }
0x87: {  	_ =	shalt  }
.Lfunc_end0:
.L_simem_size_0:
called_computation.3_lowered:
.L_overlay_start_0:
0x88: {  	s2 =	sld [smem:$0x3FD9]  }
0x89: {  	s3 =	sld [smem:$0x3FFE];
	_ =	sdelay $0x1  }
0x8a: {  	s1 =	srdreg.scid  }
0x8b: {  	s0 =	sand.u32 $0x1, s1  }
0x8c: {  	s17 =	sshll.u32 s0, $0xA;
	s2 =	sadd.s32 s3, s2  }
0x8d: {  	s2 =	sadd.s32 s2, s17  }
0x8e: {  	[smem:$0x3FC6] =	sst s2  }
0x8f: {  	_ = 	snop  }
0x90: {  	s2 =	sld [smem:$0x3FD0];
	(tm) =	ssettm $0x1  }
0x91: {  	s18 =	sld [smem:$0x3FFB];
	_ =	sdelay $0x3  }
0x92: {  	_ =	strace s18  }
0x93: {  	s3 =	sld [smem:$0x3FFC];
	_ =	sdelay $0x3  }
0x94: {  	_ =	strace s3  }
0x95: {  	s3 =	sld [smem:$0x3FFD];
	_ =	sdelay $0x3  }
0x96: {  	_ =	strace s3  }
0x97: {  	_ =	strace $0x8FFFFFFF  }
0x98: {  	s19 =	sld [smem:$0x3FDB];
	_ =	sdelay $0x1  }
0x99: {  	s4 =	simm.s32 $_scs_section_size  }
0x9a: {  	s5 =	simm.s32 $_size__tile_overlayer_lowered;
	s6 =	simm.s32 $_tile_overlayer_lowered  }
0x9b: {  	s22 =	simm.s32 $0x1BFF;
	s21 =	sshll.u32 s6, $0x1;
	s3 =	sadd.s32 s4, s19  }
0x9c: {  	s7 =	simm.s32 $0x0;
	s20 =	sshll.u32 s5, $0x1;
	s5 =	sadd.s32 s21, s3  }
0x9d: {  	[timem:s7], [sflag:s22] =	dma.local [hbm:s5], s20  }
0x9e: {  	_ =	swait.ge [sflag:s22], s20  }
0x9f: {  	s4 =	ssub.s32 $0x0, s20;
	[sflag:s22] =	ssyncset.done $0x0  }
0xa0: {  	[sflag:s22] =	ssyncadd.s32 s4;
	_ =	sdelay $0x1  }
0xa1: {  	s23 =	simm.s32 $0x1B8B  }
0xa2: {  	_ =	swait.ge [sflag:s23], $0x1  }
0xa3: {  	[sflag:s23] =	ssyncset.done $0x0  }
0xa4: {  	s25 =	simm.s32 $0x1B8E;
	s24 =	sld [smem:$0x3FFE];
	[sflag:s23] =	ssyncadd.s32 $0xFFFFFFFF  }
0xa5: {  	s26 =	simm.s32 $execute0_lowered;
	[smem:$0x3FD2] =	sst s25  }
0xa6: {  	s5 =	sshll.u32 s26, $0x1;
	_ =	strace $0x80000049;
	[dreg:$0x1] =	wrdreg $0xFFFFFFFF  }
0xa7: {  	s28 =	simm.s32 $_size_execute0_lowered;
	s3 =	sadd.s32 s3, s5;
	[dreg:$0x0] =	wrdreg $0x0  }
0xa8: {  	s5 =	sshll.u32 s28, $0x1;
	[dreg:$0x2] =	wrdreg s3  }
0xa9: {  	[dreg:$0x3] =	wrdreg s5  }
0xaa: {  	[dreg:$0x4] =	wrdreg $0xC0  }
0xab: {  	_ =	task [dreg:s7], $0x5FFFF  }
0xac: {  	[dreg:$0x1] =	wrdreg $0xFFFFFFFF  }
0xad: {  	[dreg:$0x0] =	wrdreg $0x60  }
0xae: {  	[dreg:$0x2] =	wrdreg s24  }
0xaf: {  	[dreg:$0x3] =	wrdreg s2  }
0xb0: {  	[dreg:$0x4] =	wrdreg $0x9  }
0xb1: {  	_ =	task.clear_ibuf [dreg:s7], $0x5FFFF;
	_ =	strace $0x90000049  }
0xb2: {  	s29 =	simm.s32 $0x9;
	_ =	strace $0x8000004B  }
0xb3: {  	_ =	swait.ge [sflag:s29], $0x1  }
0xb4: {  	[sflag:s29] =	ssyncadd.s32 $0xFFFFFFFF  }
0xb5: {  	_ =	strace $0x9000004B  }
0xb6: {  	_ =	sfence  }
0xb7: {  	s30 =	sld [smem:$0x0];
	_ =	sdelay $0x2  }
0xb8: {  	s31 =	sshll.u32 s1, $0xD;
	s1 =	sshrl.u32 s1, $0x2  }
0xb9: {  	s3 =	sand.u32 $0x4000, s31;
	s1 =	sadd.s32 s1, s30  }
0xba: {  	s0 =	sor.u32 s3, s0;
	s1 =	sshll.u32 s1, $0x11  }
0xbb: {  	s0 =	sor.u32 s1, s0  }
0xbc: {  	s0 =	sadd.s32 $0x8F2B, s0  }
0xbd: {  	[sflag:s0] =	ssyncadd.remote.s32 $0x1  }
0xbe: {  	_ =	sfence.sel $0xFFFF  }
0xbf: {  	[dreg:$0x0] =	wrdreg $0xFFFFFFFF;
	(pc) =	sbr.abs _section_cstart, $3  }
0xc0: {  	[dreg:$0x1] =	wrdreg $0xFFFFFFFF  }
0xc1: {  	_ =	task.clear_ibuf [dreg:s7], $0x2FFFF;
	_ =	strace $0x9FFFFFFF  }
0xc2: {  	(tm) =	ssettm $0x7FFFFFFF  }
0xc3: {  	_ =	shalt  }
tec
execute0_lowered:
.L_overlay_start_1:
0x0: {  	(tag) =	ssettag $0x1  }
0x1: {  	s0 =	rddreg [dreg:$0x0]  }
0x2: {  	s1 =	rddreg [dreg:$0x1];
	s2 =	srdreg.scid  }
0x3: {  	s8 =	stileid.u32;
	s28 =	simm.s32 $0x80;
	s29 =	simm.s32 $0x1A00  }
0x4: {  	s30 =	simm.s32 $0x3A00;
	s31 =	simm.s32 $0x7A00;
	s4 =	sand.u32 $0x1, s2  }
0x5: {  	s2 =	simm.s32 $0x0;
	s3 =	sshll.u32 s8, $0xA;
	s5 =	sshll.u32 s4, $0x9  }
0x6: {  	s11 =	smul.u32 $0xD0000, s8;
	s8 =	simm.s32 $0x4;
	s5 =	sor.u32 s5, s3  }
0x7: {  	[smem:$0x7FF] =	sst s2;
	s6 =	ssub.s32 $0x2, s4;
	s3 =	sshrl.u32 s5, $0x3  }
0x8: {  	s4 =	smul.u32 $0x68000, s4;
	_ =	strace $0x8000004A;
	s7 =	sadd.s32 s3, s0  }
0x9: {  	s19 =	sshrl.u32 s6, $0x1;
	s5 =	smul.u32 $0x340, s5;
	s20 =	sadd.s32 $0x1600, s7  }
0xa: {  	s4 =	sadd.s32 s4, s11;
	s21 =	sadd.s32 $0x1E00, s7;
	[dreg:$0x3] =	wrdreg s20  }
0xb: {  	s3 =	sadd.s32 $0xF43A00, s0;
	s22 =	sadd.s32 $0x2600, s7;
	[dreg:$0x4] =	wrdreg s21  }
0xc: {  	s0 =	ssub.s32 s6, s19;
	s23 =	sadd.s32 $0x2E00, s7;
	[dreg:$0x5] =	wrdreg s22  }
0xd: {  	s6 =	sadd.s32 $0x34000, s4;
	s24 =	sadd.s32 $0x3600, s7;
	[dreg:$0x6] =	wrdreg s23  }
0xe: {  	s25 =	sadd.s32 $0x3E00, s7;
	s26 =	sadd.s32 $0x4600, s7;
	[dreg:$0x7] =	wrdreg s24  }
0xf: {  	s9 =	sadd.s32 $0x4E00, s7;
	s10 =	sadd.s32 $0x5600, s7;
	[dreg:$0x8] =	wrdreg s25  }
0x10: {  	s12 =	sadd.s32 $0x5E00, s7;
	s14 =	sadd.s32 $0x6600, s7;
	[dreg:$0x9] =	wrdreg s26  }
0x11: {  	s15 =	sadd.s32 $0x6E00, s7;
	s16 =	sadd.s32 $0x7600, s7;
	[dreg:$0xa] =	wrdreg s9  }
0x12: {  	s5 =	sshrl.u32 s5, $0x3;
	s17 =	smax.u32 s0, $0x1;
	[dreg:$0xb] =	wrdreg s10  }
0x13: {  	s0 =	simm.s32 $0x5A00;
	s7 =	simm.s32 $0x3;
	[dreg:$0xc] =	wrdreg s12  }
0x14: {  	s13 =	sadd.s32 s1, s5;
	s23 =	sadd.s32 $0x4E000, s4;
	s24 =	sadd.s32 $0x1A000, s4  }
0x15: {  	s25 =	sshrl.u32 s6, $0x3;
	s4 =	sshrl.u32 s4, $0x3;
	s6 =	simm.s32 $0x2  }
0x16: {  	s9 =	simm.s32 $0x0;
	s18 =	sadd.s32 $0x60, s13;
	s19 =	sadd.s32 $0x3460, s13  }
0x17: {  	s5 =	sshrl.u32 s23, $0x3;
	s26 =	sshrl.u32 s24, $0x3;
	s21 =	sadd.s32 s25, s1  }
0x18: {  	s23 =	sadd.s32 s4, s1;
	s24 =	sadd.s32 $0x6860, s13;
	s25 =	sadd.s32 $0x9C60, s13  }
0x19: {  	s4 =	simm.s32 $0x40;
	s20 =	sadd.s32 s5, s1;
	s22 =	sadd.s32 s26, s1  }
0x1a: {  	s26 =	simm.s32 $0x5;
	s1 =	simm.s32 $0x1;
	s5 =	simm.s32 $0x340  }
.LBB2_1:
0x1b: {  	s10 =	rddreg [dreg:$0x3]  }
0x1c: {  	[tilespmem:s2], [sflag:$0x5] =	stream.linear.gather [hbm4b:s10+s2], $0x200, $0x38;
	[tilespmem:$0x9A00] =	vst v63  }
0x1d: {  	_ =	swait.ge [sflag:s26], $0x200  }
0x1e: {  	[sflag:s26] =	ssyncset.done $0x0  }
0x1f: {  	s11 =	simm.s32 $0x200;
	s13 =	rddreg [dreg:$0x4];
	[sflag:s26] =	ssyncadd.s32 $0xFFFFFE00  }
0x20: {  	[tilespmem:s11], [sflag:$0x5] =	stream.linear.gather [hbm4b:s13+s2], $0x200, $0x38;
	[tilespmem:$0x9A00] =	vst v63  }
0x21: {  	_ =	swait.ge [sflag:s26], $0x200  }
0x22: {  	[sflag:s26] =	ssyncset.done $0x0  }
0x23: {  	s13 =	simm.s32 $0x400;
	s12 =	rddreg [dreg:$0x5];
	[sflag:s26] =	ssyncadd.s32 $0xFFFFFE00  }
0x24: {  	[tilespmem:s13], [sflag:$0x5] =	stream.linear.gather [hbm4b:s12+s2], $0x200, $0x38;
	[tilespmem:$0x9A00] =	vst v63  }
0x25: {  	_ =	swait.ge [sflag:s26], $0x200  }
0x26: {  	[sflag:s26] =	ssyncset.done $0x0  }
0x27: {  	s13 =	simm.s32 $0x600;
	s12 =	rddreg [dreg:$0x6];
	[sflag:s26] =	ssyncadd.s32 $0xFFFFFE00  }
0x28: {  	[tilespmem:s13], [sflag:$0x5] =	stream.linear.gather [hbm4b:s12+s2], $0x200, $0x38;
	[tilespmem:$0x9A00] =	vst v63  }
0x29: {  	_ =	swait.ge [sflag:s26], $0x200  }
0x2a: {  	[sflag:s26] =	ssyncset.done $0x0  }
0x2b: {  	s13 =	simm.s32 $0x800;
	s12 =	rddreg [dreg:$0x7];
	[sflag:s26] =	ssyncadd.s32 $0xFFFFFE00  }
0x2c: {  	[tilespmem:s13], [sflag:$0x5] =	stream.linear.gather [hbm4b:s12+s2], $0x200, $0x38;
	[tilespmem:$0x9A00] =	vst v63  }
0x2d: {  	_ =	swait.ge [sflag:s26], $0x200  }
0x2e: {  	[sflag:s26] =	ssyncset.done $0x0  }
0x2f: {  	s13 =	simm.s32 $0xA00;
	s12 =	rddreg [dreg:$0x8];
	[sflag:s26] =	ssyncadd.s32 $0xFFFFFE00  }
0x30: {  	[tilespmem:s13], [sflag:$0x5] =	stream.linear.gather [hbm4b:s12+s2], $0x200, $0x38;
	[tilespmem:$0x9A00] =	vst v63  }
0x31: {  	_ =	swait.ge [sflag:s26], $0x200  }
0x32: {  	[sflag:s26] =	ssyncset.done $0x0  }
0x33: {  	s13 =	simm.s32 $0xC00;
	s12 =	rddreg [dreg:$0x9];
	[sflag:s26] =	ssyncadd.s32 $0xFFFFFE00  }
0x34: {  	[tilespmem:s13], [sflag:$0x5] =	stream.linear.gather [hbm4b:s12+s2], $0x200, $0x38;
	[tilespmem:$0x9A00] =	vst v63  }
0x35: {  	_ =	swait.ge [sflag:s26], $0x200  }
0x36: {  	[sflag:s26] =	ssyncset.done $0x0  }
0x37: {  	s13 =	simm.s32 $0xE00;
	s12 =	rddreg [dreg:$0xa];
	[sflag:s26] =	ssyncadd.s32 $0xFFFFFE00  }
0x38: {  	[tilespmem:s13], [sflag:$0x5] =	stream.linear.gather [hbm4b:s12+s2], $0x200, $0x38;
	[tilespmem:$0x9A00] =	vst v63  }
0x39: {  	_ =	swait.ge [sflag:s26], $0x200  }
0x3a: {  	[sflag:s26] =	ssyncset.done $0x0  }
0x3b: {  	s13 =	simm.s32 $0x1000;
	s12 =	rddreg [dreg:$0xb];
	[sflag:s26] =	ssyncadd.s32 $0xFFFFFE00  }
0x3c: {  	[tilespmem:s13], [sflag:$0x5] =	stream.linear.gather [hbm4b:s12+s2], $0x200, $0x38;
	[tilespmem:$0x9A00] =	vst v63  }
0x3d: {  	_ =	swait.ge [sflag:s26], $0x200  }
0x3e: {  	[sflag:s26] =	ssyncset.done $0x0  }
0x3f: {  	s13 =	simm.s32 $0x1200;
	s12 =	rddreg [dreg:$0xc];
	[sflag:s26] =	ssyncadd.s32 $0xFFFFFE00  }
0x40: {  	[tilespmem:s13], [sflag:$0x5] =	stream.linear.gather [hbm4b:s12+s2], $0x200, $0x38;
	[tilespmem:$0x9A00] =	vst v63  }
0x41: {  	_ =	swait.ge [sflag:s26], $0x200  }
0x42: {  	[sflag:s26] =	ssyncset.done $0x0  }
0x43: {  	s12 =	simm.s32 $0x1400;
	[sflag:s26] =	ssyncadd.s32 $0xFFFFFE00  }
0x44: {  	[tilespmem:s12], [sflag:$0x5] =	stream.linear.gather [hbm4b:s14+s2], $0x200, $0x38;
	[tilespmem:$0x9A00] =	vst v63  }
0x45: {  	_ =	swait.ge [sflag:s26], $0x200  }
0x46: {  	[sflag:s26] =	ssyncset.done $0x0  }
0x47: {  	s13 =	simm.s32 $0x1600;
	[sflag:s26] =	ssyncadd.s32 $0xFFFFFE00  }
0x48: {  	[tilespmem:s13], [sflag:$0x5] =	stream.linear.gather [hbm4b:s15+s2], $0x200, $0x38;
	[tilespmem:$0x9A00] =	vst v63  }
0x49: {  	_ =	swait.ge [sflag:s26], $0x200  }
0x4a: {  	[sflag:s26] =	ssyncset.done $0x0  }
0x4b: {  	s11 =	simm.s32 $0x1800;
	[sflag:s26] =	ssyncadd.s32 $0xFFFFFE00  }
0x4c: {  	[tilespmem:s11], [sflag:$0x5] =	stream.linear.gather [hbm4b:s16+s2], $0x200, $0x38;
	[tilespmem:$0x9A00] =	vst v63  }
0x4d: {  	_ =	swait.ge [sflag:s26], $0x200  }
0x4e: {  	[sflag:s26] =	ssyncset.done $0x0  }
0x4f: {  	[sflag:s26] =	ssyncadd.s32 $0xFFFFFE00  }
0x50: {  	[tilespmem:s29], [sflag:$0x1] =	stream.indirect.gather [hbm4b:s3+s28], $0x40, s2, s28, $0xb8;
	[tilespmem:$0x9A00] =	vst v63  }
0x51: {  	_ = 	snop  }
0x52: {  	[tilespmem:s30], [sflag:$0x2] =	stream.indirect.gather [hbm4b:s3+s28], $0x40, s28, s28, $0xb8;
	[tilespmem:$0x9A00] =	vst v63  }
0x53: {  	s12 =	simm.s32 $0x100  }
0x54: {  	[tilespmem:s0], [sflag:$0x3] =	stream.indirect.gather [hbm4b:s3+s28], $0x40, s12, s28, $0xb8;
	[tilespmem:$0x9A00] =	vst v63  }
0x55: {  	_ =	swait.ge [sflag:s1], $0x2000  }
0x56: {  	[sflag:s1] =	ssyncset.done $0x0  }
0x57: {  	s13 =	simm.s32 $0x180;
	[sflag:s1] =	ssyncadd.s32 $0xFFFFE000  }
0x58: {  	[tilespmem:s31], [sflag:$0x4] =	stream.indirect.gather [hbm4b:s3+s28], $0x40, s13, s28, $0xb8;
	[tilespmem:$0x9A00] =	vst v63  }
0x59: {  	s11 =	sadd.s32 $0x0, s23  }
0x5a: {  	[hbm4b:s11+s4] =	stream.strided.scatter [tilespmem:s29], [sflag:$0x5], $0x2000, s5, s4, $0x38;
	[tilespmem:$0x9A00] =	vst v63  }
0x5b: {  	_ =	swait.ge [sflag:s26], $0x2000  }
0x5c: {  	[sflag:s26] =	ssyncset.done $0x0  }
0x5d: {  	[sflag:s26] =	ssyncadd.s32 $0xFFFFE000  }
0x5e: {  	_ =	swait.ge [sflag:s6], $0x2000  }
0x5f: {  	[sflag:s6] =	ssyncset.done $0x0  }
0x60: {  	s12 =	simm.s32 $0x200;
	[sflag:s6] =	ssyncadd.s32 $0xFFFFE000  }
0x61: {  	[tilespmem:s29], [sflag:$0x1] =	stream.indirect.gather [hbm4b:s3+s28], $0x40, s12, s28, $0xb8;
	[tilespmem:$0x9A00] =	vst v63  }
0x62: {  	s13 =	sadd.s32 $0x0, s22  }
0x63: {  	[hbm4b:s13+s4] =	stream.strided.scatter [tilespmem:s30], [sflag:$0x5], $0x2000, s5, s4, $0x38;
	[tilespmem:$0x9A00] =	vst v63  }
0x64: {  	_ =	swait.ge [sflag:s26], $0x2000  }
0x65: {  	[sflag:s26] =	ssyncset.done $0x0  }
0x66: {  	[sflag:s26] =	ssyncadd.s32 $0xFFFFE000  }
0x67: {  	_ =	swait.ge [sflag:s7], $0x2000  }
0x68: {  	[sflag:s7] =	ssyncset.done $0x0  }
0x69: {  	s11 =	simm.s32 $0x280;
	[sflag:s7] =	ssyncadd.s32 $0xFFFFE000  }
0x6a: {  	[tilespmem:s30], [sflag:$0x2] =	stream.indirect.gather [hbm4b:s3+s28], $0x40, s11, s28, $0xb8;
	[tilespmem:$0x9A00] =	vst v63  }
0x6b: {  	s12 =	sadd.s32 $0x0, s21  }
0x6c: {  	[hbm4b:s12+s4] =	stream.strided.scatter [tilespmem:s0], [sflag:$0x5], $0x2000, s5, s4, $0x38;
	[tilespmem:$0x9A00] =	vst v63  }
0x6d: {  	_ =	swait.ge [sflag:s26], $0x2000  }
0x6e: {  	[sflag:s26] =	ssyncset.done $0x0  }
0x6f: {  	[sflag:s26] =	ssyncadd.s32 $0xFFFFE000  }
0x70: {  	_ =	swait.ge [sflag:s8], $0x2000  }
0x71: {  	[sflag:s8] =	ssyncset.done $0x0  }
0x72: {  	s10 =	simm.s32 $0x300;
	[sflag:s8] =	ssyncadd.s32 $0xFFFFE000  }
0x73: {  	[tilespmem:s0], [sflag:$0x3] =	stream.indirect.gather [hbm4b:s3+s28], $0x40, s10, s28, $0xb8;
	[tilespmem:$0x9A00] =	vst v63  }
0x74: {  	s13 =	sadd.s32 $0x0, s20  }
0x75: {  	[hbm4b:s13+s4] =	stream.strided.scatter [tilespmem:s31], [sflag:$0x5], $0x2000, s5, s4, $0x38;
	[tilespmem:$0x9A00] =	vst v63  }
0x76: {  	_ =	swait.ge [sflag:s26], $0x2000  }
0x77: {  	s11 =	simm.s32 $0x8;
	[sflag:s26] =	ssyncset.done $0x0  }
.LBB2_2:
0x78: {  	p0 =	sne.s32 s11, $0x58;
	[sflag:s26] =	ssyncadd.s32 $0xFFFFE000;
	s10 =	sadd.s32 $0x200, s10  }
0x79: {  	s12 =	smov.u32 s11;
	s11 =	sadd.s32 $0x8, s11  }
0x7a: {  	_ =	swait.ge [sflag:s1], $0x2000  }
0x7b: {  	[sflag:s1] =	ssyncset.done $0x0  }
0x7c: {  	s13 =	sadd.s32 $0xFFFFFE80, s10;
	[sflag:s1] =	ssyncadd.s32 $0xFFFFE000  }
0x7d: {  	[tilespmem:s31], [sflag:$0x4] =	stream.indirect.gather [hbm4b:s3+s28], $0x40, s13, s28, $0xb8;
	[tilespmem:$0x9A00] =	vst v63  }
0x7e: {  	s13 =	sadd.s32 s12, s23  }
0x7f: {  	[hbm4b:s13+s4] =	stream.strided.scatter [tilespmem:s29], [sflag:$0x5], $0x2000, s5, s4, $0x38;
	[tilespmem:$0x9A00] =	vst v63  }
0x80: {  	_ =	swait.ge [sflag:s26], $0x2000  }
0x81: {  	[sflag:s26] =	ssyncset.done $0x0  }
0x82: {  	[sflag:s26] =	ssyncadd.s32 $0xFFFFE000  }
0x83: {  	_ =	swait.ge [sflag:s6], $0x2000  }
0x84: {  	[sflag:s6] =	ssyncset.done $0x0  }
0x85: {  	s13 =	sadd.s32 $0xFFFFFF00, s10;
	[sflag:s6] =	ssyncadd.s32 $0xFFFFE000  }
0x86: {  	[tilespmem:s29], [sflag:$0x1] =	stream.indirect.gather [hbm4b:s3+s28], $0x40, s13, s28, $0xb8;
	[tilespmem:$0x9A00] =	vst v63  }
0x87: {  	s13 =	sadd.s32 s12, s22  }
0x88: {  	[hbm4b:s13+s4] =	stream.strided.scatter [tilespmem:s30], [sflag:$0x5], $0x2000, s5, s4, $0x38;
	[tilespmem:$0x9A00] =	vst v63  }
0x89: {  	_ =	swait.ge [sflag:s26], $0x2000  }
0x8a: {  	[sflag:s26] =	ssyncset.done $0x0  }
0x8b: {  	[sflag:s26] =	ssyncadd.s32 $0xFFFFE000  }
0x8c: {  	_ =	swait.ge [sflag:s7], $0x2000  }
0x8d: {  	[sflag:s7] =	ssyncset.done $0x0  }
0x8e: {  	s13 =	sadd.s32 $0xFFFFFF80, s10;
	[sflag:s7] =	ssyncadd.s32 $0xFFFFE000  }
0x8f: {  	[tilespmem:s30], [sflag:$0x2] =	stream.indirect.gather [hbm4b:s3+s28], $0x40, s13, s28, $0xb8;
	[tilespmem:$0x9A00] =	vst v63  }
0x90: {  	s13 =	sadd.s32 s12, s21  }
0x91: {  	[hbm4b:s13+s4] =	stream.strided.scatter [tilespmem:s0], [sflag:$0x5], $0x2000, s5, s4, $0x38;
	[tilespmem:$0x9A00] =	vst v63  }
0x92: {  	_ =	swait.ge [sflag:s26], $0x2000  }
0x93: {  	[sflag:s26] =	ssyncset.done $0x0  }
0x94: {  	[sflag:s26] =	ssyncadd.s32 $0xFFFFE000  }
0x95: {  	_ =	swait.ge [sflag:s8], $0x2000  }
0x96: {  	[sflag:s8] =	ssyncset.done $0x0  }
0x97: {  	[sflag:s8] =	ssyncadd.s32 $0xFFFFE000  }
0x98: {  	[tilespmem:s0], [sflag:$0x3] =	stream.indirect.gather [hbm4b:s3+s28], $0x40, s10, s28, $0xb8;
	[tilespmem:$0x9A00] =	vst v63  }
.Ltmp0:
0x99: {  	_ = 	snop;
	(pc) =	sbr.rel @p0 .LBB2_2-.Ltmp0, $4  }
0x9a: {  	s12 =	sadd.s32 s12, s20  }
0x9b: {  	[hbm4b:s12+s4] =	stream.strided.scatter [tilespmem:s31], [sflag:$0x5], $0x2000, s5, s4, $0x38;
	[tilespmem:$0x9A00] =	vst v63  }
0x9c: {  	_ =	swait.ge [sflag:s26], $0x2000  }
0x9d: {  	[sflag:s26] =	ssyncset.done $0x0  }
0x9e: {  	[sflag:s26] =	ssyncadd.s32 $0xFFFFE000  }
0x9f: {  	_ =	swait.ge [sflag:s1], $0x2000  }
0xa0: {  	[sflag:s1] =	ssyncset.done $0x0  }
0xa1: {  	s10 =	simm.s32 $0x1980;
	[sflag:s1] =	ssyncadd.s32 $0xFFFFE000  }
0xa2: {  	[tilespmem:s31], [sflag:$0x4] =	stream.indirect.gather [hbm4b:s3+s28], $0x40, s10, s28, $0xb8;
	[tilespmem:$0x9A00] =	vst v63  }
0xa3: {  	_ = 	snop  }
0xa4: {  	[hbm4b:s18+s4] =	stream.strided.scatter [tilespmem:s29], [sflag:$0x5], $0x2000, s5, s4, $0x38;
	[tilespmem:$0x9A00] =	vst v63  }
0xa5: {  	_ =	swait.ge [sflag:s26], $0x2000  }
0xa6: {  	[sflag:s26] =	ssyncset.done $0x0  }
0xa7: {  	[sflag:s26] =	ssyncadd.s32 $0xFFFFE000  }
0xa8: {  	_ =	swait.ge [sflag:s6], $0x2000  }
0xa9: {  	[sflag:s6] =	ssyncset.done $0x0  }
0xaa: {  	[sflag:s6] =	ssyncadd.s32 $0xFFFFE000  }
0xab: {  	[hbm4b:s19+s4] =	stream.strided.scatter [tilespmem:s30], [sflag:$0x5], $0x2000, s5, s4, $0x38;
	[tilespmem:$0x9A00] =	vst v63  }
0xac: {  	_ =	swait.ge [sflag:s26], $0x2000  }
0xad: {  	[sflag:s26] =	ssyncset.done $0x0  }
0xae: {  	[sflag:s26] =	ssyncadd.s32 $0xFFFFE000  }
0xaf: {  	_ =	swait.ge [sflag:s7], $0x2000  }
0xb0: {  	[sflag:s7] =	ssyncset.done $0x0  }
0xb1: {  	[sflag:s7] =	ssyncadd.s32 $0xFFFFE000  }
0xb2: {  	[hbm4b:s24+s4] =	stream.strided.scatter [tilespmem:s0], [sflag:$0x5], $0x2000, s5, s4, $0x38;
	[tilespmem:$0x9A00] =	vst v63  }
0xb3: {  	_ =	swait.ge [sflag:s26], $0x2000  }
0xb4: {  	[sflag:s26] =	ssyncset.done $0x0  }
0xb5: {  	[sflag:s26] =	ssyncadd.s32 $0xFFFFE000  }
0xb6: {  	s9 =	sadd.s32 $0x1, s9;
	_ =	swait.ge [sflag:s8], $0x2000  }
0xb7: {  	p0 =	sne.s32 s9, s17;
	[sflag:s8] =	ssyncset.done $0x0  }
.Ltmp1:
0xb8: {  	[sflag:s8] =	ssyncadd.s32 $0xFFFFE000;
	(pc) =	sbr.rel @p0 .LBB2_1-.Ltmp1, $4  }
0xb9: {  	[hbm4b:s25+s4] =	stream.strided.scatter [tilespmem:s31], [sflag:$0x5], $0x2000, s5, s4, $0x38;
	[tilespmem:$0x9A00] =	vst v63  }
0xba: {  	_ =	swait.ge [sflag:s26], $0x2000  }
0xbb: {  	[sflag:s26] =	ssyncset.done $0x0  }
0xbc: {  	[sflag:s26] =	ssyncadd.s32 $0xFFFFE000  }
0xbd: {  	_ =	sfence.sel $0x180000  }
0xbe: {  	[bflag:$0x0] =	sbarrier.arrive $0xFFFF  }
0xbf: {  	_ =	strace $0x9000004A  }
0xc0: {  	s0 =	stileid.u32;
	[bflag:$0x2] =	sbarrier.arrive $0xFFFF  }
0xc1: {  	p0 =	sne.s32 s0, $0x0;
	s0 =	rddreg [dreg:$0x2]  }
0xc2: {  	s0 =	sadd.s32 @!p0 $0x100000, s0  }
0xc3: {  	[sflag:s0] =	ssyncadd.tile.s32 @!p0 $0x1;
	_ =	shalt  }
.Lfunc_end2:
_tile_overlayer_lowered:
.L_overlay_start_2:
0xc4: {  	(tag) =	ssettag $0x2  }
0xc5: {  	s0 =	rddreg [dreg:$0x0];
	s2 =	stileid.u32  }
0xc6: {  	s1 =	rddreg [dreg:$0x1];
	p0 =	sne.s32 s2, $0x0  }
0xc7: {  	s3 =	rddreg [dreg:$0x2];
	[bflag:$0x3] =	sbarrier.arrive $0xFFFF;
	s2 =	simm.s32 @!p0 $0x1C05  }
0xc8: {  	[timem:s3], [sflag:s2] =	dma.local @!p0 [hbm:s0], s1  }
0xc9: {  	s0 =	simm.s32 @!p0 $0x5  }
0xca: {  	_ =	swait.ge @!p0 [sflag:s0], s1  }
0xcb: {  	s1 =	ssub.s32 @!p0 $0x0, s1;
	[sflag:s0] =	ssyncset.done @!p0 $0x0  }
0xcc: {  	[sflag:s0] =	ssyncadd.s32 @!p0 s1  }
0xcd: {  	[bflag:$0x3] =	sbarrier.arrive $0xFFFF  }
0xce: {  	_ =	shalt  }

// kernel: sparse-core-data-format-call.1.cloned.1.call-start
scs
called_computation.1_lowered:
.L_overlay_start_0:
0x0: {  	s2 =	sld [smem:$0x3FD9]  }
0x1: {  	s3 =	sld [smem:$0x3FFE];
	_ =	sdelay $0x1  }
0x2: {  	s1 =	srdreg.scid  }
0x3: {  	s0 =	sand.u32 $0x1, s1  }
0x4: {  	s18 =	sshll.u32 s0, $0xA;
	s2 =	sadd.s32 s3, s2  }
0x5: {  	s2 =	sadd.s32 s2, s18  }
0x6: {  	[smem:$0x3FC6] =	sst s2  }
0x7: {  	_ = 	snop  }
0x8: {  	s19 =	sld [smem:$0x3FD0];
	(tm) =	ssettm $0x1  }
0x9: {  	s20 =	sld [smem:$0x3FFB];
	_ =	sdelay $0x3  }
0xa: {  	_ =	strace s20  }
0xb: {  	s2 =	sld [smem:$0x3FFC];
	_ =	sdelay $0x3  }
0xc: {  	_ =	strace s2  }
0xd: {  	s2 =	sld [smem:$0x3FFD];
	_ =	sdelay $0x3  }
0xe: {  	_ =	strace s2  }
0xf: {  	_ =	strace $0x8FFFFFFF  }
0x10: {  	s21 =	sld [smem:$0x3FDB];
	_ =	sdelay $0x1  }
0x11: {  	s4 =	simm.s32 $_scs_section_size  }
0x12: {  	s5 =	simm.s32 $_size__tile_overlayer_lowered;
	s6 =	simm.s32 $_tile_overlayer_lowered  }
0x13: {  	s7 =	simm.s32 $0x1BFF;
	s22 =	sshll.u32 s6, $0x1;
	s4 =	sadd.s32 s4, s21  }
0x14: {  	s23 =	simm.s32 $0x0;
	s5 =	sshll.u32 s5, $0x1;
	s6 =	sadd.s32 s22, s4  }
0x15: {  	[timem:s23], [sflag:s7] =	dma.local [hbm:s6], s5  }
0x16: {  	_ =	swait.ge [sflag:s7], s5  }
0x17: {  	s5 =	ssub.s32 $0x0, s5;
	[sflag:s7] =	ssyncset.done $0x0  }
0x18: {  	[sflag:s7] =	ssyncadd.s32 s5;
	_ =	sdelay $0x1  }
0x19: {  	s24 =	simm.s32 $0x1B8B  }
0x1a: {  	_ =	swait.ge [sflag:s24], $0x1  }
0x1b: {  	[sflag:s24] =	ssyncset.done $0x0  }
0x1c: {  	[sflag:s24] =	ssyncadd.s32 $0xFFFFFFFF  }
0x1d: {  	s5 =	sld [smem:$0x0]  }
0x1e: {  	s6 =	sand.u32 $0xFFFFFFFE, s1  }
0x1f: {  	p0 =	sne.s32 s1, s6  }
0x20: {  	s6 =	sshll.u32 @p0 s6, $0xE  }
0x21: {  	s6 =	sadd.s32 @p0 $0x11B8D, s6;
	s7 =	sshll.u32 @p0 s5, $0x11  }
0x22: {  	s6 =	sor.u32 @p0 s7, s6  }
0x23: {  	[sflag:s6] =	ssyncadd.remote.s32 @p0 $0x1;
	_ =	sdelay $0x1  }
0x24: {  	s6 =	simm.s32 @p0 $0x1B8D  }
0x25: {  	_ =	swait.eq @p0 [sflag:s6], $0x1  }
0x26: {  	[sflag:s6] =	ssyncadd.s32 @p0 $0xFFFFFFFF  }
0x27: {  	s7 =	sshll.u32 @!p0 s1, $0xE  }
0x28: {  	s7 =	sor.u32 @!p0 $0x4000, s7;
	s6 =	simm.s32 @!p0 $0x1B8D  }
0x29: {  	s5 =	sshll.u32 @!p0 s5, $0x11;
	s7 =	sadd.s32 @!p0 $0x11B8D, s7;
	_ =	swait.eq @!p0 [sflag:s6], $0x1  }
0x2a: {  	s5 =	sor.u32 @!p0 s5, s7;
	[sflag:s6] =	ssyncadd.s32 @!p0 $0xFFFFFFFF  }
0x2b: {  	s26 =	simm.s32 $0x1B8E;
	s25 =	sld [smem:$0x3FFE];
	[sflag:s5] =	ssyncadd.remote.s32 @!p0 $0x1  }
0x2c: {  	s27 =	simm.s32 $execute0_lowered;
	[smem:$0x3FD2] =	sst s26  }
0x2d: {  	s6 =	sshll.u32 s27, $0x1;
	_ =	strace $0x80000052;
	[dreg:$0x1] =	wrdreg $0xFFFFFFFF  }
0x2e: {  	s28 =	simm.s32 $_size_execute0_lowered;
	s4 =	sadd.s32 s4, s6;
	[dreg:$0x0] =	wrdreg $0x0  }
0x2f: {  	s6 =	sshll.u32 s28, $0x1;
	[dreg:$0x2] =	wrdreg s4  }
0x30: {  	[dreg:$0x3] =	wrdreg s6  }
0x31: {  	[dreg:$0x4] =	wrdreg $0xC0  }
0x32: {  	_ =	task [dreg:s23], $0x5FFFF  }
0x33: {  	[dreg:$0x1] =	wrdreg $0xFFFFFFFF  }
0x34: {  	[dreg:$0x0] =	wrdreg $0x60  }
0x35: {  	[dreg:$0x2] =	wrdreg s19  }
0x36: {  	[dreg:$0x3] =	wrdreg s25  }
0x37: {  	[dreg:$0x4] =	wrdreg $0xA  }
0x38: {  	_ =	task.clear_ibuf [dreg:s23], $0x5FFFF;
	_ =	strace $0x90000052  }
0x39: {  	s29 =	simm.s32 $0xA;
	_ =	strace $0x80000054  }
0x3a: {  	_ =	swait.ge [sflag:s29], $0x1  }
0x3b: {  	[sflag:s29] =	ssyncadd.s32 $0xFFFFFFFF  }
0x3c: {  	_ =	strace $0x90000054  }
0x3d: {  	_ =	sfence  }
0x3e: {  	s30 =	sld [smem:$0x0];
	_ =	sdelay $0x2  }
0x3f: {  	s31 =	sshll.u32 s1, $0xD;
	s1 =	sshrl.u32 s1, $0x2  }
0x40: {  	s4 =	sand.u32 $0x4000, s31;
	s1 =	sadd.s32 s1, s30  }
0x41: {  	s0 =	sor.u32 s4, s0;
	s1 =	sshll.u32 s1, $0x11  }
0x42: {  	s0 =	sor.u32 s1, s0  }
0x43: {  	s0 =	sadd.s32 $0x8F2B, s0  }
0x44: {  	[sflag:s0] =	ssyncadd.remote.s32 $0x1  }
0x45: {  	_ =	sfence.sel $0xFFFF  }
0x46: {  	[dreg:$0x0] =	wrdreg $0xFFFFFFFF;
	(pc) =	sbr.abs _section_cstart, $3  }
0x47: {  	[dreg:$0x1] =	wrdreg $0xFFFFFFFF  }
0x48: {  	_ =	task.clear_ibuf [dreg:s23], $0x2FFFF;
	_ =	strace $0x9FFFFFFF  }
0x49: {  	(tm) =	ssettm $0x7FFFFFFF  }
tec
execute0_lowered:
.L_overlay_start_1:
0x0: {  	(tag) =	ssettag $0x1  }
0x1: {  	s0 =	srdreg.scid  }
0x2: {  	s1 =	sshll.u32 s0, $0x4  }
0x3: {  	s3 =	rddreg [dreg:$0x0];
	s0 =	stileid.u32;
	s1 =	sand.u32 $0x10, s1  }
0x4: {  	s6 =	rddreg [dreg:$0x1];
	s1 =	sor.u32 s0, s1  }
0x5: {  	s5 =	simm.s32 $0x1;
	s31 =	simm.s32 $0x2;
	s2 =	sshll.u32 s1, $0x7  }
0x6: {  	s15 =	simm.s32 $0x0;
	s8 =	simm.s32 $0x20000;
	s4 =	ssub.s32 $0x4000, s2  }
0x7: {  	s14 =	simm.s32 $0x0;
	s9 =	simm.s32 $0x0;
	s30 =	sand.u32 $0xF80, s4  }
0x8: {  	s10 =	simm.s32 $0x0;
	s11 =	simm.s32 $0x0;
	p0 =	sne.s32 s30, $0x0  }
.Ltmp0:
0x9: {  	s7 =	sshrl.u32 s4, $0xC;
	s5 =	simm.s32 @!p0 $0x0;
	(pc) =	sbr.rel .LBB1_1-.Ltmp0, $4  }
0xa: {  	s13 =	simm.s32 $0x0;
	s1 =	rddreg [dreg:$0x2];
	s5 =	sadd.s32 s5, s7  }
0xb: {  	_ =	strace $0x80000053;
	s4 =	simm.s32 $0x1;
	s5 =	smul.u32 $0x7, s5  }
0xc: {  	s6 =	sadd.s32 $0x1600, s6;
	s12 =	smov.u32 s2;
	[sflag:s4] =	ssyncpa.u1 $0x0  }
0xd: {  	[sflag:s31] =	ssyncpa.u1 $0x0;
	p0 =	por $0x0, $0x0;
	s7 =	sadd.s32 $0x1, s5  }
.LBB1_4:
0xe: {  	s20 =	sshra.s32 s20, $0x2  }
0xf: {  	s28 =	sand.u32 $0x78, s10;
	s21 =	sshll.u32 s9, $0xE;
	s22 =	sshll.u32 s10, $0x3  }
0x10: {  	s24 =	sshll.u32 s9, $0x7;
	p1 =	sgt.s32 s9, $0x2C0;
	s30 =	sshra.s32 s9, $0x1F  }
0x11: {  	s26 =	sshra.s32 s10, $0x1F;
	s19 =	sadd.s32 s20, s19;
	s21 =	sand.u32 $0xFFFE0000, s21  }
0x12: {  	v5 =	vld [tilespmem:s17+$0xFFFFFFD0];
	[tilespmem:s18+$0x2040 ss:$0x81] =	vst.msk $0xffff, v4;
	s23 =	sand.u32 $0xFFFFFC00, s22;
	s29 =	sand.u32 $0x380, s24;
	s22 =	sand.u32 $0x3C00, s22  }
0x13: {  	v58 =	vld [tilespmem:s17+$0xFFFFFFE0];
	[tilespmem:s18+$0x2850 ss:$0x81] =	vst.msk $0xffff, v3;
	s21 =	sadd.s32 s23, s21;
	s20 =	sor.u32 s28, s22;
	s22 =	smov.u32 s9  }
0x14: {  	v59 =	vld [tilespmem:s17+$0xFFFFFFF0];
	[tilespmem:s18+$0x3060 ss:$0x81] =	vst.msk $0xffff, v2;
	s24 =	sand.u32 s30, s9;
	s21 =	sshrl.u32 s21, $0xE;
	s22 =	simm.s32 @!p1 $0x2C0  }
0x15: {  	v60 =	vld [tilespmem:s17+$0x0];
	[tilespmem:s18+$0x0 ss:$0x81] =	vst.msk $0xffff, v1;
	p1 =	sgt.s32 s10, $0x3F80;
	s31 =	ssub.s32 s22, s24;
	s22 =	smov.u32 s10  }
0x16: {  	v61 =	vld [tilespmem:s17+$0x10];
	[tilespmem:s19+$0x3870 ss:$0x81] =	vst.msk $0xffff, v0;
	s25 =	smulhi.u32 $0x4EC4ED, s21;
	s24 =	sand.u32 s26, s10;
	s22 =	simm.s32 @!p1 $0x3F80  }
0x17: {  	v62 =	vld [tilespmem:s17+$0x20];
	s20 =	sor.u32 s29, s20;
	[tilespmem:s19+$0x810 ss:$0x81] =	vst.msk $0xffff, v5;
	s27 =	sadd.s32 $0xFFFFFD40, s31;
	s22 =	ssub.s32 s22, s24  }
0x18: {  	v63 =	vld [tilespmem:s17+$0xFFFFFFC0];
	[tilespmem:s19+$0x1020 ss:$0x81] =	vst.msk $0xffff, v58;
	s18 =	ssub.s32 $0x340, s31;
	s28 =	smul.u32 $0x340, s25;
	s29 =	sadd.s32 $0xFFFFC080, s22  }
0x19: {  	[tilespmem:s19+$0x1830 ss:$0x81] =	vst.msk $0xffff, v59;
	p1 =	sgt.s32 s27, $0x7F;
	s22 =	ssub.s32 $0x4000, s22;
	p2 =	sgt.s32 s29, $0x7F  }
0x1a: {  	s30 =	sand.u32 $0x7, s10;
	[tilespmem:s19+$0x2040 ss:$0x81] =	vst.msk $0xffff, v60;
	s18 =	simm.s32 @p1 $0x0;
	s22 =	simm.s32 @p2 $0x0  }
0x1b: {  	s20 =	sshrl.u32 s20, $0x3;
	[tilespmem:s19+$0x2850 ss:$0x81] =	vst.msk $0xffff, v61;
	s17 =	ssub.s32 s21, s28;
	s18 =	smul.u32 s22, s18  }
0x1c: {  	[tilespmem:s19+$0x3060 ss:$0x81] =	vst.msk $0xffff, v62;
	s20 =	sadd.s32 s6, s20;
	s21 =	sshll.u32 s30, $0x12;
	s17 =	sshll.u32 s17, $0xB  }
0x1d: {  	[tilespmem:s19+$0x0 ss:$0x81] =	vst.msk $0xffff, v63;
	s31 =	sor.u32 $0x400, s21;
	s17 =	sadd.s32 s17, s20;
	s18 =	sand.u32 $0x3FFFFFFF, s18  }
0x1e: {  	[hbm4b:s17+s31] =	stream.strided.scatter [tilespmem:s16], [sflag:$0x2], s18, s8, s31, $0x20;
	[tilespmem:$0x10100] =	vst v63  }
.LBB1_5:
0x1f: {  	p1 =	slt.u32 s13, $0x2  }
0x20: {  	s17 =	smov.u32 s15;
	p2 =	sgt.s32 @!p1 s15, $0x2C0;
	s16 =	sshra.s32 @!p1 s15, $0x1F  }
0x21: {  	p3 =	sgt.s32 @!p1 s14, $0x3F80;
	s18 =	sshra.s32 @!p1 s14, $0x1F;
	p2 =	por !p2, p1  }
0x22: {  	s15 =	sand.u32 @!p1 s16, s15;
	p3 =	por !p3, p1;
	s16 =	smov.u32 s14  }
0x23: {  	s14 =	sand.u32 @!p1 s18, s14;
	s17 =	simm.s32 @p2 $0x2C0;
	s16 =	simm.s32 @p3 $0x3F80  }
0x24: {  	s15 =	ssub.s32 @!p1 s17, s15;
	s14 =	ssub.s32 @!p1 s16, s14  }
0x25: {  	s18 =	smov.u32 s12;
	s16 =	sadd.s32 @!p1 $0xFFFFFD40, s15;
	s17 =	sadd.s32 @!p1 $0xFFFFC080, s14  }
0x26: {  	s15 =	ssub.s32 @!p1 $0x340, s15;
	p2 =	sgt.s32 @!p1 s16, $0x7F;
	p3 =	sgt.s32 @!p1 s17, $0x7F  }
0x27: {  	s14 =	ssub.s32 @!p1 $0x4000, s14;
	p2 =	por !p2, p1;
	p3 =	por !p3, p1  }
0x28: {  	s16 =	sadd.s32 $0x80, s11;
	s15 =	simm.s32 @!p2 $0x0;
	s14 =	simm.s32 @!p3 $0x0  }
0x29: {  	p2 =	sgt.s32 s16, $0x33F;
	s14 =	smul.u32 @!p1 s14, s15;
	s15 =	sadd.s32 $0x1000, s12  }
0x2a: {  	s18 =	smov.u32 @p2 s15  }
0x2b: {  	s16 =	simm.s32 @p2 $0x0;
	p2 =	sgt.s32 s18, $0x3FFF  }
0x2c: {  	s18 =	smov.u32 @p2 s2;
	p2 =	sne.s32 s13, s7  }
.Ltmp1:
0x2d: {  	p0 =	por !p0, !p0;
	s17 =	simm.s32 @!p1 $0x2;
	(pc) =	sbr.rel @!p2 .LBB1_6-.Ltmp1, $4  }
0x2e: {  	s15 =	smov.u32 s9;
	s9 =	smov.u32 s11;
	s14 =	sand.u32 @!p1 $0x3FFFFFFF, s14  }
0x2f: {  	s11 =	smov.u32 s16;
	_ =	swait.ge @!p1 [sflag:s17], s14;
	s19 =	ssub.s32 @!p1 $0x0, s14  }
0x30: {  	s14 =	smov.u32 s10;
	s13 =	sadd.s32 $0x1, s13;
	[sflag:s17] =	ssyncset.done @!p1 $0x0  }
0x31: {  	s10 =	smov.u32 s12;
	s12 =	smov.u32 s18;
	[sflag:s17] =	ssyncadd.s32 @!p1 s19  }
.LBB1_1:
0x32: {  	p1 =	sge.u32 s13, s5  }
0x33: {  	s16 =	sshrl.u32 @!p1 s12, $0x3  }
0x34: {  	s17 =	sshll.u32 @!p1 s11, $0x3;
	s16 =	smul.u32 @!p1 $0x1C00, s16  }
0x35: {  	s18 =	sshll.u32 @!p1 s12, $0x7;
	s17 =	sand.u32 @!p1 $0xFFFFFC00, s17  }
0x36: {  	s16 =	sadd.s32 @!p1 s16, s17;
	s17 =	sand.u32 @!p1 $0x380, s18  }
0x37: {  	s16 =	sor.u32 @!p1 s17, s16  }
0x38: {  	s17 =	sshrl.u32 @!p1 s16, $0x7  }
0x39: {  	s17 =	smulhi.u32 @!p1 $0x24924925, s17;
	_ =	sdelay $0x1  }
0x3a: {  	s18 =	sand.u32 @!p1 $0x7F, s11;
	s19 =	smul.u32 @!p1 $0x380, s17  }
0x3b: {  	s31 =	sadd.s32 $0xFFFFFFFF, s13;
	s16 =	sor.u32 @!p1 s18, s16;
	s18 =	sxor.u32 @!p1 $0xFFFFFFFF, s13  }
0x3c: {  	s18 =	sshll.u32 @!p1 s18, $0xE;
	s17 =	sand.u32 @!p1 $0x3FFF, s17;
	s16 =	ssub.s32 @!p1 s16, s19  }
0x3d: {  	s17 =	smul.u32 @!p1 $0x70, s17;
	s19 =	sshrl.u32 @!p1 s16, $0x3;
	s16 =	sand.u32 @!p1 $0x7, s16  }
0x3e: {  	s18 =	sand.u32 @!p1 $0x4000, s18;
	s19 =	sadd.s32 @!p1 s3, s19;
	s16 =	sshll.u32 @!p1 s16, $0x12  }
0x3f: {  	s17 =	sadd.s32 @!p1 s17, s19;
	s16 =	sor.u32 @!p1 $0x400, s16;
	s19 =	simm.s32 @!p1 $0x1C00  }
0x40: {  	[tilespmem:s18], [sflag:$0x1] =	stream.strided.gather @!p1 [hbm4b:s17+s16], $0x4000, s19, s16, $0x38;
	[tilespmem:$0x10100] =	vst v63  }
0x41: {  	p1 =	sge.u32 s31, s5  }
.Ltmp2:
0x42: {  	_ = 	snop;
	(pc) =	sbr.rel @p1 .LBB1_5-.Ltmp2, $1  }
0x43: {  	_ =	sdelay $0x3  }
0x44: {  	s16 =	simm.s32 $0x1  }
0x45: {  	_ =	swait.ge [sflag:s4], $0x4000;
	s16 =	simm.s32 @!p0 $0x0  }
0x46: {  	[sflag:s4] =	ssyncset.done $0x0;
	s17 =	sshll.u32 s16, $0xE  }
0x47: {  	[sflag:s4] =	ssyncadd.s32 $0xFFFFC000;
	s17 =	sor.u32 $0x40, s17  }
0x48: {  	s16 =	smul.u32 $0x10200, s16;
	v0 =	vld [tilespmem:s17+$0x30]  }
0x49: {  	v1 =	vld [tilespmem:s17+$0xFFFFFFD0]  }
0x4a: {  	s16 =	sshrl.u32 s16, $0x2;
	v5 =	vld [tilespmem:s17+$0xFFFFFFE0]  }
0x4b: {  	v6 =	vld [tilespmem:s17+$0xFFFFFFF0];
	s19 =	sor.u32 $0x8000, s16  }
0x4c: {  	s31 =	sand.u32 $0x1, s13;
	v4 =	vld [tilespmem:s17+$0x0];
	s18 =	sadd.s32 $0x0, s19  }
0x4d: {  	v3 =	vld [tilespmem:s17+$0x10];
	s16 =	smul.u32 $0x10200, s31;
	[tilespmem:s18+$0x3870 ss:$0x81] =	vst.msk $0xffff, v0  }
0x4e: {  	v2 =	vld [tilespmem:s17+$0x20];
	[tilespmem:s18+$0x810 ss:$0x81] =	vst.msk $0xffff, v1  }
0x4f: {  	s16 =	sshrl.u32 s16, $0x2;
	v1 =	vld [tilespmem:s17+$0xFFFFFFC0];
	[tilespmem:s18+$0x1020 ss:$0x81] =	vst.msk $0xffff, v5;
	s17 =	sadd.s32 $0x80, s17  }
0x50: {  	s20 =	simm.s32 $0x4;
	s21 =	simm.s32 $0x8;
	s16 =	sor.u32 $0x8000, s16;
	[tilespmem:s18+$0x1830 ss:$0x81] =	vst.msk $0xffff, v6;
	v0 =	vld [tilespmem:s17+$0x30]  }
.LBB1_3:
0x51: {  	p1 =	sne.s32 s21, $0x1FC;
	v5 =	vld [tilespmem:s17+$0xFFFFFFD0];
	[tilespmem:s18+$0x2040 ss:$0x81] =	vst.msk $0xffff, v4  }
0x52: {  	v6 =	vld [tilespmem:s17+$0xFFFFFFE0];
	[tilespmem:s18+$0x2850 ss:$0x81] =	vst.msk $0xffff, v3  }
0x53: {  	s22 =	sshra.s32 s20, $0x2;
	s20 =	smov.u32 s21;
	v7 =	vld [tilespmem:s17+$0xFFFFFFF0];
	[tilespmem:s18+$0x3060 ss:$0x81] =	vst.msk $0xffff, v2  }
.Ltmp3:
0x54: {  	v4 =	vld [tilespmem:s17+$0x0];
	[tilespmem:s18+$0x0 ss:$0x81] =	vst.msk $0xffff, v1;
	s18 =	sadd.s32 s22, s19;
	(pc) =	sbr.rel @p1 .LBB1_3-.Ltmp3, $4  }
0x55: {  	v3 =	vld [tilespmem:s17+$0x10];
	[tilespmem:s18+$0x3870 ss:$0x81] =	vst.msk $0xffff, v0  }
0x56: {  	[tilespmem:s18+$0x810 ss:$0x81] =	vst.msk $0xffff, v5;
	v2 =	vld [tilespmem:s17+$0x20]  }
0x57: {  	v1 =	vld [tilespmem:s17+$0xFFFFFFC0];
	[tilespmem:s18+$0x1020 ss:$0x81] =	vst.msk $0xffff, v6;
	s17 =	sadd.s32 $0x80, s17  }
0x58: {  	s21 =	sadd.s32 $0x4, s21;
	v0 =	vld [tilespmem:s17+$0x30];
	[tilespmem:s18+$0x1830 ss:$0x81] =	vst.msk $0xffff, v7  }
.Ltmp4:
0x59: {  	_ = 	snop;
	(pc) =	sbr.rel .LBB1_4-.Ltmp4, $1  }
0x5a: {  	_ =	sdelay $0x3  }
.LBB1_6:
0x5b: {  	_ =	sfence.sel $0x180000  }
0x5c: {  	s2 =	simm.s32 $0x1;
	[bflag:$0x0] =	sbarrier.arrive $0xFFFF  }
0x5d: {  	s31 =	simm.s32 $0x2;
	[sflag:s2] =	ssyncpa.u1 $0x1  }
0x5e: {  	[sflag:s31] =	ssyncpa.u1 $0x1  }
0x5f: {  	p0 =	sne.s32 s0, $0x0;
	_ =	strace $0x90000053  }
0x60: {  	s0 =	sadd.s32 @!p0 $0x100000, s1;
	[bflag:$0x2] =	sbarrier.arrive $0xFFFF  }
0x61: {  	[sflag:s0] =	ssyncadd.tile.s32 @!p0 $0x1;
	_ =	shalt  }
.Lfunc_end1:
_tile_overlayer_lowered:
.L_overlay_start_2:
0x62: {  	(tag) =	ssettag $0x2  }
0x63: {  	s0 =	rddreg [dreg:$0x0];
	s2 =	stileid.u32  }
0x64: {  	s1 =	rddreg [dreg:$0x1];
	p0 =	sne.s32 s2, $0x0  }
0x65: {  	s3 =	rddreg [dreg:$0x2];
	[bflag:$0x3] =	sbarrier.arrive $0xFFFF;
	s2 =	simm.s32 @!p0 $0x1C01  }
0x66: {  	[timem:s3], [sflag:s2] =	dma.local @!p0 [hbm:s0], s1  }
0x67: {  	s0 =	simm.s32 @!p0 $0x1  }
0x68: {  	_ =	swait.ge @!p0 [sflag:s0], s1  }
0x69: {  	s1 =	ssub.s32 @!p0 $0x0, s1;
	[sflag:s0] =	ssyncset.done @!p0 $0x0  }
0x6a: {  	[sflag:s0] =	ssyncadd.s32 @!p0 s1  }
0x6b: {  	[bflag:$0x3] =	sbarrier.arrive $0xFFFF  }
0x6c: {  	_ =	shalt  }

// kernel: sparse-core-data-format-call.cloned.1.call-start
scs
called_computation_lowered:
.L_overlay_start_0:
0x0: {  	s2 =	sld [smem:$0x3FD9]  }
0x1: {  	s3 =	sld [smem:$0x3FFE];
	_ =	sdelay $0x1  }
0x2: {  	s1 =	srdreg.scid  }
0x3: {  	s0 =	sand.u32 $0x1, s1  }
0x4: {  	s18 =	sshll.u32 s0, $0xA;
	s2 =	sadd.s32 s3, s2  }
0x5: {  	s2 =	sadd.s32 s2, s18  }
0x6: {  	[smem:$0x3FC6] =	sst s2  }
0x7: {  	_ = 	snop  }
0x8: {  	(tm) =	ssettm $0x1  }
0x9: {  	s19 =	sld [smem:$0x3FFB];
	_ =	sdelay $0x3  }
0xa: {  	_ =	strace s19  }
0xb: {  	s2 =	sld [smem:$0x3FFC];
	_ =	sdelay $0x3  }
0xc: {  	_ =	strace s2  }
0xd: {  	s2 =	sld [smem:$0x3FFD];
	_ =	sdelay $0x3  }
0xe: {  	_ =	strace s2  }
0xf: {  	_ =	strace $0x8FFFFFFF  }
0x10: {  	s20 =	sld [smem:$0x3FDB];
	_ =	sdelay $0x1  }
0x11: {  	s21 =	simm.s32 $_scs_section_size  }
0x12: {  	s4 =	simm.s32 $_size__tile_overlayer_lowered;
	s5 =	simm.s32 $_tile_overlayer_lowered  }
0x13: {  	s6 =	simm.s32 $0x1BFF;
	s22 =	sshll.u32 s5, $0x1;
	s3 =	sadd.s32 s21, s20  }
0x14: {  	s23 =	simm.s32 $0x0;
	s4 =	sshll.u32 s4, $0x1;
	s5 =	sadd.s32 s22, s3  }
0x15: {  	[timem:s23], [sflag:s6] =	dma.local [hbm:s5], s4  }
0x16: {  	_ =	swait.ge [sflag:s6], s4  }
0x17: {  	s4 =	ssub.s32 $0x0, s4;
	[sflag:s6] =	ssyncset.done $0x0  }
0x18: {  	[sflag:s6] =	ssyncadd.s32 s4;
	_ =	sdelay $0x1  }
0x19: {  	s24 =	simm.s32 $0x1B8B  }
0x1a: {  	_ =	swait.ge [sflag:s24], $0x1  }
0x1b: {  	[sflag:s24] =	ssyncset.done $0x0  }
0x1c: {  	[sflag:s24] =	ssyncadd.s32 $0xFFFFFFFF  }
0x1d: {  	s4 =	sld [smem:$0x0]  }
0x1e: {  	s5 =	sand.u32 $0xFFFFFFFE, s1  }
0x1f: {  	p0 =	sne.s32 s1, s5  }
0x20: {  	s5 =	sshll.u32 @p0 s5, $0xE  }
0x21: {  	s5 =	sadd.s32 @p0 $0x11B8D, s5;
	s6 =	sshll.u32 @p0 s4, $0x11  }
0x22: {  	s5 =	sor.u32 @p0 s6, s5  }
0x23: {  	[sflag:s5] =	ssyncadd.remote.s32 @p0 $0x1;
	_ =	sdelay $0x1  }
0x24: {  	s5 =	simm.s32 @p0 $0x1B8D  }
0x25: {  	_ =	swait.eq @p0 [sflag:s5], $0x1  }
0x26: {  	[sflag:s5] =	ssyncadd.s32 @p0 $0xFFFFFFFF  }
0x27: {  	s6 =	sshll.u32 @!p0 s1, $0xE  }
0x28: {  	s6 =	sor.u32 @!p0 $0x4000, s6;
	s5 =	simm.s32 @!p0 $0x1B8D  }
0x29: {  	s4 =	sshll.u32 @!p0 s4, $0x11;
	s6 =	sadd.s32 @!p0 $0x11B8D, s6;
	_ =	swait.eq @!p0 [sflag:s5], $0x1  }
0x2a: {  	s4 =	sor.u32 @!p0 s4, s6;
	[sflag:s5] =	ssyncadd.s32 @!p0 $0xFFFFFFFF  }
0x2b: {  	s26 =	simm.s32 $0x1B8E;
	s25 =	sld [smem:$0x3FFE];
	[sflag:s4] =	ssyncadd.remote.s32 @!p0 $0x1  }
0x2c: {  	s27 =	simm.s32 $execute0_lowered;
	[smem:$0x3FD2] =	sst s26  }
0x2d: {  	s5 =	sshll.u32 s27, $0x1;
	_ =	strace $0x8000004F;
	[dreg:$0x1] =	wrdreg $0xFFFFFFFF  }
0x2e: {  	s28 =	simm.s32 $_size_execute0_lowered;
	s3 =	sadd.s32 s3, s5;
	[dreg:$0x0] =	wrdreg $0x0  }
0x2f: {  	s5 =	sshll.u32 s28, $0x1;
	[dreg:$0x2] =	wrdreg s3  }
0x30: {  	[dreg:$0x3] =	wrdreg s5  }
0x31: {  	[dreg:$0x4] =	wrdreg $0xC0  }
0x32: {  	_ =	task [dreg:s23], $0x5FFFF  }
0x33: {  	[dreg:$0x1] =	wrdreg $0xFFFFFFFF  }
0x34: {  	[dreg:$0x0] =	wrdreg $0x60  }
0x35: {  	[dreg:$0x2] =	wrdreg s25  }
0x36: {  	[dreg:$0x3] =	wrdreg $0x9  }
0x37: {  	_ =	task.clear_ibuf [dreg:s23], $0x4FFFF;
	_ =	strace $0x9000004F  }
0x38: {  	s29 =	simm.s32 $0x9;
	_ =	strace $0x80000051  }
0x39: {  	_ =	swait.ge [sflag:s29], $0x1  }
0x3a: {  	[sflag:s29] =	ssyncadd.s32 $0xFFFFFFFF  }
0x3b: {  	_ =	strace $0x90000051  }
0x3c: {  	_ =	sfence  }
0x3d: {  	s30 =	sld [smem:$0x0];
	_ =	sdelay $0x2  }
0x3e: {  	s31 =	sshll.u32 s1, $0xD;
	s1 =	sshrl.u32 s1, $0x2  }
0x3f: {  	s4 =	sand.u32 $0x4000, s31;
	s1 =	sadd.s32 s1, s30  }
0x40: {  	s0 =	sor.u32 s4, s0;
	s1 =	sshll.u32 s1, $0x11  }
0x41: {  	s0 =	sor.u32 s1, s0  }
0x42: {  	s0 =	sadd.s32 $0x8F2B, s0  }
0x43: {  	[sflag:s0] =	ssyncadd.remote.s32 $0x1  }
0x44: {  	_ =	sfence.sel $0xFFFF  }
0x45: {  	[dreg:$0x0] =	wrdreg $0xFFFFFFFF;
	(pc) =	sbr.abs _section_cstart, $3  }
0x46: {  	[dreg:$0x1] =	wrdreg $0xFFFFFFFF  }
0x47: {  	_ =	task.clear_ibuf [dreg:s23], $0x2FFFF;
	_ =	strace $0x9FFFFFFF  }
0x48: {  	(tm) =	ssettm $0x7FFFFFFF  }
0x49: {  	_ =	shalt  }
tec
execute0_lowered:
.L_overlay_start_1:
0x0: {  	(tag) =	ssettag $0x1  }
0x1: {  	s0 =	srdreg.scid  }
0x2: {  	s1 =	sshll.u32 s0, $0x4  }
0x3: {  	s0 =	stileid.u32;
	s1 =	sand.u32 $0x10, s1  }
0x4: {  	s6 =	rddreg [dreg:$0x0];
	s4 =	simm.s32 $0x1;
	s1 =	sor.u32 s0, s1  }
0x5: {  	s7 =	simm.s32 $0x2;
	s15 =	simm.s32 $0x0;
	s2 =	sshll.u32 s1, $0x7  }
0x6: {  	s8 =	simm.s32 $0x20000;
	s14 =	simm.s32 $0x0;
	s3 =	ssub.s32 $0x4000, s2  }
0x7: {  	s9 =	simm.s32 $0x0;
	s10 =	simm.s32 $0x0;
	s31 =	sand.u32 $0xF80, s3  }
0x8: {  	s11 =	simm.s32 $0x0;
	s1 =	rddreg [dreg:$0x1];
	p0 =	sne.s32 s31, $0x0  }
.Ltmp0:
0x9: {  	s5 =	sshrl.u32 s3, $0xC;
	s4 =	simm.s32 @!p0 $0x0;
	(pc) =	sbr.rel .LBB1_1-.Ltmp0, $4  }
0xa: {  	_ =	strace $0x80000050;
	s3 =	simm.s32 $0x1;
	s4 =	sadd.s32 s4, s5  }
0xb: {  	s13 =	simm.s32 $0x0;
	[sflag:s3] =	ssyncpa.u1 $0x0;
	s4 =	smul.u32 $0x7, s4  }
0xc: {  	s12 =	smov.u32 s2;
	[sflag:s7] =	ssyncpa.u1 $0x0;
	p0 =	por $0x0, $0x0  }
0xd: {  	s5 =	sadd.s32 $0x1AE600, s6;
	s6 =	sadd.s32 $0x36E600, s6;
	s7 =	sadd.s32 $0x1, s4  }
.LBB1_4:
0xe: {  	s20 =	sshra.s32 s20, $0x2  }
0xf: {  	s28 =	sand.u32 $0x78, s10;
	s21 =	sshll.u32 s9, $0xE;
	s22 =	sshll.u32 s10, $0x3  }
0x10: {  	s24 =	sshll.u32 s9, $0x7;
	p1 =	sgt.s32 s9, $0x2C0;
	s30 =	sshra.s32 s9, $0x1F  }
0x11: {  	s26 =	sshra.s32 s10, $0x1F;
	s19 =	sadd.s32 s20, s19;
	s21 =	sand.u32 $0xFFFE0000, s21  }
0x12: {  	v5 =	vld [tilespmem:s17+$0xFFFFFFD0];
	[tilespmem:s18+$0x2040 ss:$0x81] =	vst.msk $0xffff, v4;
	s23 =	sand.u32 $0xFFFFFC00, s22;
	s29 =	sand.u32 $0x380, s24;
	s22 =	sand.u32 $0x3C00, s22  }
0x13: {  	v58 =	vld [tilespmem:s17+$0xFFFFFFE0];
	[tilespmem:s18+$0x2850 ss:$0x81] =	vst.msk $0xffff, v3;
	s21 =	sadd.s32 s23, s21;
	s20 =	sor.u32 s28, s22;
	s22 =	smov.u32 s9  }
0x14: {  	v59 =	vld [tilespmem:s17+$0xFFFFFFF0];
	[tilespmem:s18+$0x3060 ss:$0x81] =	vst.msk $0xffff, v2;
	s24 =	sand.u32 s30, s9;
	s21 =	sshrl.u32 s21, $0xE;
	s22 =	simm.s32 @!p1 $0x2C0  }
0x15: {  	v60 =	vld [tilespmem:s17+$0x0];
	[tilespmem:s18+$0x0 ss:$0x81] =	vst.msk $0xffff, v1;
	p1 =	sgt.s32 s10, $0x3F80;
	s31 =	ssub.s32 s22, s24;
	s22 =	smov.u32 s10  }
0x16: {  	v61 =	vld [tilespmem:s17+$0x10];
	[tilespmem:s19+$0x3870 ss:$0x81] =	vst.msk $0xffff, v0;
	s25 =	smulhi.u32 $0x4EC4ED, s21;
	s24 =	sand.u32 s26, s10;
	s22 =	simm.s32 @!p1 $0x3F80  }
0x17: {  	v62 =	vld [tilespmem:s17+$0x20];
	s20 =	sor.u32 s29, s20;
	[tilespmem:s19+$0x810 ss:$0x81] =	vst.msk $0xffff, v5;
	s27 =	sadd.s32 $0xFFFFFD40, s31;
	s22 =	ssub.s32 s22, s24  }
0x18: {  	v63 =	vld [tilespmem:s17+$0xFFFFFFC0];
	[tilespmem:s19+$0x1020 ss:$0x81] =	vst.msk $0xffff, v58;
	s18 =	ssub.s32 $0x340, s31;
	s28 =	smul.u32 $0x340, s25;
	s29 =	sadd.s32 $0xFFFFC080, s22  }
0x19: {  	[tilespmem:s19+$0x1830 ss:$0x81] =	vst.msk $0xffff, v59;
	p1 =	sgt.s32 s27, $0x7F;
	s22 =	ssub.s32 $0x4000, s22;
	p2 =	sgt.s32 s29, $0x7F  }
0x1a: {  	s30 =	sand.u32 $0x7, s10;
	[tilespmem:s19+$0x2040 ss:$0x81] =	vst.msk $0xffff, v60;
	s18 =	simm.s32 @p1 $0x0;
	s22 =	simm.s32 @p2 $0x0  }
0x1b: {  	s20 =	sshrl.u32 s20, $0x3;
	[tilespmem:s19+$0x2850 ss:$0x81] =	vst.msk $0xffff, v61;
	s17 =	ssub.s32 s21, s28;
	s18 =	smul.u32 s22, s18  }
0x1c: {  	[tilespmem:s19+$0x3060 ss:$0x81] =	vst.msk $0xffff, v62;
	s20 =	sadd.s32 s6, s20;
	s21 =	sshll.u32 s30, $0x12;
	s17 =	sshll.u32 s17, $0xB  }
0x1d: {  	[tilespmem:s19+$0x0 ss:$0x81] =	vst.msk $0xffff, v63;
	s31 =	sor.u32 $0x400, s21;
	s17 =	sadd.s32 s17, s20;
	s18 =	sand.u32 $0x3FFFFFFF, s18  }
0x1e: {  	[hbm4b:s17+s31] =	stream.strided.scatter [tilespmem:s16], [sflag:$0x2], s18, s8, s31, $0x20;
	[tilespmem:$0x10100] =	vst v63  }
.LBB1_5:
0x1f: {  	p1 =	slt.u32 s13, $0x2  }
0x20: {  	s17 =	smov.u32 s15;
	p2 =	sgt.s32 @!p1 s15, $0x2C0;
	s16 =	sshra.s32 @!p1 s15, $0x1F  }
0x21: {  	p3 =	sgt.s32 @!p1 s14, $0x3F80;
	s18 =	sshra.s32 @!p1 s14, $0x1F;
	p2 =	por !p2, p1  }
0x22: {  	s15 =	sand.u32 @!p1 s16, s15;
	p3 =	por !p3, p1;
	s16 =	smov.u32 s14  }
0x23: {  	s14 =	sand.u32 @!p1 s18, s14;
	s17 =	simm.s32 @p2 $0x2C0;
	s16 =	simm.s32 @p3 $0x3F80  }
0x24: {  	s15 =	ssub.s32 @!p1 s17, s15;
	s14 =	ssub.s32 @!p1 s16, s14  }
0x25: {  	s18 =	smov.u32 s12;
	s16 =	sadd.s32 @!p1 $0xFFFFFD40, s15;
	s17 =	sadd.s32 @!p1 $0xFFFFC080, s14  }
0x26: {  	s15 =	ssub.s32 @!p1 $0x340, s15;
	p2 =	sgt.s32 @!p1 s16, $0x7F;
	p3 =	sgt.s32 @!p1 s17, $0x7F  }
0x27: {  	s14 =	ssub.s32 @!p1 $0x4000, s14;
	p2 =	por !p2, p1;
	p3 =	por !p3, p1  }
0x28: {  	s16 =	sadd.s32 $0x80, s11;
	s15 =	simm.s32 @!p2 $0x0;
	s14 =	simm.s32 @!p3 $0x0  }
0x29: {  	p2 =	sgt.s32 s16, $0x33F;
	s14 =	smul.u32 @!p1 s14, s15;
	s15 =	sadd.s32 $0x1000, s12  }
0x2a: {  	s18 =	smov.u32 @p2 s15  }
0x2b: {  	s16 =	simm.s32 @p2 $0x0;
	p2 =	sgt.s32 s18, $0x3FFF  }
0x2c: {  	s18 =	smov.u32 @p2 s2;
	p2 =	sne.s32 s13, s7  }
.Ltmp1:
0x2d: {  	p0 =	por !p0, !p0;
	s17 =	simm.s32 @!p1 $0x2;
	(pc) =	sbr.rel @!p2 .LBB1_6-.Ltmp1, $4  }
0x2e: {  	s15 =	smov.u32 s9;
	s9 =	smov.u32 s11;
	s14 =	sand.u32 @!p1 $0x3FFFFFFF, s14  }
0x2f: {  	s11 =	smov.u32 s16;
	_ =	swait.ge @!p1 [sflag:s17], s14;
	s19 =	ssub.s32 @!p1 $0x0, s14  }
0x30: {  	s14 =	smov.u32 s10;
	s13 =	sadd.s32 $0x1, s13;
	[sflag:s17] =	ssyncset.done @!p1 $0x0  }
0x31: {  	s10 =	smov.u32 s12;
	s12 =	smov.u32 s18;
	[sflag:s17] =	ssyncadd.s32 @!p1 s19  }
.LBB1_1:
0x32: {  	p1 =	sge.u32 s13, s4  }
0x33: {  	s16 =	sshrl.u32 @!p1 s12, $0x3  }
0x34: {  	s17 =	sshll.u32 @!p1 s11, $0x3;
	s16 =	smul.u32 @!p1 $0x1C00, s16  }
0x35: {  	s18 =	sshll.u32 @!p1 s12, $0x7;
	s17 =	sand.u32 @!p1 $0xFFFFFC00, s17  }
0x36: {  	s16 =	sadd.s32 @!p1 s16, s17;
	s17 =	sand.u32 @!p1 $0x380, s18  }
0x37: {  	s16 =	sor.u32 @!p1 s17, s16  }
0x38: {  	s17 =	sshrl.u32 @!p1 s16, $0x7  }
0x39: {  	s17 =	smulhi.u32 @!p1 $0x24924925, s17;
	_ =	sdelay $0x1  }
0x3a: {  	s18 =	sand.u32 @!p1 $0x7F, s11;
	s19 =	smul.u32 @!p1 $0x380, s17  }
0x3b: {  	s31 =	sadd.s32 $0xFFFFFFFF, s13;
	s16 =	sor.u32 @!p1 s18, s16;
	s18 =	sxor.u32 @!p1 $0xFFFFFFFF, s13  }
0x3c: {  	s18 =	sshll.u32 @!p1 s18, $0xE;
	s17 =	sand.u32 @!p1 $0x3FFF, s17;
	s16 =	ssub.s32 @!p1 s16, s19  }
0x3d: {  	s17 =	smul.u32 @!p1 $0x70, s17;
	s19 =	sshrl.u32 @!p1 s16, $0x3;
	s16 =	sand.u32 @!p1 $0x7, s16  }
0x3e: {  	s18 =	sand.u32 @!p1 $0x4000, s18;
	s19 =	sadd.s32 @!p1 s5, s19;
	s16 =	sshll.u32 @!p1 s16, $0x12  }
0x3f: {  	s17 =	sadd.s32 @!p1 s17, s19;
	s16 =	sor.u32 @!p1 $0x400, s16;
	s19 =	simm.s32 @!p1 $0x1C00  }
0x40: {  	[tilespmem:s18], [sflag:$0x1] =	stream.strided.gather @!p1 [hbm4b:s17+s16], $0x4000, s19, s16, $0x38;
	[tilespmem:$0x10100] =	vst v63  }
0x41: {  	p1 =	sge.u32 s31, s4  }
.Ltmp2:
0x42: {  	_ = 	snop;
	(pc) =	sbr.rel @p1 .LBB1_5-.Ltmp2, $1  }
0x43: {  	_ =	sdelay $0x3  }
0x44: {  	s16 =	simm.s32 $0x1  }
0x45: {  	_ =	swait.ge [sflag:s3], $0x4000;
	s16 =	simm.s32 @!p0 $0x0  }
0x46: {  	[sflag:s3] =	ssyncset.done $0x0;
	s17 =	sshll.u32 s16, $0xE  }
0x47: {  	[sflag:s3] =	ssyncadd.s32 $0xFFFFC000;
	s17 =	sor.u32 $0x40, s17  }
0x48: {  	s16 =	smul.u32 $0x10200, s16;
	v0 =	vld [tilespmem:s17+$0x30]  }
0x49: {  	v1 =	vld [tilespmem:s17+$0xFFFFFFD0]  }
0x4a: {  	s16 =	sshrl.u32 s16, $0x2;
	v5 =	vld [tilespmem:s17+$0xFFFFFFE0]  }
0x4b: {  	v6 =	vld [tilespmem:s17+$0xFFFFFFF0];
	s19 =	sor.u32 $0x8000, s16  }
0x4c: {  	s31 =	sand.u32 $0x1, s13;
	v4 =	vld [tilespmem:s17+$0x0];
	s18 =	sadd.s32 $0x0, s19  }
0x4d: {  	v3 =	vld [tilespmem:s17+$0x10];
	s16 =	smul.u32 $0x10200, s31;
	[tilespmem:s18+$0x3870 ss:$0x81] =	vst.msk $0xffff, v0  }
0x4e: {  	v2 =	vld [tilespmem:s17+$0x20];
	[tilespmem:s18+$0x810 ss:$0x81] =	vst.msk $0xffff, v1  }
0x4f: {  	s16 =	sshrl.u32 s16, $0x2;
	v1 =	vld [tilespmem:s17+$0xFFFFFFC0];
	[tilespmem:s18+$0x1020 ss:$0x81] =	vst.msk $0xffff, v5;
	s17 =	sadd.s32 $0x80, s17  }
0x50: {  	s20 =	simm.s32 $0x4;
	s21 =	simm.s32 $0x8;
	s16 =	sor.u32 $0x8000, s16;
	[tilespmem:s18+$0x1830 ss:$0x81] =	vst.msk $0xffff, v6;
	v0 =	vld [tilespmem:s17+$0x30]  }
.LBB1_3:
0x51: {  	p1 =	sne.s32 s21, $0x1FC;
	v5 =	vld [tilespmem:s17+$0xFFFFFFD0];
	[tilespmem:s18+$0x2040 ss:$0x81] =	vst.msk $0xffff, v4  }
0x52: {  	v6 =	vld [tilespmem:s17+$0xFFFFFFE0];
	[tilespmem:s18+$0x2850 ss:$0x81] =	vst.msk $0xffff, v3  }
0x53: {  	s22 =	sshra.s32 s20, $0x2;
	s20 =	smov.u32 s21;
	v7 =	vld [tilespmem:s17+$0xFFFFFFF0];
	[tilespmem:s18+$0x3060 ss:$0x81] =	vst.msk $0xffff, v2  }
.Ltmp3:
0x54: {  	v4 =	vld [tilespmem:s17+$0x0];
	[tilespmem:s18+$0x0 ss:$0x81] =	vst.msk $0xffff, v1;
	s18 =	sadd.s32 s22, s19;
	(pc) =	sbr.rel @p1 .LBB1_3-.Ltmp3, $4  }
0x55: {  	v3 =	vld [tilespmem:s17+$0x10];
	[tilespmem:s18+$0x3870 ss:$0x81] =	vst.msk $0xffff, v0  }
0x56: {  	[tilespmem:s18+$0x810 ss:$0x81] =	vst.msk $0xffff, v5;
	v2 =	vld [tilespmem:s17+$0x20]  }
0x57: {  	v1 =	vld [tilespmem:s17+$0xFFFFFFC0];
	[tilespmem:s18+$0x1020 ss:$0x81] =	vst.msk $0xffff, v6;
	s17 =	sadd.s32 $0x80, s17  }
0x58: {  	s21 =	sadd.s32 $0x4, s21;
	v0 =	vld [tilespmem:s17+$0x30];
	[tilespmem:s18+$0x1830 ss:$0x81] =	vst.msk $0xffff, v7  }
.Ltmp4:
0x59: {  	_ = 	snop;
	(pc) =	sbr.rel .LBB1_4-.Ltmp4, $1  }
0x5a: {  	_ =	sdelay $0x3  }
.LBB1_6:
0x5b: {  	_ =	sfence.sel $0x180000  }
0x5c: {  	s2 =	simm.s32 $0x1;
	[bflag:$0x0] =	sbarrier.arrive $0xFFFF  }
0x5d: {  	s31 =	simm.s32 $0x2;
	[sflag:s2] =	ssyncpa.u1 $0x1  }
0x5e: {  	[sflag:s31] =	ssyncpa.u1 $0x1  }
0x5f: {  	p0 =	sne.s32 s0, $0x0;
	_ =	strace $0x90000050  }
0x60: {  	s0 =	sadd.s32 @!p0 $0x100000, s1;
	[bflag:$0x2] =	sbarrier.arrive $0xFFFF  }
0x61: {  	[sflag:s0] =	ssyncadd.tile.s32 @!p0 $0x1;
	_ =	shalt  }
.Lfunc_end1:
_tile_overlayer_lowered:
.L_overlay_start_2:
0x62: {  	(tag) =	ssettag $0x2  }
0x63: {  	s0 =	rddreg [dreg:$0x0];
	s2 =	stileid.u32  }
0x64: {  	s1 =	rddreg [dreg:$0x1];
	p0 =	sne.s32 s2, $0x0  }
0x65: {  	s3 =	rddreg [dreg:$0x2];
	[bflag:$0x3] =	sbarrier.arrive $0xFFFF;
	s2 =	simm.s32 @!p0 $0x1C01  }
0x66: {  	[timem:s3], [sflag:s2] =	dma.local @!p0 [hbm:s0], s1  }
0x67: {  	s0 =	simm.s32 @!p0 $0x1  }
0x68: {  	_ =	swait.ge @!p0 [sflag:s0], s1  }
0x69: {  	s1 =	ssub.s32 @!p0 $0x0, s1;
	[sflag:s0] =	ssyncset.done @!p0 $0x0  }
0x6a: {  	[sflag:s0] =	ssyncadd.s32 @!p0 s1  }
0x6b: {  	[bflag:$0x3] =	sbarrier.arrive $0xFFFF  }
0x6c: {  	_ =	shalt  }

</sc_bundles>
